<compile_context>
chip_gen: v7x
topology: tpu7x:2x2x1
jax: 0.10.2.dev20260603
libtpu: 0.0.44.dev20260713+nightly
codegen_flags: <defaults>
</compile_context>

<pallas_src>
import functools

import jax
import jax.numpy as jnp
from jax import lax
from jax.experimental import pallas as pl
from jax.experimental.pallas import tpu as pltpu
from jax.experimental.pallas import tpu_sc as plsc

_N = 10000
_E = 320000
_D = 128
_H = 128
_C = 64
_W = 64

_CHUNK = 128
_NW = 32
_CPW = 80
_NCH = _CPW * _NW
_EP = _NCH * _CHUNK
_NPAD = 16
_NA = _N + _NPAD
_RPT = _NA // 16

_SELU_ALPHA = 1.6732632423543772
_SELU_SCALE = 1.0507009873554805


def _make_sc_agg(with_deg, nb):
  _NB = nb
  out_types = [jax.ShapeDtypeStruct((2, _NA, _W), jnp.float32)]
  scratch = [
      pltpu.VMEM_SHARED((_NA, _W), jnp.float32),
      pltpu.VMEM((_NB, 2, _CHUNK), jnp.int32),
      pltpu.VMEM((_NB, _CHUNK, _W), jnp.float32),
      pltpu.VMEM((_RPT, _W), jnp.float32),
      pltpu.SemaphoreType.DMA((_NB,)),
      pltpu.SemaphoreType.DMA((_NB,)),
      pltpu.SemaphoreType.DMA((_NB,)),
  ]
  if with_deg:
    out_types.append(jax.ShapeDtypeStruct((2, _NA, 8), jnp.float32))
    scratch += [
        pltpu.VMEM_SHARED((_NA, 8), jnp.float32),
        pltpu.VMEM((_CHUNK, 8), jnp.float32),
        pltpu.VMEM((_RPT, 8), jnp.float32),
        pltpu.SemaphoreType.DMA((_NB,)),
    ]

  mesh = plsc.VectorSubcoreMesh(core_axis_name="c", subcore_axis_name="s")

  @functools.partial(
      pl.kernel, mesh=mesh, out_type=tuple(out_types), scratch_types=scratch,
      compiler_params=pltpu.CompilerParams(use_tc_tiling_on_sc=False))
  def body(*refs):
    if with_deg:
      (table_hbm, eidx_hbm, aux_hbm, acc_out, deg_out, acc_sh,
       idxs_v, rows_v, zbuf, ldsem, gsem, asem, deg_sh, ones_v, zbuf8,
       dsem) = refs
    else:
      (table_hbm, eidx_hbm, acc_out, acc_sh, idxs_v, rows_v,
       zbuf, ldsem, gsem, asem) = refs

    cid = lax.axis_index("c")
    sid = lax.axis_index("s")
    w = sid * 2 + cid
    base = w * _CPW

    for b in range(_NB):
      e0 = (base + b) * _CHUNK
      pltpu.async_copy(
          eidx_hbm.at[0, pl.ds(e0, _CHUNK)], idxs_v.at[b, 0], ldsem.at[b])
      pltpu.async_copy(
          eidx_hbm.at[1, pl.ds(e0, _CHUNK)], idxs_v.at[b, 1], ldsem.at[b])

    zero16 = jnp.zeros((16,), jnp.float32)

    def zfill(r, _):
      for j in range(_W // 16):
        zbuf[r, pl.ds(j * 16, 16)] = zero16
      return 0

    lax.fori_loop(0, _RPT, zfill, 0)

    row0 = sid * _RPT
    pltpu.sync_copy(zbuf, acc_sh.at[pl.ds(row0, _RPT)])
    if with_deg:
      pltpu.sync_copy(aux_hbm.at[pl.ds(_RPT, _CHUNK)], ones_v)
      pltpu.sync_copy(aux_hbm.at[pl.ds(0, _RPT)], zbuf8)
      pltpu.sync_copy(zbuf8, deg_sh.at[pl.ds(row0, _RPT)])

    plsc.subcore_barrier()

    _K = _CPW // _NB

    def outer(k, _):
      c0 = base + k * _NB
      for b in range(_NB):
        e0 = (c0 + b) * _CHUNK
        pltpu.make_async_copy(
            eidx_hbm.at[0, pl.ds(e0, _CHUNK)], idxs_v.at[b, 0],
            ldsem.at[b]).wait()
        pltpu.make_async_copy(
            eidx_hbm.at[1, pl.ds(e0, _CHUNK)], idxs_v.at[b, 1],
            ldsem.at[b]).wait()
        pltpu.async_copy(
            table_hbm.at[idxs_v.at[b, 0]], rows_v.at[b], gsem.at[b])
      for b in range(_NB):
        pltpu.make_async_copy(
            table_hbm.at[idxs_v.at[b, 0]], rows_v.at[b], gsem.at[b]).wait()
        pltpu.async_copy(
            rows_v.at[b], acc_sh.at[idxs_v.at[b, 1]], asem.at[b], add=True)
        if with_deg:
          pltpu.async_copy(
              ones_v, deg_sh.at[idxs_v.at[b, 1]], dsem.at[b], add=True)
      for b in range(_NB):
        pltpu.make_async_copy(
            rows_v.at[b], acc_sh.at[idxs_v.at[b, 1]], asem.at[b]).wait()
        if with_deg:
          pltpu.make_async_copy(
              ones_v, deg_sh.at[idxs_v.at[b, 1]], dsem.at[b]).wait()

        @pl.when(k < _K - 1)
        def _():
          e1 = (c0 + _NB + b) * _CHUNK
          pltpu.async_copy(
              eidx_hbm.at[0, pl.ds(e1, _CHUNK)], idxs_v.at[b, 0],
              ldsem.at[b])
          pltpu.async_copy(
              eidx_hbm.at[1, pl.ds(e1, _CHUNK)], idxs_v.at[b, 1],
              ldsem.at[b])

      return 0

    lax.fori_loop(0, _K, outer, 0)
    plsc.subcore_barrier()

    pltpu.sync_copy(acc_sh.at[pl.ds(row0, _RPT)], zbuf)
    pltpu.sync_copy(zbuf, acc_out.at[cid, pl.ds(row0, _RPT)])
    if with_deg:
      pltpu.sync_copy(deg_sh.at[pl.ds(row0, _RPT)], zbuf8)
      pltpu.sync_copy(zbuf8, deg_out.at[cid, pl.ds(row0, _RPT)])

  return body


_BLK = 2000


def _mm2_body(x_ref, wn_ref, xna_ref, xnb_ref):
  xn = jnp.dot(x_ref[...], wn_ref[...], preferred_element_type=jnp.float32)
  xna_ref[...] = xn[:, :_W]
  xnb_ref[...] = xn[:, _W:]


def _mid_body(x_ref, ws1_ref, b1_ref, acca_ref, accb_ref, deg_ref,
              ws2_ref, wn2_ref, b2_ref, hs2_ref, hn2_ref):
  agga = acca_ref[0] + acca_ref[1]
  aggb = accb_ref[0] + accb_ref[1]
  deg = deg_ref[0, :, 0:1] + deg_ref[1, :, 0:1]
  dinv = 1.0 / jnp.maximum(deg, 1.0)
  agg = jnp.concatenate([agga, aggb], axis=1)
  h = (jnp.dot(x_ref[...], ws1_ref[...], preferred_element_type=jnp.float32)
       + b1_ref[...] + agg * dinv)
  h = _SELU_SCALE * jnp.where(
      h > 0, h, _SELU_ALPHA * (jnp.exp(jnp.minimum(h, 0.0)) - 1.0))
  hs2_ref[...] = (
      jnp.dot(h, ws2_ref[...], preferred_element_type=jnp.float32)
      + b2_ref[...])
  hn2_ref[...] = jnp.dot(h, wn2_ref[...], preferred_element_type=jnp.float32)


def _out_body(hs2_ref, acc2_ref, deg_ref, o_ref):
  deg = deg_ref[0, :, 0:1] + deg_ref[1, :, 0:1]
  dinv = 1.0 / jnp.maximum(deg, 1.0)
  z = hs2_ref[...] + (acc2_ref[0] + acc2_ref[1]) * dinv
  m = jnp.max(z, axis=1, keepdims=True)
  e = jnp.exp(z - m)
  o_ref[...] = e / jnp.sum(e, axis=1, keepdims=True)


def _row_spec(w):
  return pl.BlockSpec((_BLK, w), lambda i: (i, 0))


def _part_spec(w):
  return pl.BlockSpec((2, _BLK, w), lambda i: (0, i, 0))


def _full_spec(r, c):
  return pl.BlockSpec((r, c), lambda i: (0, 0))


def kernel(x, edge_index, W_self1, W_neigh1, b1, W_self2, W_neigh2, b2):
  npad = _EP - _E
  pad_src = (jnp.arange(npad, dtype=jnp.int32) * 1009) % _N
  pad_dst = _N + (jnp.arange(npad, dtype=jnp.int32) % _NPAD)
  eidx = jnp.concatenate(
      [edge_index, jnp.stack([pad_src, pad_dst])], axis=1)

  xn1a, xn1b = pl.pallas_call(
      _mm2_body,
      grid=(_N // _BLK,),
      in_specs=[_row_spec(_D), _full_spec(_D, _H)],
      out_specs=[_row_spec(_W), _row_spec(_W)],
      out_shape=[jax.ShapeDtypeStruct((_N, _W), jnp.float32),
                 jax.ShapeDtypeStruct((_N, _W), jnp.float32)],
  )(x, W_neigh1)

  aux = jnp.concatenate([jnp.zeros((_RPT, 8), jnp.float32),
                         jnp.ones((_CHUNK, 8), jnp.float32)])
  agg_deg = _make_sc_agg(True, 2)
  agg_plain = _make_sc_agg(False, 4)
  accpa, degp = agg_deg(xn1a, eidx, aux)
  (accpb,) = agg_plain(xn1b, eidx)

  hs2, hn2 = pl.pallas_call(
      _mid_body,
      grid=(_N // _BLK,),
      in_specs=[_row_spec(_D), _full_spec(_D, _H), _full_spec(1, _H),
                _part_spec(_W), _part_spec(_W), _part_spec(8),
                _full_spec(_H, _C), _full_spec(_H, _C), _full_spec(1, _C)],
      out_specs=[_row_spec(_C), _row_spec(_C)],
      out_shape=[jax.ShapeDtypeStruct((_N, _C), jnp.float32),
                 jax.ShapeDtypeStruct((_N, _C), jnp.float32)],
  )(x, W_self1, b1.reshape(1, _H), accpa, accpb, degp,
    W_self2, W_neigh2, b2.reshape(1, _C))

  (accp2,) = agg_plain(hn2, eidx)

  out = pl.pallas_call(
      _out_body,
      grid=(_N // _BLK,),
      in_specs=[_row_spec(_C), _part_spec(_C), _part_spec(8)],
      out_specs=_row_spec(_C),
      out_shape=jax.ShapeDtypeStruct((_N, _C), jnp.float32),
  )(hs2, accp2, degp)
  return out

# --- scband reference (transcript-rebuilt; emitter-appended) ---
"""Pipeline reference for scband-graph-sage-24094766531338 (READ-ONLY COPY).

The authoritative reference and input builder live on the scoring server;
editing this copy changes nothing except your own understanding.
"""

import jax, jax.numpy as jnp
import numpy as np

N = 10000
E = 320000
D = 128
H = 128
C = 64


def setup_inputs(seed: int = 0) -> dict:
    key = jax.random.key(seed)
    ks = jax.random.split(key, 9)
    x = jax.random.normal(ks[0], (N, D), dtype=jnp.float32)
    edge_index = jax.random.randint(ks[1], (2, E), 0, N, dtype=jnp.int32)
    # Layer 1 (in_feats -> n_hidden): DGL SAGEConv has fc_self and fc_neigh
    W_self1 = jax.random.normal(ks[2], (D, H), dtype=jnp.float32) * 0.05
    W_neigh1 = jax.random.normal(ks[3], (D, H), dtype=jnp.float32) * 0.05
    b1 = jax.random.normal(ks[4], (H,), dtype=jnp.float32) * 0.01
    # Layer 2 (n_hidden -> n_classes)
    W_self2 = jax.random.normal(ks[5], (H, C), dtype=jnp.float32) * 0.05
    W_neigh2 = jax.random.normal(ks[6], (H, C), dtype=jnp.float32) * 0.05
    b2 = jax.random.normal(ks[7], (C,), dtype=jnp.float32) * 0.01
    return {
        "x": x,
        "edge_index": edge_index,
        "W_self1": W_self1,
        "W_neigh1": W_neigh1,
        "b1": b1,
        "W_self2": W_self2,
        "W_neigh2": W_neigh2,
        "b2": b2,
    }


def _sage_conv(h_src, h_dst, src, dst, W_self, W_neigh, b, num_dst):
    # DGL SAGEConv with 'mean' aggregator:
    #   h_neigh = mean over incoming-edge src features per dst node
    #   rst = fc_self(h_dst) + fc_neigh(h_neigh) + bias
    gathered = jnp.take(h_src, src, axis=0)                      # gather [E, d]
    agg = jax.ops.segment_sum(gathered, dst, num_segments=num_dst)  # scatter-add
    deg = jax.ops.segment_sum(jnp.ones((src.shape[0],), dtype=h_src.dtype), dst,
                              num_segments=num_dst)
    h_neigh = agg / jnp.maximum(deg, 1.0)[:, None]
    return h_dst @ W_self + h_neigh @ W_neigh + b


def reference(x, edge_index, W_self1, W_neigh1, b1, W_self2, W_neigh2, b2):
    src = edge_index[0]
    dst = edge_index[1]
    h = x
    # Block 0: full graph, num_dst_nodes == N, so h_dst = h[:N] = h
    h_dst = h[:N]
    h = _sage_conv(h, h_dst, src, dst, W_self1, W_neigh1, b1, N)
    h = jax.nn.selu(h)
    # Block 1 (last layer) + softmax over classes
    h_dst = h[:N]
    h = _sage_conv(h, h_dst, src, dst, W_self2, W_neigh2, b2, N)
    return jax.nn.softmax(h, axis=1)

if __name__ == "__main__":
    import jax
    _d = setup_inputs()
    print(jax.jit(kernel)(*tuple(_d.values())))

</pallas_src>

<mosaic_0001>
#map = affine_map<(d0, d1) -> (0, 0)>
#map1 = affine_map<(d0, d1) -> (0, 0, 0)>
module attributes {stable_mosaic.version = 14 : i64} {
  func.func @body(%arg0: i32, %arg1: i32, %arg2: memref<10000x64xf32, #tpu.memory_space<hbm>>, %arg3: memref<2x327680xi32, #tpu.memory_space<hbm>>, %arg4: memref<2x10016x64xf32, #tpu.memory_space<hbm>>, %arg5: memref<10016x64xf32, #tpu.memory_space<vmem_shared>>, %arg6: memref<4x2x128xi32, #tpu.memory_space<vmem>>, %arg7: memref<4x128x64xf32, #tpu.memory_space<vmem>>, %arg8: memref<626x64xf32, #tpu.memory_space<vmem>>, %arg9: memref<4x!tpu.dma_semaphore, #tpu.memory_space<semaphore_mem>>, %arg10: memref<4x!tpu.dma_semaphore, #tpu.memory_space<semaphore_mem>>, %arg11: memref<4x!tpu.dma_semaphore, #tpu.memory_space<semaphore_mem>>) attributes {dimension_semantics = [#tpu.dimension_semantics<core_parallel>, #tpu.dimension_semantics<subcore_parallel>], iteration_bounds = array<i64: 2, 16>, scalar_prefetch = 0 : i64, scratch_operands = 7 : i64, tpu.core_type = #tpu.core_type<sc_vector_subcore>, window_params = [{transform_indices = #map}, {transform_indices = #map}, {transform_indices = #map1}]} {
    %mul3A = arith.constant 2 : i32
    %mul3A_0 = arith.muli %arg1, %mul3A : i32
    %add3A = arith.addi %mul3A_0, %arg0 : i32
    %mul3A_1 = arith.constant 80 : i32
    %mul3A_2 = arith.muli %add3A, %mul3A_1 : i32
    %add3A_3 = arith.constant 0 : i32
    %add3A_4 = arith.addi %mul3A_2, %add3A_3 : i32
    %mul3A_5 = arith.constant 128 : i32
    %mul3A_6 = arith.muli %add3A_4, %mul3A_5 : i32
    %dma_start3A = arith.constant 0 : i32
    %dma_start3A_7 = arith.constant 0 : i32
    %dma_start3A_8 = arith.constant 0 : i32
    %dma_start3A_9 = arith.constant 0 : i32
    %dma_start3A_10 = arith.constant 0 : i32
    %dma_start3A_11 = tpu.memref_slice %arg6[%dma_start3A_7, %dma_start3A_8, %dma_start3A_10] : memref<4x2x128xi32, #tpu.memory_space<vmem>> -> memref<1x1x128xi32, #tpu.memory_space<vmem>>
    %dma_start3A_12 = tpu.memref_squeeze %dma_start3A_11 : memref<1x1x128xi32, #tpu.memory_space<vmem>> -> memref<128xi32, #tpu.memory_space<vmem>>
    %dma_start3A_13 = tpu.memref_slice %arg3[%dma_start3A, %mul3A_6] : memref<2x327680xi32, #tpu.memory_space<hbm>> -> memref<1x128xi32, #tpu.memory_space<hbm>>
    %dma_start3A_14 = tpu.memref_squeeze %dma_start3A_13 : memref<1x128xi32, #tpu.memory_space<hbm>> -> memref<128xi32, #tpu.memory_space<hbm>>
    %dma_start3A_15 = tpu.memref_slice %arg9[%dma_start3A_9] : memref<4x!tpu.dma_semaphore, #tpu.memory_space<semaphore_mem>> -> memref<1x!tpu.dma_semaphore, #tpu.memory_space<semaphore_mem>>
    %dma_start3A_16 = tpu.memref_squeeze %dma_start3A_15 : memref<1x!tpu.dma_semaphore, #tpu.memory_space<semaphore_mem>> -> memref<!tpu.dma_semaphore, #tpu.memory_space<semaphore_mem>>
    %dma_start3A_17 = arith.constant 0 : i32
    %dma_start3A_18 = tpu.memref_slice %arg6[%dma_start3A_7, %dma_start3A_8, %dma_start3A_17] : memref<4x2x128xi32, #tpu.memory_space<vmem>> -> memref<1x1x128xi32, #tpu.memory_space<vmem>>
    %dma_start3A_19 = tpu.memref_squeeze %dma_start3A_18 : memref<1x1x128xi32, #tpu.memory_space<vmem>> -> memref<128xi32, #tpu.memory_space<vmem>>
    %dma_start3A_20 = tpu.memref_slice %arg3[%dma_start3A, %mul3A_6] : memref<2x327680xi32, #tpu.memory_space<hbm>> -> memref<1x128xi32, #tpu.memory_space<hbm>>
    %dma_start3A_21 = tpu.memref_squeeze %dma_start3A_20 : memref<1x128xi32, #tpu.memory_space<hbm>> -> memref<128xi32, #tpu.memory_space<hbm>>
    tpu.enqueue_dma source(%dma_start3A_21 : memref<128xi32, #tpu.memory_space<hbm>>) target(%dma_start3A_19 : memref<128xi32, #tpu.memory_space<vmem>>) target_semaphore(%dma_start3A_16 : memref<!tpu.dma_semaphore, #tpu.memory_space<semaphore_mem>>)
    %dma_start3A_22 = arith.constant 1 : i32
    %dma_start3A_23 = arith.constant 0 : i32
    %dma_start3A_24 = arith.constant 1 : i32
    %dma_start3A_25 = arith.constant 0 : i32
    %dma_start3A_26 = arith.constant 0 : i32
    %dma_start3A_27 = tpu.memref_slice %arg6[%dma_start3A_23, %dma_start3A_24, %dma_start3A_26] : memref<4x2x128xi32, #tpu.memory_space<vmem>> -> memref<1x1x128xi32, #tpu.memory_space<vmem>>
    %dma_start3A_28 = tpu.memref_squeeze %dma_start3A_27 : memref<1x1x128xi32, #tpu.memory_space<vmem>> -> memref<128xi32, #tpu.memory_space<vmem>>
    %dma_start3A_29 = tpu.memref_slice %arg3[%dma_start3A_22, %mul3A_6] : memref<2x327680xi32, #tpu.memory_space<hbm>> -> memref<1x128xi32, #tpu.memory_space<hbm>>
    %dma_start3A_30 = tpu.memref_squeeze %dma_start3A_29 : memref<1x128xi32, #tpu.memory_space<hbm>> -> memref<128xi32, #tpu.memory_space<hbm>>
    %dma_start3A_31 = tpu.memref_slice %arg9[%dma_start3A_25] : memref<4x!tpu.dma_semaphore, #tpu.memory_space<semaphore_mem>> -> memref<1x!tpu.dma_semaphore, #tpu.memory_space<semaphore_mem>>
    %dma_start3A_32 = tpu.memref_squeeze %dma_start3A_31 : memref<1x!tpu.dma_semaphore, #tpu.memory_space<semaphore_mem>> -> memref<!tpu.dma_semaphore, #tpu.memory_space<semaphore_mem>>
    %dma_start3A_33 = arith.constant 0 : i32
    %dma_start3A_34 = tpu.memref_slice %arg6[%dma_start3A_23, %dma_start3A_24, %dma_start3A_33] : memref<4x2x128xi32, #tpu.memory_space<vmem>> -> memref<1x1x128xi32, #tpu.memory_space<vmem>>
    %dma_start3A_35 = tpu.memref_squeeze %dma_start3A_34 : memref<1x1x128xi32, #tpu.memory_space<vmem>> -> memref<128xi32, #tpu.memory_space<vmem>>
    %dma_start3A_36 = tpu.memref_slice %arg3[%dma_start3A_22, %mul3A_6] : memref<2x327680xi32, #tpu.memory_space<hbm>> -> memref<1x128xi32, #tpu.memory_space<hbm>>
    %dma_start3A_37 = tpu.memref_squeeze %dma_start3A_36 : memref<1x128xi32, #tpu.memory_space<hbm>> -> memref<128xi32, #tpu.memory_space<hbm>>
    tpu.enqueue_dma source(%dma_start3A_37 : memref<128xi32, #tpu.memory_space<hbm>>) target(%dma_start3A_35 : memref<128xi32, #tpu.memory_space<vmem>>) target_semaphore(%dma_start3A_32 : memref<!tpu.dma_semaphore, #tpu.memory_space<semaphore_mem>>)
    %add3A_38 = arith.constant 1 : i32
    %add3A_39 = arith.addi %mul3A_2, %add3A_38 : i32
    %mul3A_40 = arith.constant 128 : i32
    %mul3A_41 = arith.muli %add3A_39, %mul3A_40 : i32
    %dma_start3A_42 = arith.constant 0 : i32
    %dma_start3A_43 = arith.constant 1 : i32
    %dma_start3A_44 = arith.constant 0 : i32
    %dma_start3A_45 = arith.constant 1 : i32
    %dma_start3A_46 = arith.constant 0 : i32
    %dma_start3A_47 = tpu.memref_slice %arg6[%dma_start3A_43, %dma_start3A_44, %dma_start3A_46] : memref<4x2x128xi32, #tpu.memory_space<vmem>> -> memref<1x1x128xi32, #tpu.memory_space<vmem>>
    %dma_start3A_48 = tpu.memref_squeeze %dma_start3A_47 : memref<1x1x128xi32, #tpu.memory_space<vmem>> -> memref<128xi32, #tpu.memory_space<vmem>>
    %dma_start3A_49 = tpu.memref_slice %arg3[%dma_start3A_42, %mul3A_41] : memref<2x327680xi32, #tpu.memory_space<hbm>> -> memref<1x128xi32, #tpu.memory_space<hbm>>
    %dma_start3A_50 = tpu.memref_squeeze %dma_start3A_49 : memref<1x128xi32, #tpu.memory_space<hbm>> -> memref<128xi32, #tpu.memory_space<hbm>>
    %dma_start3A_51 = tpu.memref_slice %arg9[%dma_start3A_45] : memref<4x!tpu.dma_semaphore, #tpu.memory_space<semaphore_mem>> -> memref<1x!tpu.dma_semaphore, #tpu.memory_space<semaphore_mem>>
    %dma_start3A_52 = tpu.memref_squeeze %dma_start3A_51 : memref<1x!tpu.dma_semaphore, #tpu.memory_space<semaphore_mem>> -> memref<!tpu.dma_semaphore, #tpu.memory_space<semaphore_mem>>
    %dma_start3A_53 = arith.constant 0 : i32
    %dma_start3A_54 = tpu.memref_slice %arg6[%dma_start3A_43, %dma_start3A_44, %dma_start3A_53] : memref<4x2x128xi32, #tpu.memory_space<vmem>> -> memref<1x1x128xi32, #tpu.memory_space<vmem>>
    %dma_start3A_55 = tpu.memref_squeeze %dma_start3A_54 : memref<1x1x128xi32, #tpu.memory_space<vmem>> -> memref<128xi32, #tpu.memory_space<vmem>>
    %dma_start3A_56 = tpu.memref_slice %arg3[%dma_start3A_42, %mul3A_41] : memref<2x327680xi32, #tpu.memory_space<hbm>> -> memref<1x128xi32, #tpu.memory_space<hbm>>
    %dma_start3A_57 = tpu.memref_squeeze %dma_start3A_56 : memref<1x128xi32, #tpu.memory_space<hbm>> -> memref<128xi32, #tpu.memory_space<hbm>>
    tpu.enqueue_dma source(%dma_start3A_57 : memref<128xi32, #tpu.memory_space<hbm>>) target(%dma_start3A_55 : memref<128xi32, #tpu.memory_space<vmem>>) target_semaphore(%dma_start3A_52 : memref<!tpu.dma_semaphore, #tpu.memory_space<semaphore_mem>>)
    %dma_start3A_58 = arith.constant 1 : i32
    %dma_start3A_59 = arith.constant 1 : i32
    %dma_start3A_60 = arith.constant 1 : i32
    %dma_start3A_61 = arith.constant 1 : i32
    %dma_start3A_62 = arith.constant 0 : i32
    %dma_start3A_63 = tpu.memref_slice %arg6[%dma_start3A_59, %dma_start3A_60, %dma_start3A_62] : memref<4x2x128xi32, #tpu.memory_space<vmem>> -> memref<1x1x128xi32, #tpu.memory_space<vmem>>
    %dma_start3A_64 = tpu.memref_squeeze %dma_start3A_63 : memref<1x1x128xi32, #tpu.memory_space<vmem>> -> memref<128xi32, #tpu.memory_space<vmem>>
    %dma_start3A_65 = tpu.memref_slice %arg3[%dma_start3A_58, %mul3A_41] : memref<2x327680xi32, #tpu.memory_space<hbm>> -> memref<1x128xi32, #tpu.memory_space<hbm>>
    %dma_start3A_66 = tpu.memref_squeeze %dma_start3A_65 : memref<1x128xi32, #tpu.memory_space<hbm>> -> memref<128xi32, #tpu.memory_space<hbm>>
    %dma_start3A_67 = tpu.memref_slice %arg9[%dma_start3A_61] : memref<4x!tpu.dma_semaphore, #tpu.memory_space<semaphore_mem>> -> memref<1x!tpu.dma_semaphore, #tpu.memory_space<semaphore_mem>>
    %dma_start3A_68 = tpu.memref_squeeze %dma_start3A_67 : memref<1x!tpu.dma_semaphore, #tpu.memory_space<semaphore_mem>> -> memref<!tpu.dma_semaphore, #tpu.memory_space<semaphore_mem>>
    %dma_start3A_69 = arith.constant 0 : i32
    %dma_start3A_70 = tpu.memref_slice %arg6[%dma_start3A_59, %dma_start3A_60, %dma_start3A_69] : memref<4x2x128xi32, #tpu.memory_space<vmem>> -> memref<1x1x128xi32, #tpu.memory_space<vmem>>
    %dma_start3A_71 = tpu.memref_squeeze %dma_start3A_70 : memref<1x1x128xi32, #tpu.memory_space<vmem>> -> memref<128xi32, #tpu.memory_space<vmem>>
    %dma_start3A_72 = tpu.memref_slice %arg3[%dma_start3A_58, %mul3A_41] : memref<2x327680xi32, #tpu.memory_space<hbm>> -> memref<1x128xi32, #tpu.memory_space<hbm>>
    %dma_start3A_73 = tpu.memref_squeeze %dma_start3A_72 : memref<1x128xi32, #tpu.memory_space<hbm>> -> memref<128xi32, #tpu.memory_space<hbm>>
    tpu.enqueue_dma source(%dma_start3A_73 : memref<128xi32, #tpu.memory_space<hbm>>) target(%dma_start3A_71 : memref<128xi32, #tpu.memory_space<vmem>>) target_semaphore(%dma_start3A_68 : memref<!tpu.dma_semaphore, #tpu.memory_space<semaphore_mem>>)
    %add3A_74 = arith.constant 2 : i32
    %add3A_75 = arith.addi %mul3A_2, %add3A_74 : i32
    %mul3A_76 = arith.constant 128 : i32
    %mul3A_77 = arith.muli %add3A_75, %mul3A_76 : i32
    %dma_start3A_78 = arith.constant 0 : i32
    %dma_start3A_79 = arith.constant 2 : i32
    %dma_start3A_80 = arith.constant 0 : i32
    %dma_start3A_81 = arith.constant 2 : i32
    %dma_start3A_82 = arith.constant 0 : i32
    %dma_start3A_83 = tpu.memref_slice %arg6[%dma_start3A_79, %dma_start3A_80, %dma_start3A_82] : memref<4x2x128xi32, #tpu.memory_space<vmem>> -> memref<1x1x128xi32, #tpu.memory_space<vmem>>
    %dma_start3A_84 = tpu.memref_squeeze %dma_start3A_83 : memref<1x1x128xi32, #tpu.memory_space<vmem>> -> memref<128xi32, #tpu.memory_space<vmem>>
    %dma_start3A_85 = tpu.memref_slice %arg3[%dma_start3A_78, %mul3A_77] : memref<2x327680xi32, #tpu.memory_space<hbm>> -> memref<1x128xi32, #tpu.memory_space<hbm>>
    %dma_start3A_86 = tpu.memref_squeeze %dma_start3A_85 : memref<1x128xi32, #tpu.memory_space<hbm>> -> memref<128xi32, #tpu.memory_space<hbm>>
    %dma_start3A_87 = tpu.memref_slice %arg9[%dma_start3A_81] : memref<4x!tpu.dma_semaphore, #tpu.memory_space<semaphore_mem>> -> memref<1x!tpu.dma_semaphore, #tpu.memory_space<semaphore_mem>>
    %dma_start3A_88 = tpu.memref_squeeze %dma_start3A_87 : memref<1x!tpu.dma_semaphore, #tpu.memory_space<semaphore_mem>> -> memref<!tpu.dma_semaphore, #tpu.memory_space<semaphore_mem>>
    %dma_start3A_89 = arith.constant 0 : i32
    %dma_start3A_90 = tpu.memref_slice %arg6[%dma_start3A_79, %dma_start3A_80, %dma_start3A_89] : memref<4x2x128xi32, #tpu.memory_space<vmem>> -> memref<1x1x128xi32, #tpu.memory_space<vmem>>
    %dma_start3A_91 = tpu.memref_squeeze %dma_start3A_90 : memref<1x1x128xi32, #tpu.memory_space<vmem>> -> memref<128xi32, #tpu.memory_space<vmem>>
    %dma_start3A_92 = tpu.memref_slice %arg3[%dma_start3A_78, %mul3A_77] : memref<2x327680xi32, #tpu.memory_space<hbm>> -> memref<1x128xi32, #tpu.memory_space<hbm>>
    %dma_start3A_93 = tpu.memref_squeeze %dma_start3A_92 : memref<1x128xi32, #tpu.memory_space<hbm>> -> memref<128xi32, #tpu.memory_space<hbm>>
    tpu.enqueue_dma source(%dma_start3A_93 : memref<128xi32, #tpu.memory_space<hbm>>) target(%dma_start3A_91 : memref<128xi32, #tpu.memory_space<vmem>>) target_semaphore(%dma_start3A_88 : memref<!tpu.dma_semaphore, #tpu.memory_space<semaphore_mem>>)
    %dma_start3A_94 = arith.constant 1 : i32
    %dma_start3A_95 = arith.constant 2 : i32
    %dma_start3A_96 = arith.constant 1 : i32
    %dma_start3A_97 = arith.constant 2 : i32
    %dma_start3A_98 = arith.constant 0 : i32
    %dma_start3A_99 = tpu.memref_slice %arg6[%dma_start3A_95, %dma_start3A_96, %dma_start3A_98] : memref<4x2x128xi32, #tpu.memory_space<vmem>> -> memref<1x1x128xi32, #tpu.memory_space<vmem>>
    %dma_start3A_100 = tpu.memref_squeeze %dma_start3A_99 : memref<1x1x128xi32, #tpu.memory_space<vmem>> -> memref<128xi32, #tpu.memory_space<vmem>>
    %dma_start3A_101 = tpu.memref_slice %arg3[%dma_start3A_94, %mul3A_77] : memref<2x327680xi32, #tpu.memory_space<hbm>> -> memref<1x128xi32, #tpu.memory_space<hbm>>
    %dma_start3A_102 = tpu.memref_squeeze %dma_start3A_101 : memref<1x128xi32, #tpu.memory_space<hbm>> -> memref<128xi32, #tpu.memory_space<hbm>>
    %dma_start3A_103 = tpu.memref_slice %arg9[%dma_start3A_97] : memref<4x!tpu.dma_semaphore, #tpu.memory_space<semaphore_mem>> -> memref<1x!tpu.dma_semaphore, #tpu.memory_space<semaphore_mem>>
    %dma_start3A_104 = tpu.memref_squeeze %dma_start3A_103 : memref<1x!tpu.dma_semaphore, #tpu.memory_space<semaphore_mem>> -> memref<!tpu.dma_semaphore, #tpu.memory_space<semaphore_mem>>
    %dma_start3A_105 = arith.constant 0 : i32
    %dma_start3A_106 = tpu.memref_slice %arg6[%dma_start3A_95, %dma_start3A_96, %dma_start3A_105] : memref<4x2x128xi32, #tpu.memory_space<vmem>> -> memref<1x1x128xi32, #tpu.memory_space<vmem>>
    %dma_start3A_107 = tpu.memref_squeeze %dma_start3A_106 : memref<1x1x128xi32, #tpu.memory_space<vmem>> -> memref<128xi32, #tpu.memory_space<vmem>>
    %dma_start3A_108 = tpu.memref_slice %arg3[%dma_start3A_94, %mul3A_77] : memref<2x327680xi32, #tpu.memory_space<hbm>> -> memref<1x128xi32, #tpu.memory_space<hbm>>
    %dma_start3A_109 = tpu.memref_squeeze %dma_start3A_108 : memref<1x128xi32, #tpu.memory_space<hbm>> -> memref<128xi32, #tpu.memory_space<hbm>>
    tpu.enqueue_dma source(%dma_start3A_109 : memref<128xi32, #tpu.memory_space<hbm>>) target(%dma_start3A_107 : memref<128xi32, #tpu.memory_space<vmem>>) target_semaphore(%dma_start3A_104 : memref<!tpu.dma_semaphore, #tpu.memory_space<semaphore_mem>>)
    %add3A_110 = arith.constant 3 : i32
    %add3A_111 = arith.addi %mul3A_2, %add3A_110 : i32
    %mul3A_112 = arith.constant 128 : i32
    %mul3A_113 = arith.muli %add3A_111, %mul3A_112 : i32
    %dma_start3A_114 = arith.constant 0 : i32
    %dma_start3A_115 = arith.constant 3 : i32
    %dma_start3A_116 = arith.constant 0 : i32
    %dma_start3A_117 = arith.constant 3 : i32
    %dma_start3A_118 = arith.constant 0 : i32
    %dma_start3A_119 = tpu.memref_slice %arg6[%dma_start3A_115, %dma_start3A_116, %dma_start3A_118] : memref<4x2x128xi32, #tpu.memory_space<vmem>> -> memref<1x1x128xi32, #tpu.memory_space<vmem>>
    %dma_start3A_120 = tpu.memref_squeeze %dma_start3A_119 : memref<1x1x128xi32, #tpu.memory_space<vmem>> -> memref<128xi32, #tpu.memory_space<vmem>>
    %dma_start3A_121 = tpu.memref_slice %arg3[%dma_start3A_114, %mul3A_113] : memref<2x327680xi32, #tpu.memory_space<hbm>> -> memref<1x128xi32, #tpu.memory_space<hbm>>
    %dma_start3A_122 = tpu.memref_squeeze %dma_start3A_121 : memref<1x128xi32, #tpu.memory_space<hbm>> -> memref<128xi32, #tpu.memory_space<hbm>>
    %dma_start3A_123 = tpu.memref_slice %arg9[%dma_start3A_117] : memref<4x!tpu.dma_semaphore, #tpu.memory_space<semaphore_mem>> -> memref<1x!tpu.dma_semaphore, #tpu.memory_space<semaphore_mem>>
    %dma_start3A_124 = tpu.memref_squeeze %dma_start3A_123 : memref<1x!tpu.dma_semaphore, #tpu.memory_space<semaphore_mem>> -> memref<!tpu.dma_semaphore, #tpu.memory_space<semaphore_mem>>
    %dma_start3A_125 = arith.constant 0 : i32
    %dma_start3A_126 = tpu.memref_slice %arg6[%dma_start3A_115, %dma_start3A_116, %dma_start3A_125] : memref<4x2x128xi32, #tpu.memory_space<vmem>> -> memref<1x1x128xi32, #tpu.memory_space<vmem>>
    %dma_start3A_127 = tpu.memref_squeeze %dma_start3A_126 : memref<1x1x128xi32, #tpu.memory_space<vmem>> -> memref<128xi32, #tpu.memory_space<vmem>>
    %dma_start3A_128 = tpu.memref_slice %arg3[%dma_start3A_114, %mul3A_113] : memref<2x327680xi32, #tpu.memory_space<hbm>> -> memref<1x128xi32, #tpu.memory_space<hbm>>
    %dma_start3A_129 = tpu.memref_squeeze %dma_start3A_128 : memref<1x128xi32, #tpu.memory_space<hbm>> -> memref<128xi32, #tpu.memory_space<hbm>>
    tpu.enqueue_dma source(%dma_start3A_129 : memref<128xi32, #tpu.memory_space<hbm>>) target(%dma_start3A_127 : memref<128xi32, #tpu.memory_space<vmem>>) target_semaphore(%dma_start3A_124 : memref<!tpu.dma_semaphore, #tpu.memory_space<semaphore_mem>>)
    %dma_start3A_130 = arith.constant 1 : i32
    %dma_start3A_131 = arith.constant 3 : i32
    %dma_start3A_132 = arith.constant 1 : i32
    %dma_start3A_133 = arith.constant 3 : i32
    %dma_start3A_134 = arith.constant 0 : i32
    %dma_start3A_135 = tpu.memref_slice %arg6[%dma_start3A_131, %dma_start3A_132, %dma_start3A_134] : memref<4x2x128xi32, #tpu.memory_space<vmem>> -> memref<1x1x128xi32, #tpu.memory_space<vmem>>
    %dma_start3A_136 = tpu.memref_squeeze %dma_start3A_135 : memref<1x1x128xi32, #tpu.memory_space<vmem>> -> memref<128xi32, #tpu.memory_space<vmem>>
    %dma_start3A_137 = tpu.memref_slice %arg3[%dma_start3A_130, %mul3A_113] : memref<2x327680xi32, #tpu.memory_space<hbm>> -> memref<1x128xi32, #tpu.memory_space<hbm>>
    %dma_start3A_138 = tpu.memref_squeeze %dma_start3A_137 : memref<1x128xi32, #tpu.memory_space<hbm>> -> memref<128xi32, #tpu.memory_space<hbm>>
    %dma_start3A_139 = tpu.memref_slice %arg9[%dma_start3A_133] : memref<4x!tpu.dma_semaphore, #tpu.memory_space<semaphore_mem>> -> memref<1x!tpu.dma_semaphore, #tpu.memory_space<semaphore_mem>>
    %dma_start3A_140 = tpu.memref_squeeze %dma_start3A_139 : memref<1x!tpu.dma_semaphore, #tpu.memory_space<semaphore_mem>> -> memref<!tpu.dma_semaphore, #tpu.memory_space<semaphore_mem>>
    %dma_start3A_141 = arith.constant 0 : i32
    %dma_start3A_142 = tpu.memref_slice %arg6[%dma_start3A_131, %dma_start3A_132, %dma_start3A_141] : memref<4x2x128xi32, #tpu.memory_space<vmem>> -> memref<1x1x128xi32, #tpu.memory_space<vmem>>
    %dma_start3A_143 = tpu.memref_squeeze %dma_start3A_142 : memref<1x1x128xi32, #tpu.memory_space<vmem>> -> memref<128xi32, #tpu.memory_space<vmem>>
    %dma_start3A_144 = tpu.memref_slice %arg3[%dma_start3A_130, %mul3A_113] : memref<2x327680xi32, #tpu.memory_space<hbm>> -> memref<1x128xi32, #tpu.memory_space<hbm>>
    %dma_start3A_145 = tpu.memref_squeeze %dma_start3A_144 : memref<1x128xi32, #tpu.memory_space<hbm>> -> memref<128xi32, #tpu.memory_space<hbm>>
    tpu.enqueue_dma source(%dma_start3A_145 : memref<128xi32, #tpu.memory_space<hbm>>) target(%dma_start3A_143 : memref<128xi32, #tpu.memory_space<vmem>>) target_semaphore(%dma_start3A_140 : memref<!tpu.dma_semaphore, #tpu.memory_space<semaphore_mem>>)
    %broadcast_in_dim3A = arith.constant 0.000000e+00 : f32
    %broadcast_in_dim3A_146 = vector.broadcast %broadcast_in_dim3A : f32 to vector<16xf32>
    %scan3A = arith.constant 0 : i32
    %scan3A_147 = arith.constant 0 : i32
    %scan3A_148 = arith.constant 626 : i32
    %scan3A_149 = arith.addi %scan3A_147, %scan3A_148 : i32
    %scan3A_150 = arith.constant 1 : i32
    %scan3A_151 = scf.for %scan3A_163 = %scan3A_147 to %scan3A_149 step %scan3A_150 iter_args(%scan3A_164 = %scan3A) -> (i32)  : i32 {
      %swap3A = arith.index_cast %scan3A_163 : i32 to index
      %swap3A_165 = arith.constant 0 : index
      %swap3A_166 = tpu.vector_load %arg8[%swap3A, %swap3A_165] {strides = array<i32>} : memref<626x64xf32, #tpu.memory_space<vmem>>, vector<1x16xf32>,
      %swap3A_167 = vector.shape_cast %swap3A_166 : vector<1x16xf32> to vector<16xf32>
      %swap3A_168 = vector.shape_cast %broadcast_in_dim3A_146 : vector<16xf32> to vector<1x16xf32>
      tpu.vector_store %arg8[%swap3A, %swap3A_165], %swap3A_168 {strides = array<i32>} : memref<626x64xf32, #tpu.memory_space<vmem>>, vector<1x16xf32>,
      %swap3A_169 = arith.index_cast %scan3A_163 : i32 to index
      %swap3A_170 = arith.constant 16 : index
      %swap3A_171 = tpu.vector_load %arg8[%swap3A_169, %swap3A_170] {strides = array<i32>} : memref<626x64xf32, #tpu.memory_space<vmem>>, vector<1x16xf32>,
      %swap3A_172 = vector.shape_cast %swap3A_171 : vector<1x16xf32> to vector<16xf32>
      %swap3A_173 = vector.shape_cast %broadcast_in_dim3A_146 : vector<16xf32> to vector<1x16xf32>
      tpu.vector_store %arg8[%swap3A_169, %swap3A_170], %swap3A_173 {strides = array<i32>} : memref<626x64xf32, #tpu.memory_space<vmem>>, vector<1x16xf32>,
      %swap3A_174 = arith.index_cast %scan3A_163 : i32 to index
      %swap3A_175 = arith.constant 32 : index
      %swap3A_176 = tpu.vector_load %arg8[%swap3A_174, %swap3A_175] {strides = array<i32>} : memref<626x64xf32, #tpu.memory_space<vmem>>, vector<1x16xf32>,
      %swap3A_177 = vector.shape_cast %swap3A_176 : vector<1x16xf32> to vector<16xf32>
      %swap3A_178 = vector.shape_cast %broadcast_in_dim3A_146 : vector<16xf32> to vector<1x16xf32>
      tpu.vector_store %arg8[%swap3A_174, %swap3A_175], %swap3A_178 {strides = array<i32>} : memref<626x64xf32, #tpu.memory_space<vmem>>, vector<1x16xf32>,
      %swap3A_179 = arith.index_cast %scan3A_163 : i32 to index
      %swap3A_180 = arith.constant 48 : index
      %swap3A_181 = tpu.vector_load %arg8[%swap3A_179, %swap3A_180] {strides = array<i32>} : memref<626x64xf32, #tpu.memory_space<vmem>>, vector<1x16xf32>,
      %swap3A_182 = vector.shape_cast %swap3A_181 : vector<1x16xf32> to vector<16xf32>
      %swap3A_183 = vector.shape_cast %broadcast_in_dim3A_146 : vector<16xf32> to vector<1x16xf32>
      tpu.vector_store %arg8[%swap3A_179, %swap3A_180], %swap3A_183 {strides = array<i32>} : memref<626x64xf32, #tpu.memory_space<vmem>>, vector<1x16xf32>,
      %scan3A_184 = arith.constant 0 : i32
      scf.yield %scan3A_184 : i32
    }
    %scan3A_152 = arith.constant 626 : i32
    %mul3A_153 = arith.constant 626 : i32
    %mul3A_154 = arith.muli %arg1, %mul3A_153 : i32
    "tpu.region"() ({
      %run_scoped3A = tpu.sem_alloc : memref<!tpu.dma_semaphore, #tpu.memory_space<semaphore_mem>>
      %dma_start3A_163 = arith.constant 0 : i32
      %dma_start3A_164 = tpu.memref_slice %arg5[%mul3A_154, %dma_start3A_163] : memref<10016x64xf32, #tpu.memory_space<vmem_shared>> -> memref<626x64xf32, #tpu.memory_space<vmem_shared>>
      %dma_start3A_165 = arith.constant 0 : i32
      %dma_start3A_166 = tpu.memref_slice %arg5[%mul3A_154, %dma_start3A_165] : memref<10016x64xf32, #tpu.memory_space<vmem_shared>> -> memref<626x64xf32, #tpu.memory_space<vmem_shared>>
      tpu.enqueue_dma source(%arg8 : memref<626x64xf32, #tpu.memory_space<vmem>>) target(%dma_start3A_166 : memref<626x64xf32, #tpu.memory_space<vmem_shared>>) target_semaphore(%run_scoped3A : memref<!tpu.dma_semaphore, #tpu.memory_space<semaphore_mem>>)
      %dma_wait3A = arith.constant 0 : i32
      %dma_wait3A_167 = tpu.memref_slice %arg5[%mul3A_154, %dma_wait3A] : memref<10016x64xf32, #tpu.memory_space<vmem_shared>> -> memref<626x64xf32, #tpu.memory_space<vmem_shared>>
      %dma_wait3A_168 = arith.constant 0 : i32
      %dma_wait3A_169 = tpu.memref_slice %arg5[%mul3A_154, %dma_wait3A_168] : memref<10016x64xf32, #tpu.memory_space<vmem_shared>> -> memref<626x64xf32, #tpu.memory_space<vmem_shared>>
      tpu.wait_dma2 semaphore(%run_scoped3A : memref<!tpu.dma_semaphore, #tpu.memory_space<semaphore_mem>>) src(%arg8 : memref<626x64xf32, #tpu.memory_space<vmem>>) dst(%dma_wait3A_169 : memref<626x64xf32, #tpu.memory_space<vmem_shared>>)
      tpu.yield
    }) : () -> ()
    %barrier3A = arith.constant 0 : index
    tpu.barrier barrier_id(%barrier3A)
    %scan3A_155 = arith.constant 0 : i32
    %scan3A_156 = arith.constant 0 : i32
    %scan3A_157 = arith.constant 20 : i32
    %scan3A_158 = arith.addi %scan3A_156, %scan3A_157 : i32
    %scan3A_159 = arith.constant 1 : i32
    %scan3A_160 = scf.for %scan3A_163 = %scan3A_156 to %scan3A_158 step %scan3A_159 iter_args(%scan3A_164 = %scan3A_155) -> (i32)  : i32 {
      %mul3A_165 = arith.constant 4 : i32
      %mul3A_166 = arith.muli %scan3A_163, %mul3A_165 : i32
      %add3A_167 = arith.addi %mul3A_2, %mul3A_166 : i32
      %add3A_168 = arith.constant 0 : i32
      %add3A_169 = arith.addi %add3A_167, %add3A_168 : i32
      %mul3A_170 = arith.constant 128 : i32
      %mul3A_171 = arith.muli %add3A_169, %mul3A_170 : i32
      %dma_wait3A = arith.constant 0 : i32
      %dma_wait3A_172 = arith.constant 0 : i32
      %dma_wait3A_173 = arith.constant 0 : i32
      %dma_wait3A_174 = arith.constant 0 : i32
      %dma_wait3A_175 = arith.constant 0 : i32
      %dma_wait3A_176 = tpu.memref_slice %arg6[%dma_wait3A_172, %dma_wait3A_173, %dma_wait3A_175] : memref<4x2x128xi32, #tpu.memory_space<vmem>> -> memref<1x1x128xi32, #tpu.memory_space<vmem>>
      %dma_wait3A_177 = tpu.memref_squeeze %dma_wait3A_176 : memref<1x1x128xi32, #tpu.memory_space<vmem>> -> memref<128xi32, #tpu.memory_space<vmem>>
      %dma_wait3A_178 = tpu.memref_slice %arg3[%dma_wait3A, %mul3A_171] : memref<2x327680xi32, #tpu.memory_space<hbm>> -> memref<1x128xi32, #tpu.memory_space<hbm>>
      %dma_wait3A_179 = tpu.memref_squeeze %dma_wait3A_178 : memref<1x128xi32, #tpu.memory_space<hbm>> -> memref<128xi32, #tpu.memory_space<hbm>>
      %dma_wait3A_180 = tpu.memref_slice %arg9[%dma_wait3A_174] : memref<4x!tpu.dma_semaphore, #tpu.memory_space<semaphore_mem>> -> memref<1x!tpu.dma_semaphore, #tpu.memory_space<semaphore_mem>>
      %dma_wait3A_181 = tpu.memref_squeeze %dma_wait3A_180 : memref<1x!tpu.dma_semaphore, #tpu.memory_space<semaphore_mem>> -> memref<!tpu.dma_semaphore, #tpu.memory_space<semaphore_mem>>
      %dma_wait3A_182 = arith.constant 0 : i32
      %dma_wait3A_183 = tpu.memref_slice %arg6[%dma_wait3A_172, %dma_wait3A_173, %dma_wait3A_182] : memref<4x2x128xi32, #tpu.memory_space<vmem>> -> memref<1x1x128xi32, #tpu.memory_space<vmem>>
      %dma_wait3A_184 = tpu.memref_squeeze %dma_wait3A_183 : memref<1x1x128xi32, #tpu.memory_space<vmem>> -> memref<128xi32, #tpu.memory_space<vmem>>
      %dma_wait3A_185 = tpu.memref_slice %arg3[%dma_wait3A, %mul3A_171] : memref<2x327680xi32, #tpu.memory_space<hbm>> -> memref<1x128xi32, #tpu.memory_space<hbm>>
      %dma_wait3A_186 = tpu.memref_squeeze %dma_wait3A_185 : memref<1x128xi32, #tpu.memory_space<hbm>> -> memref<128xi32, #tpu.memory_space<hbm>>
      tpu.wait_dma2 semaphore(%dma_wait3A_181 : memref<!tpu.dma_semaphore, #tpu.memory_space<semaphore_mem>>) src(%dma_wait3A_186 : memref<128xi32, #tpu.memory_space<hbm>>) dst(%dma_wait3A_184 : memref<128xi32, #tpu.memory_space<vmem>>)
      %dma_wait3A_187 = arith.constant 1 : i32
      %dma_wait3A_188 = arith.constant 0 : i32
      %dma_wait3A_189 = arith.constant 1 : i32
      %dma_wait3A_190 = arith.constant 0 : i32
      %dma_wait3A_191 = arith.constant 0 : i32
      %dma_wait3A_192 = tpu.memref_slice %arg6[%dma_wait3A_188, %dma_wait3A_189, %dma_wait3A_191] : memref<4x2x128xi32, #tpu.memory_space<vmem>> -> memref<1x1x128xi32, #tpu.memory_space<vmem>>
      %dma_wait3A_193 = tpu.memref_squeeze %dma_wait3A_192 : memref<1x1x128xi32, #tpu.memory_space<vmem>> -> memref<128xi32, #tpu.memory_space<vmem>>
      %dma_wait3A_194 = tpu.memref_slice %arg3[%dma_wait3A_187, %mul3A_171] : memref<2x327680xi32, #tpu.memory_space<hbm>> -> memref<1x128xi32, #tpu.memory_space<hbm>>
      %dma_wait3A_195 = tpu.memref_squeeze %dma_wait3A_194 : memref<1x128xi32, #tpu.memory_space<hbm>> -> memref<128xi32, #tpu.memory_space<hbm>>
      %dma_wait3A_196 = tpu.memref_slice %arg9[%dma_wait3A_190] : memref<4x!tpu.dma_semaphore, #tpu.memory_space<semaphore_mem>> -> memref<1x!tpu.dma_semaphore, #tpu.memory_space<semaphore_mem>>
      %dma_wait3A_197 = tpu.memref_squeeze %dma_wait3A_196 : memref<1x!tpu.dma_semaphore, #tpu.memory_space<semaphore_mem>> -> memref<!tpu.dma_semaphore, #tpu.memory_space<semaphore_mem>>
      %dma_wait3A_198 = arith.constant 0 : i32
      %dma_wait3A_199 = tpu.memref_slice %arg6[%dma_wait3A_188, %dma_wait3A_189, %dma_wait3A_198] : memref<4x2x128xi32, #tpu.memory_space<vmem>> -> memref<1x1x128xi32, #tpu.memory_space<vmem>>
      %dma_wait3A_200 = tpu.memref_squeeze %dma_wait3A_199 : memref<1x1x128xi32, #tpu.memory_space<vmem>> -> memref<128xi32, #tpu.memory_space<vmem>>
      %dma_wait3A_201 = tpu.memref_slice %arg3[%dma_wait3A_187, %mul3A_171] : memref<2x327680xi32, #tpu.memory_space<hbm>> -> memref<1x128xi32, #tpu.memory_space<hbm>>
      %dma_wait3A_202 = tpu.memref_squeeze %dma_wait3A_201 : memref<1x128xi32, #tpu.memory_space<hbm>> -> memref<128xi32, #tpu.memory_space<hbm>>
      tpu.wait_dma2 semaphore(%dma_wait3A_197 : memref<!tpu.dma_semaphore, #tpu.memory_space<semaphore_mem>>) src(%dma_wait3A_202 : memref<128xi32, #tpu.memory_space<hbm>>) dst(%dma_wait3A_200 : memref<128xi32, #tpu.memory_space<vmem>>)
      %dma_start3A_203 = arith.constant 0 : i32
      %dma_start3A_204 = arith.constant 0 : i32
      %dma_start3A_205 = arith.constant 0 : i32
      %dma_start3A_206 = arith.constant 0 : i32
      %dma_start3A_207 = arith.constant 0 : i32
      %dma_start3A_208 = arith.constant 0 : i32
      %dma_start3A_209 = tpu.memref_slice %arg7[%dma_start3A_205, %dma_start3A_207, %dma_start3A_208] : memref<4x128x64xf32, #tpu.memory_space<vmem>> -> memref<1x128x64xf32, #tpu.memory_space<vmem>>
      %dma_start3A_210 = tpu.memref_squeeze %dma_start3A_209 : memref<1x128x64xf32, #tpu.memory_space<vmem>> -> memref<128x64xf32, #tpu.memory_space<vmem>>
      %dma_start3A_211 = arith.constant 0 : i32
      %dma_start3A_212 = tpu.memref_slice %arg6[%dma_start3A_203, %dma_start3A_204, %dma_start3A_211] : memref<4x2x128xi32, #tpu.memory_space<vmem>> -> memref<1x1x128xi32, #tpu.memory_space<vmem>>
      %dma_start3A_213 = tpu.memref_squeeze %dma_start3A_212 : memref<1x1x128xi32, #tpu.memory_space<vmem>> -> memref<128xi32, #tpu.memory_space<vmem>>
      %dma_start3A_214 = arith.constant 0 : i32
      %dma_start3A_215 = arith.constant 0 : i32
      %dma_start3A_216 = tpu.memref_slice %arg2[%dma_start3A_214, %dma_start3A_215] : memref<10000x64xf32, #tpu.memory_space<hbm>> -> memref<10000x64xf32, #tpu.memory_space<hbm>>
      %dma_start3A_217 = tpu.memref_slice %arg10[%dma_start3A_206] : memref<4x!tpu.dma_semaphore, #tpu.memory_space<semaphore_mem>> -> memref<1x!tpu.dma_semaphore, #tpu.memory_space<semaphore_mem>>
      %dma_start3A_218 = tpu.memref_squeeze %dma_start3A_217 : memref<1x!tpu.dma_semaphore, #tpu.memory_space<semaphore_mem>> -> memref<!tpu.dma_semaphore, #tpu.memory_space<semaphore_mem>>
      tpu.enqueue_indirect_dma source(%dma_start3A_216 : memref<10000x64xf32, #tpu.memory_space<hbm>>) target(%dma_start3A_210 : memref<128x64xf32, #tpu.memory_space<vmem>>) offsets(%dma_start3A_213 : memref<128xi32, #tpu.memory_space<vmem>>) semaphore(%dma_start3A_218 : memref<!tpu.dma_semaphore, #tpu.memory_space<semaphore_mem>>)
      %add3A_219 = arith.constant 1 : i32
      %add3A_220 = arith.addi %add3A_167, %add3A_219 : i32
      %mul3A_221 = arith.constant 128 : i32
      %mul3A_222 = arith.muli %add3A_220, %mul3A_221 : i32
      %dma_wait3A_223 = arith.constant 0 : i32
      %dma_wait3A_224 = arith.constant 1 : i32
      %dma_wait3A_225 = arith.constant 0 : i32
      %dma_wait3A_226 = arith.constant 1 : i32
      %dma_wait3A_227 = arith.constant 0 : i32
      %dma_wait3A_228 = tpu.memref_slice %arg6[%dma_wait3A_224, %dma_wait3A_225, %dma_wait3A_227] : memref<4x2x128xi32, #tpu.memory_space<vmem>> -> memref<1x1x128xi32, #tpu.memory_space<vmem>>
      %dma_wait3A_229 = tpu.memref_squeeze %dma_wait3A_228 : memref<1x1x128xi32, #tpu.memory_space<vmem>> -> memref<128xi32, #tpu.memory_space<vmem>>
      %dma_wait3A_230 = tpu.memref_slice %arg3[%dma_wait3A_223, %mul3A_222] : memref<2x327680xi32, #tpu.memory_space<hbm>> -> memref<1x128xi32, #tpu.memory_space<hbm>>
      %dma_wait3A_231 = tpu.memref_squeeze %dma_wait3A_230 : memref<1x128xi32, #tpu.memory_space<hbm>> -> memref<128xi32, #tpu.memory_space<hbm>>
      %dma_wait3A_232 = tpu.memref_slice %arg9[%dma_wait3A_226] : memref<4x!tpu.dma_semaphore, #tpu.memory_space<semaphore_mem>> -> memref<1x!tpu.dma_semaphore, #tpu.memory_space<semaphore_mem>>
      %dma_wait3A_233 = tpu.memref_squeeze %dma_wait3A_232 : memref<1x!tpu.dma_semaphore, #tpu.memory_space<semaphore_mem>> -> memref<!tpu.dma_semaphore, #tpu.memory_space<semaphore_mem>>
      %dma_wait3A_234 = arith.constant 0 : i32
      %dma_wait3A_235 = tpu.memref_slice %arg6[%dma_wait3A_224, %dma_wait3A_225, %dma_wait3A_234] : memref<4x2x128xi32, #tpu.memory_space<vmem>> -> memref<1x1x128xi32, #tpu.memory_space<vmem>>
      %dma_wait3A_236 = tpu.memref_squeeze %dma_wait3A_235 : memref<1x1x128xi32, #tpu.memory_space<vmem>> -> memref<128xi32, #tpu.memory_space<vmem>>
      %dma_wait3A_237 = tpu.memref_slice %arg3[%dma_wait3A_223, %mul3A_222] : memref<2x327680xi32, #tpu.memory_space<hbm>> -> memref<1x128xi32, #tpu.memory_space<hbm>>
      %dma_wait3A_238 = tpu.memref_squeeze %dma_wait3A_237 : memref<1x128xi32, #tpu.memory_space<hbm>> -> memref<128xi32, #tpu.memory_space<hbm>>
      tpu.wait_dma2 semaphore(%dma_wait3A_233 : memref<!tpu.dma_semaphore, #tpu.memory_space<semaphore_mem>>) src(%dma_wait3A_238 : memref<128xi32, #tpu.memory_space<hbm>>) dst(%dma_wait3A_236 : memref<128xi32, #tpu.memory_space<vmem>>)
      %dma_wait3A_239 = arith.constant 1 : i32
      %dma_wait3A_240 = arith.constant 1 : i32
      %dma_wait3A_241 = arith.constant 1 : i32
      %dma_wait3A_242 = arith.constant 1 : i32
      %dma_wait3A_243 = arith.constant 0 : i32
      %dma_wait3A_244 = tpu.memref_slice %arg6[%dma_wait3A_240, %dma_wait3A_241, %dma_wait3A_243] : memref<4x2x128xi32, #tpu.memory_space<vmem>> -> memref<1x1x128xi32, #tpu.memory_space<vmem>>
      %dma_wait3A_245 = tpu.memref_squeeze %dma_wait3A_244 : memref<1x1x128xi32, #tpu.memory_space<vmem>> -> memref<128xi32, #tpu.memory_space<vmem>>
      %dma_wait3A_246 = tpu.memref_slice %arg3[%dma_wait3A_239, %mul3A_222] : memref<2x327680xi32, #tpu.memory_space<hbm>> -> memref<1x128xi32, #tpu.memory_space<hbm>>
      %dma_wait3A_247 = tpu.memref_squeeze %dma_wait3A_246 : memref<1x128xi32, #tpu.memory_space<hbm>> -> memref<128xi32, #tpu.memory_space<hbm>>
      %dma_wait3A_248 = tpu.memref_slice %arg9[%dma_wait3A_242] : memref<4x!tpu.dma_semaphore, #tpu.memory_space<semaphore_mem>> -> memref<1x!tpu.dma_semaphore, #tpu.memory_space<semaphore_mem>>
      %dma_wait3A_249 = tpu.memref_squeeze %dma_wait3A_248 : memref<1x!tpu.dma_semaphore, #tpu.memory_space<semaphore_mem>> -> memref<!tpu.dma_semaphore, #tpu.memory_space<semaphore_mem>>
      %dma_wait3A_250 = arith.constant 0 : i32
      %dma_wait3A_251 = tpu.memref_slice %arg6[%dma_wait3A_240, %dma_wait3A_241, %dma_wait3A_250] : memref<4x2x128xi32, #tpu.memory_space<vmem>> -> memref<1x1x128xi32, #tpu.memory_space<vmem>>
      %dma_wait3A_252 = tpu.memref_squeeze %dma_wait3A_251 : memref<1x1x128xi32, #tpu.memory_space<vmem>> -> memref<128xi32, #tpu.memory_space<vmem>>
      %dma_wait3A_253 = tpu.memref_slice %arg3[%dma_wait3A_239, %mul3A_222] : memref<2x327680xi32, #tpu.memory_space<hbm>> -> memref<1x128xi32, #tpu.memory_space<hbm>>
      %dma_wait3A_254 = tpu.memref_squeeze %dma_wait3A_253 : memref<1x128xi32, #tpu.memory_space<hbm>> -> memref<128xi32, #tpu.memory_space<hbm>>
      tpu.wait_dma2 semaphore(%dma_wait3A_249 : memref<!tpu.dma_semaphore, #tpu.memory_space<semaphore_mem>>) src(%dma_wait3A_254 : memref<128xi32, #tpu.memory_space<hbm>>) dst(%dma_wait3A_252 : memref<128xi32, #tpu.memory_space<vmem>>)
      %dma_start3A_255 = arith.constant 1 : i32
      %dma_start3A_256 = arith.constant 0 : i32
      %dma_start3A_257 = arith.constant 1 : i32
      %dma_start3A_258 = arith.constant 1 : i32
      %dma_start3A_259 = arith.constant 0 : i32
      %dma_start3A_260 = arith.constant 0 : i32
      %dma_start3A_261 = tpu.memref_slice %arg7[%dma_start3A_257, %dma_start3A_259, %dma_start3A_260] : memref<4x128x64xf32, #tpu.memory_space<vmem>> -> memref<1x128x64xf32, #tpu.memory_space<vmem>>
      %dma_start3A_262 = tpu.memref_squeeze %dma_start3A_261 : memref<1x128x64xf32, #tpu.memory_space<vmem>> -> memref<128x64xf32, #tpu.memory_space<vmem>>
      %dma_start3A_263 = arith.constant 0 : i32
      %dma_start3A_264 = tpu.memref_slice %arg6[%dma_start3A_255, %dma_start3A_256, %dma_start3A_263] : memref<4x2x128xi32, #tpu.memory_space<vmem>> -> memref<1x1x128xi32, #tpu.memory_space<vmem>>
      %dma_start3A_265 = tpu.memref_squeeze %dma_start3A_264 : memref<1x1x128xi32, #tpu.memory_space<vmem>> -> memref<128xi32, #tpu.memory_space<vmem>>
      %dma_start3A_266 = arith.constant 0 : i32
      %dma_start3A_267 = arith.constant 0 : i32
      %dma_start3A_268 = tpu.memref_slice %arg2[%dma_start3A_266, %dma_start3A_267] : memref<10000x64xf32, #tpu.memory_space<hbm>> -> memref<10000x64xf32, #tpu.memory_space<hbm>>
      %dma_start3A_269 = tpu.memref_slice %arg10[%dma_start3A_258] : memref<4x!tpu.dma_semaphore, #tpu.memory_space<semaphore_mem>> -> memref<1x!tpu.dma_semaphore, #tpu.memory_space<semaphore_mem>>
      %dma_start3A_270 = tpu.memref_squeeze %dma_start3A_269 : memref<1x!tpu.dma_semaphore, #tpu.memory_space<semaphore_mem>> -> memref<!tpu.dma_semaphore, #tpu.memory_space<semaphore_mem>>
      tpu.enqueue_indirect_dma source(%dma_start3A_268 : memref<10000x64xf32, #tpu.memory_space<hbm>>) target(%dma_start3A_262 : memref<128x64xf32, #tpu.memory_space<vmem>>) offsets(%dma_start3A_265 : memref<128xi32, #tpu.memory_space<vmem>>) semaphore(%dma_start3A_270 : memref<!tpu.dma_semaphore, #tpu.memory_space<semaphore_mem>>)
      %add3A_271 = arith.constant 2 : i32
      %add3A_272 = arith.addi %add3A_167, %add3A_271 : i32
      %mul3A_273 = arith.constant 128 : i32
      %mul3A_274 = arith.muli %add3A_272, %mul3A_273 : i32
      %dma_wait3A_275 = arith.constant 0 : i32
      %dma_wait3A_276 = arith.constant 2 : i32
      %dma_wait3A_277 = arith.constant 0 : i32
      %dma_wait3A_278 = arith.constant 2 : i32
      %dma_wait3A_279 = arith.constant 0 : i32
      %dma_wait3A_280 = tpu.memref_slice %arg6[%dma_wait3A_276, %dma_wait3A_277, %dma_wait3A_279] : memref<4x2x128xi32, #tpu.memory_space<vmem>> -> memref<1x1x128xi32, #tpu.memory_space<vmem>>
      %dma_wait3A_281 = tpu.memref_squeeze %dma_wait3A_280 : memref<1x1x128xi32, #tpu.memory_space<vmem>> -> memref<128xi32, #tpu.memory_space<vmem>>
      %dma_wait3A_282 = tpu.memref_slice %arg3[%dma_wait3A_275, %mul3A_274] : memref<2x327680xi32, #tpu.memory_space<hbm>> -> memref<1x128xi32, #tpu.memory_space<hbm>>
      %dma_wait3A_283 = tpu.memref_squeeze %dma_wait3A_282 : memref<1x128xi32, #tpu.memory_space<hbm>> -> memref<128xi32, #tpu.memory_space<hbm>>
      %dma_wait3A_284 = tpu.memref_slice %arg9[%dma_wait3A_278] : memref<4x!tpu.dma_semaphore, #tpu.memory_space<semaphore_mem>> -> memref<1x!tpu.dma_semaphore, #tpu.memory_space<semaphore_mem>>
      %dma_wait3A_285 = tpu.memref_squeeze %dma_wait3A_284 : memref<1x!tpu.dma_semaphore, #tpu.memory_space<semaphore_mem>> -> memref<!tpu.dma_semaphore, #tpu.memory_space<semaphore_mem>>
      %dma_wait3A_286 = arith.constant 0 : i32
      %dma_wait3A_287 = tpu.memref_slice %arg6[%dma_wait3A_276, %dma_wait3A_277, %dma_wait3A_286] : memref<4x2x128xi32, #tpu.memory_space<vmem>> -> memref<1x1x128xi32, #tpu.memory_space<vmem>>
      %dma_wait3A_288 = tpu.memref_squeeze %dma_wait3A_287 : memref<1x1x128xi32, #tpu.memory_space<vmem>> -> memref<128xi32, #tpu.memory_space<vmem>>
      %dma_wait3A_289 = tpu.memref_slice %arg3[%dma_wait3A_275, %mul3A_274] : memref<2x327680xi32, #tpu.memory_space<hbm>> -> memref<1x128xi32, #tpu.memory_space<hbm>>
      %dma_wait3A_290 = tpu.memref_squeeze %dma_wait3A_289 : memref<1x128xi32, #tpu.memory_space<hbm>> -> memref<128xi32, #tpu.memory_space<hbm>>
      tpu.wait_dma2 semaphore(%dma_wait3A_285 : memref<!tpu.dma_semaphore, #tpu.memory_space<semaphore_mem>>) src(%dma_wait3A_290 : memref<128xi32, #tpu.memory_space<hbm>>) dst(%dma_wait3A_288 : memref<128xi32, #tpu.memory_space<vmem>>)
      %dma_wait3A_291 = arith.constant 1 : i32
      %dma_wait3A_292 = arith.constant 2 : i32
      %dma_wait3A_293 = arith.constant 1 : i32
      %dma_wait3A_294 = arith.constant 2 : i32
      %dma_wait3A_295 = arith.constant 0 : i32
      %dma_wait3A_296 = tpu.memref_slice %arg6[%dma_wait3A_292, %dma_wait3A_293, %dma_wait3A_295] : memref<4x2x128xi32, #tpu.memory_space<vmem>> -> memref<1x1x128xi32, #tpu.memory_space<vmem>>
      %dma_wait3A_297 = tpu.memref_squeeze %dma_wait3A_296 : memref<1x1x128xi32, #tpu.memory_space<vmem>> -> memref<128xi32, #tpu.memory_space<vmem>>
      %dma_wait3A_298 = tpu.memref_slice %arg3[%dma_wait3A_291, %mul3A_274] : memref<2x327680xi32, #tpu.memory_space<hbm>> -> memref<1x128xi32, #tpu.memory_space<hbm>>
      %dma_wait3A_299 = tpu.memref_squeeze %dma_wait3A_298 : memref<1x128xi32, #tpu.memory_space<hbm>> -> memref<128xi32, #tpu.memory_space<hbm>>
      %dma_wait3A_300 = tpu.memref_slice %arg9[%dma_wait3A_294] : memref<4x!tpu.dma_semaphore, #tpu.memory_space<semaphore_mem>> -> memref<1x!tpu.dma_semaphore, #tpu.memory_space<semaphore_mem>>
      %dma_wait3A_301 = tpu.memref_squeeze %dma_wait3A_300 : memref<1x!tpu.dma_semaphore, #tpu.memory_space<semaphore_mem>> -> memref<!tpu.dma_semaphore, #tpu.memory_space<semaphore_mem>>
      %dma_wait3A_302 = arith.constant 0 : i32
      %dma_wait3A_303 = tpu.memref_slice %arg6[%dma_wait3A_292, %dma_wait3A_293, %dma_wait3A_302] : memref<4x2x128xi32, #tpu.memory_space<vmem>> -> memref<1x1x128xi32, #tpu.memory_space<vmem>>
      %dma_wait3A_304 = tpu.memref_squeeze %dma_wait3A_303 : memref<1x1x128xi32, #tpu.memory_space<vmem>> -> memref<128xi32, #tpu.memory_space<vmem>>
      %dma_wait3A_305 = tpu.memref_slice %arg3[%dma_wait3A_291, %mul3A_274] : memref<2x327680xi32, #tpu.memory_space<hbm>> -> memref<1x128xi32, #tpu.memory_space<hbm>>
      %dma_wait3A_306 = tpu.memref_squeeze %dma_wait3A_305 : memref<1x128xi32, #tpu.memory_space<hbm>> -> memref<128xi32, #tpu.memory_space<hbm>>
      tpu.wait_dma2 semaphore(%dma_wait3A_301 : memref<!tpu.dma_semaphore, #tpu.memory_space<semaphore_mem>>) src(%dma_wait3A_306 : memref<128xi32, #tpu.memory_space<hbm>>) dst(%dma_wait3A_304 : memref<128xi32, #tpu.memory_space<vmem>>)
      %dma_start3A_307 = arith.constant 2 : i32
      %dma_start3A_308 = arith.constant 0 : i32
      %dma_start3A_309 = arith.constant 2 : i32
      %dma_start3A_310 = arith.constant 2 : i32
      %dma_start3A_311 = arith.constant 0 : i32
      %dma_start3A_312 = arith.constant 0 : i32
      %dma_start3A_313 = tpu.memref_slice %arg7[%dma_start3A_309, %dma_start3A_311, %dma_start3A_312] : memref<4x128x64xf32, #tpu.memory_space<vmem>> -> memref<1x128x64xf32, #tpu.memory_space<vmem>>
      %dma_start3A_314 = tpu.memref_squeeze %dma_start3A_313 : memref<1x128x64xf32, #tpu.memory_space<vmem>> -> memref<128x64xf32, #tpu.memory_space<vmem>>
      %dma_start3A_315 = arith.constant 0 : i32
      %dma_start3A_316 = tpu.memref_slice %arg6[%dma_start3A_307, %dma_start3A_308, %dma_start3A_315] : memref<4x2x128xi32, #tpu.memory_space<vmem>> -> memref<1x1x128xi32, #tpu.memory_space<vmem>>
      %dma_start3A_317 = tpu.memref_squeeze %dma_start3A_316 : memref<1x1x128xi32, #tpu.memory_space<vmem>> -> memref<128xi32, #tpu.memory_space<vmem>>
      %dma_start3A_318 = arith.constant 0 : i32
      %dma_start3A_319 = arith.constant 0 : i32
      %dma_start3A_320 = tpu.memref_slice %arg2[%dma_start3A_318, %dma_start3A_319] : memref<10000x64xf32, #tpu.memory_space<hbm>> -> memref<10000x64xf32, #tpu.memory_space<hbm>>
      %dma_start3A_321 = tpu.memref_slice %arg10[%dma_start3A_310] : memref<4x!tpu.dma_semaphore, #tpu.memory_space<semaphore_mem>> -> memref<1x!tpu.dma_semaphore, #tpu.memory_space<semaphore_mem>>
      %dma_start3A_322 = tpu.memref_squeeze %dma_start3A_321 : memref<1x!tpu.dma_semaphore, #tpu.memory_space<semaphore_mem>> -> memref<!tpu.dma_semaphore, #tpu.memory_space<semaphore_mem>>
      tpu.enqueue_indirect_dma source(%dma_start3A_320 : memref<10000x64xf32, #tpu.memory_space<hbm>>) target(%dma_start3A_314 : memref<128x64xf32, #tpu.memory_space<vmem>>) offsets(%dma_start3A_317 : memref<128xi32, #tpu.memory_space<vmem>>) semaphore(%dma_start3A_322 : memref<!tpu.dma_semaphore, #tpu.memory_space<semaphore_mem>>)
      %add3A_323 = arith.constant 3 : i32
      %add3A_324 = arith.addi %add3A_167, %add3A_323 : i32
      %mul3A_325 = arith.constant 128 : i32
      %mul3A_326 = arith.muli %add3A_324, %mul3A_325 : i32
      %dma_wait3A_327 = arith.constant 0 : i32
      %dma_wait3A_328 = arith.constant 3 : i32
      %dma_wait3A_329 = arith.constant 0 : i32
      %dma_wait3A_330 = arith.constant 3 : i32
      %dma_wait3A_331 = arith.constant 0 : i32
      %dma_wait3A_332 = tpu.memref_slice %arg6[%dma_wait3A_328, %dma_wait3A_329, %dma_wait3A_331] : memref<4x2x128xi32, #tpu.memory_space<vmem>> -> memref<1x1x128xi32, #tpu.memory_space<vmem>>
      %dma_wait3A_333 = tpu.memref_squeeze %dma_wait3A_332 : memref<1x1x128xi32, #tpu.memory_space<vmem>> -> memref<128xi32, #tpu.memory_space<vmem>>
      %dma_wait3A_334 = tpu.memref_slice %arg3[%dma_wait3A_327, %mul3A_326] : memref<2x327680xi32, #tpu.memory_space<hbm>> -> memref<1x128xi32, #tpu.memory_space<hbm>>
      %dma_wait3A_335 = tpu.memref_squeeze %dma_wait3A_334 : memref<1x128xi32, #tpu.memory_space<hbm>> -> memref<128xi32, #tpu.memory_space<hbm>>
      %dma_wait3A_336 = tpu.memref_slice %arg9[%dma_wait3A_330] : memref<4x!tpu.dma_semaphore, #tpu.memory_space<semaphore_mem>> -> memref<1x!tpu.dma_semaphore, #tpu.memory_space<semaphore_mem>>
      %dma_wait3A_337 = tpu.memref_squeeze %dma_wait3A_336 : memref<1x!tpu.dma_semaphore, #tpu.memory_space<semaphore_mem>> -> memref<!tpu.dma_semaphore, #tpu.memory_space<semaphore_mem>>
      %dma_wait3A_338 = arith.constant 0 : i32
      %dma_wait3A_339 = tpu.memref_slice %arg6[%dma_wait3A_328, %dma_wait3A_329, %dma_wait3A_338] : memref<4x2x128xi32, #tpu.memory_space<vmem>> -> memref<1x1x128xi32, #tpu.memory_space<vmem>>
      %dma_wait3A_340 = tpu.memref_squeeze %dma_wait3A_339 : memref<1x1x128xi32, #tpu.memory_space<vmem>> -> memref<128xi32, #tpu.memory_space<vmem>>
      %dma_wait3A_341 = tpu.memref_slice %arg3[%dma_wait3A_327, %mul3A_326] : memref<2x327680xi32, #tpu.memory_space<hbm>> -> memref<1x128xi32, #tpu.memory_space<hbm>>
      %dma_wait3A_342 = tpu.memref_squeeze %dma_wait3A_341 : memref<1x128xi32, #tpu.memory_space<hbm>> -> memref<128xi32, #tpu.memory_space<hbm>>
      tpu.wait_dma2 semaphore(%dma_wait3A_337 : memref<!tpu.dma_semaphore, #tpu.memory_space<semaphore_mem>>) src(%dma_wait3A_342 : memref<128xi32, #tpu.memory_space<hbm>>) dst(%dma_wait3A_340 : memref<128xi32, #tpu.memory_space<vmem>>)
      %dma_wait3A_343 = arith.constant 1 : i32
      %dma_wait3A_344 = arith.constant 3 : i32
      %dma_wait3A_345 = arith.constant 1 : i32
      %dma_wait3A_346 = arith.constant 3 : i32
      %dma_wait3A_347 = arith.constant 0 : i32
      %dma_wait3A_348 = tpu.memref_slice %arg6[%dma_wait3A_344, %dma_wait3A_345, %dma_wait3A_347] : memref<4x2x128xi32, #tpu.memory_space<vmem>> -> memref<1x1x128xi32, #tpu.memory_space<vmem>>
      %dma_wait3A_349 = tpu.memref_squeeze %dma_wait3A_348 : memref<1x1x128xi32, #tpu.memory_space<vmem>> -> memref<128xi32, #tpu.memory_space<vmem>>
      %dma_wait3A_350 = tpu.memref_slice %arg3[%dma_wait3A_343, %mul3A_326] : memref<2x327680xi32, #tpu.memory_space<hbm>> -> memref<1x128xi32, #tpu.memory_space<hbm>>
      %dma_wait3A_351 = tpu.memref_squeeze %dma_wait3A_350 : memref<1x128xi32, #tpu.memory_space<hbm>> -> memref<128xi32, #tpu.memory_space<hbm>>
      %dma_wait3A_352 = tpu.memref_slice %arg9[%dma_wait3A_346] : memref<4x!tpu.dma_semaphore, #tpu.memory_space<semaphore_mem>> -> memref<1x!tpu.dma_semaphore, #tpu.memory_space<semaphore_mem>>
      %dma_wait3A_353 = tpu.memref_squeeze %dma_wait3A_352 : memref<1x!tpu.dma_semaphore, #tpu.memory_space<semaphore_mem>> -> memref<!tpu.dma_semaphore, #tpu.memory_space<semaphore_mem>>
      %dma_wait3A_354 = arith.constant 0 : i32
      %dma_wait3A_355 = tpu.memref_slice %arg6[%dma_wait3A_344, %dma_wait3A_345, %dma_wait3A_354] : memref<4x2x128xi32, #tpu.memory_space<vmem>> -> memref<1x1x128xi32, #tpu.memory_space<vmem>>
      %dma_wait3A_356 = tpu.memref_squeeze %dma_wait3A_355 : memref<1x1x128xi32, #tpu.memory_space<vmem>> -> memref<128xi32, #tpu.memory_space<vmem>>
      %dma_wait3A_357 = tpu.memref_slice %arg3[%dma_wait3A_343, %mul3A_326] : memref<2x327680xi32, #tpu.memory_space<hbm>> -> memref<1x128xi32, #tpu.memory_space<hbm>>
      %dma_wait3A_358 = tpu.memref_squeeze %dma_wait3A_357 : memref<1x128xi32, #tpu.memory_space<hbm>> -> memref<128xi32, #tpu.memory_space<hbm>>
      tpu.wait_dma2 semaphore(%dma_wait3A_353 : memref<!tpu.dma_semaphore, #tpu.memory_space<semaphore_mem>>) src(%dma_wait3A_358 : memref<128xi32, #tpu.memory_space<hbm>>) dst(%dma_wait3A_356 : memref<128xi32, #tpu.memory_space<vmem>>)
      %dma_start3A_359 = arith.constant 3 : i32
      %dma_start3A_360 = arith.constant 0 : i32
      %dma_start3A_361 = arith.constant 3 : i32
      %dma_start3A_362 = arith.constant 3 : i32
      %dma_start3A_363 = arith.constant 0 : i32
      %dma_start3A_364 = arith.constant 0 : i32
      %dma_start3A_365 = tpu.memref_slice %arg7[%dma_start3A_361, %dma_start3A_363, %dma_start3A_364] : memref<4x128x64xf32, #tpu.memory_space<vmem>> -> memref<1x128x64xf32, #tpu.memory_space<vmem>>
      %dma_start3A_366 = tpu.memref_squeeze %dma_start3A_365 : memref<1x128x64xf32, #tpu.memory_space<vmem>> -> memref<128x64xf32, #tpu.memory_space<vmem>>
      %dma_start3A_367 = arith.constant 0 : i32
      %dma_start3A_368 = tpu.memref_slice %arg6[%dma_start3A_359, %dma_start3A_360, %dma_start3A_367] : memref<4x2x128xi32, #tpu.memory_space<vmem>> -> memref<1x1x128xi32, #tpu.memory_space<vmem>>
      %dma_start3A_369 = tpu.memref_squeeze %dma_start3A_368 : memref<1x1x128xi32, #tpu.memory_space<vmem>> -> memref<128xi32, #tpu.memory_space<vmem>>
      %dma_start3A_370 = arith.constant 0 : i32
      %dma_start3A_371 = arith.constant 0 : i32
      %dma_start3A_372 = tpu.memref_slice %arg2[%dma_start3A_370, %dma_start3A_371] : memref<10000x64xf32, #tpu.memory_space<hbm>> -> memref<10000x64xf32, #tpu.memory_space<hbm>>
      %dma_start3A_373 = tpu.memref_slice %arg10[%dma_start3A_362] : memref<4x!tpu.dma_semaphore, #tpu.memory_space<semaphore_mem>> -> memref<1x!tpu.dma_semaphore, #tpu.memory_space<semaphore_mem>>
      %dma_start3A_374 = tpu.memref_squeeze %dma_start3A_373 : memref<1x!tpu.dma_semaphore, #tpu.memory_space<semaphore_mem>> -> memref<!tpu.dma_semaphore, #tpu.memory_space<semaphore_mem>>
      tpu.enqueue_indirect_dma source(%dma_start3A_372 : memref<10000x64xf32, #tpu.memory_space<hbm>>) target(%dma_start3A_366 : memref<128x64xf32, #tpu.memory_space<vmem>>) offsets(%dma_start3A_369 : memref<128xi32, #tpu.memory_space<vmem>>) semaphore(%dma_start3A_374 : memref<!tpu.dma_semaphore, #tpu.memory_space<semaphore_mem>>)
      %dma_wait3A_375 = arith.constant 0 : i32
      %dma_wait3A_376 = arith.constant 0 : i32
      %dma_wait3A_377 = arith.constant 0 : i32
      %dma_wait3A_378 = arith.constant 0 : i32
      %dma_wait3A_379 = arith.constant 0 : i32
      %dma_wait3A_380 = arith.constant 0 : i32
      %dma_wait3A_381 = tpu.memref_slice %arg7[%dma_wait3A_377, %dma_wait3A_379, %dma_wait3A_380] : memref<4x128x64xf32, #tpu.memory_space<vmem>> -> memref<1x128x64xf32, #tpu.memory_space<vmem>>
      %dma_wait3A_382 = tpu.memref_squeeze %dma_wait3A_381 : memref<1x128x64xf32, #tpu.memory_space<vmem>> -> memref<128x64xf32, #tpu.memory_space<vmem>>
      %dma_wait3A_383 = arith.constant 0 : i32
      %dma_wait3A_384 = tpu.memref_slice %arg6[%dma_wait3A_375, %dma_wait3A_376, %dma_wait3A_383] : memref<4x2x128xi32, #tpu.memory_space<vmem>> -> memref<1x1x128xi32, #tpu.memory_space<vmem>>
      %dma_wait3A_385 = tpu.memref_squeeze %dma_wait3A_384 : memref<1x1x128xi32, #tpu.memory_space<vmem>> -> memref<128xi32, #tpu.memory_space<vmem>>
      %dma_wait3A_386 = arith.constant 0 : i32
      %dma_wait3A_387 = arith.constant 0 : i32
      %dma_wait3A_388 = tpu.memref_slice %arg2[%dma_wait3A_386, %dma_wait3A_387] : memref<10000x64xf32, #tpu.memory_space<hbm>> -> memref<10000x64xf32, #tpu.memory_space<hbm>>
      %dma_wait3A_389 = tpu.memref_slice %arg10[%dma_wait3A_378] : memref<4x!tpu.dma_semaphore, #tpu.memory_space<semaphore_mem>> -> memref<1x!tpu.dma_semaphore, #tpu.memory_space<semaphore_mem>>
      %dma_wait3A_390 = tpu.memref_squeeze %dma_wait3A_389 : memref<1x!tpu.dma_semaphore, #tpu.memory_space<semaphore_mem>> -> memref<!tpu.dma_semaphore, #tpu.memory_space<semaphore_mem>>
      tpu.wait_indirect_dma semaphore(%dma_wait3A_390 : memref<!tpu.dma_semaphore, #tpu.memory_space<semaphore_mem>>) src(%dma_wait3A_388 : memref<10000x64xf32, #tpu.memory_space<hbm>>) dst(%dma_wait3A_382 : memref<128x64xf32, #tpu.memory_space<vmem>>)
      %dma_start3A_391 = arith.constant 0 : i32
      %dma_start3A_392 = arith.constant 0 : i32
      %dma_start3A_393 = arith.constant 1 : i32
      %dma_start3A_394 = arith.constant 0 : i32
      %dma_start3A_395 = arith.constant 0 : i32
      %dma_start3A_396 = arith.constant 0 : i32
      %dma_start3A_397 = tpu.memref_slice %arg7[%dma_start3A_391, %dma_start3A_395, %dma_start3A_396] : memref<4x128x64xf32, #tpu.memory_space<vmem>> -> memref<1x128x64xf32, #tpu.memory_space<vmem>>
      %dma_start3A_398 = tpu.memref_squeeze %dma_start3A_397 : memref<1x128x64xf32, #tpu.memory_space<vmem>> -> memref<128x64xf32, #tpu.memory_space<vmem>>
      %dma_start3A_399 = arith.constant 0 : i32
      %dma_start3A_400 = tpu.memref_slice %arg6[%dma_start3A_392, %dma_start3A_393, %dma_start3A_399] : memref<4x2x128xi32, #tpu.memory_space<vmem>> -> memref<1x1x128xi32, #tpu.memory_space<vmem>>
      %dma_start3A_401 = tpu.memref_squeeze %dma_start3A_400 : memref<1x1x128xi32, #tpu.memory_space<vmem>> -> memref<128xi32, #tpu.memory_space<vmem>>
      %dma_start3A_402 = arith.constant 0 : i32
      %dma_start3A_403 = arith.constant 0 : i32
      %dma_start3A_404 = tpu.memref_slice %arg5[%dma_start3A_402, %dma_start3A_403] : memref<10016x64xf32, #tpu.memory_space<vmem_shared>> -> memref<10016x64xf32, #tpu.memory_space<vmem_shared>>
      %dma_start3A_405 = tpu.memref_slice %arg11[%dma_start3A_394] : memref<4x!tpu.dma_semaphore, #tpu.memory_space<semaphore_mem>> -> memref<1x!tpu.dma_semaphore, #tpu.memory_space<semaphore_mem>>
      %dma_start3A_406 = tpu.memref_squeeze %dma_start3A_405 : memref<1x!tpu.dma_semaphore, #tpu.memory_space<semaphore_mem>> -> memref<!tpu.dma_semaphore, #tpu.memory_space<semaphore_mem>>
      tpu.enqueue_indirect_dma source(%dma_start3A_398 : memref<128x64xf32, #tpu.memory_space<vmem>>) target(%dma_start3A_404 : memref<10016x64xf32, #tpu.memory_space<vmem_shared>>) offsets(%dma_start3A_401 : memref<128xi32, #tpu.memory_space<vmem>>) semaphore(%dma_start3A_406 : memref<!tpu.dma_semaphore, #tpu.memory_space<semaphore_mem>>) {add = true}
      %dma_wait3A_407 = arith.constant 1 : i32
      %dma_wait3A_408 = arith.constant 0 : i32
      %dma_wait3A_409 = arith.constant 1 : i32
      %dma_wait3A_410 = arith.constant 1 : i32
      %dma_wait3A_411 = arith.constant 0 : i32
      %dma_wait3A_412 = arith.constant 0 : i32
      %dma_wait3A_413 = tpu.memref_slice %arg7[%dma_wait3A_409, %dma_wait3A_411, %dma_wait3A_412] : memref<4x128x64xf32, #tpu.memory_space<vmem>> -> memref<1x128x64xf32, #tpu.memory_space<vmem>>
      %dma_wait3A_414 = tpu.memref_squeeze %dma_wait3A_413 : memref<1x128x64xf32, #tpu.memory_space<vmem>> -> memref<128x64xf32, #tpu.memory_space<vmem>>
      %dma_wait3A_415 = arith.constant 0 : i32
      %dma_wait3A_416 = tpu.memref_slice %arg6[%dma_wait3A_407, %dma_wait3A_408, %dma_wait3A_415] : memref<4x2x128xi32, #tpu.memory_space<vmem>> -> memref<1x1x128xi32, #tpu.memory_space<vmem>>
      %dma_wait3A_417 = tpu.memref_squeeze %dma_wait3A_416 : memref<1x1x128xi32, #tpu.memory_space<vmem>> -> memref<128xi32, #tpu.memory_space<vmem>>
      %dma_wait3A_418 = arith.constant 0 : i32
      %dma_wait3A_419 = arith.constant 0 : i32
      %dma_wait3A_420 = tpu.memref_slice %arg2[%dma_wait3A_418, %dma_wait3A_419] : memref<10000x64xf32, #tpu.memory_space<hbm>> -> memref<10000x64xf32, #tpu.memory_space<hbm>>
      %dma_wait3A_421 = tpu.memref_slice %arg10[%dma_wait3A_410] : memref<4x!tpu.dma_semaphore, #tpu.memory_space<semaphore_mem>> -> memref<1x!tpu.dma_semaphore, #tpu.memory_space<semaphore_mem>>
      %dma_wait3A_422 = tpu.memref_squeeze %dma_wait3A_421 : memref<1x!tpu.dma_semaphore, #tpu.memory_space<semaphore_mem>> -> memref<!tpu.dma_semaphore, #tpu.memory_space<semaphore_mem>>
      tpu.wait_indirect_dma semaphore(%dma_wait3A_422 : memref<!tpu.dma_semaphore, #tpu.memory_space<semaphore_mem>>) src(%dma_wait3A_420 : memref<10000x64xf32, #tpu.memory_space<hbm>>) dst(%dma_wait3A_414 : memref<128x64xf32, #tpu.memory_space<vmem>>)
      %dma_start3A_423 = arith.constant 1 : i32
      %dma_start3A_424 = arith.constant 1 : i32
      %dma_start3A_425 = arith.constant 1 : i32
      %dma_start3A_426 = arith.constant 1 : i32
      %dma_start3A_427 = arith.constant 0 : i32
      %dma_start3A_428 = arith.constant 0 : i32
      %dma_start3A_429 = tpu.memref_slice %arg7[%dma_start3A_423, %dma_start3A_427, %dma_start3A_428] : memref<4x128x64xf32, #tpu.memory_space<vmem>> -> memref<1x128x64xf32, #tpu.memory_space<vmem>>
      %dma_start3A_430 = tpu.memref_squeeze %dma_start3A_429 : memref<1x128x64xf32, #tpu.memory_space<vmem>> -> memref<128x64xf32, #tpu.memory_space<vmem>>
      %dma_start3A_431 = arith.constant 0 : i32
      %dma_start3A_432 = tpu.memref_slice %arg6[%dma_start3A_424, %dma_start3A_425, %dma_start3A_431] : memref<4x2x128xi32, #tpu.memory_space<vmem>> -> memref<1x1x128xi32, #tpu.memory_space<vmem>>
      %dma_start3A_433 = tpu.memref_squeeze %dma_start3A_432 : memref<1x1x128xi32, #tpu.memory_space<vmem>> -> memref<128xi32, #tpu.memory_space<vmem>>
      %dma_start3A_434 = arith.constant 0 : i32
      %dma_start3A_435 = arith.constant 0 : i32
      %dma_start3A_436 = tpu.memref_slice %arg5[%dma_start3A_434, %dma_start3A_435] : memref<10016x64xf32, #tpu.memory_space<vmem_shared>> -> memref<10016x64xf32, #tpu.memory_space<vmem_shared>>
      %dma_start3A_437 = tpu.memref_slice %arg11[%dma_start3A_426] : memref<4x!tpu.dma_semaphore, #tpu.memory_space<semaphore_mem>> -> memref<1x!tpu.dma_semaphore, #tpu.memory_space<semaphore_mem>>
      %dma_start3A_438 = tpu.memref_squeeze %dma_start3A_437 : memref<1x!tpu.dma_semaphore, #tpu.memory_space<semaphore_mem>> -> memref<!tpu.dma_semaphore, #tpu.memory_space<semaphore_mem>>
      tpu.enqueue_indirect_dma source(%dma_start3A_430 : memref<128x64xf32, #tpu.memory_space<vmem>>) target(%dma_start3A_436 : memref<10016x64xf32, #tpu.memory_space<vmem_shared>>) offsets(%dma_start3A_433 : memref<128xi32, #tpu.memory_space<vmem>>) semaphore(%dma_start3A_438 : memref<!tpu.dma_semaphore, #tpu.memory_space<semaphore_mem>>) {add = true}
      %dma_wait3A_439 = arith.constant 2 : i32
      %dma_wait3A_440 = arith.constant 0 : i32
      %dma_wait3A_441 = arith.constant 2 : i32
      %dma_wait3A_442 = arith.constant 2 : i32
      %dma_wait3A_443 = arith.constant 0 : i32
      %dma_wait3A_444 = arith.constant 0 : i32
      %dma_wait3A_445 = tpu.memref_slice %arg7[%dma_wait3A_441, %dma_wait3A_443, %dma_wait3A_444] : memref<4x128x64xf32, #tpu.memory_space<vmem>> -> memref<1x128x64xf32, #tpu.memory_space<vmem>>
      %dma_wait3A_446 = tpu.memref_squeeze %dma_wait3A_445 : memref<1x128x64xf32, #tpu.memory_space<vmem>> -> memref<128x64xf32, #tpu.memory_space<vmem>>
      %dma_wait3A_447 = arith.constant 0 : i32
      %dma_wait3A_448 = tpu.memref_slice %arg6[%dma_wait3A_439, %dma_wait3A_440, %dma_wait3A_447] : memref<4x2x128xi32, #tpu.memory_space<vmem>> -> memref<1x1x128xi32, #tpu.memory_space<vmem>>
      %dma_wait3A_449 = tpu.memref_squeeze %dma_wait3A_448 : memref<1x1x128xi32, #tpu.memory_space<vmem>> -> memref<128xi32, #tpu.memory_space<vmem>>
      %dma_wait3A_450 = arith.constant 0 : i32
      %dma_wait3A_451 = arith.constant 0 : i32
      %dma_wait3A_452 = tpu.memref_slice %arg2[%dma_wait3A_450, %dma_wait3A_451] : memref<10000x64xf32, #tpu.memory_space<hbm>> -> memref<10000x64xf32, #tpu.memory_space<hbm>>
      %dma_wait3A_453 = tpu.memref_slice %arg10[%dma_wait3A_442] : memref<4x!tpu.dma_semaphore, #tpu.memory_space<semaphore_mem>> -> memref<1x!tpu.dma_semaphore, #tpu.memory_space<semaphore_mem>>
      %dma_wait3A_454 = tpu.memref_squeeze %dma_wait3A_453 : memref<1x!tpu.dma_semaphore, #tpu.memory_space<semaphore_mem>> -> memref<!tpu.dma_semaphore, #tpu.memory_space<semaphore_mem>>
      tpu.wait_indirect_dma semaphore(%dma_wait3A_454 : memref<!tpu.dma_semaphore, #tpu.memory_space<semaphore_mem>>) src(%dma_wait3A_452 : memref<10000x64xf32, #tpu.memory_space<hbm>>) dst(%dma_wait3A_446 : memref<128x64xf32, #tpu.memory_space<vmem>>)
      %dma_start3A_455 = arith.constant 2 : i32
      %dma_start3A_456 = arith.constant 2 : i32
      %dma_start3A_457 = arith.constant 1 : i32
      %dma_start3A_458 = arith.constant 2 : i32
      %dma_start3A_459 = arith.constant 0 : i32
      %dma_start3A_460 = arith.constant 0 : i32
      %dma_start3A_461 = tpu.memref_slice %arg7[%dma_start3A_455, %dma_start3A_459, %dma_start3A_460] : memref<4x128x64xf32, #tpu.memory_space<vmem>> -> memref<1x128x64xf32, #tpu.memory_space<vmem>>
      %dma_start3A_462 = tpu.memref_squeeze %dma_start3A_461 : memref<1x128x64xf32, #tpu.memory_space<vmem>> -> memref<128x64xf32, #tpu.memory_space<vmem>>
      %dma_start3A_463 = arith.constant 0 : i32
      %dma_start3A_464 = tpu.memref_slice %arg6[%dma_start3A_456, %dma_start3A_457, %dma_start3A_463] : memref<4x2x128xi32, #tpu.memory_space<vmem>> -> memref<1x1x128xi32, #tpu.memory_space<vmem>>
      %dma_start3A_465 = tpu.memref_squeeze %dma_start3A_464 : memref<1x1x128xi32, #tpu.memory_space<vmem>> -> memref<128xi32, #tpu.memory_space<vmem>>
      %dma_start3A_466 = arith.constant 0 : i32
      %dma_start3A_467 = arith.constant 0 : i32
      %dma_start3A_468 = tpu.memref_slice %arg5[%dma_start3A_466, %dma_start3A_467] : memref<10016x64xf32, #tpu.memory_space<vmem_shared>> -> memref<10016x64xf32, #tpu.memory_space<vmem_shared>>
      %dma_start3A_469 = tpu.memref_slice %arg11[%dma_start3A_458] : memref<4x!tpu.dma_semaphore, #tpu.memory_space<semaphore_mem>> -> memref<1x!tpu.dma_semaphore, #tpu.memory_space<semaphore_mem>>
      %dma_start3A_470 = tpu.memref_squeeze %dma_start3A_469 : memref<1x!tpu.dma_semaphore, #tpu.memory_space<semaphore_mem>> -> memref<!tpu.dma_semaphore, #tpu.memory_space<semaphore_mem>>
      tpu.enqueue_indirect_dma source(%dma_start3A_462 : memref<128x64xf32, #tpu.memory_space<vmem>>) target(%dma_start3A_468 : memref<10016x64xf32, #tpu.memory_space<vmem_shared>>) offsets(%dma_start3A_465 : memref<128xi32, #tpu.memory_space<vmem>>) semaphore(%dma_start3A_470 : memref<!tpu.dma_semaphore, #tpu.memory_space<semaphore_mem>>) {add = true}
      %dma_wait3A_471 = arith.constant 3 : i32
      %dma_wait3A_472 = arith.constant 0 : i32
      %dma_wait3A_473 = arith.constant 3 : i32
      %dma_wait3A_474 = arith.constant 3 : i32
      %dma_wait3A_475 = arith.constant 0 : i32
      %dma_wait3A_476 = arith.constant 0 : i32
      %dma_wait3A_477 = tpu.memref_slice %arg7[%dma_wait3A_473, %dma_wait3A_475, %dma_wait3A_476] : memref<4x128x64xf32, #tpu.memory_space<vmem>> -> memref<1x128x64xf32, #tpu.memory_space<vmem>>
      %dma_wait3A_478 = tpu.memref_squeeze %dma_wait3A_477 : memref<1x128x64xf32, #tpu.memory_space<vmem>> -> memref<128x64xf32, #tpu.memory_space<vmem>>
      %dma_wait3A_479 = arith.constant 0 : i32
      %dma_wait3A_480 = tpu.memref_slice %arg6[%dma_wait3A_471, %dma_wait3A_472, %dma_wait3A_479] : memref<4x2x128xi32, #tpu.memory_space<vmem>> -> memref<1x1x128xi32, #tpu.memory_space<vmem>>
      %dma_wait3A_481 = tpu.memref_squeeze %dma_wait3A_480 : memref<1x1x128xi32, #tpu.memory_space<vmem>> -> memref<128xi32, #tpu.memory_space<vmem>>
      %dma_wait3A_482 = arith.constant 0 : i32
      %dma_wait3A_483 = arith.constant 0 : i32
      %dma_wait3A_484 = tpu.memref_slice %arg2[%dma_wait3A_482, %dma_wait3A_483] : memref<10000x64xf32, #tpu.memory_space<hbm>> -> memref<10000x64xf32, #tpu.memory_space<hbm>>
      %dma_wait3A_485 = tpu.memref_slice %arg10[%dma_wait3A_474] : memref<4x!tpu.dma_semaphore, #tpu.memory_space<semaphore_mem>> -> memref<1x!tpu.dma_semaphore, #tpu.memory_space<semaphore_mem>>
      %dma_wait3A_486 = tpu.memref_squeeze %dma_wait3A_485 : memref<1x!tpu.dma_semaphore, #tpu.memory_space<semaphore_mem>> -> memref<!tpu.dma_semaphore, #tpu.memory_space<semaphore_mem>>
      tpu.wait_indirect_dma semaphore(%dma_wait3A_486 : memref<!tpu.dma_semaphore, #tpu.memory_space<semaphore_mem>>) src(%dma_wait3A_484 : memref<10000x64xf32, #tpu.memory_space<hbm>>) dst(%dma_wait3A_478 : memref<128x64xf32, #tpu.memory_space<vmem>>)
      %dma_start3A_487 = arith.constant 3 : i32
      %dma_start3A_488 = arith.constant 3 : i32
      %dma_start3A_489 = arith.constant 1 : i32
      %dma_start3A_490 = arith.constant 3 : i32
      %dma_start3A_491 = arith.constant 0 : i32
      %dma_start3A_492 = arith.constant 0 : i32
      %dma_start3A_493 = tpu.memref_slice %arg7[%dma_start3A_487, %dma_start3A_491, %dma_start3A_492] : memref<4x128x64xf32, #tpu.memory_space<vmem>> -> memref<1x128x64xf32, #tpu.memory_space<vmem>>
      %dma_start3A_494 = tpu.memref_squeeze %dma_start3A_493 : memref<1x128x64xf32, #tpu.memory_space<vmem>> -> memref<128x64xf32, #tpu.memory_space<vmem>>
      %dma_start3A_495 = arith.constant 0 : i32
      %dma_start3A_496 = tpu.memref_slice %arg6[%dma_start3A_488, %dma_start3A_489, %dma_start3A_495] : memref<4x2x128xi32, #tpu.memory_space<vmem>> -> memref<1x1x128xi32, #tpu.memory_space<vmem>>
      %dma_start3A_497 = tpu.memref_squeeze %dma_start3A_496 : memref<1x1x128xi32, #tpu.memory_space<vmem>> -> memref<128xi32, #tpu.memory_space<vmem>>
      %dma_start3A_498 = arith.constant 0 : i32
      %dma_start3A_499 = arith.constant 0 : i32
      %dma_start3A_500 = tpu.memref_slice %arg5[%dma_start3A_498, %dma_start3A_499] : memref<10016x64xf32, #tpu.memory_space<vmem_shared>> -> memref<10016x64xf32, #tpu.memory_space<vmem_shared>>
      %dma_start3A_501 = tpu.memref_slice %arg11[%dma_start3A_490] : memref<4x!tpu.dma_semaphore, #tpu.memory_space<semaphore_mem>> -> memref<1x!tpu.dma_semaphore, #tpu.memory_space<semaphore_mem>>
      %dma_start3A_502 = tpu.memref_squeeze %dma_start3A_501 : memref<1x!tpu.dma_semaphore, #tpu.memory_space<semaphore_mem>> -> memref<!tpu.dma_semaphore, #tpu.memory_space<semaphore_mem>>
      tpu.enqueue_indirect_dma source(%dma_start3A_494 : memref<128x64xf32, #tpu.memory_space<vmem>>) target(%dma_start3A_500 : memref<10016x64xf32, #tpu.memory_space<vmem_shared>>) offsets(%dma_start3A_497 : memref<128xi32, #tpu.memory_space<vmem>>) semaphore(%dma_start3A_502 : memref<!tpu.dma_semaphore, #tpu.memory_space<semaphore_mem>>) {add = true}
      %dma_wait3A_503 = arith.constant 0 : i32
      %dma_wait3A_504 = arith.constant 0 : i32
      %dma_wait3A_505 = arith.constant 1 : i32
      %dma_wait3A_506 = arith.constant 0 : i32
      %dma_wait3A_507 = arith.constant 0 : i32
      %dma_wait3A_508 = arith.constant 0 : i32
      %dma_wait3A_509 = tpu.memref_slice %arg7[%dma_wait3A_503, %dma_wait3A_507, %dma_wait3A_508] : memref<4x128x64xf32, #tpu.memory_space<vmem>> -> memref<1x128x64xf32, #tpu.memory_space<vmem>>
      %dma_wait3A_510 = tpu.memref_squeeze %dma_wait3A_509 : memref<1x128x64xf32, #tpu.memory_space<vmem>> -> memref<128x64xf32, #tpu.memory_space<vmem>>
      %dma_wait3A_511 = arith.constant 0 : i32
      %dma_wait3A_512 = tpu.memref_slice %arg6[%dma_wait3A_504, %dma_wait3A_505, %dma_wait3A_511] : memref<4x2x128xi32, #tpu.memory_space<vmem>> -> memref<1x1x128xi32, #tpu.memory_space<vmem>>
      %dma_wait3A_513 = tpu.memref_squeeze %dma_wait3A_512 : memref<1x1x128xi32, #tpu.memory_space<vmem>> -> memref<128xi32, #tpu.memory_space<vmem>>
      %dma_wait3A_514 = arith.constant 0 : i32
      %dma_wait3A_515 = arith.constant 0 : i32
      %dma_wait3A_516 = tpu.memref_slice %arg5[%dma_wait3A_514, %dma_wait3A_515] : memref<10016x64xf32, #tpu.memory_space<vmem_shared>> -> memref<10016x64xf32, #tpu.memory_space<vmem_shared>>
      %dma_wait3A_517 = tpu.memref_slice %arg11[%dma_wait3A_506] : memref<4x!tpu.dma_semaphore, #tpu.memory_space<semaphore_mem>> -> memref<1x!tpu.dma_semaphore, #tpu.memory_space<semaphore_mem>>
      %dma_wait3A_518 = tpu.memref_squeeze %dma_wait3A_517 : memref<1x!tpu.dma_semaphore, #tpu.memory_space<semaphore_mem>> -> memref<!tpu.dma_semaphore, #tpu.memory_space<semaphore_mem>>
      tpu.wait_indirect_dma semaphore(%dma_wait3A_518 : memref<!tpu.dma_semaphore, #tpu.memory_space<semaphore_mem>>) src(%dma_wait3A_510 : memref<128x64xf32, #tpu.memory_space<vmem>>) dst(%dma_wait3A_516 : memref<10016x64xf32, #tpu.memory_space<vmem_shared>>)
      %lt3A = arith.constant 19 : i32
      %lt3A_519 = arith.cmpi slt, %scan3A_163, %lt3A : i32
      %convert_element_type3A = arith.extui %lt3A_519 : i1 to i32
      %cond3A = arith.constant 0 : i32
      %cond3A_520 = arith.cmpi ne, %convert_element_type3A, %cond3A : i32
      scf.if %cond3A_520 {
        %add3A_585 = arith.constant 4 : i32
        %add3A_586 = arith.addi %add3A_167, %add3A_585 : i32
        %add3A_587 = arith.constant 0 : i32
        %add3A_588 = arith.addi %add3A_586, %add3A_587 : i32
        %mul3A_589 = arith.constant 128 : i32
        %mul3A_590 = arith.muli %add3A_588, %mul3A_589 : i32
        %dma_start3A_591 = arith.constant 0 : i32
        %dma_start3A_592 = arith.constant 0 : i32
        %dma_start3A_593 = arith.constant 0 : i32
        %dma_start3A_594 = arith.constant 0 : i32
        %dma_start3A_595 = arith.constant 0 : i32
        %dma_start3A_596 = tpu.memref_slice %arg6[%dma_start3A_592, %dma_start3A_593, %dma_start3A_595] : memref<4x2x128xi32, #tpu.memory_space<vmem>> -> memref<1x1x128xi32, #tpu.memory_space<vmem>>
        %dma_start3A_597 = tpu.memref_squeeze %dma_start3A_596 : memref<1x1x128xi32, #tpu.memory_space<vmem>> -> memref<128xi32, #tpu.memory_space<vmem>>
        %dma_start3A_598 = tpu.memref_slice %arg3[%dma_start3A_591, %mul3A_590] : memref<2x327680xi32, #tpu.memory_space<hbm>> -> memref<1x128xi32, #tpu.memory_space<hbm>>
        %dma_start3A_599 = tpu.memref_squeeze %dma_start3A_598 : memref<1x128xi32, #tpu.memory_space<hbm>> -> memref<128xi32, #tpu.memory_space<hbm>>
        %dma_start3A_600 = tpu.memref_slice %arg9[%dma_start3A_594] : memref<4x!tpu.dma_semaphore, #tpu.memory_space<semaphore_mem>> -> memref<1x!tpu.dma_semaphore, #tpu.memory_space<semaphore_mem>>
        %dma_start3A_601 = tpu.memref_squeeze %dma_start3A_600 : memref<1x!tpu.dma_semaphore, #tpu.memory_space<semaphore_mem>> -> memref<!tpu.dma_semaphore, #tpu.memory_space<semaphore_mem>>
        %dma_start3A_602 = arith.constant 0 : i32
        %dma_start3A_603 = tpu.memref_slice %arg6[%dma_start3A_592, %dma_start3A_593, %dma_start3A_602] : memref<4x2x128xi32, #tpu.memory_space<vmem>> -> memref<1x1x128xi32, #tpu.memory_space<vmem>>
        %dma_start3A_604 = tpu.memref_squeeze %dma_start3A_603 : memref<1x1x128xi32, #tpu.memory_space<vmem>> -> memref<128xi32, #tpu.memory_space<vmem>>
        %dma_start3A_605 = tpu.memref_slice %arg3[%dma_start3A_591, %mul3A_590] : memref<2x327680xi32, #tpu.memory_space<hbm>> -> memref<1x128xi32, #tpu.memory_space<hbm>>
        %dma_start3A_606 = tpu.memref_squeeze %dma_start3A_605 : memref<1x128xi32, #tpu.memory_space<hbm>> -> memref<128xi32, #tpu.memory_space<hbm>>
        tpu.enqueue_dma source(%dma_start3A_606 : memref<128xi32, #tpu.memory_space<hbm>>) target(%dma_start3A_604 : memref<128xi32, #tpu.memory_space<vmem>>) target_semaphore(%dma_start3A_601 : memref<!tpu.dma_semaphore, #tpu.memory_space<semaphore_mem>>)
        %dma_start3A_607 = arith.constant 1 : i32
        %dma_start3A_608 = arith.constant 0 : i32
        %dma_start3A_609 = arith.constant 1 : i32
        %dma_start3A_610 = arith.constant 0 : i32
        %dma_start3A_611 = arith.constant 0 : i32
        %dma_start3A_612 = tpu.memref_slice %arg6[%dma_start3A_608, %dma_start3A_609, %dma_start3A_611] : memref<4x2x128xi32, #tpu.memory_space<vmem>> -> memref<1x1x128xi32, #tpu.memory_space<vmem>>
        %dma_start3A_613 = tpu.memref_squeeze %dma_start3A_612 : memref<1x1x128xi32, #tpu.memory_space<vmem>> -> memref<128xi32, #tpu.memory_space<vmem>>
        %dma_start3A_614 = tpu.memref_slice %arg3[%dma_start3A_607, %mul3A_590] : memref<2x327680xi32, #tpu.memory_space<hbm>> -> memref<1x128xi32, #tpu.memory_space<hbm>>
        %dma_start3A_615 = tpu.memref_squeeze %dma_start3A_614 : memref<1x128xi32, #tpu.memory_space<hbm>> -> memref<128xi32, #tpu.memory_space<hbm>>
        %dma_start3A_616 = tpu.memref_slice %arg9[%dma_start3A_610] : memref<4x!tpu.dma_semaphore, #tpu.memory_space<semaphore_mem>> -> memref<1x!tpu.dma_semaphore, #tpu.memory_space<semaphore_mem>>
        %dma_start3A_617 = tpu.memref_squeeze %dma_start3A_616 : memref<1x!tpu.dma_semaphore, #tpu.memory_space<semaphore_mem>> -> memref<!tpu.dma_semaphore, #tpu.memory_space<semaphore_mem>>
        %dma_start3A_618 = arith.constant 0 : i32
        %dma_start3A_619 = tpu.memref_slice %arg6[%dma_start3A_608, %dma_start3A_609, %dma_start3A_618] : memref<4x2x128xi32, #tpu.memory_space<vmem>> -> memref<1x1x128xi32, #tpu.memory_space<vmem>>
        %dma_start3A_620 = tpu.memref_squeeze %dma_start3A_619 : memref<1x1x128xi32, #tpu.memory_space<vmem>> -> memref<128xi32, #tpu.memory_space<vmem>>
        %dma_start3A_621 = tpu.memref_slice %arg3[%dma_start3A_607, %mul3A_590] : memref<2x327680xi32, #tpu.memory_space<hbm>> -> memref<1x128xi32, #tpu.memory_space<hbm>>
        %dma_start3A_622 = tpu.memref_squeeze %dma_start3A_621 : memref<1x128xi32, #tpu.memory_space<hbm>> -> memref<128xi32, #tpu.memory_space<hbm>>
        tpu.enqueue_dma source(%dma_start3A_622 : memref<128xi32, #tpu.memory_space<hbm>>) target(%dma_start3A_620 : memref<128xi32, #tpu.memory_space<vmem>>) target_semaphore(%dma_start3A_617 : memref<!tpu.dma_semaphore, #tpu.memory_space<semaphore_mem>>)
      } else {
      }
      %dma_wait3A_521 = arith.constant 1 : i32
      %dma_wait3A_522 = arith.constant 1 : i32
      %dma_wait3A_523 = arith.constant 1 : i32
      %dma_wait3A_524 = arith.constant 1 : i32
      %dma_wait3A_525 = arith.constant 0 : i32
      %dma_wait3A_526 = arith.constant 0 : i32
      %dma_wait3A_527 = tpu.memref_slice %arg7[%dma_wait3A_521, %dma_wait3A_525, %dma_wait3A_526] : memref<4x128x64xf32, #tpu.memory_space<vmem>> -> memref<1x128x64xf32, #tpu.memory_space<vmem>>
      %dma_wait3A_528 = tpu.memref_squeeze %dma_wait3A_527 : memref<1x128x64xf32, #tpu.memory_space<vmem>> -> memref<128x64xf32, #tpu.memory_space<vmem>>
      %dma_wait3A_529 = arith.constant 0 : i32
      %dma_wait3A_530 = tpu.memref_slice %arg6[%dma_wait3A_522, %dma_wait3A_523, %dma_wait3A_529] : memref<4x2x128xi32, #tpu.memory_space<vmem>> -> memref<1x1x128xi32, #tpu.memory_space<vmem>>
      %dma_wait3A_531 = tpu.memref_squeeze %dma_wait3A_530 : memref<1x1x128xi32, #tpu.memory_space<vmem>> -> memref<128xi32, #tpu.memory_space<vmem>>
      %dma_wait3A_532 = arith.constant 0 : i32
      %dma_wait3A_533 = arith.constant 0 : i32
      %dma_wait3A_534 = tpu.memref_slice %arg5[%dma_wait3A_532, %dma_wait3A_533] : memref<10016x64xf32, #tpu.memory_space<vmem_shared>> -> memref<10016x64xf32, #tpu.memory_space<vmem_shared>>
      %dma_wait3A_535 = tpu.memref_slice %arg11[%dma_wait3A_524] : memref<4x!tpu.dma_semaphore, #tpu.memory_space<semaphore_mem>> -> memref<1x!tpu.dma_semaphore, #tpu.memory_space<semaphore_mem>>
      %dma_wait3A_536 = tpu.memref_squeeze %dma_wait3A_535 : memref<1x!tpu.dma_semaphore, #tpu.memory_space<semaphore_mem>> -> memref<!tpu.dma_semaphore, #tpu.memory_space<semaphore_mem>>
      tpu.wait_indirect_dma semaphore(%dma_wait3A_536 : memref<!tpu.dma_semaphore, #tpu.memory_space<semaphore_mem>>) src(%dma_wait3A_528 : memref<128x64xf32, #tpu.memory_space<vmem>>) dst(%dma_wait3A_534 : memref<10016x64xf32, #tpu.memory_space<vmem_shared>>)
      %lt3A_537 = arith.constant 19 : i32
      %lt3A_538 = arith.cmpi slt, %scan3A_163, %lt3A_537 : i32
      %convert_element_type3A_539 = arith.extui %lt3A_538 : i1 to i32
      %cond3A_540 = arith.constant 0 : i32
      %cond3A_541 = arith.cmpi ne, %convert_element_type3A_539, %cond3A_540 : i32
      scf.if %cond3A_541 {
        %add3A_585 = arith.constant 4 : i32
        %add3A_586 = arith.addi %add3A_167, %add3A_585 : i32
        %add3A_587 = arith.constant 1 : i32
        %add3A_588 = arith.addi %add3A_586, %add3A_587 : i32
        %mul3A_589 = arith.constant 128 : i32
        %mul3A_590 = arith.muli %add3A_588, %mul3A_589 : i32
        %dma_start3A_591 = arith.constant 0 : i32
        %dma_start3A_592 = arith.constant 1 : i32
        %dma_start3A_593 = arith.constant 0 : i32
        %dma_start3A_594 = arith.constant 1 : i32
        %dma_start3A_595 = arith.constant 0 : i32
        %dma_start3A_596 = tpu.memref_slice %arg6[%dma_start3A_592, %dma_start3A_593, %dma_start3A_595] : memref<4x2x128xi32, #tpu.memory_space<vmem>> -> memref<1x1x128xi32, #tpu.memory_space<vmem>>
        %dma_start3A_597 = tpu.memref_squeeze %dma_start3A_596 : memref<1x1x128xi32, #tpu.memory_space<vmem>> -> memref<128xi32, #tpu.memory_space<vmem>>
        %dma_start3A_598 = tpu.memref_slice %arg3[%dma_start3A_591, %mul3A_590] : memref<2x327680xi32, #tpu.memory_space<hbm>> -> memref<1x128xi32, #tpu.memory_space<hbm>>
        %dma_start3A_599 = tpu.memref_squeeze %dma_start3A_598 : memref<1x128xi32, #tpu.memory_space<hbm>> -> memref<128xi32, #tpu.memory_space<hbm>>
        %dma_start3A_600 = tpu.memref_slice %arg9[%dma_start3A_594] : memref<4x!tpu.dma_semaphore, #tpu.memory_space<semaphore_mem>> -> memref<1x!tpu.dma_semaphore, #tpu.memory_space<semaphore_mem>>
        %dma_start3A_601 = tpu.memref_squeeze %dma_start3A_600 : memref<1x!tpu.dma_semaphore, #tpu.memory_space<semaphore_mem>> -> memref<!tpu.dma_semaphore, #tpu.memory_space<semaphore_mem>>
        %dma_start3A_602 = arith.constant 0 : i32
        %dma_start3A_603 = tpu.memref_slice %arg6[%dma_start3A_592, %dma_start3A_593, %dma_start3A_602] : memref<4x2x128xi32, #tpu.memory_space<vmem>> -> memref<1x1x128xi32, #tpu.memory_space<vmem>>
        %dma_start3A_604 = tpu.memref_squeeze %dma_start3A_603 : memref<1x1x128xi32, #tpu.memory_space<vmem>> -> memref<128xi32, #tpu.memory_space<vmem>>
        %dma_start3A_605 = tpu.memref_slice %arg3[%dma_start3A_591, %mul3A_590] : memref<2x327680xi32, #tpu.memory_space<hbm>> -> memref<1x128xi32, #tpu.memory_space<hbm>>
        %dma_start3A_606 = tpu.memref_squeeze %dma_start3A_605 : memref<1x128xi32, #tpu.memory_space<hbm>> -> memref<128xi32, #tpu.memory_space<hbm>>
        tpu.enqueue_dma source(%dma_start3A_606 : memref<128xi32, #tpu.memory_space<hbm>>) target(%dma_start3A_604 : memref<128xi32, #tpu.memory_space<vmem>>) target_semaphore(%dma_start3A_601 : memref<!tpu.dma_semaphore, #tpu.memory_space<semaphore_mem>>)
        %dma_start3A_607 = arith.constant 1 : i32
        %dma_start3A_608 = arith.constant 1 : i32
        %dma_start3A_609 = arith.constant 1 : i32
        %dma_start3A_610 = arith.constant 1 : i32
        %dma_start3A_611 = arith.constant 0 : i32
        %dma_start3A_612 = tpu.memref_slice %arg6[%dma_start3A_608, %dma_start3A_609, %dma_start3A_611] : memref<4x2x128xi32, #tpu.memory_space<vmem>> -> memref<1x1x128xi32, #tpu.memory_space<vmem>>
        %dma_start3A_613 = tpu.memref_squeeze %dma_start3A_612 : memref<1x1x128xi32, #tpu.memory_space<vmem>> -> memref<128xi32, #tpu.memory_space<vmem>>
        %dma_start3A_614 = tpu.memref_slice %arg3[%dma_start3A_607, %mul3A_590] : memref<2x327680xi32, #tpu.memory_space<hbm>> -> memref<1x128xi32, #tpu.memory_space<hbm>>
        %dma_start3A_615 = tpu.memref_squeeze %dma_start3A_614 : memref<1x128xi32, #tpu.memory_space<hbm>> -> memref<128xi32, #tpu.memory_space<hbm>>
        %dma_start3A_616 = tpu.memref_slice %arg9[%dma_start3A_610] : memref<4x!tpu.dma_semaphore, #tpu.memory_space<semaphore_mem>> -> memref<1x!tpu.dma_semaphore, #tpu.memory_space<semaphore_mem>>
        %dma_start3A_617 = tpu.memref_squeeze %dma_start3A_616 : memref<1x!tpu.dma_semaphore, #tpu.memory_space<semaphore_mem>> -> memref<!tpu.dma_semaphore, #tpu.memory_space<semaphore_mem>>
        %dma_start3A_618 = arith.constant 0 : i32
        %dma_start3A_619 = tpu.memref_slice %arg6[%dma_start3A_608, %dma_start3A_609, %dma_start3A_618] : memref<4x2x128xi32, #tpu.memory_space<vmem>> -> memref<1x1x128xi32, #tpu.memory_space<vmem>>
        %dma_start3A_620 = tpu.memref_squeeze %dma_start3A_619 : memref<1x1x128xi32, #tpu.memory_space<vmem>> -> memref<128xi32, #tpu.memory_space<vmem>>
        %dma_start3A_621 = tpu.memref_slice %arg3[%dma_start3A_607, %mul3A_590] : memref<2x327680xi32, #tpu.memory_space<hbm>> -> memref<1x128xi32, #tpu.memory_space<hbm>>
        %dma_start3A_622 = tpu.memref_squeeze %dma_start3A_621 : memref<1x128xi32, #tpu.memory_space<hbm>> -> memref<128xi32, #tpu.memory_space<hbm>>
        tpu.enqueue_dma source(%dma_start3A_622 : memref<128xi32, #tpu.memory_space<hbm>>) target(%dma_start3A_620 : memref<128xi32, #tpu.memory_space<vmem>>) target_semaphore(%dma_start3A_617 : memref<!tpu.dma_semaphore, #tpu.memory_space<semaphore_mem>>)
      } else {
      }
      %dma_wait3A_542 = arith.constant 2 : i32
      %dma_wait3A_543 = arith.constant 2 : i32
      %dma_wait3A_544 = arith.constant 1 : i32
      %dma_wait3A_545 = arith.constant 2 : i32
      %dma_wait3A_546 = arith.constant 0 : i32
      %dma_wait3A_547 = arith.constant 0 : i32
      %dma_wait3A_548 = tpu.memref_slice %arg7[%dma_wait3A_542, %dma_wait3A_546, %dma_wait3A_547] : memref<4x128x64xf32, #tpu.memory_space<vmem>> -> memref<1x128x64xf32, #tpu.memory_space<vmem>>
      %dma_wait3A_549 = tpu.memref_squeeze %dma_wait3A_548 : memref<1x128x64xf32, #tpu.memory_space<vmem>> -> memref<128x64xf32, #tpu.memory_space<vmem>>
      %dma_wait3A_550 = arith.constant 0 : i32
      %dma_wait3A_551 = tpu.memref_slice %arg6[%dma_wait3A_543, %dma_wait3A_544, %dma_wait3A_550] : memref<4x2x128xi32, #tpu.memory_space<vmem>> -> memref<1x1x128xi32, #tpu.memory_space<vmem>>
      %dma_wait3A_552 = tpu.memref_squeeze %dma_wait3A_551 : memref<1x1x128xi32, #tpu.memory_space<vmem>> -> memref<128xi32, #tpu.memory_space<vmem>>
      %dma_wait3A_553 = arith.constant 0 : i32
      %dma_wait3A_554 = arith.constant 0 : i32
      %dma_wait3A_555 = tpu.memref_slice %arg5[%dma_wait3A_553, %dma_wait3A_554] : memref<10016x64xf32, #tpu.memory_space<vmem_shared>> -> memref<10016x64xf32, #tpu.memory_space<vmem_shared>>
      %dma_wait3A_556 = tpu.memref_slice %arg11[%dma_wait3A_545] : memref<4x!tpu.dma_semaphore, #tpu.memory_space<semaphore_mem>> -> memref<1x!tpu.dma_semaphore, #tpu.memory_space<semaphore_mem>>
      %dma_wait3A_557 = tpu.memref_squeeze %dma_wait3A_556 : memref<1x!tpu.dma_semaphore, #tpu.memory_space<semaphore_mem>> -> memref<!tpu.dma_semaphore, #tpu.memory_space<semaphore_mem>>
      tpu.wait_indirect_dma semaphore(%dma_wait3A_557 : memref<!tpu.dma_semaphore, #tpu.memory_space<semaphore_mem>>) src(%dma_wait3A_549 : memref<128x64xf32, #tpu.memory_space<vmem>>) dst(%dma_wait3A_555 : memref<10016x64xf32, #tpu.memory_space<vmem_shared>>)
      %lt3A_558 = arith.constant 19 : i32
      %lt3A_559 = arith.cmpi slt, %scan3A_163, %lt3A_558 : i32
      %convert_element_type3A_560 = arith.extui %lt3A_559 : i1 to i32
      %cond3A_561 = arith.constant 0 : i32
      %cond3A_562 = arith.cmpi ne, %convert_element_type3A_560, %cond3A_561 : i32
      scf.if %cond3A_562 {
        %add3A_585 = arith.constant 4 : i32
        %add3A_586 = arith.addi %add3A_167, %add3A_585 : i32
        %add3A_587 = arith.constant 2 : i32
        %add3A_588 = arith.addi %add3A_586, %add3A_587 : i32
        %mul3A_589 = arith.constant 128 : i32
        %mul3A_590 = arith.muli %add3A_588, %mul3A_589 : i32
        %dma_start3A_591 = arith.constant 0 : i32
        %dma_start3A_592 = arith.constant 2 : i32
        %dma_start3A_593 = arith.constant 0 : i32
        %dma_start3A_594 = arith.constant 2 : i32
        %dma_start3A_595 = arith.constant 0 : i32
        %dma_start3A_596 = tpu.memref_slice %arg6[%dma_start3A_592, %dma_start3A_593, %dma_start3A_595] : memref<4x2x128xi32, #tpu.memory_space<vmem>> -> memref<1x1x128xi32, #tpu.memory_space<vmem>>
        %dma_start3A_597 = tpu.memref_squeeze %dma_start3A_596 : memref<1x1x128xi32, #tpu.memory_space<vmem>> -> memref<128xi32, #tpu.memory_space<vmem>>
        %dma_start3A_598 = tpu.memref_slice %arg3[%dma_start3A_591, %mul3A_590] : memref<2x327680xi32, #tpu.memory_space<hbm>> -> memref<1x128xi32, #tpu.memory_space<hbm>>
        %dma_start3A_599 = tpu.memref_squeeze %dma_start3A_598 : memref<1x128xi32, #tpu.memory_space<hbm>> -> memref<128xi32, #tpu.memory_space<hbm>>
        %dma_start3A_600 = tpu.memref_slice %arg9[%dma_start3A_594] : memref<4x!tpu.dma_semaphore, #tpu.memory_space<semaphore_mem>> -> memref<1x!tpu.dma_semaphore, #tpu.memory_space<semaphore_mem>>
        %dma_start3A_601 = tpu.memref_squeeze %dma_start3A_600 : memref<1x!tpu.dma_semaphore, #tpu.memory_space<semaphore_mem>> -> memref<!tpu.dma_semaphore, #tpu.memory_space<semaphore_mem>>
        %dma_start3A_602 = arith.constant 0 : i32
        %dma_start3A_603 = tpu.memref_slice %arg6[%dma_start3A_592, %dma_start3A_593, %dma_start3A_602] : memref<4x2x128xi32, #tpu.memory_space<vmem>> -> memref<1x1x128xi32, #tpu.memory_space<vmem>>
        %dma_start3A_604 = tpu.memref_squeeze %dma_start3A_603 : memref<1x1x128xi32, #tpu.memory_space<vmem>> -> memref<128xi32, #tpu.memory_space<vmem>>
        %dma_start3A_605 = tpu.memref_slice %arg3[%dma_start3A_591, %mul3A_590] : memref<2x327680xi32, #tpu.memory_space<hbm>> -> memref<1x128xi32, #tpu.memory_space<hbm>>
        %dma_start3A_606 = tpu.memref_squeeze %dma_start3A_605 : memref<1x128xi32, #tpu.memory_space<hbm>> -> memref<128xi32, #tpu.memory_space<hbm>>
        tpu.enqueue_dma source(%dma_start3A_606 : memref<128xi32, #tpu.memory_space<hbm>>) target(%dma_start3A_604 : memref<128xi32, #tpu.memory_space<vmem>>) target_semaphore(%dma_start3A_601 : memref<!tpu.dma_semaphore, #tpu.memory_space<semaphore_mem>>)
        %dma_start3A_607 = arith.constant 1 : i32
        %dma_start3A_608 = arith.constant 2 : i32
        %dma_start3A_609 = arith.constant 1 : i32
        %dma_start3A_610 = arith.constant 2 : i32
        %dma_start3A_611 = arith.constant 0 : i32
        %dma_start3A_612 = tpu.memref_slice %arg6[%dma_start3A_608, %dma_start3A_609, %dma_start3A_611] : memref<4x2x128xi32, #tpu.memory_space<vmem>> -> memref<1x1x128xi32, #tpu.memory_space<vmem>>
        %dma_start3A_613 = tpu.memref_squeeze %dma_start3A_612 : memref<1x1x128xi32, #tpu.memory_space<vmem>> -> memref<128xi32, #tpu.memory_space<vmem>>
        %dma_start3A_614 = tpu.memref_slice %arg3[%dma_start3A_607, %mul3A_590] : memref<2x327680xi32, #tpu.memory_space<hbm>> -> memref<1x128xi32, #tpu.memory_space<hbm>>
        %dma_start3A_615 = tpu.memref_squeeze %dma_start3A_614 : memref<1x128xi32, #tpu.memory_space<hbm>> -> memref<128xi32, #tpu.memory_space<hbm>>
        %dma_start3A_616 = tpu.memref_slice %arg9[%dma_start3A_610] : memref<4x!tpu.dma_semaphore, #tpu.memory_space<semaphore_mem>> -> memref<1x!tpu.dma_semaphore, #tpu.memory_space<semaphore_mem>>
        %dma_start3A_617 = tpu.memref_squeeze %dma_start3A_616 : memref<1x!tpu.dma_semaphore, #tpu.memory_space<semaphore_mem>> -> memref<!tpu.dma_semaphore, #tpu.memory_space<semaphore_mem>>
        %dma_start3A_618 = arith.constant 0 : i32
        %dma_start3A_619 = tpu.memref_slice %arg6[%dma_start3A_608, %dma_start3A_609, %dma_start3A_618] : memref<4x2x128xi32, #tpu.memory_space<vmem>> -> memref<1x1x128xi32, #tpu.memory_space<vmem>>
        %dma_start3A_620 = tpu.memref_squeeze %dma_start3A_619 : memref<1x1x128xi32, #tpu.memory_space<vmem>> -> memref<128xi32, #tpu.memory_space<vmem>>
        %dma_start3A_621 = tpu.memref_slice %arg3[%dma_start3A_607, %mul3A_590] : memref<2x327680xi32, #tpu.memory_space<hbm>> -> memref<1x128xi32, #tpu.memory_space<hbm>>
        %dma_start3A_622 = tpu.memref_squeeze %dma_start3A_621 : memref<1x128xi32, #tpu.memory_space<hbm>> -> memref<128xi32, #tpu.memory_space<hbm>>
        tpu.enqueue_dma source(%dma_start3A_622 : memref<128xi32, #tpu.memory_space<hbm>>) target(%dma_start3A_620 : memref<128xi32, #tpu.memory_space<vmem>>) target_semaphore(%dma_start3A_617 : memref<!tpu.dma_semaphore, #tpu.memory_space<semaphore_mem>>)
      } else {
      }
      %dma_wait3A_563 = arith.constant 3 : i32
      %dma_wait3A_564 = arith.constant 3 : i32
      %dma_wait3A_565 = arith.constant 1 : i32
      %dma_wait3A_566 = arith.constant 3 : i32
      %dma_wait3A_567 = arith.constant 0 : i32
      %dma_wait3A_568 = arith.constant 0 : i32
      %dma_wait3A_569 = tpu.memref_slice %arg7[%dma_wait3A_563, %dma_wait3A_567, %dma_wait3A_568] : memref<4x128x64xf32, #tpu.memory_space<vmem>> -> memref<1x128x64xf32, #tpu.memory_space<vmem>>
      %dma_wait3A_570 = tpu.memref_squeeze %dma_wait3A_569 : memref<1x128x64xf32, #tpu.memory_space<vmem>> -> memref<128x64xf32, #tpu.memory_space<vmem>>
      %dma_wait3A_571 = arith.constant 0 : i32
      %dma_wait3A_572 = tpu.memref_slice %arg6[%dma_wait3A_564, %dma_wait3A_565, %dma_wait3A_571] : memref<4x2x128xi32, #tpu.memory_space<vmem>> -> memref<1x1x128xi32, #tpu.memory_space<vmem>>
      %dma_wait3A_573 = tpu.memref_squeeze %dma_wait3A_572 : memref<1x1x128xi32, #tpu.memory_space<vmem>> -> memref<128xi32, #tpu.memory_space<vmem>>
      %dma_wait3A_574 = arith.constant 0 : i32
      %dma_wait3A_575 = arith.constant 0 : i32
      %dma_wait3A_576 = tpu.memref_slice %arg5[%dma_wait3A_574, %dma_wait3A_575] : memref<10016x64xf32, #tpu.memory_space<vmem_shared>> -> memref<10016x64xf32, #tpu.memory_space<vmem_shared>>
      %dma_wait3A_577 = tpu.memref_slice %arg11[%dma_wait3A_566] : memref<4x!tpu.dma_semaphore, #tpu.memory_space<semaphore_mem>> -> memref<1x!tpu.dma_semaphore, #tpu.memory_space<semaphore_mem>>
      %dma_wait3A_578 = tpu.memref_squeeze %dma_wait3A_577 : memref<1x!tpu.dma_semaphore, #tpu.memory_space<semaphore_mem>> -> memref<!tpu.dma_semaphore, #tpu.memory_space<semaphore_mem>>
      tpu.wait_indirect_dma semaphore(%dma_wait3A_578 : memref<!tpu.dma_semaphore, #tpu.memory_space<semaphore_mem>>) src(%dma_wait3A_570 : memref<128x64xf32, #tpu.memory_space<vmem>>) dst(%dma_wait3A_576 : memref<10016x64xf32, #tpu.memory_space<vmem_shared>>)
      %lt3A_579 = arith.constant 19 : i32
      %lt3A_580 = arith.cmpi slt, %scan3A_163, %lt3A_579 : i32
      %convert_element_type3A_581 = arith.extui %lt3A_580 : i1 to i32
      %cond3A_582 = arith.constant 0 : i32
      %cond3A_583 = arith.cmpi ne, %convert_element_type3A_581, %cond3A_582 : i32
      scf.if %cond3A_583 {
        %add3A_585 = arith.constant 4 : i32
        %add3A_586 = arith.addi %add3A_167, %add3A_585 : i32
        %add3A_587 = arith.constant 3 : i32
        %add3A_588 = arith.addi %add3A_586, %add3A_587 : i32
        %mul3A_589 = arith.constant 128 : i32
        %mul3A_590 = arith.muli %add3A_588, %mul3A_589 : i32
        %dma_start3A_591 = arith.constant 0 : i32
        %dma_start3A_592 = arith.constant 3 : i32
        %dma_start3A_593 = arith.constant 0 : i32
        %dma_start3A_594 = arith.constant 3 : i32
        %dma_start3A_595 = arith.constant 0 : i32
        %dma_start3A_596 = tpu.memref_slice %arg6[%dma_start3A_592, %dma_start3A_593, %dma_start3A_595] : memref<4x2x128xi32, #tpu.memory_space<vmem>> -> memref<1x1x128xi32, #tpu.memory_space<vmem>>
        %dma_start3A_597 = tpu.memref_squeeze %dma_start3A_596 : memref<1x1x128xi32, #tpu.memory_space<vmem>> -> memref<128xi32, #tpu.memory_space<vmem>>
        %dma_start3A_598 = tpu.memref_slice %arg3[%dma_start3A_591, %mul3A_590] : memref<2x327680xi32, #tpu.memory_space<hbm>> -> memref<1x128xi32, #tpu.memory_space<hbm>>
        %dma_start3A_599 = tpu.memref_squeeze %dma_start3A_598 : memref<1x128xi32, #tpu.memory_space<hbm>> -> memref<128xi32, #tpu.memory_space<hbm>>
        %dma_start3A_600 = tpu.memref_slice %arg9[%dma_start3A_594] : memref<4x!tpu.dma_semaphore, #tpu.memory_space<semaphore_mem>> -> memref<1x!tpu.dma_semaphore, #tpu.memory_space<semaphore_mem>>
        %dma_start3A_601 = tpu.memref_squeeze %dma_start3A_600 : memref<1x!tpu.dma_semaphore, #tpu.memory_space<semaphore_mem>> -> memref<!tpu.dma_semaphore, #tpu.memory_space<semaphore_mem>>
        %dma_start3A_602 = arith.constant 0 : i32
        %dma_start3A_603 = tpu.memref_slice %arg6[%dma_start3A_592, %dma_start3A_593, %dma_start3A_602] : memref<4x2x128xi32, #tpu.memory_space<vmem>> -> memref<1x1x128xi32, #tpu.memory_space<vmem>>
        %dma_start3A_604 = tpu.memref_squeeze %dma_start3A_603 : memref<1x1x128xi32, #tpu.memory_space<vmem>> -> memref<128xi32, #tpu.memory_space<vmem>>
        %dma_start3A_605 = tpu.memref_slice %arg3[%dma_start3A_591, %mul3A_590] : memref<2x327680xi32, #tpu.memory_space<hbm>> -> memref<1x128xi32, #tpu.memory_space<hbm>>
        %dma_start3A_606 = tpu.memref_squeeze %dma_start3A_605 : memref<1x128xi32, #tpu.memory_space<hbm>> -> memref<128xi32, #tpu.memory_space<hbm>>
        tpu.enqueue_dma source(%dma_start3A_606 : memref<128xi32, #tpu.memory_space<hbm>>) target(%dma_start3A_604 : memref<128xi32, #tpu.memory_space<vmem>>) target_semaphore(%dma_start3A_601 : memref<!tpu.dma_semaphore, #tpu.memory_space<semaphore_mem>>)
        %dma_start3A_607 = arith.constant 1 : i32
        %dma_start3A_608 = arith.constant 3 : i32
        %dma_start3A_609 = arith.constant 1 : i32
        %dma_start3A_610 = arith.constant 3 : i32
        %dma_start3A_611 = arith.constant 0 : i32
        %dma_start3A_612 = tpu.memref_slice %arg6[%dma_start3A_608, %dma_start3A_609, %dma_start3A_611] : memref<4x2x128xi32, #tpu.memory_space<vmem>> -> memref<1x1x128xi32, #tpu.memory_space<vmem>>
        %dma_start3A_613 = tpu.memref_squeeze %dma_start3A_612 : memref<1x1x128xi32, #tpu.memory_space<vmem>> -> memref<128xi32, #tpu.memory_space<vmem>>
        %dma_start3A_614 = tpu.memref_slice %arg3[%dma_start3A_607, %mul3A_590] : memref<2x327680xi32, #tpu.memory_space<hbm>> -> memref<1x128xi32, #tpu.memory_space<hbm>>
        %dma_start3A_615 = tpu.memref_squeeze %dma_start3A_614 : memref<1x128xi32, #tpu.memory_space<hbm>> -> memref<128xi32, #tpu.memory_space<hbm>>
        %dma_start3A_616 = tpu.memref_slice %arg9[%dma_start3A_610] : memref<4x!tpu.dma_semaphore, #tpu.memory_space<semaphore_mem>> -> memref<1x!tpu.dma_semaphore, #tpu.memory_space<semaphore_mem>>
        %dma_start3A_617 = tpu.memref_squeeze %dma_start3A_616 : memref<1x!tpu.dma_semaphore, #tpu.memory_space<semaphore_mem>> -> memref<!tpu.dma_semaphore, #tpu.memory_space<semaphore_mem>>
        %dma_start3A_618 = arith.constant 0 : i32
        %dma_start3A_619 = tpu.memref_slice %arg6[%dma_start3A_608, %dma_start3A_609, %dma_start3A_618] : memref<4x2x128xi32, #tpu.memory_space<vmem>> -> memref<1x1x128xi32, #tpu.memory_space<vmem>>
        %dma_start3A_620 = tpu.memref_squeeze %dma_start3A_619 : memref<1x1x128xi32, #tpu.memory_space<vmem>> -> memref<128xi32, #tpu.memory_space<vmem>>
        %dma_start3A_621 = tpu.memref_slice %arg3[%dma_start3A_607, %mul3A_590] : memref<2x327680xi32, #tpu.memory_space<hbm>> -> memref<1x128xi32, #tpu.memory_space<hbm>>
        %dma_start3A_622 = tpu.memref_squeeze %dma_start3A_621 : memref<1x128xi32, #tpu.memory_space<hbm>> -> memref<128xi32, #tpu.memory_space<hbm>>
        tpu.enqueue_dma source(%dma_start3A_622 : memref<128xi32, #tpu.memory_space<hbm>>) target(%dma_start3A_620 : memref<128xi32, #tpu.memory_space<vmem>>) target_semaphore(%dma_start3A_617 : memref<!tpu.dma_semaphore, #tpu.memory_space<semaphore_mem>>)
      } else {
      }
      %scan3A_584 = arith.constant 0 : i32
      scf.yield %scan3A_584 : i32
    }
    %scan3A_161 = arith.constant 20 : i32
    %barrier3A_162 = arith.constant 0 : index
    tpu.barrier barrier_id(%barrier3A_162)
    "tpu.region"() ({
      %run_scoped3A = tpu.sem_alloc : memref<!tpu.dma_semaphore, #tpu.memory_space<semaphore_mem>>
      %dma_start3A_163 = arith.constant 0 : i32
      %dma_start3A_164 = tpu.memref_slice %arg5[%mul3A_154, %dma_start3A_163] : memref<10016x64xf32, #tpu.memory_space<vmem_shared>> -> memref<626x64xf32, #tpu.memory_space<vmem_shared>>
      %dma_start3A_165 = arith.constant 0 : i32
      %dma_start3A_166 = tpu.memref_slice %arg5[%mul3A_154, %dma_start3A_165] : memref<10016x64xf32, #tpu.memory_space<vmem_shared>> -> memref<626x64xf32, #tpu.memory_space<vmem_shared>>
      tpu.enqueue_dma source(%dma_start3A_166 : memref<626x64xf32, #tpu.memory_space<vmem_shared>>) target(%arg8 : memref<626x64xf32, #tpu.memory_space<vmem>>) target_semaphore(%run_scoped3A : memref<!tpu.dma_semaphore, #tpu.memory_space<semaphore_mem>>)
      %dma_wait3A = arith.constant 0 : i32
      %dma_wait3A_167 = tpu.memref_slice %arg5[%mul3A_154, %dma_wait3A] : memref<10016x64xf32, #tpu.memory_space<vmem_shared>> -> memref<626x64xf32, #tpu.memory_space<vmem_shared>>
      %dma_wait3A_168 = arith.constant 0 : i32
      %dma_wait3A_169 = tpu.memref_slice %arg5[%mul3A_154, %dma_wait3A_168] : memref<10016x64xf32, #tpu.memory_space<vmem_shared>> -> memref<626x64xf32, #tpu.memory_space<vmem_shared>>
      tpu.wait_dma2 semaphore(%run_scoped3A : memref<!tpu.dma_semaphore, #tpu.memory_space<semaphore_mem>>) src(%dma_wait3A_169 : memref<626x64xf32, #tpu.memory_space<vmem_shared>>) dst(%arg8 : memref<626x64xf32, #tpu.memory_space<vmem>>)
      tpu.yield
    }) : () -> ()
    "tpu.region"() ({
      %run_scoped3A = tpu.sem_alloc : memref<!tpu.dma_semaphore, #tpu.memory_space<semaphore_mem>>
      %dma_start3A_163 = arith.constant 0 : i32
      %dma_start3A_164 = tpu.memref_slice %arg4[%arg0, %mul3A_154, %dma_start3A_163] : memref<2x10016x64xf32, #tpu.memory_space<hbm>> -> memref<1x626x64xf32, #tpu.memory_space<hbm>>
      %dma_start3A_165 = tpu.memref_squeeze %dma_start3A_164 : memref<1x626x64xf32, #tpu.memory_space<hbm>> -> memref<626x64xf32, #tpu.memory_space<hbm>>
      %dma_start3A_166 = arith.constant 0 : i32
      %dma_start3A_167 = tpu.memref_slice %arg4[%arg0, %mul3A_154, %dma_start3A_166] : memref<2x10016x64xf32, #tpu.memory_space<hbm>> -> memref<1x626x64xf32, #tpu.memory_space<hbm>>
      %dma_start3A_168 = tpu.memref_squeeze %dma_start3A_167 : memref<1x626x64xf32, #tpu.memory_space<hbm>> -> memref<626x64xf32, #tpu.memory_space<hbm>>
      tpu.enqueue_dma source(%arg8 : memref<626x64xf32, #tpu.memory_space<vmem>>) target(%dma_start3A_168 : memref<626x64xf32, #tpu.memory_space<hbm>>) target_semaphore(%run_scoped3A : memref<!tpu.dma_semaphore, #tpu.memory_space<semaphore_mem>>)
      %dma_wait3A = arith.constant 0 : i32
      %dma_wait3A_169 = tpu.memref_slice %arg4[%arg0, %mul3A_154, %dma_wait3A] : memref<2x10016x64xf32, #tpu.memory_space<hbm>> -> memref<1x626x64xf32, #tpu.memory_space<hbm>>
      %dma_wait3A_170 = tpu.memref_squeeze %dma_wait3A_169 : memref<1x626x64xf32, #tpu.memory_space<hbm>> -> memref<626x64xf32, #tpu.memory_space<hbm>>
      %dma_wait3A_171 = arith.constant 0 : i32
      %dma_wait3A_172 = tpu.memref_slice %arg4[%arg0, %mul3A_154, %dma_wait3A_171] : memref<2x10016x64xf32, #tpu.memory_space<hbm>> -> memref<1x626x64xf32, #tpu.memory_space<hbm>>
      %dma_wait3A_173 = tpu.memref_squeeze %dma_wait3A_172 : memref<1x626x64xf32, #tpu.memory_space<hbm>> -> memref<626x64xf32, #tpu.memory_space<hbm>>
      tpu.wait_dma2 semaphore(%run_scoped3A : memref<!tpu.dma_semaphore, #tpu.memory_space<semaphore_mem>>) src(%arg8 : memref<626x64xf32, #tpu.memory_space<vmem>>) dst(%dma_wait3A_173 : memref<626x64xf32, #tpu.memory_space<hbm>>)
      tpu.yield
    }) : () -> ()
    return
  }
}

#map = affine_map<(d0, d1) -> (0, 0)>
#map1 = affine_map<(d0, d1) -> (0, 0, 0)>
module attributes {stable_mosaic.version = 14 : i64} {
  func.func @body(%arg0: i32, %arg1: i32, %arg2: memref<10000x64xf32, #tpu.memory_space<hbm>>, %arg3: memref<2x327680xi32, #tpu.memory_space<hbm>>, %arg4: memref<2x10016x64xf32, #tpu.memory_space<hbm>>, %arg5: memref<10016x64xf32, #tpu.memory_space<vmem_shared>>, %arg6: memref<4x2x128xi32, #tpu.memory_space<vmem>>, %arg7: memref<4x128x64xf32, #tpu.memory_space<vmem>>, %arg8: memref<626x64xf32, #tpu.memory_space<vmem>>, %arg9: memref<4x!tpu.dma_semaphore, #tpu.memory_space<semaphore_mem>>, %arg10: memref<4x!tpu.dma_semaphore, #tpu.memory_space<semaphore_mem>>, %arg11: memref<4x!tpu.dma_semaphore, #tpu.memory_space<semaphore_mem>>) attributes {dimension_semantics = [#tpu.dimension_semantics<core_parallel>, #tpu.dimension_semantics<subcore_parallel>], iteration_bounds = array<i64: 2, 16>, scalar_prefetch = 0 : i64, scratch_operands = 7 : i64, tpu.core_type = #tpu.core_type<sc_vector_subcore>, window_params = [{transform_indices = #map}, {transform_indices = #map}, {transform_indices = #map1}]} {
    %mul3A = arith.constant 2 : i32
    %mul3A_0 = arith.muli %arg1, %mul3A : i32
    %add3A = arith.addi %mul3A_0, %arg0 : i32
    %mul3A_1 = arith.constant 80 : i32
    %mul3A_2 = arith.muli %add3A, %mul3A_1 : i32
    %add3A_3 = arith.constant 0 : i32
    %add3A_4 = arith.addi %mul3A_2, %add3A_3 : i32
    %mul3A_5 = arith.constant 128 : i32
    %mul3A_6 = arith.muli %add3A_4, %mul3A_5 : i32
    %dma_start3A = arith.constant 0 : i32
    %dma_start3A_7 = arith.constant 0 : i32
    %dma_start3A_8 = arith.constant 0 : i32
    %dma_start3A_9 = arith.constant 0 : i32
    %dma_start3A_10 = arith.constant 0 : i32
    %dma_start3A_11 = tpu.memref_slice %arg6[%dma_start3A_7, %dma_start3A_8, %dma_start3A_10] : memref<4x2x128xi32, #tpu.memory_space<vmem>> -> memref<1x1x128xi32, #tpu.memory_space<vmem>>
    %dma_start3A_12 = tpu.memref_squeeze %dma_start3A_11 : memref<1x1x128xi32, #tpu.memory_space<vmem>> -> memref<128xi32, #tpu.memory_space<vmem>>
    %dma_start3A_13 = tpu.memref_slice %arg3[%dma_start3A, %mul3A_6] : memref<2x327680xi32, #tpu.memory_space<hbm>> -> memref<1x128xi32, #tpu.memory_space<hbm>>
    %dma_start3A_14 = tpu.memref_squeeze %dma_start3A_13 : memref<1x128xi32, #tpu.memory_space<hbm>> -> memref<128xi32, #tpu.memory_space<hbm>>
    %dma_start3A_15 = tpu.memref_slice %arg9[%dma_start3A_9] : memref<4x!tpu.dma_semaphore, #tpu.memory_space<semaphore_mem>> -> memref<1x!tpu.dma_semaphore, #tpu.memory_space<semaphore_mem>>
    %dma_start3A_16 = tpu.memref_squeeze %dma_start3A_15 : memref<1x!tpu.dma_semaphore, #tpu.memory_space<semaphore_mem>> -> memref<!tpu.dma_semaphore, #tpu.memory_space<semaphore_mem>>
    %dma_start3A_17 = arith.constant 0 : i32
    %dma_start3A_18 = tpu.memref_slice %arg6[%dma_start3A_7, %dma_start3A_8, %dma_start3A_17] : memref<4x2x128xi32, #tpu.memory_space<vmem>> -> memref<1x1x128xi32, #tpu.memory_space<vmem>>
    %dma_start3A_19 = tpu.memref_squeeze %dma_start3A_18 : memref<1x1x128xi32, #tpu.memory_space<vmem>> -> memref<128xi32, #tpu.memory_space<vmem>>
    %dma_start3A_20 = tpu.memref_slice %arg3[%dma_start3A, %mul3A_6] : memref<2x327680xi32, #tpu.memory_space<hbm>> -> memref<1x128xi32, #tpu.memory_space<hbm>>
    %dma_start3A_21 = tpu.memref_squeeze %dma_start3A_20 : memref<1x128xi32, #tpu.memory_space<hbm>> -> memref<128xi32, #tpu.memory_space<hbm>>
    tpu.enqueue_dma source(%dma_start3A_21 : memref<128xi32, #tpu.memory_space<hbm>>) target(%dma_start3A_19 : memref<128xi32, #tpu.memory_space<vmem>>) target_semaphore(%dma_start3A_16 : memref<!tpu.dma_semaphore, #tpu.memory_space<semaphore_mem>>)
    %dma_start3A_22 = arith.constant 1 : i32
    %dma_start3A_23 = arith.constant 0 : i32
    %dma_start3A_24 = arith.constant 1 : i32
    %dma_start3A_25 = arith.constant 0 : i32
    %dma_start3A_26 = arith.constant 0 : i32
    %dma_start3A_27 = tpu.memref_slice %arg6[%dma_start3A_23, %dma_start3A_24, %dma_start3A_26] : memref<4x2x128xi32, #tpu.memory_space<vmem>> -> memref<1x1x128xi32, #tpu.memory_space<vmem>>
    %dma_start3A_28 = tpu.memref_squeeze %dma_start3A_27 : memref<1x1x128xi32, #tpu.memory_space<vmem>> -> memref<128xi32, #tpu.memory_space<vmem>>
    %dma_start3A_29 = tpu.memref_slice %arg3[%dma_start3A_22, %mul3A_6] : memref<2x327680xi32, #tpu.memory_space<hbm>> -> memref<1x128xi32, #tpu.memory_space<hbm>>
    %dma_start3A_30 = tpu.memref_squeeze %dma_start3A_29 : memref<1x128xi32, #tpu.memory_space<hbm>> -> memref<128xi32, #tpu.memory_space<hbm>>
    %dma_start3A_31 = tpu.memref_slice %arg9[%dma_start3A_25] : memref<4x!tpu.dma_semaphore, #tpu.memory_space<semaphore_mem>> -> memref<1x!tpu.dma_semaphore, #tpu.memory_space<semaphore_mem>>
    %dma_start3A_32 = tpu.memref_squeeze %dma_start3A_31 : memref<1x!tpu.dma_semaphore, #tpu.memory_space<semaphore_mem>> -> memref<!tpu.dma_semaphore, #tpu.memory_space<semaphore_mem>>
    %dma_start3A_33 = arith.constant 0 : i32
    %dma_start3A_34 = tpu.memref_slice %arg6[%dma_start3A_23, %dma_start3A_24, %dma_start3A_33] : memref<4x2x128xi32, #tpu.memory_space<vmem>> -> memref<1x1x128xi32, #tpu.memory_space<vmem>>
    %dma_start3A_35 = tpu.memref_squeeze %dma_start3A_34 : memref<1x1x128xi32, #tpu.memory_space<vmem>> -> memref<128xi32, #tpu.memory_space<vmem>>
    %dma_start3A_36 = tpu.memref_slice %arg3[%dma_start3A_22, %mul3A_6] : memref<2x327680xi32, #tpu.memory_space<hbm>> -> memref<1x128xi32, #tpu.memory_space<hbm>>
    %dma_start3A_37 = tpu.memref_squeeze %dma_start3A_36 : memref<1x128xi32, #tpu.memory_space<hbm>> -> memref<128xi32, #tpu.memory_space<hbm>>
    tpu.enqueue_dma source(%dma_start3A_37 : memref<128xi32, #tpu.memory_space<hbm>>) target(%dma_start3A_35 : memref<128xi32, #tpu.memory_space<vmem>>) target_semaphore(%dma_start3A_32 : memref<!tpu.dma_semaphore, #tpu.memory_space<semaphore_mem>>)
    %add3A_38 = arith.constant 1 : i32
    %add3A_39 = arith.addi %mul3A_2, %add3A_38 : i32
    %mul3A_40 = arith.constant 128 : i32
    %mul3A_41 = arith.muli %add3A_39, %mul3A_40 : i32
    %dma_start3A_42 = arith.constant 0 : i32
    %dma_start3A_43 = arith.constant 1 : i32
    %dma_start3A_44 = arith.constant 0 : i32
    %dma_start3A_45 = arith.constant 1 : i32
    %dma_start3A_46 = arith.constant 0 : i32
    %dma_start3A_47 = tpu.memref_slice %arg6[%dma_start3A_43, %dma_start3A_44, %dma_start3A_46] : memref<4x2x128xi32, #tpu.memory_space<vmem>> -> memref<1x1x128xi32, #tpu.memory_space<vmem>>
    %dma_start3A_48 = tpu.memref_squeeze %dma_start3A_47 : memref<1x1x128xi32, #tpu.memory_space<vmem>> -> memref<128xi32, #tpu.memory_space<vmem>>
    %dma_start3A_49 = tpu.memref_slice %arg3[%dma_start3A_42, %mul3A_41] : memref<2x327680xi32, #tpu.memory_space<hbm>> -> memref<1x128xi32, #tpu.memory_space<hbm>>
    %dma_start3A_50 = tpu.memref_squeeze %dma_start3A_49 : memref<1x128xi32, #tpu.memory_space<hbm>> -> memref<128xi32, #tpu.memory_space<hbm>>
    %dma_start3A_51 = tpu.memref_slice %arg9[%dma_start3A_45] : memref<4x!tpu.dma_semaphore, #tpu.memory_space<semaphore_mem>> -> memref<1x!tpu.dma_semaphore, #tpu.memory_space<semaphore_mem>>
    %dma_start3A_52 = tpu.memref_squeeze %dma_start3A_51 : memref<1x!tpu.dma_semaphore, #tpu.memory_space<semaphore_mem>> -> memref<!tpu.dma_semaphore, #tpu.memory_space<semaphore_mem>>
    %dma_start3A_53 = arith.constant 0 : i32
    %dma_start3A_54 = tpu.memref_slice %arg6[%dma_start3A_43, %dma_start3A_44, %dma_start3A_53] : memref<4x2x128xi32, #tpu.memory_space<vmem>> -> memref<1x1x128xi32, #tpu.memory_space<vmem>>
    %dma_start3A_55 = tpu.memref_squeeze %dma_start3A_54 : memref<1x1x128xi32, #tpu.memory_space<vmem>> -> memref<128xi32, #tpu.memory_space<vmem>>
    %dma_start3A_56 = tpu.memref_slice %arg3[%dma_start3A_42, %mul3A_41] : memref<2x327680xi32, #tpu.memory_space<hbm>> -> memref<1x128xi32, #tpu.memory_space<hbm>>
    %dma_start3A_57 = tpu.memref_squeeze %dma_start3A_56 : memref<1x128xi32, #tpu.memory_space<hbm>> -> memref<128xi32, #tpu.memory_space<hbm>>
    tpu.enqueue_dma source(%dma_start3A_57 : memref<128xi32, #tpu.memory_space<hbm>>) target(%dma_start3A_55 : memref<128xi32, #tpu.memory_space<vmem>>) target_semaphore(%dma_start3A_52 : memref<!tpu.dma_semaphore, #tpu.memory_space<semaphore_mem>>)
    %dma_start3A_58 = arith.constant 1 : i32
    %dma_start3A_59 = arith.constant 1 : i32
    %dma_start3A_60 = arith.constant 1 : i32
    %dma_start3A_61 = arith.constant 1 : i32
    %dma_start3A_62 = arith.constant 0 : i32
    %dma_start3A_63 = tpu.memref_slice %arg6[%dma_start3A_59, %dma_start3A_60, %dma_start3A_62] : memref<4x2x128xi32, #tpu.memory_space<vmem>> -> memref<1x1x128xi32, #tpu.memory_space<vmem>>
    %dma_start3A_64 = tpu.memref_squeeze %dma_start3A_63 : memref<1x1x128xi32, #tpu.memory_space<vmem>> -> memref<128xi32, #tpu.memory_space<vmem>>
    %dma_start3A_65 = tpu.memref_slice %arg3[%dma_start3A_58, %mul3A_41] : memref<2x327680xi32, #tpu.memory_space<hbm>> -> memref<1x128xi32, #tpu.memory_space<hbm>>
    %dma_start3A_66 = tpu.memref_squeeze %dma_start3A_65 : memref<1x128xi32, #tpu.memory_space<hbm>> -> memref<128xi32, #tpu.memory_space<hbm>>
    %dma_start3A_67 = tpu.memref_slice %arg9[%dma_start3A_61] : memref<4x!tpu.dma_semaphore, #tpu.memory_space<semaphore_mem>> -> memref<1x!tpu.dma_semaphore, #tpu.memory_space<semaphore_mem>>
    %dma_start3A_68 = tpu.memref_squeeze %dma_start3A_67 : memref<1x!tpu.dma_semaphore, #tpu.memory_space<semaphore_mem>> -> memref<!tpu.dma_semaphore, #tpu.memory_space<semaphore_mem>>
    %dma_start3A_69 = arith.constant 0 : i32
    %dma_start3A_70 = tpu.memref_slice %arg6[%dma_start3A_59, %dma_start3A_60, %dma_start3A_69] : memref<4x2x128xi32, #tpu.memory_space<vmem>> -> memref<1x1x128xi32, #tpu.memory_space<vmem>>
    %dma_start3A_71 = tpu.memref_squeeze %dma_start3A_70 : memref<1x1x128xi32, #tpu.memory_space<vmem>> -> memref<128xi32, #tpu.memory_space<vmem>>
    %dma_start3A_72 = tpu.memref_slice %arg3[%dma_start3A_58, %mul3A_41] : memref<2x327680xi32, #tpu.memory_space<hbm>> -> memref<1x128xi32, #tpu.memory_space<hbm>>
    %dma_start3A_73 = tpu.memref_squeeze %dma_start3A_72 : memref<1x128xi32, #tpu.memory_space<hbm>> -> memref<128xi32, #tpu.memory_space<hbm>>
    tpu.enqueue_dma source(%dma_start3A_73 : memref<128xi32, #tpu.memory_space<hbm>>) target(%dma_start3A_71 : memref<128xi32, #tpu.memory_space<vmem>>) target_semaphore(%dma_start3A_68 : memref<!tpu.dma_semaphore, #tpu.memory_space<semaphore_mem>>)
    %add3A_74 = arith.constant 2 : i32
    %add3A_75 = arith.addi %mul3A_2, %add3A_74 : i32
    %mul3A_76 = arith.constant 128 : i32
    %mul3A_77 = arith.muli %add3A_75, %mul3A_76 : i32
    %dma_start3A_78 = arith.constant 0 : i32
    %dma_start3A_79 = arith.constant 2 : i32
    %dma_start3A_80 = arith.constant 0 : i32
    %dma_start3A_81 = arith.constant 2 : i32
    %dma_start3A_82 = arith.constant 0 : i32
    %dma_start3A_83 = tpu.memref_slice %arg6[%dma_start3A_79, %dma_start3A_80, %dma_start3A_82] : memref<4x2x128xi32, #tpu.memory_space<vmem>> -> memref<1x1x128xi32, #tpu.memory_space<vmem>>
    %dma_start3A_84 = tpu.memref_squeeze %dma_start3A_83 : memref<1x1x128xi32, #tpu.memory_space<vmem>> -> memref<128xi32, #tpu.memory_space<vmem>>
    %dma_start3A_85 = tpu.memref_slice %arg3[%dma_start3A_78, %mul3A_77] : memref<2x327680xi32, #tpu.memory_space<hbm>> -> memref<1x128xi32, #tpu.memory_space<hbm>>
    %dma_start3A_86 = tpu.memref_squeeze %dma_start3A_85 : memref<1x128xi32, #tpu.memory_space<hbm>> -> memref<128xi32, #tpu.memory_space<hbm>>
    %dma_start3A_87 = tpu.memref_slice %arg9[%dma_start3A_81] : memref<4x!tpu.dma_semaphore, #tpu.memory_space<semaphore_mem>> -> memref<1x!tpu.dma_semaphore, #tpu.memory_space<semaphore_mem>>
    %dma_start3A_88 = tpu.memref_squeeze %dma_start3A_87 : memref<1x!tpu.dma_semaphore, #tpu.memory_space<semaphore_mem>> -> memref<!tpu.dma_semaphore, #tpu.memory_space<semaphore_mem>>
    %dma_start3A_89 = arith.constant 0 : i32
    %dma_start3A_90 = tpu.memref_slice %arg6[%dma_start3A_79, %dma_start3A_80, %dma_start3A_89] : memref<4x2x128xi32, #tpu.memory_space<vmem>> -> memref<1x1x128xi32, #tpu.memory_space<vmem>>
    %dma_start3A_91 = tpu.memref_squeeze %dma_start3A_90 : memref<1x1x128xi32, #tpu.memory_space<vmem>> -> memref<128xi32, #tpu.memory_space<vmem>>
    %dma_start3A_92 = tpu.memref_slice %arg3[%dma_start3A_78, %mul3A_77] : memref<2x327680xi32, #tpu.memory_space<hbm>> -> memref<1x128xi32, #tpu.memory_space<hbm>>
    %dma_start3A_93 = tpu.memref_squeeze %dma_start3A_92 : memref<1x128xi32, #tpu.memory_space<hbm>> -> memref<128xi32, #tpu.memory_space<hbm>>
    tpu.enqueue_dma source(%dma_start3A_93 : memref<128xi32, #tpu.memory_space<hbm>>) target(%dma_start3A_91 : memref<128xi32, #tpu.memory_space<vmem>>) target_semaphore(%dma_start3A_88 : memref<!tpu.dma_semaphore, #tpu.memory_space<semaphore_mem>>)
    %dma_start3A_94 = arith.constant 1 : i32
    %dma_start3A_95 = arith.constant 2 : i32
    %dma_start3A_96 = arith.constant 1 : i32
    %dma_start3A_97 = arith.constant 2 : i32
    %dma_start3A_98 = arith.constant 0 : i32
    %dma_start3A_99 = tpu.memref_slice %arg6[%dma_start3A_95, %dma_start3A_96, %dma_start3A_98] : memref<4x2x128xi32, #tpu.memory_space<vmem>> -> memref<1x1x128xi32, #tpu.memory_space<vmem>>
    %dma_start3A_100 = tpu.memref_squeeze %dma_start3A_99 : memref<1x1x128xi32, #tpu.memory_space<vmem>> -> memref<128xi32, #tpu.memory_space<vmem>>
    %dma_start3A_101 = tpu.memref_slice %arg3[%dma_start3A_94, %mul3A_77] : memref<2x327680xi32, #tpu.memory_space<hbm>> -> memref<1x128xi32, #tpu.memory_space<hbm>>
    %dma_start3A_102 = tpu.memref_squeeze %dma_start3A_101 : memref<1x128xi32, #tpu.memory_space<hbm>> -> memref<128xi32, #tpu.memory_space<hbm>>
    %dma_start3A_103 = tpu.memref_slice %arg9[%dma_start3A_97] : memref<4x!tpu.dma_semaphore, #tpu.memory_space<semaphore_mem>> -> memref<1x!tpu.dma_semaphore, #tpu.memory_space<semaphore_mem>>
    %dma_start3A_104 = tpu.memref_squeeze %dma_start3A_103 : memref<1x!tpu.dma_semaphore, #tpu.memory_space<semaphore_mem>> -> memref<!tpu.dma_semaphore, #tpu.memory_space<semaphore_mem>>
    %dma_start3A_105 = arith.constant 0 : i32
    %dma_start3A_106 = tpu.memref_slice %arg6[%dma_start3A_95, %dma_start3A_96, %dma_start3A_105] : memref<4x2x128xi32, #tpu.memory_space<vmem>> -> memref<1x1x128xi32, #tpu.memory_space<vmem>>
    %dma_start3A_107 = tpu.memref_squeeze %dma_start3A_106 : memref<1x1x128xi32, #tpu.memory_space<vmem>> -> memref<128xi32, #tpu.memory_space<vmem>>
    %dma_start3A_108 = tpu.memref_slice %arg3[%dma_start3A_94, %mul3A_77] : memref<2x327680xi32, #tpu.memory_space<hbm>> -> memref<1x128xi32, #tpu.memory_space<hbm>>
    %dma_start3A_109 = tpu.memref_squeeze %dma_start3A_108 : memref<1x128xi32, #tpu.memory_space<hbm>> -> memref<128xi32, #tpu.memory_space<hbm>>
    tpu.enqueue_dma source(%dma_start3A_109 : memref<128xi32, #tpu.memory_space<hbm>>) target(%dma_start3A_107 : memref<128xi32, #tpu.memory_space<vmem>>) target_semaphore(%dma_start3A_104 : memref<!tpu.dma_semaphore, #tpu.memory_space<semaphore_mem>>)
    %add3A_110 = arith.constant 3 : i32
    %add3A_111 = arith.addi %mul3A_2, %add3A_110 : i32
    %mul3A_112 = arith.constant 128 : i32
    %mul3A_113 = arith.muli %add3A_111, %mul3A_112 : i32
    %dma_start3A_114 = arith.constant 0 : i32
    %dma_start3A_115 = arith.constant 3 : i32
    %dma_start3A_116 = arith.constant 0 : i32
    %dma_start3A_117 = arith.constant 3 : i32
    %dma_start3A_118 = arith.constant 0 : i32
    %dma_start3A_119 = tpu.memref_slice %arg6[%dma_start3A_115, %dma_start3A_116, %dma_start3A_118] : memref<4x2x128xi32, #tpu.memory_space<vmem>> -> memref<1x1x128xi32, #tpu.memory_space<vmem>>
    %dma_start3A_120 = tpu.memref_squeeze %dma_start3A_119 : memref<1x1x128xi32, #tpu.memory_space<vmem>> -> memref<128xi32, #tpu.memory_space<vmem>>
    %dma_start3A_121 = tpu.memref_slice %arg3[%dma_start3A_114, %mul3A_113] : memref<2x327680xi32, #tpu.memory_space<hbm>> -> memref<1x128xi32, #tpu.memory_space<hbm>>
    %dma_start3A_122 = tpu.memref_squeeze %dma_start3A_121 : memref<1x128xi32, #tpu.memory_space<hbm>> -> memref<128xi32, #tpu.memory_space<hbm>>
    %dma_start3A_123 = tpu.memref_slice %arg9[%dma_start3A_117] : memref<4x!tpu.dma_semaphore, #tpu.memory_space<semaphore_mem>> -> memref<1x!tpu.dma_semaphore, #tpu.memory_space<semaphore_mem>>
    %dma_start3A_124 = tpu.memref_squeeze %dma_start3A_123 : memref<1x!tpu.dma_semaphore, #tpu.memory_space<semaphore_mem>> -> memref<!tpu.dma_semaphore, #tpu.memory_space<semaphore_mem>>
    %dma_start3A_125 = arith.constant 0 : i32
    %dma_start3A_126 = tpu.memref_slice %arg6[%dma_start3A_115, %dma_start3A_116, %dma_start3A_125] : memref<4x2x128xi32, #tpu.memory_space<vmem>> -> memref<1x1x128xi32, #tpu.memory_space<vmem>>
    %dma_start3A_127 = tpu.memref_squeeze %dma_start3A_126 : memref<1x1x128xi32, #tpu.memory_space<vmem>> -> memref<128xi32, #tpu.memory_space<vmem>>
    %dma_start3A_128 = tpu.memref_slice %arg3[%dma_start3A_114, %mul3A_113] : memref<2x327680xi32, #tpu.memory_space<hbm>> -> memref<1x128xi32, #tpu.memory_space<hbm>>
    %dma_start3A_129 = tpu.memref_squeeze %dma_start3A_128 : memref<1x128xi32, #tpu.memory_space<hbm>> -> memref<128xi32, #tpu.memory_space<hbm>>
    tpu.enqueue_dma source(%dma_start3A_129 : memref<128xi32, #tpu.memory_space<hbm>>) target(%dma_start3A_127 : memref<128xi32, #tpu.memory_space<vmem>>) target_semaphore(%dma_start3A_124 : memref<!tpu.dma_semaphore, #tpu.memory_space<semaphore_mem>>)
    %dma_start3A_130 = arith.constant 1 : i32
    %dma_start3A_131 = arith.constant 3 : i32
    %dma_start3A_132 = arith.constant 1 : i32
    %dma_start3A_133 = arith.constant 3 : i32
    %dma_start3A_134 = arith.constant 0 : i32
    %dma_start3A_135 = tpu.memref_slice %arg6[%dma_start3A_131, %dma_start3A_132, %dma_start3A_134] : memref<4x2x128xi32, #tpu.memory_space<vmem>> -> memref<1x1x128xi32, #tpu.memory_space<vmem>>
    %dma_start3A_136 = tpu.memref_squeeze %dma_start3A_135 : memref<1x1x128xi32, #tpu.memory_space<vmem>> -> memref<128xi32, #tpu.memory_space<vmem>>
    %dma_start3A_137 = tpu.memref_slice %arg3[%dma_start3A_130, %mul3A_113] : memref<2x327680xi32, #tpu.memory_space<hbm>> -> memref<1x128xi32, #tpu.memory_space<hbm>>
    %dma_start3A_138 = tpu.memref_squeeze %dma_start3A_137 : memref<1x128xi32, #tpu.memory_space<hbm>> -> memref<128xi32, #tpu.memory_space<hbm>>
    %dma_start3A_139 = tpu.memref_slice %arg9[%dma_start3A_133] : memref<4x!tpu.dma_semaphore, #tpu.memory_space<semaphore_mem>> -> memref<1x!tpu.dma_semaphore, #tpu.memory_space<semaphore_mem>>
    %dma_start3A_140 = tpu.memref_squeeze %dma_start3A_139 : memref<1x!tpu.dma_semaphore, #tpu.memory_space<semaphore_mem>> -> memref<!tpu.dma_semaphore, #tpu.memory_space<semaphore_mem>>
    %dma_start3A_141 = arith.constant 0 : i32
    %dma_start3A_142 = tpu.memref_slice %arg6[%dma_start3A_131, %dma_start3A_132, %dma_start3A_141] : memref<4x2x128xi32, #tpu.memory_space<vmem>> -> memref<1x1x128xi32, #tpu.memory_space<vmem>>
    %dma_start3A_143 = tpu.memref_squeeze %dma_start3A_142 : memref<1x1x128xi32, #tpu.memory_space<vmem>> -> memref<128xi32, #tpu.memory_space<vmem>>
    %dma_start3A_144 = tpu.memref_slice %arg3[%dma_start3A_130, %mul3A_113] : memref<2x327680xi32, #tpu.memory_space<hbm>> -> memref<1x128xi32, #tpu.memory_space<hbm>>
    %dma_start3A_145 = tpu.memref_squeeze %dma_start3A_144 : memref<1x128xi32, #tpu.memory_space<hbm>> -> memref<128xi32, #tpu.memory_space<hbm>>
    tpu.enqueue_dma source(%dma_start3A_145 : memref<128xi32, #tpu.memory_space<hbm>>) target(%dma_start3A_143 : memref<128xi32, #tpu.memory_space<vmem>>) target_semaphore(%dma_start3A_140 : memref<!tpu.dma_semaphore, #tpu.memory_space<semaphore_mem>>)
    %broadcast_in_dim3A = arith.constant 0.000000e+00 : f32
    %broadcast_in_dim3A_146 = vector.broadcast %broadcast_in_dim3A : f32 to vector<16xf32>
    %scan3A = arith.constant 0 : i32
    %scan3A_147 = arith.constant 0 : i32
    %scan3A_148 = arith.constant 626 : i32
    %scan3A_149 = arith.addi %scan3A_147, %scan3A_148 : i32
    %scan3A_150 = arith.constant 1 : i32
    %scan3A_151 = scf.for %scan3A_163 = %scan3A_147 to %scan3A_149 step %scan3A_150 iter_args(%scan3A_164 = %scan3A) -> (i32)  : i32 {
      %swap3A = arith.index_cast %scan3A_163 : i32 to index
      %swap3A_165 = arith.constant 0 : index
      %swap3A_166 = tpu.vector_load %arg8[%swap3A, %swap3A_165] {strides = array<i32>} : memref<626x64xf32, #tpu.memory_space<vmem>>, vector<1x16xf32>,
      %swap3A_167 = vector.shape_cast %swap3A_166 : vector<1x16xf32> to vector<16xf32>
      %swap3A_168 = vector.shape_cast %broadcast_in_dim3A_146 : vector<16xf32> to vector<1x16xf32>
      tpu.vector_store %arg8[%swap3A, %swap3A_165], %swap3A_168 {strides = array<i32>} : memref<626x64xf32, #tpu.memory_space<vmem>>, vector<1x16xf32>,
      %swap3A_169 = arith.index_cast %scan3A_163 : i32 to index
      %swap3A_170 = arith.constant 16 : index
      %swap3A_171 = tpu.vector_load %arg8[%swap3A_169, %swap3A_170] {strides = array<i32>} : memref<626x64xf32, #tpu.memory_space<vmem>>, vector<1x16xf32>,
      %swap3A_172 = vector.shape_cast %swap3A_171 : vector<1x16xf32> to vector<16xf32>
      %swap3A_173 = vector.shape_cast %broadcast_in_dim3A_146 : vector<16xf32> to vector<1x16xf32>
      tpu.vector_store %arg8[%swap3A_169, %swap3A_170], %swap3A_173 {strides = array<i32>} : memref<626x64xf32, #tpu.memory_space<vmem>>, vector<1x16xf32>,
      %swap3A_174 = arith.index_cast %scan3A_163 : i32 to index
      %swap3A_175 = arith.constant 32 : index
      %swap3A_176 = tpu.vector_load %arg8[%swap3A_174, %swap3A_175] {strides = array<i32>} : memref<626x64xf32, #tpu.memory_space<vmem>>, vector<1x16xf32>,
      %swap3A_177 = vector.shape_cast %swap3A_176 : vector<1x16xf32> to vector<16xf32>
      %swap3A_178 = vector.shape_cast %broadcast_in_dim3A_146 : vector<16xf32> to vector<1x16xf32>
      tpu.vector_store %arg8[%swap3A_174, %swap3A_175], %swap3A_178 {strides = array<i32>} : memref<626x64xf32, #tpu.memory_space<vmem>>, vector<1x16xf32>,
      %swap3A_179 = arith.index_cast %scan3A_163 : i32 to index
      %swap3A_180 = arith.constant 48 : index
      %swap3A_181 = tpu.vector_load %arg8[%swap3A_179, %swap3A_180] {strides = array<i32>} : memref<626x64xf32, #tpu.memory_space<vmem>>, vector<1x16xf32>,
      %swap3A_182 = vector.shape_cast %swap3A_181 : vector<1x16xf32> to vector<16xf32>
      %swap3A_183 = vector.shape_cast %broadcast_in_dim3A_146 : vector<16xf32> to vector<1x16xf32>
      tpu.vector_store %arg8[%swap3A_179, %swap3A_180], %swap3A_183 {strides = array<i32>} : memref<626x64xf32, #tpu.memory_space<vmem>>, vector<1x16xf32>,
      %scan3A_184 = arith.constant 0 : i32
      scf.yield %scan3A_184 : i32
    }
    %scan3A_152 = arith.constant 626 : i32
    %mul3A_153 = arith.constant 626 : i32
    %mul3A_154 = arith.muli %arg1, %mul3A_153 : i32
    "tpu.region"() ({
      %run_scoped3A = tpu.sem_alloc : memref<!tpu.dma_semaphore, #tpu.memory_space<semaphore_mem>>
      %dma_start3A_163 = arith.constant 0 : i32
      %dma_start3A_164 = tpu.memref_slice %arg5[%mul3A_154, %dma_start3A_163] : memref<10016x64xf32, #tpu.memory_space<vmem_shared>> -> memref<626x64xf32, #tpu.memory_space<vmem_shared>>
      %dma_start3A_165 = arith.constant 0 : i32
      %dma_start3A_166 = tpu.memref_slice %arg5[%mul3A_154, %dma_start3A_165] : memref<10016x64xf32, #tpu.memory_space<vmem_shared>> -> memref<626x64xf32, #tpu.memory_space<vmem_shared>>
      tpu.enqueue_dma source(%arg8 : memref<626x64xf32, #tpu.memory_space<vmem>>) target(%dma_start3A_166 : memref<626x64xf32, #tpu.memory_space<vmem_shared>>) target_semaphore(%run_scoped3A : memref<!tpu.dma_semaphore, #tpu.memory_space<semaphore_mem>>)
      %dma_wait3A = arith.constant 0 : i32
      %dma_wait3A_167 = tpu.memref_slice %arg5[%mul3A_154, %dma_wait3A] : memref<10016x64xf32, #tpu.memory_space<vmem_shared>> -> memref<626x64xf32, #tpu.memory_space<vmem_shared>>
      %dma_wait3A_168 = arith.constant 0 : i32
      %dma_wait3A_169 = tpu.memref_slice %arg5[%mul3A_154, %dma_wait3A_168] : memref<10016x64xf32, #tpu.memory_space<vmem_shared>> -> memref<626x64xf32, #tpu.memory_space<vmem_shared>>
      tpu.wait_dma2 semaphore(%run_scoped3A : memref<!tpu.dma_semaphore, #tpu.memory_space<semaphore_mem>>) src(%arg8 : memref<626x64xf32, #tpu.memory_space<vmem>>) dst(%dma_wait3A_169 : memref<626x64xf32, #tpu.memory_space<vmem_shared>>)
      tpu.yield
    }) : () -> ()
    %barrier3A = arith.constant 0 : index
    tpu.barrier barrier_id(%barrier3A)
    %scan3A_155 = arith.constant 0 : i32
    %scan3A_156 = arith.constant 0 : i32
    %scan3A_157 = arith.constant 20 : i32
    %scan3A_158 = arith.addi %scan3A_156, %scan3A_157 : i32
    %scan3A_159 = arith.constant 1 : i32
    %scan3A_160 = scf.for %scan3A_163 = %scan3A_156 to %scan3A_158 step %scan3A_159 iter_args(%scan3A_164 = %scan3A_155) -> (i32)  : i32 {
      %mul3A_165 = arith.constant 4 : i32
      %mul3A_166 = arith.muli %scan3A_163, %mul3A_165 : i32
      %add3A_167 = arith.addi %mul3A_2, %mul3A_166 : i32
      %add3A_168 = arith.constant 0 : i32
      %add3A_169 = arith.addi %add3A_167, %add3A_168 : i32
      %mul3A_170 = arith.constant 128 : i32
      %mul3A_171 = arith.muli %add3A_169, %mul3A_170 : i32
      %dma_wait3A = arith.constant 0 : i32
      %dma_wait3A_172 = arith.constant 0 : i32
      %dma_wait3A_173 = arith.constant 0 : i32
      %dma_wait3A_174 = arith.constant 0 : i32
      %dma_wait3A_175 = arith.constant 0 : i32
      %dma_wait3A_176 = tpu.memref_slice %arg6[%dma_wait3A_172, %dma_wait3A_173, %dma_wait3A_175] : memref<4x2x128xi32, #tpu.memory_space<vmem>> -> memref<1x1x128xi32, #tpu.memory_space<vmem>>
      %dma_wait3A_177 = tpu.memref_squeeze %dma_wait3A_176 : memref<1x1x128xi32, #tpu.memory_space<vmem>> -> memref<128xi32, #tpu.memory_space<vmem>>
      %dma_wait3A_178 = tpu.memref_slice %arg3[%dma_wait3A, %mul3A_171] : memref<2x327680xi32, #tpu.memory_space<hbm>> -> memref<1x128xi32, #tpu.memory_space<hbm>>
      %dma_wait3A_179 = tpu.memref_squeeze %dma_wait3A_178 : memref<1x128xi32, #tpu.memory_space<hbm>> -> memref<128xi32, #tpu.memory_space<hbm>>
      %dma_wait3A_180 = tpu.memref_slice %arg9[%dma_wait3A_174] : memref<4x!tpu.dma_semaphore, #tpu.memory_space<semaphore_mem>> -> memref<1x!tpu.dma_semaphore, #tpu.memory_space<semaphore_mem>>
      %dma_wait3A_181 = tpu.memref_squeeze %dma_wait3A_180 : memref<1x!tpu.dma_semaphore, #tpu.memory_space<semaphore_mem>> -> memref<!tpu.dma_semaphore, #tpu.memory_space<semaphore_mem>>
      %dma_wait3A_182 = arith.constant 0 : i32
      %dma_wait3A_183 = tpu.memref_slice %arg6[%dma_wait3A_172, %dma_wait3A_173, %dma_wait3A_182] : memref<4x2x128xi32, #tpu.memory_space<vmem>> -> memref<1x1x128xi32, #tpu.memory_space<vmem>>
      %dma_wait3A_184 = tpu.memref_squeeze %dma_wait3A_183 : memref<1x1x128xi32, #tpu.memory_space<vmem>> -> memref<128xi32, #tpu.memory_space<vmem>>
      %dma_wait3A_185 = tpu.memref_slice %arg3[%dma_wait3A, %mul3A_171] : memref<2x327680xi32, #tpu.memory_space<hbm>> -> memref<1x128xi32, #tpu.memory_space<hbm>>
      %dma_wait3A_186 = tpu.memref_squeeze %dma_wait3A_185 : memref<1x128xi32, #tpu.memory_space<hbm>> -> memref<128xi32, #tpu.memory_space<hbm>>
      tpu.wait_dma2 semaphore(%dma_wait3A_181 : memref<!tpu.dma_semaphore, #tpu.memory_space<semaphore_mem>>) src(%dma_wait3A_186 : memref<128xi32, #tpu.memory_space<hbm>>) dst(%dma_wait3A_184 : memref<128xi32, #tpu.memory_space<vmem>>)
      %dma_wait3A_187 = arith.constant 1 : i32
      %dma_wait3A_188 = arith.constant 0 : i32
      %dma_wait3A_189 = arith.constant 1 : i32
      %dma_wait3A_190 = arith.constant 0 : i32
      %dma_wait3A_191 = arith.constant 0 : i32
      %dma_wait3A_192 = tpu.memref_slice %arg6[%dma_wait3A_188, %dma_wait3A_189, %dma_wait3A_191] : memref<4x2x128xi32, #tpu.memory_space<vmem>> -> memref<1x1x128xi32, #tpu.memory_space<vmem>>
      %dma_wait3A_193 = tpu.memref_squeeze %dma_wait3A_192 : memref<1x1x128xi32, #tpu.memory_space<vmem>> -> memref<128xi32, #tpu.memory_space<vmem>>
      %dma_wait3A_194 = tpu.memref_slice %arg3[%dma_wait3A_187, %mul3A_171] : memref<2x327680xi32, #tpu.memory_space<hbm>> -> memref<1x128xi32, #tpu.memory_space<hbm>>
      %dma_wait3A_195 = tpu.memref_squeeze %dma_wait3A_194 : memref<1x128xi32, #tpu.memory_space<hbm>> -> memref<128xi32, #tpu.memory_space<hbm>>
      %dma_wait3A_196 = tpu.memref_slice %arg9[%dma_wait3A_190] : memref<4x!tpu.dma_semaphore, #tpu.memory_space<semaphore_mem>> -> memref<1x!tpu.dma_semaphore, #tpu.memory_space<semaphore_mem>>
      %dma_wait3A_197 = tpu.memref_squeeze %dma_wait3A_196 : memref<1x!tpu.dma_semaphore, #tpu.memory_space<semaphore_mem>> -> memref<!tpu.dma_semaphore, #tpu.memory_space<semaphore_mem>>
      %dma_wait3A_198 = arith.constant 0 : i32
      %dma_wait3A_199 = tpu.memref_slice %arg6[%dma_wait3A_188, %dma_wait3A_189, %dma_wait3A_198] : memref<4x2x128xi32, #tpu.memory_space<vmem>> -> memref<1x1x128xi32, #tpu.memory_space<vmem>>
      %dma_wait3A_200 = tpu.memref_squeeze %dma_wait3A_199 : memref<1x1x128xi32, #tpu.memory_space<vmem>> -> memref<128xi32, #tpu.memory_space<vmem>>
      %dma_wait3A_201 = tpu.memref_slice %arg3[%dma_wait3A_187, %mul3A_171] : memref<2x327680xi32, #tpu.memory_space<hbm>> -> memref<1x128xi32, #tpu.memory_space<hbm>>
      %dma_wait3A_202 = tpu.memref_squeeze %dma_wait3A_201 : memref<1x128xi32, #tpu.memory_space<hbm>> -> memref<128xi32, #tpu.memory_space<hbm>>
      tpu.wait_dma2 semaphore(%dma_wait3A_197 : memref<!tpu.dma_semaphore, #tpu.memory_space<semaphore_mem>>) src(%dma_wait3A_202 : memref<128xi32, #tpu.memory_space<hbm>>) dst(%dma_wait3A_200 : memref<128xi32, #tpu.memory_space<vmem>>)
      %dma_start3A_203 = arith.constant 0 : i32
      %dma_start3A_204 = arith.constant 0 : i32
      %dma_start3A_205 = arith.constant 0 : i32
      %dma_start3A_206 = arith.constant 0 : i32
      %dma_start3A_207 = arith.constant 0 : i32
      %dma_start3A_208 = arith.constant 0 : i32
      %dma_start3A_209 = tpu.memref_slice %arg7[%dma_start3A_205, %dma_start3A_207, %dma_start3A_208] : memref<4x128x64xf32, #tpu.memory_space<vmem>> -> memref<1x128x64xf32, #tpu.memory_space<vmem>>
      %dma_start3A_210 = tpu.memref_squeeze %dma_start3A_209 : memref<1x128x64xf32, #tpu.memory_space<vmem>> -> memref<128x64xf32, #tpu.memory_space<vmem>>
      %dma_start3A_211 = arith.constant 0 : i32
      %dma_start3A_212 = tpu.memref_slice %arg6[%dma_start3A_203, %dma_start3A_204, %dma_start3A_211] : memref<4x2x128xi32, #tpu.memory_space<vmem>> -> memref<1x1x128xi32, #tpu.memory_space<vmem>>
      %dma_start3A_213 = tpu.memref_squeeze %dma_start3A_212 : memref<1x1x128xi32, #tpu.memory_space<vmem>> -> memref<128xi32, #tpu.memory_space<vmem>>
      %dma_start3A_214 = arith.constant 0 : i32
      %dma_start3A_215 = arith.constant 0 : i32
      %dma_start3A_216 = tpu.memref_slice %arg2[%dma_start3A_214, %dma_start3A_215] : memref<10000x64xf32, #tpu.memory_space<hbm>> -> memref<10000x64xf32, #tpu.memory_space<hbm>>
      %dma_start3A_217 = tpu.memref_slice %arg10[%dma_start3A_206] : memref<4x!tpu.dma_semaphore, #tpu.memory_space<semaphore_mem>> -> memref<1x!tpu.dma_semaphore, #tpu.memory_space<semaphore_mem>>
      %dma_start3A_218 = tpu.memref_squeeze %dma_start3A_217 : memref<1x!tpu.dma_semaphore, #tpu.memory_space<semaphore_mem>> -> memref<!tpu.dma_semaphore, #tpu.memory_space<semaphore_mem>>
      tpu.enqueue_indirect_dma source(%dma_start3A_216 : memref<10000x64xf32, #tpu.memory_space<hbm>>) target(%dma_start3A_210 : memref<128x64xf32, #tpu.memory_space<vmem>>) offsets(%dma_start3A_213 : memref<128xi32, #tpu.memory_space<vmem>>) semaphore(%dma_start3A_218 : memref<!tpu.dma_semaphore, #tpu.memory_space<semaphore_mem>>)
      %add3A_219 = arith.constant 1 : i32
      %add3A_220 = arith.addi %add3A_167, %add3A_219 : i32
      %mul3A_221 = arith.constant 128 : i32
      %mul3A_222 = arith.muli %add3A_220, %mul3A_221 : i32
      %dma_wait3A_223 = arith.constant 0 : i32
      %dma_wait3A_224 = arith.constant 1 : i32
      %dma_wait3A_225 = arith.constant 0 : i32
      %dma_wait3A_226 = arith.constant 1 : i32
      %dma_wait3A_227 = arith.constant 0 : i32
      %dma_wait3A_228 = tpu.memref_slice %arg6[%dma_wait3A_224, %dma_wait3A_225, %dma_wait3A_227] : memref<4x2x128xi32, #tpu.memory_space<vmem>> -> memref<1x1x128xi32, #tpu.memory_space<vmem>>
      %dma_wait3A_229 = tpu.memref_squeeze %dma_wait3A_228 : memref<1x1x128xi32, #tpu.memory_space<vmem>> -> memref<128xi32, #tpu.memory_space<vmem>>
      %dma_wait3A_230 = tpu.memref_slice %arg3[%dma_wait3A_223, %mul3A_222] : memref<2x327680xi32, #tpu.memory_space<hbm>> -> memref<1x128xi32, #tpu.memory_space<hbm>>
      %dma_wait3A_231 = tpu.memref_squeeze %dma_wait3A_230 : memref<1x128xi32, #tpu.memory_space<hbm>> -> memref<128xi32, #tpu.memory_space<hbm>>
      %dma_wait3A_232 = tpu.memref_slice %arg9[%dma_wait3A_226] : memref<4x!tpu.dma_semaphore, #tpu.memory_space<semaphore_mem>> -> memref<1x!tpu.dma_semaphore, #tpu.memory_space<semaphore_mem>>
      %dma_wait3A_233 = tpu.memref_squeeze %dma_wait3A_232 : memref<1x!tpu.dma_semaphore, #tpu.memory_space<semaphore_mem>> -> memref<!tpu.dma_semaphore, #tpu.memory_space<semaphore_mem>>
      %dma_wait3A_234 = arith.constant 0 : i32
      %dma_wait3A_235 = tpu.memref_slice %arg6[%dma_wait3A_224, %dma_wait3A_225, %dma_wait3A_234] : memref<4x2x128xi32, #tpu.memory_space<vmem>> -> memref<1x1x128xi32, #tpu.memory_space<vmem>>
      %dma_wait3A_236 = tpu.memref_squeeze %dma_wait3A_235 : memref<1x1x128xi32, #tpu.memory_space<vmem>> -> memref<128xi32, #tpu.memory_space<vmem>>
      %dma_wait3A_237 = tpu.memref_slice %arg3[%dma_wait3A_223, %mul3A_222] : memref<2x327680xi32, #tpu.memory_space<hbm>> -> memref<1x128xi32, #tpu.memory_space<hbm>>
      %dma_wait3A_238 = tpu.memref_squeeze %dma_wait3A_237 : memref<1x128xi32, #tpu.memory_space<hbm>> -> memref<128xi32, #tpu.memory_space<hbm>>
      tpu.wait_dma2 semaphore(%dma_wait3A_233 : memref<!tpu.dma_semaphore, #tpu.memory_space<semaphore_mem>>) src(%dma_wait3A_238 : memref<128xi32, #tpu.memory_space<hbm>>) dst(%dma_wait3A_236 : memref<128xi32, #tpu.memory_space<vmem>>)
      %dma_wait3A_239 = arith.constant 1 : i32
      %dma_wait3A_240 = arith.constant 1 : i32
      %dma_wait3A_241 = arith.constant 1 : i32
      %dma_wait3A_242 = arith.constant 1 : i32
      %dma_wait3A_243 = arith.constant 0 : i32
      %dma_wait3A_244 = tpu.memref_slice %arg6[%dma_wait3A_240, %dma_wait3A_241, %dma_wait3A_243] : memref<4x2x128xi32, #tpu.memory_space<vmem>> -> memref<1x1x128xi32, #tpu.memory_space<vmem>>
      %dma_wait3A_245 = tpu.memref_squeeze %dma_wait3A_244 : memref<1x1x128xi32, #tpu.memory_space<vmem>> -> memref<128xi32, #tpu.memory_space<vmem>>
      %dma_wait3A_246 = tpu.memref_slice %arg3[%dma_wait3A_239, %mul3A_222] : memref<2x327680xi32, #tpu.memory_space<hbm>> -> memref<1x128xi32, #tpu.memory_space<hbm>>
      %dma_wait3A_247 = tpu.memref_squeeze %dma_wait3A_246 : memref<1x128xi32, #tpu.memory_space<hbm>> -> memref<128xi32, #tpu.memory_space<hbm>>
      %dma_wait3A_248 = tpu.memref_slice %arg9[%dma_wait3A_242] : memref<4x!tpu.dma_semaphore, #tpu.memory_space<semaphore_mem>> -> memref<1x!tpu.dma_semaphore, #tpu.memory_space<semaphore_mem>>
      %dma_wait3A_249 = tpu.memref_squeeze %dma_wait3A_248 : memref<1x!tpu.dma_semaphore, #tpu.memory_space<semaphore_mem>> -> memref<!tpu.dma_semaphore, #tpu.memory_space<semaphore_mem>>
      %dma_wait3A_250 = arith.constant 0 : i32
      %dma_wait3A_251 = tpu.memref_slice %arg6[%dma_wait3A_240, %dma_wait3A_241, %dma_wait3A_250] : memref<4x2x128xi32, #tpu.memory_space<vmem>> -> memref<1x1x128xi32, #tpu.memory_space<vmem>>
      %dma_wait3A_252 = tpu.memref_squeeze %dma_wait3A_251 : memref<1x1x128xi32, #tpu.memory_space<vmem>> -> memref<128xi32, #tpu.memory_space<vmem>>
      %dma_wait3A_253 = tpu.memref_slice %arg3[%dma_wait3A_239, %mul3A_222] : memref<2x327680xi32, #tpu.memory_space<hbm>> -> memref<1x128xi32, #tpu.memory_space<hbm>>
      %dma_wait3A_254 = tpu.memref_squeeze %dma_wait3A_253 : memref<1x128xi32, #tpu.memory_space<hbm>> -> memref<128xi32, #tpu.memory_space<hbm>>
      tpu.wait_dma2 semaphore(%dma_wait3A_249 : memref<!tpu.dma_semaphore, #tpu.memory_space<semaphore_mem>>) src(%dma_wait3A_254 : memref<128xi32, #tpu.memory_space<hbm>>) dst(%dma_wait3A_252 : memref<128xi32, #tpu.memory_space<vmem>>)
      %dma_start3A_255 = arith.constant 1 : i32
      %dma_start3A_256 = arith.constant 0 : i32
      %dma_start3A_257 = arith.constant 1 : i32
      %dma_start3A_258 = arith.constant 1 : i32
      %dma_start3A_259 = arith.constant 0 : i32
      %dma_start3A_260 = arith.constant 0 : i32
      %dma_start3A_261 = tpu.memref_slice %arg7[%dma_start3A_257, %dma_start3A_259, %dma_start3A_260] : memref<4x128x64xf32, #tpu.memory_space<vmem>> -> memref<1x128x64xf32, #tpu.memory_space<vmem>>
      %dma_start3A_262 = tpu.memref_squeeze %dma_start3A_261 : memref<1x128x64xf32, #tpu.memory_space<vmem>> -> memref<128x64xf32, #tpu.memory_space<vmem>>
      %dma_start3A_263 = arith.constant 0 : i32
      %dma_start3A_264 = tpu.memref_slice %arg6[%dma_start3A_255, %dma_start3A_256, %dma_start3A_263] : memref<4x2x128xi32, #tpu.memory_space<vmem>> -> memref<1x1x128xi32, #tpu.memory_space<vmem>>
      %dma_start3A_265 = tpu.memref_squeeze %dma_start3A_264 : memref<1x1x128xi32, #tpu.memory_space<vmem>> -> memref<128xi32, #tpu.memory_space<vmem>>
      %dma_start3A_266 = arith.constant 0 : i32
      %dma_start3A_267 = arith.constant 0 : i32
      %dma_start3A_268 = tpu.memref_slice %arg2[%dma_start3A_266, %dma_start3A_267] : memref<10000x64xf32, #tpu.memory_space<hbm>> -> memref<10000x64xf32, #tpu.memory_space<hbm>>
      %dma_start3A_269 = tpu.memref_slice %arg10[%dma_start3A_258] : memref<4x!tpu.dma_semaphore, #tpu.memory_space<semaphore_mem>> -> memref<1x!tpu.dma_semaphore, #tpu.memory_space<semaphore_mem>>
      %dma_start3A_270 = tpu.memref_squeeze %dma_start3A_269 : memref<1x!tpu.dma_semaphore, #tpu.memory_space<semaphore_mem>> -> memref<!tpu.dma_semaphore, #tpu.memory_space<semaphore_mem>>
      tpu.enqueue_indirect_dma source(%dma_start3A_268 : memref<10000x64xf32, #tpu.memory_space<hbm>>) target(%dma_start3A_262 : memref<128x64xf32, #tpu.memory_space<vmem>>) offsets(%dma_start3A_265 : memref<128xi32, #tpu.memory_space<vmem>>) semaphore(%dma_start3A_270 : memref<!tpu.dma_semaphore, #tpu.memory_space<semaphore_mem>>)
      %add3A_271 = arith.constant 2 : i32
      %add3A_272 = arith.addi %add3A_167, %add3A_271 : i32
      %mul3A_273 = arith.constant 128 : i32
      %mul3A_274 = arith.muli %add3A_272, %mul3A_273 : i32
      %dma_wait3A_275 = arith.constant 0 : i32
      %dma_wait3A_276 = arith.constant 2 : i32
      %dma_wait3A_277 = arith.constant 0 : i32
      %dma_wait3A_278 = arith.constant 2 : i32
      %dma_wait3A_279 = arith.constant 0 : i32
      %dma_wait3A_280 = tpu.memref_slice %arg6[%dma_wait3A_276, %dma_wait3A_277, %dma_wait3A_279] : memref<4x2x128xi32, #tpu.memory_space<vmem>> -> memref<1x1x128xi32, #tpu.memory_space<vmem>>
      %dma_wait3A_281 = tpu.memref_squeeze %dma_wait3A_280 : memref<1x1x128xi32, #tpu.memory_space<vmem>> -> memref<128xi32, #tpu.memory_space<vmem>>
      %dma_wait3A_282 = tpu.memref_slice %arg3[%dma_wait3A_275, %mul3A_274] : memref<2x327680xi32, #tpu.memory_space<hbm>> -> memref<1x128xi32, #tpu.memory_space<hbm>>
      %dma_wait3A_283 = tpu.memref_squeeze %dma_wait3A_282 : memref<1x128xi32, #tpu.memory_space<hbm>> -> memref<128xi32, #tpu.memory_space<hbm>>
      %dma_wait3A_284 = tpu.memref_slice %arg9[%dma_wait3A_278] : memref<4x!tpu.dma_semaphore, #tpu.memory_space<semaphore_mem>> -> memref<1x!tpu.dma_semaphore, #tpu.memory_space<semaphore_mem>>
      %dma_wait3A_285 = tpu.memref_squeeze %dma_wait3A_284 : memref<1x!tpu.dma_semaphore, #tpu.memory_space<semaphore_mem>> -> memref<!tpu.dma_semaphore, #tpu.memory_space<semaphore_mem>>
      %dma_wait3A_286 = arith.constant 0 : i32
      %dma_wait3A_287 = tpu.memref_slice %arg6[%dma_wait3A_276, %dma_wait3A_277, %dma_wait3A_286] : memref<4x2x128xi32, #tpu.memory_space<vmem>> -> memref<1x1x128xi32, #tpu.memory_space<vmem>>
      %dma_wait3A_288 = tpu.memref_squeeze %dma_wait3A_287 : memref<1x1x128xi32, #tpu.memory_space<vmem>> -> memref<128xi32, #tpu.memory_space<vmem>>
      %dma_wait3A_289 = tpu.memref_slice %arg3[%dma_wait3A_275, %mul3A_274] : memref<2x327680xi32, #tpu.memory_space<hbm>> -> memref<1x128xi32, #tpu.memory_space<hbm>>
      %dma_wait3A_290 = tpu.memref_squeeze %dma_wait3A_289 : memref<1x128xi32, #tpu.memory_space<hbm>> -> memref<128xi32, #tpu.memory_space<hbm>>
      tpu.wait_dma2 semaphore(%dma_wait3A_285 : memref<!tpu.dma_semaphore, #tpu.memory_space<semaphore_mem>>) src(%dma_wait3A_290 : memref<128xi32, #tpu.memory_space<hbm>>) dst(%dma_wait3A_288 : memref<128xi32, #tpu.memory_space<vmem>>)
      %dma_wait3A_291 = arith.constant 1 : i32
      %dma_wait3A_292 = arith.constant 2 : i32
      %dma_wait3A_293 = arith.constant 1 : i32
      %dma_wait3A_294 = arith.constant 2 : i32
      %dma_wait3A_295 = arith.constant 0 : i32
      %dma_wait3A_296 = tpu.memref_slice %arg6[%dma_wait3A_292, %dma_wait3A_293, %dma_wait3A_295] : memref<4x2x128xi32, #tpu.memory_space<vmem>> -> memref<1x1x128xi32, #tpu.memory_space<vmem>>
      %dma_wait3A_297 = tpu.memref_squeeze %dma_wait3A_296 : memref<1x1x128xi32, #tpu.memory_space<vmem>> -> memref<128xi32, #tpu.memory_space<vmem>>
      %dma_wait3A_298 = tpu.memref_slice %arg3[%dma_wait3A_291, %mul3A_274] : memref<2x327680xi32, #tpu.memory_space<hbm>> -> memref<1x128xi32, #tpu.memory_space<hbm>>
      %dma_wait3A_299 = tpu.memref_squeeze %dma_wait3A_298 : memref<1x128xi32, #tpu.memory_space<hbm>> -> memref<128xi32, #tpu.memory_space<hbm>>
      %dma_wait3A_300 = tpu.memref_slice %arg9[%dma_wait3A_294] : memref<4x!tpu.dma_semaphore, #tpu.memory_space<semaphore_mem>> -> memref<1x!tpu.dma_semaphore, #tpu.memory_space<semaphore_mem>>
      %dma_wait3A_301 = tpu.memref_squeeze %dma_wait3A_300 : memref<1x!tpu.dma_semaphore, #tpu.memory_space<semaphore_mem>> -> memref<!tpu.dma_semaphore, #tpu.memory_space<semaphore_mem>>
      %dma_wait3A_302 = arith.constant 0 : i32
      %dma_wait3A_303 = tpu.memref_slice %arg6[%dma_wait3A_292, %dma_wait3A_293, %dma_wait3A_302] : memref<4x2x128xi32, #tpu.memory_space<vmem>> -> memref<1x1x128xi32, #tpu.memory_space<vmem>>
      %dma_wait3A_304 = tpu.memref_squeeze %dma_wait3A_303 : memref<1x1x128xi32, #tpu.memory_space<vmem>> -> memref<128xi32, #tpu.memory_space<vmem>>
      %dma_wait3A_305 = tpu.memref_slice %arg3[%dma_wait3A_291, %mul3A_274] : memref<2x327680xi32, #tpu.memory_space<hbm>> -> memref<1x128xi32, #tpu.memory_space<hbm>>
      %dma_wait3A_306 = tpu.memref_squeeze %dma_wait3A_305 : memref<1x128xi32, #tpu.memory_space<hbm>> -> memref<128xi32, #tpu.memory_space<hbm>>
      tpu.wait_dma2 semaphore(%dma_wait3A_301 : memref<!tpu.dma_semaphore, #tpu.memory_space<semaphore_mem>>) src(%dma_wait3A_306 : memref<128xi32, #tpu.memory_space<hbm>>) dst(%dma_wait3A_304 : memref<128xi32, #tpu.memory_space<vmem>>)
      %dma_start3A_307 = arith.constant 2 : i32
      %dma_start3A_308 = arith.constant 0 : i32
      %dma_start3A_309 = arith.constant 2 : i32
      %dma_start3A_310 = arith.constant 2 : i32
      %dma_start3A_311 = arith.constant 0 : i32
      %dma_start3A_312 = arith.constant 0 : i32
      %dma_start3A_313 = tpu.memref_slice %arg7[%dma_start3A_309, %dma_start3A_311, %dma_start3A_312] : memref<4x128x64xf32, #tpu.memory_space<vmem>> -> memref<1x128x64xf32, #tpu.memory_space<vmem>>
      %dma_start3A_314 = tpu.memref_squeeze %dma_start3A_313 : memref<1x128x64xf32, #tpu.memory_space<vmem>> -> memref<128x64xf32, #tpu.memory_space<vmem>>
      %dma_start3A_315 = arith.constant 0 : i32
      %dma_start3A_316 = tpu.memref_slice %arg6[%dma_start3A_307, %dma_start3A_308, %dma_start3A_315] : memref<4x2x128xi32, #tpu.memory_space<vmem>> -> memref<1x1x128xi32, #tpu.memory_space<vmem>>
      %dma_start3A_317 = tpu.memref_squeeze %dma_start3A_316 : memref<1x1x128xi32, #tpu.memory_space<vmem>> -> memref<128xi32, #tpu.memory_space<vmem>>
      %dma_start3A_318 = arith.constant 0 : i32
      %dma_start3A_319 = arith.constant 0 : i32
      %dma_start3A_320 = tpu.memref_slice %arg2[%dma_start3A_318, %dma_start3A_319] : memref<10000x64xf32, #tpu.memory_space<hbm>> -> memref<10000x64xf32, #tpu.memory_space<hbm>>
      %dma_start3A_321 = tpu.memref_slice %arg10[%dma_start3A_310] : memref<4x!tpu.dma_semaphore, #tpu.memory_space<semaphore_mem>> -> memref<1x!tpu.dma_semaphore, #tpu.memory_space<semaphore_mem>>
      %dma_start3A_322 = tpu.memref_squeeze %dma_start3A_321 : memref<1x!tpu.dma_semaphore, #tpu.memory_space<semaphore_mem>> -> memref<!tpu.dma_semaphore, #tpu.memory_space<semaphore_mem>>
      tpu.enqueue_indirect_dma source(%dma_start3A_320 : memref<10000x64xf32, #tpu.memory_space<hbm>>) target(%dma_start3A_314 : memref<128x64xf32, #tpu.memory_space<vmem>>) offsets(%dma_start3A_317 : memref<128xi32, #tpu.memory_space<vmem>>) semaphore(%dma_start3A_322 : memref<!tpu.dma_semaphore, #tpu.memory_space<semaphore_mem>>)
      %add3A_323 = arith.constant 3 : i32
      %add3A_324 = arith.addi %add3A_167, %add3A_323 : i32
      %mul3A_325 = arith.constant 128 : i32
      %mul3A_326 = arith.muli %add3A_324, %mul3A_325 : i32
      %dma_wait3A_327 = arith.constant 0 : i32
      %dma_wait3A_328 = arith.constant 3 : i32
      %dma_wait3A_329 = arith.constant 0 : i32
      %dma_wait3A_330 = arith.constant 3 : i32
      %dma_wait3A_331 = arith.constant 0 : i32
      %dma_wait3A_332 = tpu.memref_slice %arg6[%dma_wait3A_328, %dma_wait3A_329, %dma_wait3A_331] : memref<4x2x128xi32, #tpu.memory_space<vmem>> -> memref<1x1x128xi32, #tpu.memory_space<vmem>>
      %dma_wait3A_333 = tpu.memref_squeeze %dma_wait3A_332 : memref<1x1x128xi32, #tpu.memory_space<vmem>> -> memref<128xi32, #tpu.memory_space<vmem>>
      %dma_wait3A_334 = tpu.memref_slice %arg3[%dma_wait3A_327, %mul3A_326] : memref<2x327680xi32, #tpu.memory_space<hbm>> -> memref<1x128xi32, #tpu.memory_space<hbm>>
      %dma_wait3A_335 = tpu.memref_squeeze %dma_wait3A_334 : memref<1x128xi32, #tpu.memory_space<hbm>> -> memref<128xi32, #tpu.memory_space<hbm>>
      %dma_wait3A_336 = tpu.memref_slice %arg9[%dma_wait3A_330] : memref<4x!tpu.dma_semaphore, #tpu.memory_space<semaphore_mem>> -> memref<1x!tpu.dma_semaphore, #tpu.memory_space<semaphore_mem>>
      %dma_wait3A_337 = tpu.memref_squeeze %dma_wait3A_336 : memref<1x!tpu.dma_semaphore, #tpu.memory_space<semaphore_mem>> -> memref<!tpu.dma_semaphore, #tpu.memory_space<semaphore_mem>>
      %dma_wait3A_338 = arith.constant 0 : i32
      %dma_wait3A_339 = tpu.memref_slice %arg6[%dma_wait3A_328, %dma_wait3A_329, %dma_wait3A_338] : memref<4x2x128xi32, #tpu.memory_space<vmem>> -> memref<1x1x128xi32, #tpu.memory_space<vmem>>
      %dma_wait3A_340 = tpu.memref_squeeze %dma_wait3A_339 : memref<1x1x128xi32, #tpu.memory_space<vmem>> -> memref<128xi32, #tpu.memory_space<vmem>>
      %dma_wait3A_341 = tpu.memref_slice %arg3[%dma_wait3A_327, %mul3A_326] : memref<2x327680xi32, #tpu.memory_space<hbm>> -> memref<1x128xi32, #tpu.memory_space<hbm>>
      %dma_wait3A_342 = tpu.memref_squeeze %dma_wait3A_341 : memref<1x128xi32, #tpu.memory_space<hbm>> -> memref<128xi32, #tpu.memory_space<hbm>>
      tpu.wait_dma2 semaphore(%dma_wait3A_337 : memref<!tpu.dma_semaphore, #tpu.memory_space<semaphore_mem>>) src(%dma_wait3A_342 : memref<128xi32, #tpu.memory_space<hbm>>) dst(%dma_wait3A_340 : memref<128xi32, #tpu.memory_space<vmem>>)
      %dma_wait3A_343 = arith.constant 1 : i32
      %dma_wait3A_344 = arith.constant 3 : i32
      %dma_wait3A_345 = arith.constant 1 : i32
      %dma_wait3A_346 = arith.constant 3 : i32
      %dma_wait3A_347 = arith.constant 0 : i32
      %dma_wait3A_348 = tpu.memref_slice %arg6[%dma_wait3A_344, %dma_wait3A_345, %dma_wait3A_347] : memref<4x2x128xi32, #tpu.memory_space<vmem>> -> memref<1x1x128xi32, #tpu.memory_space<vmem>>
      %dma_wait3A_349 = tpu.memref_squeeze %dma_wait3A_348 : memref<1x1x128xi32, #tpu.memory_space<vmem>> -> memref<128xi32, #tpu.memory_space<vmem>>
      %dma_wait3A_350 = tpu.memref_slice %arg3[%dma_wait3A_343, %mul3A_326] : memref<2x327680xi32, #tpu.memory_space<hbm>> -> memref<1x128xi32, #tpu.memory_space<hbm>>
      %dma_wait3A_351 = tpu.memref_squeeze %dma_wait3A_350 : memref<1x128xi32, #tpu.memory_space<hbm>> -> memref<128xi32, #tpu.memory_space<hbm>>
      %dma_wait3A_352 = tpu.memref_slice %arg9[%dma_wait3A_346] : memref<4x!tpu.dma_semaphore, #tpu.memory_space<semaphore_mem>> -> memref<1x!tpu.dma_semaphore, #tpu.memory_space<semaphore_mem>>
      %dma_wait3A_353 = tpu.memref_squeeze %dma_wait3A_352 : memref<1x!tpu.dma_semaphore, #tpu.memory_space<semaphore_mem>> -> memref<!tpu.dma_semaphore, #tpu.memory_space<semaphore_mem>>
      %dma_wait3A_354 = arith.constant 0 : i32
      %dma_wait3A_355 = tpu.memref_slice %arg6[%dma_wait3A_344, %dma_wait3A_345, %dma_wait3A_354] : memref<4x2x128xi32, #tpu.memory_space<vmem>> -> memref<1x1x128xi32, #tpu.memory_space<vmem>>
      %dma_wait3A_356 = tpu.memref_squeeze %dma_wait3A_355 : memref<1x1x128xi32, #tpu.memory_space<vmem>> -> memref<128xi32, #tpu.memory_space<vmem>>
      %dma_wait3A_357 = tpu.memref_slice %arg3[%dma_wait3A_343, %mul3A_326] : memref<2x327680xi32, #tpu.memory_space<hbm>> -> memref<1x128xi32, #tpu.memory_space<hbm>>
      %dma_wait3A_358 = tpu.memref_squeeze %dma_wait3A_357 : memref<1x128xi32, #tpu.memory_space<hbm>> -> memref<128xi32, #tpu.memory_space<hbm>>
      tpu.wait_dma2 semaphore(%dma_wait3A_353 : memref<!tpu.dma_semaphore, #tpu.memory_space<semaphore_mem>>) src(%dma_wait3A_358 : memref<128xi32, #tpu.memory_space<hbm>>) dst(%dma_wait3A_356 : memref<128xi32, #tpu.memory_space<vmem>>)
      %dma_start3A_359 = arith.constant 3 : i32
      %dma_start3A_360 = arith.constant 0 : i32
      %dma_start3A_361 = arith.constant 3 : i32
      %dma_start3A_362 = arith.constant 3 : i32
      %dma_start3A_363 = arith.constant 0 : i32
      %dma_start3A_364 = arith.constant 0 : i32
      %dma_start3A_365 = tpu.memref_slice %arg7[%dma_start3A_361, %dma_start3A_363, %dma_start3A_364] : memref<4x128x64xf32, #tpu.memory_space<vmem>> -> memref<1x128x64xf32, #tpu.memory_space<vmem>>
      %dma_start3A_366 = tpu.memref_squeeze %dma_start3A_365 : memref<1x128x64xf32, #tpu.memory_space<vmem>> -> memref<128x64xf32, #tpu.memory_space<vmem>>
      %dma_start3A_367 = arith.constant 0 : i32
      %dma_start3A_368 = tpu.memref_slice %arg6[%dma_start3A_359, %dma_start3A_360, %dma_start3A_367] : memref<4x2x128xi32, #tpu.memory_space<vmem>> -> memref<1x1x128xi32, #tpu.memory_space<vmem>>
      %dma_start3A_369 = tpu.memref_squeeze %dma_start3A_368 : memref<1x1x128xi32, #tpu.memory_space<vmem>> -> memref<128xi32, #tpu.memory_space<vmem>>
      %dma_start3A_370 = arith.constant 0 : i32
      %dma_start3A_371 = arith.constant 0 : i32
      %dma_start3A_372 = tpu.memref_slice %arg2[%dma_start3A_370, %dma_start3A_371] : memref<10000x64xf32, #tpu.memory_space<hbm>> -> memref<10000x64xf32, #tpu.memory_space<hbm>>
      %dma_start3A_373 = tpu.memref_slice %arg10[%dma_start3A_362] : memref<4x!tpu.dma_semaphore, #tpu.memory_space<semaphore_mem>> -> memref<1x!tpu.dma_semaphore, #tpu.memory_space<semaphore_mem>>
      %dma_start3A_374 = tpu.memref_squeeze %dma_start3A_373 : memref<1x!tpu.dma_semaphore, #tpu.memory_space<semaphore_mem>> -> memref<!tpu.dma_semaphore, #tpu.memory_space<semaphore_mem>>
      tpu.enqueue_indirect_dma source(%dma_start3A_372 : memref<10000x64xf32, #tpu.memory_space<hbm>>) target(%dma_start3A_366 : memref<128x64xf32, #tpu.memory_space<vmem>>) offsets(%dma_start3A_369 : memref<128xi32, #tpu.memory_space<vmem>>) semaphore(%dma_start3A_374 : memref<!tpu.dma_semaphore, #tpu.memory_space<semaphore_mem>>)
      %dma_wait3A_375 = arith.constant 0 : i32
      %dma_wait3A_376 = arith.constant 0 : i32
      %dma_wait3A_377 = arith.constant 0 : i32
      %dma_wait3A_378 = arith.constant 0 : i32
      %dma_wait3A_379 = arith.constant 0 : i32
      %dma_wait3A_380 = arith.constant 0 : i32
      %dma_wait3A_381 = tpu.memref_slice %arg7[%dma_wait3A_377, %dma_wait3A_379, %dma_wait3A_380] : memref<4x128x64xf32, #tpu.memory_space<vmem>> -> memref<1x128x64xf32, #tpu.memory_space<vmem>>
      %dma_wait3A_382 = tpu.memref_squeeze %dma_wait3A_381 : memref<1x128x64xf32, #tpu.memory_space<vmem>> -> memref<128x64xf32, #tpu.memory_space<vmem>>
      %dma_wait3A_383 = arith.constant 0 : i32
      %dma_wait3A_384 = tpu.memref_slice %arg6[%dma_wait3A_375, %dma_wait3A_376, %dma_wait3A_383] : memref<4x2x128xi32, #tpu.memory_space<vmem>> -> memref<1x1x128xi32, #tpu.memory_space<vmem>>
      %dma_wait3A_385 = tpu.memref_squeeze %dma_wait3A_384 : memref<1x1x128xi32, #tpu.memory_space<vmem>> -> memref<128xi32, #tpu.memory_space<vmem>>
      %dma_wait3A_386 = arith.constant 0 : i32
      %dma_wait3A_387 = arith.constant 0 : i32
      %dma_wait3A_388 = tpu.memref_slice %arg2[%dma_wait3A_386, %dma_wait3A_387] : memref<10000x64xf32, #tpu.memory_space<hbm>> -> memref<10000x64xf32, #tpu.memory_space<hbm>>
      %dma_wait3A_389 = tpu.memref_slice %arg10[%dma_wait3A_378] : memref<4x!tpu.dma_semaphore, #tpu.memory_space<semaphore_mem>> -> memref<1x!tpu.dma_semaphore, #tpu.memory_space<semaphore_mem>>
      %dma_wait3A_390 = tpu.memref_squeeze %dma_wait3A_389 : memref<1x!tpu.dma_semaphore, #tpu.memory_space<semaphore_mem>> -> memref<!tpu.dma_semaphore, #tpu.memory_space<semaphore_mem>>
      tpu.wait_indirect_dma semaphore(%dma_wait3A_390 : memref<!tpu.dma_semaphore, #tpu.memory_space<semaphore_mem>>) src(%dma_wait3A_388 : memref<10000x64xf32, #tpu.memory_space<hbm>>) dst(%dma_wait3A_382 : memref<128x64xf32, #tpu.memory_space<vmem>>)
      %dma_start3A_391 = arith.constant 0 : i32
      %dma_start3A_392 = arith.constant 0 : i32
      %dma_start3A_393 = arith.constant 1 : i32
      %dma_start3A_394 = arith.constant 0 : i32
      %dma_start3A_395 = arith.constant 0 : i32
      %dma_start3A_396 = arith.constant 0 : i32
      %dma_start3A_397 = tpu.memref_slice %arg7[%dma_start3A_391, %dma_start3A_395, %dma_start3A_396] : memref<4x128x64xf32, #tpu.memory_space<vmem>> -> memref<1x128x64xf32, #tpu.memory_space<vmem>>
      %dma_start3A_398 = tpu.memref_squeeze %dma_start3A_397 : memref<1x128x64xf32, #tpu.memory_space<vmem>> -> memref<128x64xf32, #tpu.memory_space<vmem>>
      %dma_start3A_399 = arith.constant 0 : i32
      %dma_start3A_400 = tpu.memref_slice %arg6[%dma_start3A_392, %dma_start3A_393, %dma_start3A_399] : memref<4x2x128xi32, #tpu.memory_space<vmem>> -> memref<1x1x128xi32, #tpu.memory_space<vmem>>
      %dma_start3A_401 = tpu.memref_squeeze %dma_start3A_400 : memref<1x1x128xi32, #tpu.memory_space<vmem>> -> memref<128xi32, #tpu.memory_space<vmem>>
      %dma_start3A_402 = arith.constant 0 : i32
      %dma_start3A_403 = arith.constant 0 : i32
      %dma_start3A_404 = tpu.memref_slice %arg5[%dma_start3A_402, %dma_start3A_403] : memref<10016x64xf32, #tpu.memory_space<vmem_shared>> -> memref<10016x64xf32, #tpu.memory_space<vmem_shared>>
      %dma_start3A_405 = tpu.memref_slice %arg11[%dma_start3A_394] : memref<4x!tpu.dma_semaphore, #tpu.memory_space<semaphore_mem>> -> memref<1x!tpu.dma_semaphore, #tpu.memory_space<semaphore_mem>>
      %dma_start3A_406 = tpu.memref_squeeze %dma_start3A_405 : memref<1x!tpu.dma_semaphore, #tpu.memory_space<semaphore_mem>> -> memref<!tpu.dma_semaphore, #tpu.memory_space<semaphore_mem>>
      tpu.enqueue_indirect_dma source(%dma_start3A_398 : memref<128x64xf32, #tpu.memory_space<vmem>>) target(%dma_start3A_404 : memref<10016x64xf32, #tpu.memory_space<vmem_shared>>) offsets(%dma_start3A_401 : memref<128xi32, #tpu.memory_space<vmem>>) semaphore(%dma_start3A_406 : memref<!tpu.dma_semaphore, #tpu.memory_space<semaphore_mem>>) {add = true}
      %dma_wait3A_407 = arith.constant 1 : i32
      %dma_wait3A_408 = arith.constant 0 : i32
      %dma_wait3A_409 = arith.constant 1 : i32
      %dma_wait3A_410 = arith.constant 1 : i32
      %dma_wait3A_411 = arith.constant 0 : i32
      %dma_wait3A_412 = arith.constant 0 : i32
      %dma_wait3A_413 = tpu.memref_slice %arg7[%dma_wait3A_409, %dma_wait3A_411, %dma_wait3A_412] : memref<4x128x64xf32, #tpu.memory_space<vmem>> -> memref<1x128x64xf32, #tpu.memory_space<vmem>>
      %dma_wait3A_414 = tpu.memref_squeeze %dma_wait3A_413 : memref<1x128x64xf32, #tpu.memory_space<vmem>> -> memref<128x64xf32, #tpu.memory_space<vmem>>
      %dma_wait3A_415 = arith.constant 0 : i32
      %dma_wait3A_416 = tpu.memref_slice %arg6[%dma_wait3A_407, %dma_wait3A_408, %dma_wait3A_415] : memref<4x2x128xi32, #tpu.memory_space<vmem>> -> memref<1x1x128xi32, #tpu.memory_space<vmem>>
      %dma_wait3A_417 = tpu.memref_squeeze %dma_wait3A_416 : memref<1x1x128xi32, #tpu.memory_space<vmem>> -> memref<128xi32, #tpu.memory_space<vmem>>
      %dma_wait3A_418 = arith.constant 0 : i32
      %dma_wait3A_419 = arith.constant 0 : i32
      %dma_wait3A_420 = tpu.memref_slice %arg2[%dma_wait3A_418, %dma_wait3A_419] : memref<10000x64xf32, #tpu.memory_space<hbm>> -> memref<10000x64xf32, #tpu.memory_space<hbm>>
      %dma_wait3A_421 = tpu.memref_slice %arg10[%dma_wait3A_410] : memref<4x!tpu.dma_semaphore, #tpu.memory_space<semaphore_mem>> -> memref<1x!tpu.dma_semaphore, #tpu.memory_space<semaphore_mem>>
      %dma_wait3A_422 = tpu.memref_squeeze %dma_wait3A_421 : memref<1x!tpu.dma_semaphore, #tpu.memory_space<semaphore_mem>> -> memref<!tpu.dma_semaphore, #tpu.memory_space<semaphore_mem>>
      tpu.wait_indirect_dma semaphore(%dma_wait3A_422 : memref<!tpu.dma_semaphore, #tpu.memory_space<semaphore_mem>>) src(%dma_wait3A_420 : memref<10000x64xf32, #tpu.memory_space<hbm>>) dst(%dma_wait3A_414 : memref<128x64xf32, #tpu.memory_space<vmem>>)
      %dma_start3A_423 = arith.constant 1 : i32
      %dma_start3A_424 = arith.constant 1 : i32
      %dma_start3A_425 = arith.constant 1 : i32
      %dma_start3A_426 = arith.constant 1 : i32
      %dma_start3A_427 = arith.constant 0 : i32
      %dma_start3A_428 = arith.constant 0 : i32
      %dma_start3A_429 = tpu.memref_slice %arg7[%dma_start3A_423, %dma_start3A_427, %dma_start3A_428] : memref<4x128x64xf32, #tpu.memory_space<vmem>> -> memref<1x128x64xf32, #tpu.memory_space<vmem>>
      %dma_start3A_430 = tpu.memref_squeeze %dma_start3A_429 : memref<1x128x64xf32, #tpu.memory_space<vmem>> -> memref<128x64xf32, #tpu.memory_space<vmem>>
      %dma_start3A_431 = arith.constant 0 : i32
      %dma_start3A_432 = tpu.memref_slice %arg6[%dma_start3A_424, %dma_start3A_425, %dma_start3A_431] : memref<4x2x128xi32, #tpu.memory_space<vmem>> -> memref<1x1x128xi32, #tpu.memory_space<vmem>>
      %dma_start3A_433 = tpu.memref_squeeze %dma_start3A_432 : memref<1x1x128xi32, #tpu.memory_space<vmem>> -> memref<128xi32, #tpu.memory_space<vmem>>
      %dma_start3A_434 = arith.constant 0 : i32
      %dma_start3A_435 = arith.constant 0 : i32
      %dma_start3A_436 = tpu.memref_slice %arg5[%dma_start3A_434, %dma_start3A_435] : memref<10016x64xf32, #tpu.memory_space<vmem_shared>> -> memref<10016x64xf32, #tpu.memory_space<vmem_shared>>
      %dma_start3A_437 = tpu.memref_slice %arg11[%dma_start3A_426] : memref<4x!tpu.dma_semaphore, #tpu.memory_space<semaphore_mem>> -> memref<1x!tpu.dma_semaphore, #tpu.memory_space<semaphore_mem>>
      %dma_start3A_438 = tpu.memref_squeeze %dma_start3A_437 : memref<1x!tpu.dma_semaphore, #tpu.memory_space<semaphore_mem>> -> memref<!tpu.dma_semaphore, #tpu.memory_space<semaphore_mem>>
      tpu.enqueue_indirect_dma source(%dma_start3A_430 : memref<128x64xf32, #tpu.memory_space<vmem>>) target(%dma_start3A_436 : memref<10016x64xf32, #tpu.memory_space<vmem_shared>>) offsets(%dma_start3A_433 : memref<128xi32, #tpu.memory_space<vmem>>) semaphore(%dma_start3A_438 : memref<!tpu.dma_semaphore, #tpu.memory_space<semaphore_mem>>) {add = true}
      %dma_wait3A_439 = arith.constant 2 : i32
      %dma_wait3A_440 = arith.constant 0 : i32
      %dma_wait3A_441 = arith.constant 2 : i32
      %dma_wait3A_442 = arith.constant 2 : i32
      %dma_wait3A_443 = arith.constant 0 : i32
      %dma_wait3A_444 = arith.constant 0 : i32
      %dma_wait3A_445 = tpu.memref_slice %arg7[%dma_wait3A_441, %dma_wait3A_443, %dma_wait3A_444] : memref<4x128x64xf32, #tpu.memory_space<vmem>> -> memref<1x128x64xf32, #tpu.memory_space<vmem>>
      %dma_wait3A_446 = tpu.memref_squeeze %dma_wait3A_445 : memref<1x128x64xf32, #tpu.memory_space<vmem>> -> memref<128x64xf32, #tpu.memory_space<vmem>>
      %dma_wait3A_447 = arith.constant 0 : i32
      %dma_wait3A_448 = tpu.memref_slice %arg6[%dma_wait3A_439, %dma_wait3A_440, %dma_wait3A_447] : memref<4x2x128xi32, #tpu.memory_space<vmem>> -> memref<1x1x128xi32, #tpu.memory_space<vmem>>
      %dma_wait3A_449 = tpu.memref_squeeze %dma_wait3A_448 : memref<1x1x128xi32, #tpu.memory_space<vmem>> -> memref<128xi32, #tpu.memory_space<vmem>>
      %dma_wait3A_450 = arith.constant 0 : i32
      %dma_wait3A_451 = arith.constant 0 : i32
      %dma_wait3A_452 = tpu.memref_slice %arg2[%dma_wait3A_450, %dma_wait3A_451] : memref<10000x64xf32, #tpu.memory_space<hbm>> -> memref<10000x64xf32, #tpu.memory_space<hbm>>
      %dma_wait3A_453 = tpu.memref_slice %arg10[%dma_wait3A_442] : memref<4x!tpu.dma_semaphore, #tpu.memory_space<semaphore_mem>> -> memref<1x!tpu.dma_semaphore, #tpu.memory_space<semaphore_mem>>
      %dma_wait3A_454 = tpu.memref_squeeze %dma_wait3A_453 : memref<1x!tpu.dma_semaphore, #tpu.memory_space<semaphore_mem>> -> memref<!tpu.dma_semaphore, #tpu.memory_space<semaphore_mem>>
      tpu.wait_indirect_dma semaphore(%dma_wait3A_454 : memref<!tpu.dma_semaphore, #tpu.memory_space<semaphore_mem>>) src(%dma_wait3A_452 : memref<10000x64xf32, #tpu.memory_space<hbm>>) dst(%dma_wait3A_446 : memref<128x64xf32, #tpu.memory_space<vmem>>)
      %dma_start3A_455 = arith.constant 2 : i32
      %dma_start3A_456 = arith.constant 2 : i32
      %dma_start3A_457 = arith.constant 1 : i32
      %dma_start3A_458 = arith.constant 2 : i32
      %dma_start3A_459 = arith.constant 0 : i32
      %dma_start3A_460 = arith.constant 0 : i32
      %dma_start3A_461 = tpu.memref_slice %arg7[%dma_start3A_455, %dma_start3A_459, %dma_start3A_460] : memref<4x128x64xf32, #tpu.memory_space<vmem>> -> memref<1x128x64xf32, #tpu.memory_space<vmem>>
      %dma_start3A_462 = tpu.memref_squeeze %dma_start3A_461 : memref<1x128x64xf32, #tpu.memory_space<vmem>> -> memref<128x64xf32, #tpu.memory_space<vmem>>
      %dma_start3A_463 = arith.constant 0 : i32
      %dma_start3A_464 = tpu.memref_slice %arg6[%dma_start3A_456, %dma_start3A_457, %dma_start3A_463] : memref<4x2x128xi32, #tpu.memory_space<vmem>> -> memref<1x1x128xi32, #tpu.memory_space<vmem>>
      %dma_start3A_465 = tpu.memref_squeeze %dma_start3A_464 : memref<1x1x128xi32, #tpu.memory_space<vmem>> -> memref<128xi32, #tpu.memory_space<vmem>>
      %dma_start3A_466 = arith.constant 0 : i32
      %dma_start3A_467 = arith.constant 0 : i32
      %dma_start3A_468 = tpu.memref_slice %arg5[%dma_start3A_466, %dma_start3A_467] : memref<10016x64xf32, #tpu.memory_space<vmem_shared>> -> memref<10016x64xf32, #tpu.memory_space<vmem_shared>>
      %dma_start3A_469 = tpu.memref_slice %arg11[%dma_start3A_458] : memref<4x!tpu.dma_semaphore, #tpu.memory_space<semaphore_mem>> -> memref<1x!tpu.dma_semaphore, #tpu.memory_space<semaphore_mem>>
      %dma_start3A_470 = tpu.memref_squeeze %dma_start3A_469 : memref<1x!tpu.dma_semaphore, #tpu.memory_space<semaphore_mem>> -> memref<!tpu.dma_semaphore, #tpu.memory_space<semaphore_mem>>
      tpu.enqueue_indirect_dma source(%dma_start3A_462 : memref<128x64xf32, #tpu.memory_space<vmem>>) target(%dma_start3A_468 : memref<10016x64xf32, #tpu.memory_space<vmem_shared>>) offsets(%dma_start3A_465 : memref<128xi32, #tpu.memory_space<vmem>>) semaphore(%dma_start3A_470 : memref<!tpu.dma_semaphore, #tpu.memory_space<semaphore_mem>>) {add = true}
      %dma_wait3A_471 = arith.constant 3 : i32
      %dma_wait3A_472 = arith.constant 0 : i32
      %dma_wait3A_473 = arith.constant 3 : i32
      %dma_wait3A_474 = arith.constant 3 : i32
      %dma_wait3A_475 = arith.constant 0 : i32
      %dma_wait3A_476 = arith.constant 0 : i32
      %dma_wait3A_477 = tpu.memref_slice %arg7[%dma_wait3A_473, %dma_wait3A_475, %dma_wait3A_476] : memref<4x128x64xf32, #tpu.memory_space<vmem>> -> memref<1x128x64xf32, #tpu.memory_space<vmem>>
      %dma_wait3A_478 = tpu.memref_squeeze %dma_wait3A_477 : memref<1x128x64xf32, #tpu.memory_space<vmem>> -> memref<128x64xf32, #tpu.memory_space<vmem>>
      %dma_wait3A_479 = arith.constant 0 : i32
      %dma_wait3A_480 = tpu.memref_slice %arg6[%dma_wait3A_471, %dma_wait3A_472, %dma_wait3A_479] : memref<4x2x128xi32, #tpu.memory_space<vmem>> -> memref<1x1x128xi32, #tpu.memory_space<vmem>>
      %dma_wait3A_481 = tpu.memref_squeeze %dma_wait3A_480 : memref<1x1x128xi32, #tpu.memory_space<vmem>> -> memref<128xi32, #tpu.memory_space<vmem>>
      %dma_wait3A_482 = arith.constant 0 : i32
      %dma_wait3A_483 = arith.constant 0 : i32
      %dma_wait3A_484 = tpu.memref_slice %arg2[%dma_wait3A_482, %dma_wait3A_483] : memref<10000x64xf32, #tpu.memory_space<hbm>> -> memref<10000x64xf32, #tpu.memory_space<hbm>>
      %dma_wait3A_485 = tpu.memref_slice %arg10[%dma_wait3A_474] : memref<4x!tpu.dma_semaphore, #tpu.memory_space<semaphore_mem>> -> memref<1x!tpu.dma_semaphore, #tpu.memory_space<semaphore_mem>>
      %dma_wait3A_486 = tpu.memref_squeeze %dma_wait3A_485 : memref<1x!tpu.dma_semaphore, #tpu.memory_space<semaphore_mem>> -> memref<!tpu.dma_semaphore, #tpu.memory_space<semaphore_mem>>
      tpu.wait_indirect_dma semaphore(%dma_wait3A_486 : memref<!tpu.dma_semaphore, #tpu.memory_space<semaphore_mem>>) src(%dma_wait3A_484 : memref<10000x64xf32, #tpu.memory_space<hbm>>) dst(%dma_wait3A_478 : memref<128x64xf32, #tpu.memory_space<vmem>>)
      %dma_start3A_487 = arith.constant 3 : i32
      %dma_start3A_488 = arith.constant 3 : i32
      %dma_start3A_489 = arith.constant 1 : i32
      %dma_start3A_490 = arith.constant 3 : i32
      %dma_start3A_491 = arith.constant 0 : i32
      %dma_start3A_492 = arith.constant 0 : i32
      %dma_start3A_493 = tpu.memref_slice %arg7[%dma_start3A_487, %dma_start3A_491, %dma_start3A_492] : memref<4x128x64xf32, #tpu.memory_space<vmem>> -> memref<1x128x64xf32, #tpu.memory_space<vmem>>
      %dma_start3A_494 = tpu.memref_squeeze %dma_start3A_493 : memref<1x128x64xf32, #tpu.memory_space<vmem>> -> memref<128x64xf32, #tpu.memory_space<vmem>>
      %dma_start3A_495 = arith.constant 0 : i32
      %dma_start3A_496 = tpu.memref_slice %arg6[%dma_start3A_488, %dma_start3A_489, %dma_start3A_495] : memref<4x2x128xi32, #tpu.memory_space<vmem>> -> memref<1x1x128xi32, #tpu.memory_space<vmem>>
      %dma_start3A_497 = tpu.memref_squeeze %dma_start3A_496 : memref<1x1x128xi32, #tpu.memory_space<vmem>> -> memref<128xi32, #tpu.memory_space<vmem>>
      %dma_start3A_498 = arith.constant 0 : i32
      %dma_start3A_499 = arith.constant 0 : i32
      %dma_start3A_500 = tpu.memref_slice %arg5[%dma_start3A_498, %dma_start3A_499] : memref<10016x64xf32, #tpu.memory_space<vmem_shared>> -> memref<10016x64xf32, #tpu.memory_space<vmem_shared>>
      %dma_start3A_501 = tpu.memref_slice %arg11[%dma_start3A_490] : memref<4x!tpu.dma_semaphore, #tpu.memory_space<semaphore_mem>> -> memref<1x!tpu.dma_semaphore, #tpu.memory_space<semaphore_mem>>
      %dma_start3A_502 = tpu.memref_squeeze %dma_start3A_501 : memref<1x!tpu.dma_semaphore, #tpu.memory_space<semaphore_mem>> -> memref<!tpu.dma_semaphore, #tpu.memory_space<semaphore_mem>>
      tpu.enqueue_indirect_dma source(%dma_start3A_494 : memref<128x64xf32, #tpu.memory_space<vmem>>) target(%dma_start3A_500 : memref<10016x64xf32, #tpu.memory_space<vmem_shared>>) offsets(%dma_start3A_497 : memref<128xi32, #tpu.memory_space<vmem>>) semaphore(%dma_start3A_502 : memref<!tpu.dma_semaphore, #tpu.memory_space<semaphore_mem>>) {add = true}
      %dma_wait3A_503 = arith.constant 0 : i32
      %dma_wait3A_504 = arith.constant 0 : i32
      %dma_wait3A_505 = arith.constant 1 : i32
      %dma_wait3A_506 = arith.constant 0 : i32
      %dma_wait3A_507 = arith.constant 0 : i32
      %dma_wait3A_508 = arith.constant 0 : i32
      %dma_wait3A_509 = tpu.memref_slice %arg7[%dma_wait3A_503, %dma_wait3A_507, %dma_wait3A_508] : memref<4x128x64xf32, #tpu.memory_space<vmem>> -> memref<1x128x64xf32, #tpu.memory_space<vmem>>
      %dma_wait3A_510 = tpu.memref_squeeze %dma_wait3A_509 : memref<1x128x64xf32, #tpu.memory_space<vmem>> -> memref<128x64xf32, #tpu.memory_space<vmem>>
      %dma_wait3A_511 = arith.constant 0 : i32
      %dma_wait3A_512 = tpu.memref_slice %arg6[%dma_wait3A_504, %dma_wait3A_505, %dma_wait3A_511] : memref<4x2x128xi32, #tpu.memory_space<vmem>> -> memref<1x1x128xi32, #tpu.memory_space<vmem>>
      %dma_wait3A_513 = tpu.memref_squeeze %dma_wait3A_512 : memref<1x1x128xi32, #tpu.memory_space<vmem>> -> memref<128xi32, #tpu.memory_space<vmem>>
      %dma_wait3A_514 = arith.constant 0 : i32
      %dma_wait3A_515 = arith.constant 0 : i32
      %dma_wait3A_516 = tpu.memref_slice %arg5[%dma_wait3A_514, %dma_wait3A_515] : memref<10016x64xf32, #tpu.memory_space<vmem_shared>> -> memref<10016x64xf32, #tpu.memory_space<vmem_shared>>
      %dma_wait3A_517 = tpu.memref_slice %arg11[%dma_wait3A_506] : memref<4x!tpu.dma_semaphore, #tpu.memory_space<semaphore_mem>> -> memref<1x!tpu.dma_semaphore, #tpu.memory_space<semaphore_mem>>
      %dma_wait3A_518 = tpu.memref_squeeze %dma_wait3A_517 : memref<1x!tpu.dma_semaphore, #tpu.memory_space<semaphore_mem>> -> memref<!tpu.dma_semaphore, #tpu.memory_space<semaphore_mem>>
      tpu.wait_indirect_dma semaphore(%dma_wait3A_518 : memref<!tpu.dma_semaphore, #tpu.memory_space<semaphore_mem>>) src(%dma_wait3A_510 : memref<128x64xf32, #tpu.memory_space<vmem>>) dst(%dma_wait3A_516 : memref<10016x64xf32, #tpu.memory_space<vmem_shared>>)
      %lt3A = arith.constant 19 : i32
      %lt3A_519 = arith.cmpi slt, %scan3A_163, %lt3A : i32
      %convert_element_type3A = arith.extui %lt3A_519 : i1 to i32
      %cond3A = arith.constant 0 : i32
      %cond3A_520 = arith.cmpi ne, %convert_element_type3A, %cond3A : i32
      scf.if %cond3A_520 {
        %add3A_585 = arith.constant 4 : i32
        %add3A_586 = arith.addi %add3A_167, %add3A_585 : i32
        %add3A_587 = arith.constant 0 : i32
        %add3A_588 = arith.addi %add3A_586, %add3A_587 : i32
        %mul3A_589 = arith.constant 128 : i32
        %mul3A_590 = arith.muli %add3A_588, %mul3A_589 : i32
        %dma_start3A_591 = arith.constant 0 : i32
        %dma_start3A_592 = arith.constant 0 : i32
        %dma_start3A_593 = arith.constant 0 : i32
        %dma_start3A_594 = arith.constant 0 : i32
        %dma_start3A_595 = arith.constant 0 : i32
        %dma_start3A_596 = tpu.memref_slice %arg6[%dma_start3A_592, %dma_start3A_593, %dma_start3A_595] : memref<4x2x128xi32, #tpu.memory_space<vmem>> -> memref<1x1x128xi32, #tpu.memory_space<vmem>>
        %dma_start3A_597 = tpu.memref_squeeze %dma_start3A_596 : memref<1x1x128xi32, #tpu.memory_space<vmem>> -> memref<128xi32, #tpu.memory_space<vmem>>
        %dma_start3A_598 = tpu.memref_slice %arg3[%dma_start3A_591, %mul3A_590] : memref<2x327680xi32, #tpu.memory_space<hbm>> -> memref<1x128xi32, #tpu.memory_space<hbm>>
        %dma_start3A_599 = tpu.memref_squeeze %dma_start3A_598 : memref<1x128xi32, #tpu.memory_space<hbm>> -> memref<128xi32, #tpu.memory_space<hbm>>
        %dma_start3A_600 = tpu.memref_slice %arg9[%dma_start3A_594] : memref<4x!tpu.dma_semaphore, #tpu.memory_space<semaphore_mem>> -> memref<1x!tpu.dma_semaphore, #tpu.memory_space<semaphore_mem>>
        %dma_start3A_601 = tpu.memref_squeeze %dma_start3A_600 : memref<1x!tpu.dma_semaphore, #tpu.memory_space<semaphore_mem>> -> memref<!tpu.dma_semaphore, #tpu.memory_space<semaphore_mem>>
        %dma_start3A_602 = arith.constant 0 : i32
        %dma_start3A_603 = tpu.memref_slice %arg6[%dma_start3A_592, %dma_start3A_593, %dma_start3A_602] : memref<4x2x128xi32, #tpu.memory_space<vmem>> -> memref<1x1x128xi32, #tpu.memory_space<vmem>>
        %dma_start3A_604 = tpu.memref_squeeze %dma_start3A_603 : memref<1x1x128xi32, #tpu.memory_space<vmem>> -> memref<128xi32, #tpu.memory_space<vmem>>
        %dma_start3A_605 = tpu.memref_slice %arg3[%dma_start3A_591, %mul3A_590] : memref<2x327680xi32, #tpu.memory_space<hbm>> -> memref<1x128xi32, #tpu.memory_space<hbm>>
        %dma_start3A_606 = tpu.memref_squeeze %dma_start3A_605 : memref<1x128xi32, #tpu.memory_space<hbm>> -> memref<128xi32, #tpu.memory_space<hbm>>
        tpu.enqueue_dma source(%dma_start3A_606 : memref<128xi32, #tpu.memory_space<hbm>>) target(%dma_start3A_604 : memref<128xi32, #tpu.memory_space<vmem>>) target_semaphore(%dma_start3A_601 : memref<!tpu.dma_semaphore, #tpu.memory_space<semaphore_mem>>)
        %dma_start3A_607 = arith.constant 1 : i32
        %dma_start3A_608 = arith.constant 0 : i32
        %dma_start3A_609 = arith.constant 1 : i32
        %dma_start3A_610 = arith.constant 0 : i32
        %dma_start3A_611 = arith.constant 0 : i32
        %dma_start3A_612 = tpu.memref_slice %arg6[%dma_start3A_608, %dma_start3A_609, %dma_start3A_611] : memref<4x2x128xi32, #tpu.memory_space<vmem>> -> memref<1x1x128xi32, #tpu.memory_space<vmem>>
        %dma_start3A_613 = tpu.memref_squeeze %dma_start3A_612 : memref<1x1x128xi32, #tpu.memory_space<vmem>> -> memref<128xi32, #tpu.memory_space<vmem>>
        %dma_start3A_614 = tpu.memref_slice %arg3[%dma_start3A_607, %mul3A_590] : memref<2x327680xi32, #tpu.memory_space<hbm>> -> memref<1x128xi32, #tpu.memory_space<hbm>>
        %dma_start3A_615 = tpu.memref_squeeze %dma_start3A_614 : memref<1x128xi32, #tpu.memory_space<hbm>> -> memref<128xi32, #tpu.memory_space<hbm>>
        %dma_start3A_616 = tpu.memref_slice %arg9[%dma_start3A_610] : memref<4x!tpu.dma_semaphore, #tpu.memory_space<semaphore_mem>> -> memref<1x!tpu.dma_semaphore, #tpu.memory_space<semaphore_mem>>
        %dma_start3A_617 = tpu.memref_squeeze %dma_start3A_616 : memref<1x!tpu.dma_semaphore, #tpu.memory_space<semaphore_mem>> -> memref<!tpu.dma_semaphore, #tpu.memory_space<semaphore_mem>>
        %dma_start3A_618 = arith.constant 0 : i32
        %dma_start3A_619 = tpu.memref_slice %arg6[%dma_start3A_608, %dma_start3A_609, %dma_start3A_618] : memref<4x2x128xi32, #tpu.memory_space<vmem>> -> memref<1x1x128xi32, #tpu.memory_space<vmem>>
        %dma_start3A_620 = tpu.memref_squeeze %dma_start3A_619 : memref<1x1x128xi32, #tpu.memory_space<vmem>> -> memref<128xi32, #tpu.memory_space<vmem>>
        %dma_start3A_621 = tpu.memref_slice %arg3[%dma_start3A_607, %mul3A_590] : memref<2x327680xi32, #tpu.memory_space<hbm>> -> memref<1x128xi32, #tpu.memory_space<hbm>>
        %dma_start3A_622 = tpu.memref_squeeze %dma_start3A_621 : memref<1x128xi32, #tpu.memory_space<hbm>> -> memref<128xi32, #tpu.memory_space<hbm>>
        tpu.enqueue_dma source(%dma_start3A_622 : memref<128xi32, #tpu.memory_space<hbm>>) target(%dma_start3A_620 : memref<128xi32, #tpu.memory_space<vmem>>) target_semaphore(%dma_start3A_617 : memref<!tpu.dma_semaphore, #tpu.memory_space<semaphore_mem>>)
      } else {
      }
      %dma_wait3A_521 = arith.constant 1 : i32
      %dma_wait3A_522 = arith.constant 1 : i32
      %dma_wait3A_523 = arith.constant 1 : i32
      %dma_wait3A_524 = arith.constant 1 : i32
      %dma_wait3A_525 = arith.constant 0 : i32
      %dma_wait3A_526 = arith.constant 0 : i32
      %dma_wait3A_527 = tpu.memref_slice %arg7[%dma_wait3A_521, %dma_wait3A_525, %dma_wait3A_526] : memref<4x128x64xf32, #tpu.memory_space<vmem>> -> memref<1x128x64xf32, #tpu.memory_space<vmem>>
      %dma_wait3A_528 = tpu.memref_squeeze %dma_wait3A_527 : memref<1x128x64xf32, #tpu.memory_space<vmem>> -> memref<128x64xf32, #tpu.memory_space<vmem>>
      %dma_wait3A_529 = arith.constant 0 : i32
      %dma_wait3A_530 = tpu.memref_slice %arg6[%dma_wait3A_522, %dma_wait3A_523, %dma_wait3A_529] : memref<4x2x128xi32, #tpu.memory_space<vmem>> -> memref<1x1x128xi32, #tpu.memory_space<vmem>>
      %dma_wait3A_531 = tpu.memref_squeeze %dma_wait3A_530 : memref<1x1x128xi32, #tpu.memory_space<vmem>> -> memref<128xi32, #tpu.memory_space<vmem>>
      %dma_wait3A_532 = arith.constant 0 : i32
      %dma_wait3A_533 = arith.constant 0 : i32
      %dma_wait3A_534 = tpu.memref_slice %arg5[%dma_wait3A_532, %dma_wait3A_533] : memref<10016x64xf32, #tpu.memory_space<vmem_shared>> -> memref<10016x64xf32, #tpu.memory_space<vmem_shared>>
      %dma_wait3A_535 = tpu.memref_slice %arg11[%dma_wait3A_524] : memref<4x!tpu.dma_semaphore, #tpu.memory_space<semaphore_mem>> -> memref<1x!tpu.dma_semaphore, #tpu.memory_space<semaphore_mem>>
      %dma_wait3A_536 = tpu.memref_squeeze %dma_wait3A_535 : memref<1x!tpu.dma_semaphore, #tpu.memory_space<semaphore_mem>> -> memref<!tpu.dma_semaphore, #tpu.memory_space<semaphore_mem>>
      tpu.wait_indirect_dma semaphore(%dma_wait3A_536 : memref<!tpu.dma_semaphore, #tpu.memory_space<semaphore_mem>>) src(%dma_wait3A_528 : memref<128x64xf32, #tpu.memory_space<vmem>>) dst(%dma_wait3A_534 : memref<10016x64xf32, #tpu.memory_space<vmem_shared>>)
      %lt3A_537 = arith.constant 19 : i32
      %lt3A_538 = arith.cmpi slt, %scan3A_163, %lt3A_537 : i32
      %convert_element_type3A_539 = arith.extui %lt3A_538 : i1 to i32
      %cond3A_540 = arith.constant 0 : i32
      %cond3A_541 = arith.cmpi ne, %convert_element_type3A_539, %cond3A_540 : i32
      scf.if %cond3A_541 {
        %add3A_585 = arith.constant 4 : i32
        %add3A_586 = arith.addi %add3A_167, %add3A_585 : i32
        %add3A_587 = arith.constant 1 : i32
        %add3A_588 = arith.addi %add3A_586, %add3A_587 : i32
        %mul3A_589 = arith.constant 128 : i32
        %mul3A_590 = arith.muli %add3A_588, %mul3A_589 : i32
        %dma_start3A_591 = arith.constant 0 : i32
        %dma_start3A_592 = arith.constant 1 : i32
        %dma_start3A_593 = arith.constant 0 : i32
        %dma_start3A_594 = arith.constant 1 : i32
        %dma_start3A_595 = arith.constant 0 : i32
        %dma_start3A_596 = tpu.memref_slice %arg6[%dma_start3A_592, %dma_start3A_593, %dma_start3A_595] : memref<4x2x128xi32, #tpu.memory_space<vmem>> -> memref<1x1x128xi32, #tpu.memory_space<vmem>>
        %dma_start3A_597 = tpu.memref_squeeze %dma_start3A_596 : memref<1x1x128xi32, #tpu.memory_space<vmem>> -> memref<128xi32, #tpu.memory_space<vmem>>
        %dma_start3A_598 = tpu.memref_slice %arg3[%dma_start3A_591, %mul3A_590] : memref<2x327680xi32, #tpu.memory_space<hbm>> -> memref<1x128xi32, #tpu.memory_space<hbm>>
        %dma_start3A_599 = tpu.memref_squeeze %dma_start3A_598 : memref<1x128xi32, #tpu.memory_space<hbm>> -> memref<128xi32, #tpu.memory_space<hbm>>
        %dma_start3A_600 = tpu.memref_slice %arg9[%dma_start3A_594] : memref<4x!tpu.dma_semaphore, #tpu.memory_space<semaphore_mem>> -> memref<1x!tpu.dma_semaphore, #tpu.memory_space<semaphore_mem>>
        %dma_start3A_601 = tpu.memref_squeeze %dma_start3A_600 : memref<1x!tpu.dma_semaphore, #tpu.memory_space<semaphore_mem>> -> memref<!tpu.dma_semaphore, #tpu.memory_space<semaphore_mem>>
        %dma_start3A_602 = arith.constant 0 : i32
        %dma_start3A_603 = tpu.memref_slice %arg6[%dma_start3A_592, %dma_start3A_593, %dma_start3A_602] : memref<4x2x128xi32, #tpu.memory_space<vmem>> -> memref<1x1x128xi32, #tpu.memory_space<vmem>>
        %dma_start3A_604 = tpu.memref_squeeze %dma_start3A_603 : memref<1x1x128xi32, #tpu.memory_space<vmem>> -> memref<128xi32, #tpu.memory_space<vmem>>
        %dma_start3A_605 = tpu.memref_slice %arg3[%dma_start3A_591, %mul3A_590] : memref<2x327680xi32, #tpu.memory_space<hbm>> -> memref<1x128xi32, #tpu.memory_space<hbm>>
        %dma_start3A_606 = tpu.memref_squeeze %dma_start3A_605 : memref<1x128xi32, #tpu.memory_space<hbm>> -> memref<128xi32, #tpu.memory_space<hbm>>
        tpu.enqueue_dma source(%dma_start3A_606 : memref<128xi32, #tpu.memory_space<hbm>>) target(%dma_start3A_604 : memref<128xi32, #tpu.memory_space<vmem>>) target_semaphore(%dma_start3A_601 : memref<!tpu.dma_semaphore, #tpu.memory_space<semaphore_mem>>)
        %dma_start3A_607 = arith.constant 1 : i32
        %dma_start3A_608 = arith.constant 1 : i32
        %dma_start3A_609 = arith.constant 1 : i32
        %dma_start3A_610 = arith.constant 1 : i32
        %dma_start3A_611 = arith.constant 0 : i32
        %dma_start3A_612 = tpu.memref_slice %arg6[%dma_start3A_608, %dma_start3A_609, %dma_start3A_611] : memref<4x2x128xi32, #tpu.memory_space<vmem>> -> memref<1x1x128xi32, #tpu.memory_space<vmem>>
        %dma_start3A_613 = tpu.memref_squeeze %dma_start3A_612 : memref<1x1x128xi32, #tpu.memory_space<vmem>> -> memref<128xi32, #tpu.memory_space<vmem>>
        %dma_start3A_614 = tpu.memref_slice %arg3[%dma_start3A_607, %mul3A_590] : memref<2x327680xi32, #tpu.memory_space<hbm>> -> memref<1x128xi32, #tpu.memory_space<hbm>>
        %dma_start3A_615 = tpu.memref_squeeze %dma_start3A_614 : memref<1x128xi32, #tpu.memory_space<hbm>> -> memref<128xi32, #tpu.memory_space<hbm>>
        %dma_start3A_616 = tpu.memref_slice %arg9[%dma_start3A_610] : memref<4x!tpu.dma_semaphore, #tpu.memory_space<semaphore_mem>> -> memref<1x!tpu.dma_semaphore, #tpu.memory_space<semaphore_mem>>
        %dma_start3A_617 = tpu.memref_squeeze %dma_start3A_616 : memref<1x!tpu.dma_semaphore, #tpu.memory_space<semaphore_mem>> -> memref<!tpu.dma_semaphore, #tpu.memory_space<semaphore_mem>>
        %dma_start3A_618 = arith.constant 0 : i32
        %dma_start3A_619 = tpu.memref_slice %arg6[%dma_start3A_608, %dma_start3A_609, %dma_start3A_618] : memref<4x2x128xi32, #tpu.memory_space<vmem>> -> memref<1x1x128xi32, #tpu.memory_space<vmem>>
        %dma_start3A_620 = tpu.memref_squeeze %dma_start3A_619 : memref<1x1x128xi32, #tpu.memory_space<vmem>> -> memref<128xi32, #tpu.memory_space<vmem>>
        %dma_start3A_621 = tpu.memref_slice %arg3[%dma_start3A_607, %mul3A_590] : memref<2x327680xi32, #tpu.memory_space<hbm>> -> memref<1x128xi32, #tpu.memory_space<hbm>>
        %dma_start3A_622 = tpu.memref_squeeze %dma_start3A_621 : memref<1x128xi32, #tpu.memory_space<hbm>> -> memref<128xi32, #tpu.memory_space<hbm>>
        tpu.enqueue_dma source(%dma_start3A_622 : memref<128xi32, #tpu.memory_space<hbm>>) target(%dma_start3A_620 : memref<128xi32, #tpu.memory_space<vmem>>) target_semaphore(%dma_start3A_617 : memref<!tpu.dma_semaphore, #tpu.memory_space<semaphore_mem>>)
      } else {
      }
      %dma_wait3A_542 = arith.constant 2 : i32
      %dma_wait3A_543 = arith.constant 2 : i32
      %dma_wait3A_544 = arith.constant 1 : i32
      %dma_wait3A_545 = arith.constant 2 : i32
      %dma_wait3A_546 = arith.constant 0 : i32
      %dma_wait3A_547 = arith.constant 0 : i32
      %dma_wait3A_548 = tpu.memref_slice %arg7[%dma_wait3A_542, %dma_wait3A_546, %dma_wait3A_547] : memref<4x128x64xf32, #tpu.memory_space<vmem>> -> memref<1x128x64xf32, #tpu.memory_space<vmem>>
      %dma_wait3A_549 = tpu.memref_squeeze %dma_wait3A_548 : memref<1x128x64xf32, #tpu.memory_space<vmem>> -> memref<128x64xf32, #tpu.memory_space<vmem>>
      %dma_wait3A_550 = arith.constant 0 : i32
      %dma_wait3A_551 = tpu.memref_slice %arg6[%dma_wait3A_543, %dma_wait3A_544, %dma_wait3A_550] : memref<4x2x128xi32, #tpu.memory_space<vmem>> -> memref<1x1x128xi32, #tpu.memory_space<vmem>>
      %dma_wait3A_552 = tpu.memref_squeeze %dma_wait3A_551 : memref<1x1x128xi32, #tpu.memory_space<vmem>> -> memref<128xi32, #tpu.memory_space<vmem>>
      %dma_wait3A_553 = arith.constant 0 : i32
      %dma_wait3A_554 = arith.constant 0 : i32
      %dma_wait3A_555 = tpu.memref_slice %arg5[%dma_wait3A_553, %dma_wait3A_554] : memref<10016x64xf32, #tpu.memory_space<vmem_shared>> -> memref<10016x64xf32, #tpu.memory_space<vmem_shared>>
      %dma_wait3A_556 = tpu.memref_slice %arg11[%dma_wait3A_545] : memref<4x!tpu.dma_semaphore, #tpu.memory_space<semaphore_mem>> -> memref<1x!tpu.dma_semaphore, #tpu.memory_space<semaphore_mem>>
      %dma_wait3A_557 = tpu.memref_squeeze %dma_wait3A_556 : memref<1x!tpu.dma_semaphore, #tpu.memory_space<semaphore_mem>> -> memref<!tpu.dma_semaphore, #tpu.memory_space<semaphore_mem>>
      tpu.wait_indirect_dma semaphore(%dma_wait3A_557 : memref<!tpu.dma_semaphore, #tpu.memory_space<semaphore_mem>>) src(%dma_wait3A_549 : memref<128x64xf32, #tpu.memory_space<vmem>>) dst(%dma_wait3A_555 : memref<10016x64xf32, #tpu.memory_space<vmem_shared>>)
      %lt3A_558 = arith.constant 19 : i32
      %lt3A_559 = arith.cmpi slt, %scan3A_163, %lt3A_558 : i32
      %convert_element_type3A_560 = arith.extui %lt3A_559 : i1 to i32
      %cond3A_561 = arith.constant 0 : i32
      %cond3A_562 = arith.cmpi ne, %convert_element_type3A_560, %cond3A_561 : i32
      scf.if %cond3A_562 {
        %add3A_585 = arith.constant 4 : i32
        %add3A_586 = arith.addi %add3A_167, %add3A_585 : i32
        %add3A_587 = arith.constant 2 : i32
        %add3A_588 = arith.addi %add3A_586, %add3A_587 : i32
        %mul3A_589 = arith.constant 128 : i32
        %mul3A_590 = arith.muli %add3A_588, %mul3A_589 : i32
        %dma_start3A_591 = arith.constant 0 : i32
        %dma_start3A_592 = arith.constant 2 : i32
        %dma_start3A_593 = arith.constant 0 : i32
        %dma_start3A_594 = arith.constant 2 : i32
        %dma_start3A_595 = arith.constant 0 : i32
        %dma_start3A_596 = tpu.memref_slice %arg6[%dma_start3A_592, %dma_start3A_593, %dma_start3A_595] : memref<4x2x128xi32, #tpu.memory_space<vmem>> -> memref<1x1x128xi32, #tpu.memory_space<vmem>>
        %dma_start3A_597 = tpu.memref_squeeze %dma_start3A_596 : memref<1x1x128xi32, #tpu.memory_space<vmem>> -> memref<128xi32, #tpu.memory_space<vmem>>
        %dma_start3A_598 = tpu.memref_slice %arg3[%dma_start3A_591, %mul3A_590] : memref<2x327680xi32, #tpu.memory_space<hbm>> -> memref<1x128xi32, #tpu.memory_space<hbm>>
        %dma_start3A_599 = tpu.memref_squeeze %dma_start3A_598 : memref<1x128xi32, #tpu.memory_space<hbm>> -> memref<128xi32, #tpu.memory_space<hbm>>
        %dma_start3A_600 = tpu.memref_slice %arg9[%dma_start3A_594] : memref<4x!tpu.dma_semaphore, #tpu.memory_space<semaphore_mem>> -> memref<1x!tpu.dma_semaphore, #tpu.memory_space<semaphore_mem>>
        %dma_start3A_601 = tpu.memref_squeeze %dma_start3A_600 : memref<1x!tpu.dma_semaphore, #tpu.memory_space<semaphore_mem>> -> memref<!tpu.dma_semaphore, #tpu.memory_space<semaphore_mem>>
        %dma_start3A_602 = arith.constant 0 : i32
        %dma_start3A_603 = tpu.memref_slice %arg6[%dma_start3A_592, %dma_start3A_593, %dma_start3A_602] : memref<4x2x128xi32, #tpu.memory_space<vmem>> -> memref<1x1x128xi32, #tpu.memory_space<vmem>>
        %dma_start3A_604 = tpu.memref_squeeze %dma_start3A_603 : memref<1x1x128xi32, #tpu.memory_space<vmem>> -> memref<128xi32, #tpu.memory_space<vmem>>
        %dma_start3A_605 = tpu.memref_slice %arg3[%dma_start3A_591, %mul3A_590] : memref<2x327680xi32, #tpu.memory_space<hbm>> -> memref<1x128xi32, #tpu.memory_space<hbm>>
        %dma_start3A_606 = tpu.memref_squeeze %dma_start3A_605 : memref<1x128xi32, #tpu.memory_space<hbm>> -> memref<128xi32, #tpu.memory_space<hbm>>
        tpu.enqueue_dma source(%dma_start3A_606 : memref<128xi32, #tpu.memory_space<hbm>>) target(%dma_start3A_604 : memref<128xi32, #tpu.memory_space<vmem>>) target_semaphore(%dma_start3A_601 : memref<!tpu.dma_semaphore, #tpu.memory_space<semaphore_mem>>)
        %dma_start3A_607 = arith.constant 1 : i32
        %dma_start3A_608 = arith.constant 2 : i32
        %dma_start3A_609 = arith.constant 1 : i32
        %dma_start3A_610 = arith.constant 2 : i32
        %dma_start3A_611 = arith.constant 0 : i32
        %dma_start3A_612 = tpu.memref_slice %arg6[%dma_start3A_608, %dma_start3A_609, %dma_start3A_611] : memref<4x2x128xi32, #tpu.memory_space<vmem>> -> memref<1x1x128xi32, #tpu.memory_space<vmem>>
        %dma_start3A_613 = tpu.memref_squeeze %dma_start3A_612 : memref<1x1x128xi32, #tpu.memory_space<vmem>> -> memref<128xi32, #tpu.memory_space<vmem>>
        %dma_start3A_614 = tpu.memref_slice %arg3[%dma_start3A_607, %mul3A_590] : memref<2x327680xi32, #tpu.memory_space<hbm>> -> memref<1x128xi32, #tpu.memory_space<hbm>>
        %dma_start3A_615 = tpu.memref_squeeze %dma_start3A_614 : memref<1x128xi32, #tpu.memory_space<hbm>> -> memref<128xi32, #tpu.memory_space<hbm>>
        %dma_start3A_616 = tpu.memref_slice %arg9[%dma_start3A_610] : memref<4x!tpu.dma_semaphore, #tpu.memory_space<semaphore_mem>> -> memref<1x!tpu.dma_semaphore, #tpu.memory_space<semaphore_mem>>
        %dma_start3A_617 = tpu.memref_squeeze %dma_start3A_616 : memref<1x!tpu.dma_semaphore, #tpu.memory_space<semaphore_mem>> -> memref<!tpu.dma_semaphore, #tpu.memory_space<semaphore_mem>>
        %dma_start3A_618 = arith.constant 0 : i32
        %dma_start3A_619 = tpu.memref_slice %arg6[%dma_start3A_608, %dma_start3A_609, %dma_start3A_618] : memref<4x2x128xi32, #tpu.memory_space<vmem>> -> memref<1x1x128xi32, #tpu.memory_space<vmem>>
        %dma_start3A_620 = tpu.memref_squeeze %dma_start3A_619 : memref<1x1x128xi32, #tpu.memory_space<vmem>> -> memref<128xi32, #tpu.memory_space<vmem>>
        %dma_start3A_621 = tpu.memref_slice %arg3[%dma_start3A_607, %mul3A_590] : memref<2x327680xi32, #tpu.memory_space<hbm>> -> memref<1x128xi32, #tpu.memory_space<hbm>>
        %dma_start3A_622 = tpu.memref_squeeze %dma_start3A_621 : memref<1x128xi32, #tpu.memory_space<hbm>> -> memref<128xi32, #tpu.memory_space<hbm>>
        tpu.enqueue_dma source(%dma_start3A_622 : memref<128xi32, #tpu.memory_space<hbm>>) target(%dma_start3A_620 : memref<128xi32, #tpu.memory_space<vmem>>) target_semaphore(%dma_start3A_617 : memref<!tpu.dma_semaphore, #tpu.memory_space<semaphore_mem>>)
      } else {
      }
      %dma_wait3A_563 = arith.constant 3 : i32
      %dma_wait3A_564 = arith.constant 3 : i32
      %dma_wait3A_565 = arith.constant 1 : i32
      %dma_wait3A_566 = arith.constant 3 : i32
      %dma_wait3A_567 = arith.constant 0 : i32
      %dma_wait3A_568 = arith.constant 0 : i32
      %dma_wait3A_569 = tpu.memref_slice %arg7[%dma_wait3A_563, %dma_wait3A_567, %dma_wait3A_568] : memref<4x128x64xf32, #tpu.memory_space<vmem>> -> memref<1x128x64xf32, #tpu.memory_space<vmem>>
      %dma_wait3A_570 = tpu.memref_squeeze %dma_wait3A_569 : memref<1x128x64xf32, #tpu.memory_space<vmem>> -> memref<128x64xf32, #tpu.memory_space<vmem>>
      %dma_wait3A_571 = arith.constant 0 : i32
      %dma_wait3A_572 = tpu.memref_slice %arg6[%dma_wait3A_564, %dma_wait3A_565, %dma_wait3A_571] : memref<4x2x128xi32, #tpu.memory_space<vmem>> -> memref<1x1x128xi32, #tpu.memory_space<vmem>>
      %dma_wait3A_573 = tpu.memref_squeeze %dma_wait3A_572 : memref<1x1x128xi32, #tpu.memory_space<vmem>> -> memref<128xi32, #tpu.memory_space<vmem>>
      %dma_wait3A_574 = arith.constant 0 : i32
      %dma_wait3A_575 = arith.constant 0 : i32
      %dma_wait3A_576 = tpu.memref_slice %arg5[%dma_wait3A_574, %dma_wait3A_575] : memref<10016x64xf32, #tpu.memory_space<vmem_shared>> -> memref<10016x64xf32, #tpu.memory_space<vmem_shared>>
      %dma_wait3A_577 = tpu.memref_slice %arg11[%dma_wait3A_566] : memref<4x!tpu.dma_semaphore, #tpu.memory_space<semaphore_mem>> -> memref<1x!tpu.dma_semaphore, #tpu.memory_space<semaphore_mem>>
      %dma_wait3A_578 = tpu.memref_squeeze %dma_wait3A_577 : memref<1x!tpu.dma_semaphore, #tpu.memory_space<semaphore_mem>> -> memref<!tpu.dma_semaphore, #tpu.memory_space<semaphore_mem>>
      tpu.wait_indirect_dma semaphore(%dma_wait3A_578 : memref<!tpu.dma_semaphore, #tpu.memory_space<semaphore_mem>>) src(%dma_wait3A_570 : memref<128x64xf32, #tpu.memory_space<vmem>>) dst(%dma_wait3A_576 : memref<10016x64xf32, #tpu.memory_space<vmem_shared>>)
      %lt3A_579 = arith.constant 19 : i32
      %lt3A_580 = arith.cmpi slt, %scan3A_163, %lt3A_579 : i32
      %convert_element_type3A_581 = arith.extui %lt3A_580 : i1 to i32
      %cond3A_582 = arith.constant 0 : i32
      %cond3A_583 = arith.cmpi ne, %convert_element_type3A_581, %cond3A_582 : i32
      scf.if %cond3A_583 {
        %add3A_585 = arith.constant 4 : i32
        %add3A_586 = arith.addi %add3A_167, %add3A_585 : i32
        %add3A_587 = arith.constant 3 : i32
        %add3A_588 = arith.addi %add3A_586, %add3A_587 : i32
        %mul3A_589 = arith.constant 128 : i32
        %mul3A_590 = arith.muli %add3A_588, %mul3A_589 : i32
        %dma_start3A_591 = arith.constant 0 : i32
        %dma_start3A_592 = arith.constant 3 : i32
        %dma_start3A_593 = arith.constant 0 : i32
        %dma_start3A_594 = arith.constant 3 : i32
        %dma_start3A_595 = arith.constant 0 : i32
        %dma_start3A_596 = tpu.memref_slice %arg6[%dma_start3A_592, %dma_start3A_593, %dma_start3A_595] : memref<4x2x128xi32, #tpu.memory_space<vmem>> -> memref<1x1x128xi32, #tpu.memory_space<vmem>>
        %dma_start3A_597 = tpu.memref_squeeze %dma_start3A_596 : memref<1x1x128xi32, #tpu.memory_space<vmem>> -> memref<128xi32, #tpu.memory_space<vmem>>
        %dma_start3A_598 = tpu.memref_slice %arg3[%dma_start3A_591, %mul3A_590] : memref<2x327680xi32, #tpu.memory_space<hbm>> -> memref<1x128xi32, #tpu.memory_space<hbm>>
        %dma_start3A_599 = tpu.memref_squeeze %dma_start3A_598 : memref<1x128xi32, #tpu.memory_space<hbm>> -> memref<128xi32, #tpu.memory_space<hbm>>
        %dma_start3A_600 = tpu.memref_slice %arg9[%dma_start3A_594] : memref<4x!tpu.dma_semaphore, #tpu.memory_space<semaphore_mem>> -> memref<1x!tpu.dma_semaphore, #tpu.memory_space<semaphore_mem>>
        %dma_start3A_601 = tpu.memref_squeeze %dma_start3A_600 : memref<1x!tpu.dma_semaphore, #tpu.memory_space<semaphore_mem>> -> memref<!tpu.dma_semaphore, #tpu.memory_space<semaphore_mem>>
        %dma_start3A_602 = arith.constant 0 : i32
        %dma_start3A_603 = tpu.memref_slice %arg6[%dma_start3A_592, %dma_start3A_593, %dma_start3A_602] : memref<4x2x128xi32, #tpu.memory_space<vmem>> -> memref<1x1x128xi32, #tpu.memory_space<vmem>>
        %dma_start3A_604 = tpu.memref_squeeze %dma_start3A_603 : memref<1x1x128xi32, #tpu.memory_space<vmem>> -> memref<128xi32, #tpu.memory_space<vmem>>
        %dma_start3A_605 = tpu.memref_slice %arg3[%dma_start3A_591, %mul3A_590] : memref<2x327680xi32, #tpu.memory_space<hbm>> -> memref<1x128xi32, #tpu.memory_space<hbm>>
        %dma_start3A_606 = tpu.memref_squeeze %dma_start3A_605 : memref<1x128xi32, #tpu.memory_space<hbm>> -> memref<128xi32, #tpu.memory_space<hbm>>
        tpu.enqueue_dma source(%dma_start3A_606 : memref<128xi32, #tpu.memory_space<hbm>>) target(%dma_start3A_604 : memref<128xi32, #tpu.memory_space<vmem>>) target_semaphore(%dma_start3A_601 : memref<!tpu.dma_semaphore, #tpu.memory_space<semaphore_mem>>)
        %dma_start3A_607 = arith.constant 1 : i32
        %dma_start3A_608 = arith.constant 3 : i32
        %dma_start3A_609 = arith.constant 1 : i32
        %dma_start3A_610 = arith.constant 3 : i32
        %dma_start3A_611 = arith.constant 0 : i32
        %dma_start3A_612 = tpu.memref_slice %arg6[%dma_start3A_608, %dma_start3A_609, %dma_start3A_611] : memref<4x2x128xi32, #tpu.memory_space<vmem>> -> memref<1x1x128xi32, #tpu.memory_space<vmem>>
        %dma_start3A_613 = tpu.memref_squeeze %dma_start3A_612 : memref<1x1x128xi32, #tpu.memory_space<vmem>> -> memref<128xi32, #tpu.memory_space<vmem>>
        %dma_start3A_614 = tpu.memref_slice %arg3[%dma_start3A_607, %mul3A_590] : memref<2x327680xi32, #tpu.memory_space<hbm>> -> memref<1x128xi32, #tpu.memory_space<hbm>>
        %dma_start3A_615 = tpu.memref_squeeze %dma_start3A_614 : memref<1x128xi32, #tpu.memory_space<hbm>> -> memref<128xi32, #tpu.memory_space<hbm>>
        %dma_start3A_616 = tpu.memref_slice %arg9[%dma_start3A_610] : memref<4x!tpu.dma_semaphore, #tpu.memory_space<semaphore_mem>> -> memref<1x!tpu.dma_semaphore, #tpu.memory_space<semaphore_mem>>
        %dma_start3A_617 = tpu.memref_squeeze %dma_start3A_616 : memref<1x!tpu.dma_semaphore, #tpu.memory_space<semaphore_mem>> -> memref<!tpu.dma_semaphore, #tpu.memory_space<semaphore_mem>>
        %dma_start3A_618 = arith.constant 0 : i32
        %dma_start3A_619 = tpu.memref_slice %arg6[%dma_start3A_608, %dma_start3A_609, %dma_start3A_618] : memref<4x2x128xi32, #tpu.memory_space<vmem>> -> memref<1x1x128xi32, #tpu.memory_space<vmem>>
        %dma_start3A_620 = tpu.memref_squeeze %dma_start3A_619 : memref<1x1x128xi32, #tpu.memory_space<vmem>> -> memref<128xi32, #tpu.memory_space<vmem>>
        %dma_start3A_621 = tpu.memref_slice %arg3[%dma_start3A_607, %mul3A_590] : memref<2x327680xi32, #tpu.memory_space<hbm>> -> memref<1x128xi32, #tpu.memory_space<hbm>>
        %dma_start3A_622 = tpu.memref_squeeze %dma_start3A_621 : memref<1x128xi32, #tpu.memory_space<hbm>> -> memref<128xi32, #tpu.memory_space<hbm>>
        tpu.enqueue_dma source(%dma_start3A_622 : memref<128xi32, #tpu.memory_space<hbm>>) target(%dma_start3A_620 : memref<128xi32, #tpu.memory_space<vmem>>) target_semaphore(%dma_start3A_617 : memref<!tpu.dma_semaphore, #tpu.memory_space<semaphore_mem>>)
      } else {
      }
      %scan3A_584 = arith.constant 0 : i32
      scf.yield %scan3A_584 : i32
    }
    %scan3A_161 = arith.constant 20 : i32
    %barrier3A_162 = arith.constant 0 : index
    tpu.barrier barrier_id(%barrier3A_162)
    "tpu.region"() ({
      %run_scoped3A = tpu.sem_alloc : memref<!tpu.dma_semaphore, #tpu.memory_space<semaphore_mem>>
      %dma_start3A_163 = arith.constant 0 : i32
      %dma_start3A_164 = tpu.memref_slice %arg5[%mul3A_154, %dma_start3A_163] : memref<10016x64xf32, #tpu.memory_space<vmem_shared>> -> memref<626x64xf32, #tpu.memory_space<vmem_shared>>
      %dma_start3A_165 = arith.constant 0 : i32
      %dma_start3A_166 = tpu.memref_slice %arg5[%mul3A_154, %dma_start3A_165] : memref<10016x64xf32, #tpu.memory_space<vmem_shared>> -> memref<626x64xf32, #tpu.memory_space<vmem_shared>>
      tpu.enqueue_dma source(%dma_start3A_166 : memref<626x64xf32, #tpu.memory_space<vmem_shared>>) target(%arg8 : memref<626x64xf32, #tpu.memory_space<vmem>>) target_semaphore(%run_scoped3A : memref<!tpu.dma_semaphore, #tpu.memory_space<semaphore_mem>>)
      %dma_wait3A = arith.constant 0 : i32
      %dma_wait3A_167 = tpu.memref_slice %arg5[%mul3A_154, %dma_wait3A] : memref<10016x64xf32, #tpu.memory_space<vmem_shared>> -> memref<626x64xf32, #tpu.memory_space<vmem_shared>>
      %dma_wait3A_168 = arith.constant 0 : i32
      %dma_wait3A_169 = tpu.memref_slice %arg5[%mul3A_154, %dma_wait3A_168] : memref<10016x64xf32, #tpu.memory_space<vmem_shared>> -> memref<626x64xf32, #tpu.memory_space<vmem_shared>>
      tpu.wait_dma2 semaphore(%run_scoped3A : memref<!tpu.dma_semaphore, #tpu.memory_space<semaphore_mem>>) src(%dma_wait3A_169 : memref<626x64xf32, #tpu.memory_space<vmem_shared>>) dst(%arg8 : memref<626x64xf32, #tpu.memory_space<vmem>>)
      tpu.yield
    }) : () -> ()
    "tpu.region"() ({
      %run_scoped3A = tpu.sem_alloc : memref<!tpu.dma_semaphore, #tpu.memory_space<semaphore_mem>>
      %dma_start3A_163 = arith.constant 0 : i32
      %dma_start3A_164 = tpu.memref_slice %arg4[%arg0, %mul3A_154, %dma_start3A_163] : memref<2x10016x64xf32, #tpu.memory_space<hbm>> -> memref<1x626x64xf32, #tpu.memory_space<hbm>>
      %dma_start3A_165 = tpu.memref_squeeze %dma_start3A_164 : memref<1x626x64xf32, #tpu.memory_space<hbm>> -> memref<626x64xf32, #tpu.memory_space<hbm>>
      %dma_start3A_166 = arith.constant 0 : i32
      %dma_start3A_167 = tpu.memref_slice %arg4[%arg0, %mul3A_154, %dma_start3A_166] : memref<2x10016x64xf32, #tpu.memory_space<hbm>> -> memref<1x626x64xf32, #tpu.memory_space<hbm>>
      %dma_start3A_168 = tpu.memref_squeeze %dma_start3A_167 : memref<1x626x64xf32, #tpu.memory_space<hbm>> -> memref<626x64xf32, #tpu.memory_space<hbm>>
      tpu.enqueue_dma source(%arg8 : memref<626x64xf32, #tpu.memory_space<vmem>>) target(%dma_start3A_168 : memref<626x64xf32, #tpu.memory_space<hbm>>) target_semaphore(%run_scoped3A : memref<!tpu.dma_semaphore, #tpu.memory_space<semaphore_mem>>)
      %dma_wait3A = arith.constant 0 : i32
      %dma_wait3A_169 = tpu.memref_slice %arg4[%arg0, %mul3A_154, %dma_wait3A] : memref<2x10016x64xf32, #tpu.memory_space<hbm>> -> memref<1x626x64xf32, #tpu.memory_space<hbm>>
      %dma_wait3A_170 = tpu.memref_squeeze %dma_wait3A_169 : memref<1x626x64xf32, #tpu.memory_space<hbm>> -> memref<626x64xf32, #tpu.memory_space<hbm>>
      %dma_wait3A_171 = arith.constant 0 : i32
      %dma_wait3A_172 = tpu.memref_slice %arg4[%arg0, %mul3A_154, %dma_wait3A_171] : memref<2x10016x64xf32, #tpu.memory_space<hbm>> -> memref<1x626x64xf32, #tpu.memory_space<hbm>>
      %dma_wait3A_173 = tpu.memref_squeeze %dma_wait3A_172 : memref<1x626x64xf32, #tpu.memory_space<hbm>> -> memref<626x64xf32, #tpu.memory_space<hbm>>
      tpu.wait_dma2 semaphore(%run_scoped3A : memref<!tpu.dma_semaphore, #tpu.memory_space<semaphore_mem>>) src(%arg8 : memref<626x64xf32, #tpu.memory_space<vmem>>) dst(%dma_wait3A_173 : memref<626x64xf32, #tpu.memory_space<hbm>>)
      tpu.yield
    }) : () -> ()
    return
  }
}

#map = affine_map<(d0, d1) -> (0, 0)>
#map1 = affine_map<(d0, d1) -> (0, 0, 0)>
module attributes {stable_mosaic.version = 14 : i64} {
  func.func @body(%arg0: i32, %arg1: i32, %arg2: memref<10000x64xf32, #tpu.memory_space<hbm>>, %arg3: memref<2x327680xi32, #tpu.memory_space<hbm>>, %arg4: memref<754x8xf32, #tpu.memory_space<hbm>>, %arg5: memref<2x10016x64xf32, #tpu.memory_space<hbm>>, %arg6: memref<2x10016x8xf32, #tpu.memory_space<hbm>>, %arg7: memref<10016x64xf32, #tpu.memory_space<vmem_shared>>, %arg8: memref<2x2x128xi32, #tpu.memory_space<vmem>>, %arg9: memref<2x128x64xf32, #tpu.memory_space<vmem>>, %arg10: memref<626x64xf32, #tpu.memory_space<vmem>>, %arg11: memref<2x!tpu.dma_semaphore, #tpu.memory_space<semaphore_mem>>, %arg12: memref<2x!tpu.dma_semaphore, #tpu.memory_space<semaphore_mem>>, %arg13: memref<2x!tpu.dma_semaphore, #tpu.memory_space<semaphore_mem>>, %arg14: memref<10016x8xf32, #tpu.memory_space<vmem_shared>>, %arg15: memref<128x8xf32, #tpu.memory_space<vmem>>, %arg16: memref<626x8xf32, #tpu.memory_space<vmem>>, %arg17: memref<2x!tpu.dma_semaphore, #tpu.memory_space<semaphore_mem>>) attributes {dimension_semantics = [#tpu.dimension_semantics<core_parallel>, #tpu.dimension_semantics<subcore_parallel>], iteration_bounds = array<i64: 2, 16>, scalar_prefetch = 0 : i64, scratch_operands = 11 : i64, tpu.core_type = #tpu.core_type<sc_vector_subcore>, window_params = [{transform_indices = #map}, {transform_indices = #map}, {transform_indices = #map}, {transform_indices = #map1}, {transform_indices = #map1}]} {
    %mul3A = arith.constant 2 : i32
    %mul3A_0 = arith.muli %arg1, %mul3A : i32
    %add3A = arith.addi %mul3A_0, %arg0 : i32
    %mul3A_1 = arith.constant 80 : i32
    %mul3A_2 = arith.muli %add3A, %mul3A_1 : i32
    %add3A_3 = arith.constant 0 : i32
    %add3A_4 = arith.addi %mul3A_2, %add3A_3 : i32
    %mul3A_5 = arith.constant 128 : i32
    %mul3A_6 = arith.muli %add3A_4, %mul3A_5 : i32
    %dma_start3A = arith.constant 0 : i32
    %dma_start3A_7 = arith.constant 0 : i32
    %dma_start3A_8 = arith.constant 0 : i32
    %dma_start3A_9 = arith.constant 0 : i32
    %dma_start3A_10 = arith.constant 0 : i32
    %dma_start3A_11 = tpu.memref_slice %arg8[%dma_start3A_7, %dma_start3A_8, %dma_start3A_10] : memref<2x2x128xi32, #tpu.memory_space<vmem>> -> memref<1x1x128xi32, #tpu.memory_space<vmem>>
    %dma_start3A_12 = tpu.memref_squeeze %dma_start3A_11 : memref<1x1x128xi32, #tpu.memory_space<vmem>> -> memref<128xi32, #tpu.memory_space<vmem>>
    %dma_start3A_13 = tpu.memref_slice %arg3[%dma_start3A, %mul3A_6] : memref<2x327680xi32, #tpu.memory_space<hbm>> -> memref<1x128xi32, #tpu.memory_space<hbm>>
    %dma_start3A_14 = tpu.memref_squeeze %dma_start3A_13 : memref<1x128xi32, #tpu.memory_space<hbm>> -> memref<128xi32, #tpu.memory_space<hbm>>
    %dma_start3A_15 = tpu.memref_slice %arg11[%dma_start3A_9] : memref<2x!tpu.dma_semaphore, #tpu.memory_space<semaphore_mem>> -> memref<1x!tpu.dma_semaphore, #tpu.memory_space<semaphore_mem>>
    %dma_start3A_16 = tpu.memref_squeeze %dma_start3A_15 : memref<1x!tpu.dma_semaphore, #tpu.memory_space<semaphore_mem>> -> memref<!tpu.dma_semaphore, #tpu.memory_space<semaphore_mem>>
    %dma_start3A_17 = arith.constant 0 : i32
    %dma_start3A_18 = tpu.memref_slice %arg8[%dma_start3A_7, %dma_start3A_8, %dma_start3A_17] : memref<2x2x128xi32, #tpu.memory_space<vmem>> -> memref<1x1x128xi32, #tpu.memory_space<vmem>>
    %dma_start3A_19 = tpu.memref_squeeze %dma_start3A_18 : memref<1x1x128xi32, #tpu.memory_space<vmem>> -> memref<128xi32, #tpu.memory_space<vmem>>
    %dma_start3A_20 = tpu.memref_slice %arg3[%dma_start3A, %mul3A_6] : memref<2x327680xi32, #tpu.memory_space<hbm>> -> memref<1x128xi32, #tpu.memory_space<hbm>>
    %dma_start3A_21 = tpu.memref_squeeze %dma_start3A_20 : memref<1x128xi32, #tpu.memory_space<hbm>> -> memref<128xi32, #tpu.memory_space<hbm>>
    tpu.enqueue_dma source(%dma_start3A_21 : memref<128xi32, #tpu.memory_space<hbm>>) target(%dma_start3A_19 : memref<128xi32, #tpu.memory_space<vmem>>) target_semaphore(%dma_start3A_16 : memref<!tpu.dma_semaphore, #tpu.memory_space<semaphore_mem>>)
    %dma_start3A_22 = arith.constant 1 : i32
    %dma_start3A_23 = arith.constant 0 : i32
    %dma_start3A_24 = arith.constant 1 : i32
    %dma_start3A_25 = arith.constant 0 : i32
    %dma_start3A_26 = arith.constant 0 : i32
    %dma_start3A_27 = tpu.memref_slice %arg8[%dma_start3A_23, %dma_start3A_24, %dma_start3A_26] : memref<2x2x128xi32, #tpu.memory_space<vmem>> -> memref<1x1x128xi32, #tpu.memory_space<vmem>>
    %dma_start3A_28 = tpu.memref_squeeze %dma_start3A_27 : memref<1x1x128xi32, #tpu.memory_space<vmem>> -> memref<128xi32, #tpu.memory_space<vmem>>
    %dma_start3A_29 = tpu.memref_slice %arg3[%dma_start3A_22, %mul3A_6] : memref<2x327680xi32, #tpu.memory_space<hbm>> -> memref<1x128xi32, #tpu.memory_space<hbm>>
    %dma_start3A_30 = tpu.memref_squeeze %dma_start3A_29 : memref<1x128xi32, #tpu.memory_space<hbm>> -> memref<128xi32, #tpu.memory_space<hbm>>
    %dma_start3A_31 = tpu.memref_slice %arg11[%dma_start3A_25] : memref<2x!tpu.dma_semaphore, #tpu.memory_space<semaphore_mem>> -> memref<1x!tpu.dma_semaphore, #tpu.memory_space<semaphore_mem>>
    %dma_start3A_32 = tpu.memref_squeeze %dma_start3A_31 : memref<1x!tpu.dma_semaphore, #tpu.memory_space<semaphore_mem>> -> memref<!tpu.dma_semaphore, #tpu.memory_space<semaphore_mem>>
    %dma_start3A_33 = arith.constant 0 : i32
    %dma_start3A_34 = tpu.memref_slice %arg8[%dma_start3A_23, %dma_start3A_24, %dma_start3A_33] : memref<2x2x128xi32, #tpu.memory_space<vmem>> -> memref<1x1x128xi32, #tpu.memory_space<vmem>>
    %dma_start3A_35 = tpu.memref_squeeze %dma_start3A_34 : memref<1x1x128xi32, #tpu.memory_space<vmem>> -> memref<128xi32, #tpu.memory_space<vmem>>
    %dma_start3A_36 = tpu.memref_slice %arg3[%dma_start3A_22, %mul3A_6] : memref<2x327680xi32, #tpu.memory_space<hbm>> -> memref<1x128xi32, #tpu.memory_space<hbm>>
    %dma_start3A_37 = tpu.memref_squeeze %dma_start3A_36 : memref<1x128xi32, #tpu.memory_space<hbm>> -> memref<128xi32, #tpu.memory_space<hbm>>
    tpu.enqueue_dma source(%dma_start3A_37 : memref<128xi32, #tpu.memory_space<hbm>>) target(%dma_start3A_35 : memref<128xi32, #tpu.memory_space<vmem>>) target_semaphore(%dma_start3A_32 : memref<!tpu.dma_semaphore, #tpu.memory_space<semaphore_mem>>)
    %add3A_38 = arith.constant 1 : i32
    %add3A_39 = arith.addi %mul3A_2, %add3A_38 : i32
    %mul3A_40 = arith.constant 128 : i32
    %mul3A_41 = arith.muli %add3A_39, %mul3A_40 : i32
    %dma_start3A_42 = arith.constant 0 : i32
    %dma_start3A_43 = arith.constant 1 : i32
    %dma_start3A_44 = arith.constant 0 : i32
    %dma_start3A_45 = arith.constant 1 : i32
    %dma_start3A_46 = arith.constant 0 : i32
    %dma_start3A_47 = tpu.memref_slice %arg8[%dma_start3A_43, %dma_start3A_44, %dma_start3A_46] : memref<2x2x128xi32, #tpu.memory_space<vmem>> -> memref<1x1x128xi32, #tpu.memory_space<vmem>>
    %dma_start3A_48 = tpu.memref_squeeze %dma_start3A_47 : memref<1x1x128xi32, #tpu.memory_space<vmem>> -> memref<128xi32, #tpu.memory_space<vmem>>
    %dma_start3A_49 = tpu.memref_slice %arg3[%dma_start3A_42, %mul3A_41] : memref<2x327680xi32, #tpu.memory_space<hbm>> -> memref<1x128xi32, #tpu.memory_space<hbm>>
    %dma_start3A_50 = tpu.memref_squeeze %dma_start3A_49 : memref<1x128xi32, #tpu.memory_space<hbm>> -> memref<128xi32, #tpu.memory_space<hbm>>
    %dma_start3A_51 = tpu.memref_slice %arg11[%dma_start3A_45] : memref<2x!tpu.dma_semaphore, #tpu.memory_space<semaphore_mem>> -> memref<1x!tpu.dma_semaphore, #tpu.memory_space<semaphore_mem>>
    %dma_start3A_52 = tpu.memref_squeeze %dma_start3A_51 : memref<1x!tpu.dma_semaphore, #tpu.memory_space<semaphore_mem>> -> memref<!tpu.dma_semaphore, #tpu.memory_space<semaphore_mem>>
    %dma_start3A_53 = arith.constant 0 : i32
    %dma_start3A_54 = tpu.memref_slice %arg8[%dma_start3A_43, %dma_start3A_44, %dma_start3A_53] : memref<2x2x128xi32, #tpu.memory_space<vmem>> -> memref<1x1x128xi32, #tpu.memory_space<vmem>>
    %dma_start3A_55 = tpu.memref_squeeze %dma_start3A_54 : memref<1x1x128xi32, #tpu.memory_space<vmem>> -> memref<128xi32, #tpu.memory_space<vmem>>
    %dma_start3A_56 = tpu.memref_slice %arg3[%dma_start3A_42, %mul3A_41] : memref<2x327680xi32, #tpu.memory_space<hbm>> -> memref<1x128xi32, #tpu.memory_space<hbm>>
    %dma_start3A_57 = tpu.memref_squeeze %dma_start3A_56 : memref<1x128xi32, #tpu.memory_space<hbm>> -> memref<128xi32, #tpu.memory_space<hbm>>
    tpu.enqueue_dma source(%dma_start3A_57 : memref<128xi32, #tpu.memory_space<hbm>>) target(%dma_start3A_55 : memref<128xi32, #tpu.memory_space<vmem>>) target_semaphore(%dma_start3A_52 : memref<!tpu.dma_semaphore, #tpu.memory_space<semaphore_mem>>)
    %dma_start3A_58 = arith.constant 1 : i32
    %dma_start3A_59 = arith.constant 1 : i32
    %dma_start3A_60 = arith.constant 1 : i32
    %dma_start3A_61 = arith.constant 1 : i32
    %dma_start3A_62 = arith.constant 0 : i32
    %dma_start3A_63 = tpu.memref_slice %arg8[%dma_start3A_59, %dma_start3A_60, %dma_start3A_62] : memref<2x2x128xi32, #tpu.memory_space<vmem>> -> memref<1x1x128xi32, #tpu.memory_space<vmem>>
    %dma_start3A_64 = tpu.memref_squeeze %dma_start3A_63 : memref<1x1x128xi32, #tpu.memory_space<vmem>> -> memref<128xi32, #tpu.memory_space<vmem>>
    %dma_start3A_65 = tpu.memref_slice %arg3[%dma_start3A_58, %mul3A_41] : memref<2x327680xi32, #tpu.memory_space<hbm>> -> memref<1x128xi32, #tpu.memory_space<hbm>>
    %dma_start3A_66 = tpu.memref_squeeze %dma_start3A_65 : memref<1x128xi32, #tpu.memory_space<hbm>> -> memref<128xi32, #tpu.memory_space<hbm>>
    %dma_start3A_67 = tpu.memref_slice %arg11[%dma_start3A_61] : memref<2x!tpu.dma_semaphore, #tpu.memory_space<semaphore_mem>> -> memref<1x!tpu.dma_semaphore, #tpu.memory_space<semaphore_mem>>
    %dma_start3A_68 = tpu.memref_squeeze %dma_start3A_67 : memref<1x!tpu.dma_semaphore, #tpu.memory_space<semaphore_mem>> -> memref<!tpu.dma_semaphore, #tpu.memory_space<semaphore_mem>>
    %dma_start3A_69 = arith.constant 0 : i32
    %dma_start3A_70 = tpu.memref_slice %arg8[%dma_start3A_59, %dma_start3A_60, %dma_start3A_69] : memref<2x2x128xi32, #tpu.memory_space<vmem>> -> memref<1x1x128xi32, #tpu.memory_space<vmem>>
    %dma_start3A_71 = tpu.memref_squeeze %dma_start3A_70 : memref<1x1x128xi32, #tpu.memory_space<vmem>> -> memref<128xi32, #tpu.memory_space<vmem>>
    %dma_start3A_72 = tpu.memref_slice %arg3[%dma_start3A_58, %mul3A_41] : memref<2x327680xi32, #tpu.memory_space<hbm>> -> memref<1x128xi32, #tpu.memory_space<hbm>>
    %dma_start3A_73 = tpu.memref_squeeze %dma_start3A_72 : memref<1x128xi32, #tpu.memory_space<hbm>> -> memref<128xi32, #tpu.memory_space<hbm>>
    tpu.enqueue_dma source(%dma_start3A_73 : memref<128xi32, #tpu.memory_space<hbm>>) target(%dma_start3A_71 : memref<128xi32, #tpu.memory_space<vmem>>) target_semaphore(%dma_start3A_68 : memref<!tpu.dma_semaphore, #tpu.memory_space<semaphore_mem>>)
    %broadcast_in_dim3A = arith.constant 0.000000e+00 : f32
    %broadcast_in_dim3A_74 = vector.broadcast %broadcast_in_dim3A : f32 to vector<16xf32>
    %scan3A = arith.constant 0 : i32
    %scan3A_75 = arith.constant 0 : i32
    %scan3A_76 = arith.constant 626 : i32
    %scan3A_77 = arith.addi %scan3A_75, %scan3A_76 : i32
    %scan3A_78 = arith.constant 1 : i32
    %scan3A_79 = scf.for %scan3A_91 = %scan3A_75 to %scan3A_77 step %scan3A_78 iter_args(%scan3A_92 = %scan3A) -> (i32)  : i32 {
      %swap3A = arith.index_cast %scan3A_91 : i32 to index
      %swap3A_93 = arith.constant 0 : index
      %swap3A_94 = tpu.vector_load %arg10[%swap3A, %swap3A_93] {strides = array<i32>} : memref<626x64xf32, #tpu.memory_space<vmem>>, vector<1x16xf32>,
      %swap3A_95 = vector.shape_cast %swap3A_94 : vector<1x16xf32> to vector<16xf32>
      %swap3A_96 = vector.shape_cast %broadcast_in_dim3A_74 : vector<16xf32> to vector<1x16xf32>
      tpu.vector_store %arg10[%swap3A, %swap3A_93], %swap3A_96 {strides = array<i32>} : memref<626x64xf32, #tpu.memory_space<vmem>>, vector<1x16xf32>,
      %swap3A_97 = arith.index_cast %scan3A_91 : i32 to index
      %swap3A_98 = arith.constant 16 : index
      %swap3A_99 = tpu.vector_load %arg10[%swap3A_97, %swap3A_98] {strides = array<i32>} : memref<626x64xf32, #tpu.memory_space<vmem>>, vector<1x16xf32>,
      %swap3A_100 = vector.shape_cast %swap3A_99 : vector<1x16xf32> to vector<16xf32>
      %swap3A_101 = vector.shape_cast %broadcast_in_dim3A_74 : vector<16xf32> to vector<1x16xf32>
      tpu.vector_store %arg10[%swap3A_97, %swap3A_98], %swap3A_101 {strides = array<i32>} : memref<626x64xf32, #tpu.memory_space<vmem>>, vector<1x16xf32>,
      %swap3A_102 = arith.index_cast %scan3A_91 : i32 to index
      %swap3A_103 = arith.constant 32 : index
      %swap3A_104 = tpu.vector_load %arg10[%swap3A_102, %swap3A_103] {strides = array<i32>} : memref<626x64xf32, #tpu.memory_space<vmem>>, vector<1x16xf32>,
      %swap3A_105 = vector.shape_cast %swap3A_104 : vector<1x16xf32> to vector<16xf32>
      %swap3A_106 = vector.shape_cast %broadcast_in_dim3A_74 : vector<16xf32> to vector<1x16xf32>
      tpu.vector_store %arg10[%swap3A_102, %swap3A_103], %swap3A_106 {strides = array<i32>} : memref<626x64xf32, #tpu.memory_space<vmem>>, vector<1x16xf32>,
      %swap3A_107 = arith.index_cast %scan3A_91 : i32 to index
      %swap3A_108 = arith.constant 48 : index
      %swap3A_109 = tpu.vector_load %arg10[%swap3A_107, %swap3A_108] {strides = array<i32>} : memref<626x64xf32, #tpu.memory_space<vmem>>, vector<1x16xf32>,
      %swap3A_110 = vector.shape_cast %swap3A_109 : vector<1x16xf32> to vector<16xf32>
      %swap3A_111 = vector.shape_cast %broadcast_in_dim3A_74 : vector<16xf32> to vector<1x16xf32>
      tpu.vector_store %arg10[%swap3A_107, %swap3A_108], %swap3A_111 {strides = array<i32>} : memref<626x64xf32, #tpu.memory_space<vmem>>, vector<1x16xf32>,
      %scan3A_112 = arith.constant 0 : i32
      scf.yield %scan3A_112 : i32
    }
    %scan3A_80 = arith.constant 626 : i32
    %mul3A_81 = arith.constant 626 : i32
    %mul3A_82 = arith.muli %arg1, %mul3A_81 : i32
    "tpu.region"() ({
      %run_scoped3A = tpu.sem_alloc : memref<!tpu.dma_semaphore, #tpu.memory_space<semaphore_mem>>
      %dma_start3A_91 = arith.constant 0 : i32
      %dma_start3A_92 = tpu.memref_slice %arg7[%mul3A_82, %dma_start3A_91] : memref<10016x64xf32, #tpu.memory_space<vmem_shared>> -> memref<626x64xf32, #tpu.memory_space<vmem_shared>>
      %dma_start3A_93 = arith.constant 0 : i32
      %dma_start3A_94 = tpu.memref_slice %arg7[%mul3A_82, %dma_start3A_93] : memref<10016x64xf32, #tpu.memory_space<vmem_shared>> -> memref<626x64xf32, #tpu.memory_space<vmem_shared>>
      tpu.enqueue_dma source(%arg10 : memref<626x64xf32, #tpu.memory_space<vmem>>) target(%dma_start3A_94 : memref<626x64xf32, #tpu.memory_space<vmem_shared>>) target_semaphore(%run_scoped3A : memref<!tpu.dma_semaphore, #tpu.memory_space<semaphore_mem>>)
      %dma_wait3A = arith.constant 0 : i32
      %dma_wait3A_95 = tpu.memref_slice %arg7[%mul3A_82, %dma_wait3A] : memref<10016x64xf32, #tpu.memory_space<vmem_shared>> -> memref<626x64xf32, #tpu.memory_space<vmem_shared>>
      %dma_wait3A_96 = arith.constant 0 : i32
      %dma_wait3A_97 = tpu.memref_slice %arg7[%mul3A_82, %dma_wait3A_96] : memref<10016x64xf32, #tpu.memory_space<vmem_shared>> -> memref<626x64xf32, #tpu.memory_space<vmem_shared>>
      tpu.wait_dma2 semaphore(%run_scoped3A : memref<!tpu.dma_semaphore, #tpu.memory_space<semaphore_mem>>) src(%arg10 : memref<626x64xf32, #tpu.memory_space<vmem>>) dst(%dma_wait3A_97 : memref<626x64xf32, #tpu.memory_space<vmem_shared>>)
      tpu.yield
    }) : () -> ()
    "tpu.region"() ({
      %run_scoped3A = tpu.sem_alloc : memref<!tpu.dma_semaphore, #tpu.memory_space<semaphore_mem>>
      %dma_start3A_91 = arith.constant 626 : i32
      %dma_start3A_92 = arith.constant 0 : i32
      %dma_start3A_93 = tpu.memref_slice %arg4[%dma_start3A_91, %dma_start3A_92] : memref<754x8xf32, #tpu.memory_space<hbm>> -> memref<128x8xf32, #tpu.memory_space<hbm>>
      %dma_start3A_94 = arith.constant 626 : i32
      %dma_start3A_95 = arith.constant 0 : i32
      %dma_start3A_96 = tpu.memref_slice %arg4[%dma_start3A_94, %dma_start3A_95] : memref<754x8xf32, #tpu.memory_space<hbm>> -> memref<128x8xf32, #tpu.memory_space<hbm>>
      tpu.enqueue_dma source(%dma_start3A_96 : memref<128x8xf32, #tpu.memory_space<hbm>>) target(%arg15 : memref<128x8xf32, #tpu.memory_space<vmem>>) target_semaphore(%run_scoped3A : memref<!tpu.dma_semaphore, #tpu.memory_space<semaphore_mem>>)
      %dma_wait3A = arith.constant 626 : i32
      %dma_wait3A_97 = arith.constant 0 : i32
      %dma_wait3A_98 = tpu.memref_slice %arg4[%dma_wait3A, %dma_wait3A_97] : memref<754x8xf32, #tpu.memory_space<hbm>> -> memref<128x8xf32, #tpu.memory_space<hbm>>
      %dma_wait3A_99 = arith.constant 626 : i32
      %dma_wait3A_100 = arith.constant 0 : i32
      %dma_wait3A_101 = tpu.memref_slice %arg4[%dma_wait3A_99, %dma_wait3A_100] : memref<754x8xf32, #tpu.memory_space<hbm>> -> memref<128x8xf32, #tpu.memory_space<hbm>>
      tpu.wait_dma2 semaphore(%run_scoped3A : memref<!tpu.dma_semaphore, #tpu.memory_space<semaphore_mem>>) src(%dma_wait3A_101 : memref<128x8xf32, #tpu.memory_space<hbm>>) dst(%arg15 : memref<128x8xf32, #tpu.memory_space<vmem>>)
      tpu.yield
    }) : () -> ()
    "tpu.region"() ({
      %run_scoped3A = tpu.sem_alloc : memref<!tpu.dma_semaphore, #tpu.memory_space<semaphore_mem>>
      %dma_start3A_91 = arith.constant 0 : i32
      %dma_start3A_92 = arith.constant 0 : i32
      %dma_start3A_93 = tpu.memref_slice %arg4[%dma_start3A_91, %dma_start3A_92] : memref<754x8xf32, #tpu.memory_space<hbm>> -> memref<626x8xf32, #tpu.memory_space<hbm>>
      %dma_start3A_94 = arith.constant 0 : i32
      %dma_start3A_95 = arith.constant 0 : i32
      %dma_start3A_96 = tpu.memref_slice %arg4[%dma_start3A_94, %dma_start3A_95] : memref<754x8xf32, #tpu.memory_space<hbm>> -> memref<626x8xf32, #tpu.memory_space<hbm>>
      tpu.enqueue_dma source(%dma_start3A_96 : memref<626x8xf32, #tpu.memory_space<hbm>>) target(%arg16 : memref<626x8xf32, #tpu.memory_space<vmem>>) target_semaphore(%run_scoped3A : memref<!tpu.dma_semaphore, #tpu.memory_space<semaphore_mem>>)
      %dma_wait3A = arith.constant 0 : i32
      %dma_wait3A_97 = arith.constant 0 : i32
      %dma_wait3A_98 = tpu.memref_slice %arg4[%dma_wait3A, %dma_wait3A_97] : memref<754x8xf32, #tpu.memory_space<hbm>> -> memref<626x8xf32, #tpu.memory_space<hbm>>
      %dma_wait3A_99 = arith.constant 0 : i32
      %dma_wait3A_100 = arith.constant 0 : i32
      %dma_wait3A_101 = tpu.memref_slice %arg4[%dma_wait3A_99, %dma_wait3A_100] : memref<754x8xf32, #tpu.memory_space<hbm>> -> memref<626x8xf32, #tpu.memory_space<hbm>>
      tpu.wait_dma2 semaphore(%run_scoped3A : memref<!tpu.dma_semaphore, #tpu.memory_space<semaphore_mem>>) src(%dma_wait3A_101 : memref<626x8xf32, #tpu.memory_space<hbm>>) dst(%arg16 : memref<626x8xf32, #tpu.memory_space<vmem>>)
      tpu.yield
    }) : () -> ()
    "tpu.region"() ({
      %run_scoped3A = tpu.sem_alloc : memref<!tpu.dma_semaphore, #tpu.memory_space<semaphore_mem>>
      %dma_start3A_91 = arith.constant 0 : i32
      %dma_start3A_92 = tpu.memref_slice %arg14[%mul3A_82, %dma_start3A_91] : memref<10016x8xf32, #tpu.memory_space<vmem_shared>> -> memref<626x8xf32, #tpu.memory_space<vmem_shared>>
      %dma_start3A_93 = arith.constant 0 : i32
      %dma_start3A_94 = tpu.memref_slice %arg14[%mul3A_82, %dma_start3A_93] : memref<10016x8xf32, #tpu.memory_space<vmem_shared>> -> memref<626x8xf32, #tpu.memory_space<vmem_shared>>
      tpu.enqueue_dma source(%arg16 : memref<626x8xf32, #tpu.memory_space<vmem>>) target(%dma_start3A_94 : memref<626x8xf32, #tpu.memory_space<vmem_shared>>) target_semaphore(%run_scoped3A : memref<!tpu.dma_semaphore, #tpu.memory_space<semaphore_mem>>)
      %dma_wait3A = arith.constant 0 : i32
      %dma_wait3A_95 = tpu.memref_slice %arg14[%mul3A_82, %dma_wait3A] : memref<10016x8xf32, #tpu.memory_space<vmem_shared>> -> memref<626x8xf32, #tpu.memory_space<vmem_shared>>
      %dma_wait3A_96 = arith.constant 0 : i32
      %dma_wait3A_97 = tpu.memref_slice %arg14[%mul3A_82, %dma_wait3A_96] : memref<10016x8xf32, #tpu.memory_space<vmem_shared>> -> memref<626x8xf32, #tpu.memory_space<vmem_shared>>
      tpu.wait_dma2 semaphore(%run_scoped3A : memref<!tpu.dma_semaphore, #tpu.memory_space<semaphore_mem>>) src(%arg16 : memref<626x8xf32, #tpu.memory_space<vmem>>) dst(%dma_wait3A_97 : memref<626x8xf32, #tpu.memory_space<vmem_shared>>)
      tpu.yield
    }) : () -> ()
    %barrier3A = arith.constant 0 : index
    tpu.barrier barrier_id(%barrier3A)
    %scan3A_83 = arith.constant 0 : i32
    %scan3A_84 = arith.constant 0 : i32
    %scan3A_85 = arith.constant 40 : i32
    %scan3A_86 = arith.addi %scan3A_84, %scan3A_85 : i32
    %scan3A_87 = arith.constant 1 : i32
    %scan3A_88 = scf.for %scan3A_91 = %scan3A_84 to %scan3A_86 step %scan3A_87 iter_args(%scan3A_92 = %scan3A_83) -> (i32)  : i32 {
      %mul3A_93 = arith.constant 2 : i32
      %mul3A_94 = arith.muli %scan3A_91, %mul3A_93 : i32
      %add3A_95 = arith.addi %mul3A_2, %mul3A_94 : i32
      %add3A_96 = arith.constant 0 : i32
      %add3A_97 = arith.addi %add3A_95, %add3A_96 : i32
      %mul3A_98 = arith.constant 128 : i32
      %mul3A_99 = arith.muli %add3A_97, %mul3A_98 : i32
      %dma_wait3A = arith.constant 0 : i32
      %dma_wait3A_100 = arith.constant 0 : i32
      %dma_wait3A_101 = arith.constant 0 : i32
      %dma_wait3A_102 = arith.constant 0 : i32
      %dma_wait3A_103 = arith.constant 0 : i32
      %dma_wait3A_104 = tpu.memref_slice %arg8[%dma_wait3A_100, %dma_wait3A_101, %dma_wait3A_103] : memref<2x2x128xi32, #tpu.memory_space<vmem>> -> memref<1x1x128xi32, #tpu.memory_space<vmem>>
      %dma_wait3A_105 = tpu.memref_squeeze %dma_wait3A_104 : memref<1x1x128xi32, #tpu.memory_space<vmem>> -> memref<128xi32, #tpu.memory_space<vmem>>
      %dma_wait3A_106 = tpu.memref_slice %arg3[%dma_wait3A, %mul3A_99] : memref<2x327680xi32, #tpu.memory_space<hbm>> -> memref<1x128xi32, #tpu.memory_space<hbm>>
      %dma_wait3A_107 = tpu.memref_squeeze %dma_wait3A_106 : memref<1x128xi32, #tpu.memory_space<hbm>> -> memref<128xi32, #tpu.memory_space<hbm>>
      %dma_wait3A_108 = tpu.memref_slice %arg11[%dma_wait3A_102] : memref<2x!tpu.dma_semaphore, #tpu.memory_space<semaphore_mem>> -> memref<1x!tpu.dma_semaphore, #tpu.memory_space<semaphore_mem>>
      %dma_wait3A_109 = tpu.memref_squeeze %dma_wait3A_108 : memref<1x!tpu.dma_semaphore, #tpu.memory_space<semaphore_mem>> -> memref<!tpu.dma_semaphore, #tpu.memory_space<semaphore_mem>>
      %dma_wait3A_110 = arith.constant 0 : i32
      %dma_wait3A_111 = tpu.memref_slice %arg8[%dma_wait3A_100, %dma_wait3A_101, %dma_wait3A_110] : memref<2x2x128xi32, #tpu.memory_space<vmem>> -> memref<1x1x128xi32, #tpu.memory_space<vmem>>
      %dma_wait3A_112 = tpu.memref_squeeze %dma_wait3A_111 : memref<1x1x128xi32, #tpu.memory_space<vmem>> -> memref<128xi32, #tpu.memory_space<vmem>>
      %dma_wait3A_113 = tpu.memref_slice %arg3[%dma_wait3A, %mul3A_99] : memref<2x327680xi32, #tpu.memory_space<hbm>> -> memref<1x128xi32, #tpu.memory_space<hbm>>
      %dma_wait3A_114 = tpu.memref_squeeze %dma_wait3A_113 : memref<1x128xi32, #tpu.memory_space<hbm>> -> memref<128xi32, #tpu.memory_space<hbm>>
      tpu.wait_dma2 semaphore(%dma_wait3A_109 : memref<!tpu.dma_semaphore, #tpu.memory_space<semaphore_mem>>) src(%dma_wait3A_114 : memref<128xi32, #tpu.memory_space<hbm>>) dst(%dma_wait3A_112 : memref<128xi32, #tpu.memory_space<vmem>>)
      %dma_wait3A_115 = arith.constant 1 : i32
      %dma_wait3A_116 = arith.constant 0 : i32
      %dma_wait3A_117 = arith.constant 1 : i32
      %dma_wait3A_118 = arith.constant 0 : i32
      %dma_wait3A_119 = arith.constant 0 : i32
      %dma_wait3A_120 = tpu.memref_slice %arg8[%dma_wait3A_116, %dma_wait3A_117, %dma_wait3A_119] : memref<2x2x128xi32, #tpu.memory_space<vmem>> -> memref<1x1x128xi32, #tpu.memory_space<vmem>>
      %dma_wait3A_121 = tpu.memref_squeeze %dma_wait3A_120 : memref<1x1x128xi32, #tpu.memory_space<vmem>> -> memref<128xi32, #tpu.memory_space<vmem>>
      %dma_wait3A_122 = tpu.memref_slice %arg3[%dma_wait3A_115, %mul3A_99] : memref<2x327680xi32, #tpu.memory_space<hbm>> -> memref<1x128xi32, #tpu.memory_space<hbm>>
      %dma_wait3A_123 = tpu.memref_squeeze %dma_wait3A_122 : memref<1x128xi32, #tpu.memory_space<hbm>> -> memref<128xi32, #tpu.memory_space<hbm>>
      %dma_wait3A_124 = tpu.memref_slice %arg11[%dma_wait3A_118] : memref<2x!tpu.dma_semaphore, #tpu.memory_space<semaphore_mem>> -> memref<1x!tpu.dma_semaphore, #tpu.memory_space<semaphore_mem>>
      %dma_wait3A_125 = tpu.memref_squeeze %dma_wait3A_124 : memref<1x!tpu.dma_semaphore, #tpu.memory_space<semaphore_mem>> -> memref<!tpu.dma_semaphore, #tpu.memory_space<semaphore_mem>>
      %dma_wait3A_126 = arith.constant 0 : i32
      %dma_wait3A_127 = tpu.memref_slice %arg8[%dma_wait3A_116, %dma_wait3A_117, %dma_wait3A_126] : memref<2x2x128xi32, #tpu.memory_space<vmem>> -> memref<1x1x128xi32, #tpu.memory_space<vmem>>
      %dma_wait3A_128 = tpu.memref_squeeze %dma_wait3A_127 : memref<1x1x128xi32, #tpu.memory_space<vmem>> -> memref<128xi32, #tpu.memory_space<vmem>>
      %dma_wait3A_129 = tpu.memref_slice %arg3[%dma_wait3A_115, %mul3A_99] : memref<2x327680xi32, #tpu.memory_space<hbm>> -> memref<1x128xi32, #tpu.memory_space<hbm>>
      %dma_wait3A_130 = tpu.memref_squeeze %dma_wait3A_129 : memref<1x128xi32, #tpu.memory_space<hbm>> -> memref<128xi32, #tpu.memory_space<hbm>>
      tpu.wait_dma2 semaphore(%dma_wait3A_125 : memref<!tpu.dma_semaphore, #tpu.memory_space<semaphore_mem>>) src(%dma_wait3A_130 : memref<128xi32, #tpu.memory_space<hbm>>) dst(%dma_wait3A_128 : memref<128xi32, #tpu.memory_space<vmem>>)
      %dma_start3A_131 = arith.constant 0 : i32
      %dma_start3A_132 = arith.constant 0 : i32
      %dma_start3A_133 = arith.constant 0 : i32
      %dma_start3A_134 = arith.constant 0 : i32
      %dma_start3A_135 = arith.constant 0 : i32
      %dma_start3A_136 = arith.constant 0 : i32
      %dma_start3A_137 = tpu.memref_slice %arg9[%dma_start3A_133, %dma_start3A_135, %dma_start3A_136] : memref<2x128x64xf32, #tpu.memory_space<vmem>> -> memref<1x128x64xf32, #tpu.memory_space<vmem>>
      %dma_start3A_138 = tpu.memref_squeeze %dma_start3A_137 : memref<1x128x64xf32, #tpu.memory_space<vmem>> -> memref<128x64xf32, #tpu.memory_space<vmem>>
      %dma_start3A_139 = arith.constant 0 : i32
      %dma_start3A_140 = tpu.memref_slice %arg8[%dma_start3A_131, %dma_start3A_132, %dma_start3A_139] : memref<2x2x128xi32, #tpu.memory_space<vmem>> -> memref<1x1x128xi32, #tpu.memory_space<vmem>>
      %dma_start3A_141 = tpu.memref_squeeze %dma_start3A_140 : memref<1x1x128xi32, #tpu.memory_space<vmem>> -> memref<128xi32, #tpu.memory_space<vmem>>
      %dma_start3A_142 = arith.constant 0 : i32
      %dma_start3A_143 = arith.constant 0 : i32
      %dma_start3A_144 = tpu.memref_slice %arg2[%dma_start3A_142, %dma_start3A_143] : memref<10000x64xf32, #tpu.memory_space<hbm>> -> memref<10000x64xf32, #tpu.memory_space<hbm>>
      %dma_start3A_145 = tpu.memref_slice %arg12[%dma_start3A_134] : memref<2x!tpu.dma_semaphore, #tpu.memory_space<semaphore_mem>> -> memref<1x!tpu.dma_semaphore, #tpu.memory_space<semaphore_mem>>
      %dma_start3A_146 = tpu.memref_squeeze %dma_start3A_145 : memref<1x!tpu.dma_semaphore, #tpu.memory_space<semaphore_mem>> -> memref<!tpu.dma_semaphore, #tpu.memory_space<semaphore_mem>>
      tpu.enqueue_indirect_dma source(%dma_start3A_144 : memref<10000x64xf32, #tpu.memory_space<hbm>>) target(%dma_start3A_138 : memref<128x64xf32, #tpu.memory_space<vmem>>) offsets(%dma_start3A_141 : memref<128xi32, #tpu.memory_space<vmem>>) semaphore(%dma_start3A_146 : memref<!tpu.dma_semaphore, #tpu.memory_space<semaphore_mem>>)
      %add3A_147 = arith.constant 1 : i32
      %add3A_148 = arith.addi %add3A_95, %add3A_147 : i32
      %mul3A_149 = arith.constant 128 : i32
      %mul3A_150 = arith.muli %add3A_148, %mul3A_149 : i32
      %dma_wait3A_151 = arith.constant 0 : i32
      %dma_wait3A_152 = arith.constant 1 : i32
      %dma_wait3A_153 = arith.constant 0 : i32
      %dma_wait3A_154 = arith.constant 1 : i32
      %dma_wait3A_155 = arith.constant 0 : i32
      %dma_wait3A_156 = tpu.memref_slice %arg8[%dma_wait3A_152, %dma_wait3A_153, %dma_wait3A_155] : memref<2x2x128xi32, #tpu.memory_space<vmem>> -> memref<1x1x128xi32, #tpu.memory_space<vmem>>
      %dma_wait3A_157 = tpu.memref_squeeze %dma_wait3A_156 : memref<1x1x128xi32, #tpu.memory_space<vmem>> -> memref<128xi32, #tpu.memory_space<vmem>>
      %dma_wait3A_158 = tpu.memref_slice %arg3[%dma_wait3A_151, %mul3A_150] : memref<2x327680xi32, #tpu.memory_space<hbm>> -> memref<1x128xi32, #tpu.memory_space<hbm>>
      %dma_wait3A_159 = tpu.memref_squeeze %dma_wait3A_158 : memref<1x128xi32, #tpu.memory_space<hbm>> -> memref<128xi32, #tpu.memory_space<hbm>>
      %dma_wait3A_160 = tpu.memref_slice %arg11[%dma_wait3A_154] : memref<2x!tpu.dma_semaphore, #tpu.memory_space<semaphore_mem>> -> memref<1x!tpu.dma_semaphore, #tpu.memory_space<semaphore_mem>>
      %dma_wait3A_161 = tpu.memref_squeeze %dma_wait3A_160 : memref<1x!tpu.dma_semaphore, #tpu.memory_space<semaphore_mem>> -> memref<!tpu.dma_semaphore, #tpu.memory_space<semaphore_mem>>
      %dma_wait3A_162 = arith.constant 0 : i32
      %dma_wait3A_163 = tpu.memref_slice %arg8[%dma_wait3A_152, %dma_wait3A_153, %dma_wait3A_162] : memref<2x2x128xi32, #tpu.memory_space<vmem>> -> memref<1x1x128xi32, #tpu.memory_space<vmem>>
      %dma_wait3A_164 = tpu.memref_squeeze %dma_wait3A_163 : memref<1x1x128xi32, #tpu.memory_space<vmem>> -> memref<128xi32, #tpu.memory_space<vmem>>
      %dma_wait3A_165 = tpu.memref_slice %arg3[%dma_wait3A_151, %mul3A_150] : memref<2x327680xi32, #tpu.memory_space<hbm>> -> memref<1x128xi32, #tpu.memory_space<hbm>>
      %dma_wait3A_166 = tpu.memref_squeeze %dma_wait3A_165 : memref<1x128xi32, #tpu.memory_space<hbm>> -> memref<128xi32, #tpu.memory_space<hbm>>
      tpu.wait_dma2 semaphore(%dma_wait3A_161 : memref<!tpu.dma_semaphore, #tpu.memory_space<semaphore_mem>>) src(%dma_wait3A_166 : memref<128xi32, #tpu.memory_space<hbm>>) dst(%dma_wait3A_164 : memref<128xi32, #tpu.memory_space<vmem>>)
      %dma_wait3A_167 = arith.constant 1 : i32
      %dma_wait3A_168 = arith.constant 1 : i32
      %dma_wait3A_169 = arith.constant 1 : i32
      %dma_wait3A_170 = arith.constant 1 : i32
      %dma_wait3A_171 = arith.constant 0 : i32
      %dma_wait3A_172 = tpu.memref_slice %arg8[%dma_wait3A_168, %dma_wait3A_169, %dma_wait3A_171] : memref<2x2x128xi32, #tpu.memory_space<vmem>> -> memref<1x1x128xi32, #tpu.memory_space<vmem>>
      %dma_wait3A_173 = tpu.memref_squeeze %dma_wait3A_172 : memref<1x1x128xi32, #tpu.memory_space<vmem>> -> memref<128xi32, #tpu.memory_space<vmem>>
      %dma_wait3A_174 = tpu.memref_slice %arg3[%dma_wait3A_167, %mul3A_150] : memref<2x327680xi32, #tpu.memory_space<hbm>> -> memref<1x128xi32, #tpu.memory_space<hbm>>
      %dma_wait3A_175 = tpu.memref_squeeze %dma_wait3A_174 : memref<1x128xi32, #tpu.memory_space<hbm>> -> memref<128xi32, #tpu.memory_space<hbm>>
      %dma_wait3A_176 = tpu.memref_slice %arg11[%dma_wait3A_170] : memref<2x!tpu.dma_semaphore, #tpu.memory_space<semaphore_mem>> -> memref<1x!tpu.dma_semaphore, #tpu.memory_space<semaphore_mem>>
      %dma_wait3A_177 = tpu.memref_squeeze %dma_wait3A_176 : memref<1x!tpu.dma_semaphore, #tpu.memory_space<semaphore_mem>> -> memref<!tpu.dma_semaphore, #tpu.memory_space<semaphore_mem>>
      %dma_wait3A_178 = arith.constant 0 : i32
      %dma_wait3A_179 = tpu.memref_slice %arg8[%dma_wait3A_168, %dma_wait3A_169, %dma_wait3A_178] : memref<2x2x128xi32, #tpu.memory_space<vmem>> -> memref<1x1x128xi32, #tpu.memory_space<vmem>>
      %dma_wait3A_180 = tpu.memref_squeeze %dma_wait3A_179 : memref<1x1x128xi32, #tpu.memory_space<vmem>> -> memref<128xi32, #tpu.memory_space<vmem>>
      %dma_wait3A_181 = tpu.memref_slice %arg3[%dma_wait3A_167, %mul3A_150] : memref<2x327680xi32, #tpu.memory_space<hbm>> -> memref<1x128xi32, #tpu.memory_space<hbm>>
      %dma_wait3A_182 = tpu.memref_squeeze %dma_wait3A_181 : memref<1x128xi32, #tpu.memory_space<hbm>> -> memref<128xi32, #tpu.memory_space<hbm>>
      tpu.wait_dma2 semaphore(%dma_wait3A_177 : memref<!tpu.dma_semaphore, #tpu.memory_space<semaphore_mem>>) src(%dma_wait3A_182 : memref<128xi32, #tpu.memory_space<hbm>>) dst(%dma_wait3A_180 : memref<128xi32, #tpu.memory_space<vmem>>)
      %dma_start3A_183 = arith.constant 1 : i32
      %dma_start3A_184 = arith.constant 0 : i32
      %dma_start3A_185 = arith.constant 1 : i32
      %dma_start3A_186 = arith.constant 1 : i32
      %dma_start3A_187 = arith.constant 0 : i32
      %dma_start3A_188 = arith.constant 0 : i32
      %dma_start3A_189 = tpu.memref_slice %arg9[%dma_start3A_185, %dma_start3A_187, %dma_start3A_188] : memref<2x128x64xf32, #tpu.memory_space<vmem>> -> memref<1x128x64xf32, #tpu.memory_space<vmem>>
      %dma_start3A_190 = tpu.memref_squeeze %dma_start3A_189 : memref<1x128x64xf32, #tpu.memory_space<vmem>> -> memref<128x64xf32, #tpu.memory_space<vmem>>
      %dma_start3A_191 = arith.constant 0 : i32
      %dma_start3A_192 = tpu.memref_slice %arg8[%dma_start3A_183, %dma_start3A_184, %dma_start3A_191] : memref<2x2x128xi32, #tpu.memory_space<vmem>> -> memref<1x1x128xi32, #tpu.memory_space<vmem>>
      %dma_start3A_193 = tpu.memref_squeeze %dma_start3A_192 : memref<1x1x128xi32, #tpu.memory_space<vmem>> -> memref<128xi32, #tpu.memory_space<vmem>>
      %dma_start3A_194 = arith.constant 0 : i32
      %dma_start3A_195 = arith.constant 0 : i32
      %dma_start3A_196 = tpu.memref_slice %arg2[%dma_start3A_194, %dma_start3A_195] : memref<10000x64xf32, #tpu.memory_space<hbm>> -> memref<10000x64xf32, #tpu.memory_space<hbm>>
      %dma_start3A_197 = tpu.memref_slice %arg12[%dma_start3A_186] : memref<2x!tpu.dma_semaphore, #tpu.memory_space<semaphore_mem>> -> memref<1x!tpu.dma_semaphore, #tpu.memory_space<semaphore_mem>>
      %dma_start3A_198 = tpu.memref_squeeze %dma_start3A_197 : memref<1x!tpu.dma_semaphore, #tpu.memory_space<semaphore_mem>> -> memref<!tpu.dma_semaphore, #tpu.memory_space<semaphore_mem>>
      tpu.enqueue_indirect_dma source(%dma_start3A_196 : memref<10000x64xf32, #tpu.memory_space<hbm>>) target(%dma_start3A_190 : memref<128x64xf32, #tpu.memory_space<vmem>>) offsets(%dma_start3A_193 : memref<128xi32, #tpu.memory_space<vmem>>) semaphore(%dma_start3A_198 : memref<!tpu.dma_semaphore, #tpu.memory_space<semaphore_mem>>)
      %dma_wait3A_199 = arith.constant 0 : i32
      %dma_wait3A_200 = arith.constant 0 : i32
      %dma_wait3A_201 = arith.constant 0 : i32
      %dma_wait3A_202 = arith.constant 0 : i32
      %dma_wait3A_203 = arith.constant 0 : i32
      %dma_wait3A_204 = arith.constant 0 : i32
      %dma_wait3A_205 = tpu.memref_slice %arg9[%dma_wait3A_201, %dma_wait3A_203, %dma_wait3A_204] : memref<2x128x64xf32, #tpu.memory_space<vmem>> -> memref<1x128x64xf32, #tpu.memory_space<vmem>>
      %dma_wait3A_206 = tpu.memref_squeeze %dma_wait3A_205 : memref<1x128x64xf32, #tpu.memory_space<vmem>> -> memref<128x64xf32, #tpu.memory_space<vmem>>
      %dma_wait3A_207 = arith.constant 0 : i32
      %dma_wait3A_208 = tpu.memref_slice %arg8[%dma_wait3A_199, %dma_wait3A_200, %dma_wait3A_207] : memref<2x2x128xi32, #tpu.memory_space<vmem>> -> memref<1x1x128xi32, #tpu.memory_space<vmem>>
      %dma_wait3A_209 = tpu.memref_squeeze %dma_wait3A_208 : memref<1x1x128xi32, #tpu.memory_space<vmem>> -> memref<128xi32, #tpu.memory_space<vmem>>
      %dma_wait3A_210 = arith.constant 0 : i32
      %dma_wait3A_211 = arith.constant 0 : i32
      %dma_wait3A_212 = tpu.memref_slice %arg2[%dma_wait3A_210, %dma_wait3A_211] : memref<10000x64xf32, #tpu.memory_space<hbm>> -> memref<10000x64xf32, #tpu.memory_space<hbm>>
      %dma_wait3A_213 = tpu.memref_slice %arg12[%dma_wait3A_202] : memref<2x!tpu.dma_semaphore, #tpu.memory_space<semaphore_mem>> -> memref<1x!tpu.dma_semaphore, #tpu.memory_space<semaphore_mem>>
      %dma_wait3A_214 = tpu.memref_squeeze %dma_wait3A_213 : memref<1x!tpu.dma_semaphore, #tpu.memory_space<semaphore_mem>> -> memref<!tpu.dma_semaphore, #tpu.memory_space<semaphore_mem>>
      tpu.wait_indirect_dma semaphore(%dma_wait3A_214 : memref<!tpu.dma_semaphore, #tpu.memory_space<semaphore_mem>>) src(%dma_wait3A_212 : memref<10000x64xf32, #tpu.memory_space<hbm>>) dst(%dma_wait3A_206 : memref<128x64xf32, #tpu.memory_space<vmem>>)
      %dma_start3A_215 = arith.constant 0 : i32
      %dma_start3A_216 = arith.constant 0 : i32
      %dma_start3A_217 = arith.constant 1 : i32
      %dma_start3A_218 = arith.constant 0 : i32
      %dma_start3A_219 = arith.constant 0 : i32
      %dma_start3A_220 = arith.constant 0 : i32
      %dma_start3A_221 = tpu.memref_slice %arg9[%dma_start3A_215, %dma_start3A_219, %dma_start3A_220] : memref<2x128x64xf32, #tpu.memory_space<vmem>> -> memref<1x128x64xf32, #tpu.memory_space<vmem>>
      %dma_start3A_222 = tpu.memref_squeeze %dma_start3A_221 : memref<1x128x64xf32, #tpu.memory_space<vmem>> -> memref<128x64xf32, #tpu.memory_space<vmem>>
      %dma_start3A_223 = arith.constant 0 : i32
      %dma_start3A_224 = tpu.memref_slice %arg8[%dma_start3A_216, %dma_start3A_217, %dma_start3A_223] : memref<2x2x128xi32, #tpu.memory_space<vmem>> -> memref<1x1x128xi32, #tpu.memory_space<vmem>>
      %dma_start3A_225 = tpu.memref_squeeze %dma_start3A_224 : memref<1x1x128xi32, #tpu.memory_space<vmem>> -> memref<128xi32, #tpu.memory_space<vmem>>
      %dma_start3A_226 = arith.constant 0 : i32
      %dma_start3A_227 = arith.constant 0 : i32
      %dma_start3A_228 = tpu.memref_slice %arg7[%dma_start3A_226, %dma_start3A_227] : memref<10016x64xf32, #tpu.memory_space<vmem_shared>> -> memref<10016x64xf32, #tpu.memory_space<vmem_shared>>
      %dma_start3A_229 = tpu.memref_slice %arg13[%dma_start3A_218] : memref<2x!tpu.dma_semaphore, #tpu.memory_space<semaphore_mem>> -> memref<1x!tpu.dma_semaphore, #tpu.memory_space<semaphore_mem>>
      %dma_start3A_230 = tpu.memref_squeeze %dma_start3A_229 : memref<1x!tpu.dma_semaphore, #tpu.memory_space<semaphore_mem>> -> memref<!tpu.dma_semaphore, #tpu.memory_space<semaphore_mem>>
      tpu.enqueue_indirect_dma source(%dma_start3A_222 : memref<128x64xf32, #tpu.memory_space<vmem>>) target(%dma_start3A_228 : memref<10016x64xf32, #tpu.memory_space<vmem_shared>>) offsets(%dma_start3A_225 : memref<128xi32, #tpu.memory_space<vmem>>) semaphore(%dma_start3A_230 : memref<!tpu.dma_semaphore, #tpu.memory_space<semaphore_mem>>) {add = true}
      %dma_start3A_231 = arith.constant 0 : i32
      %dma_start3A_232 = arith.constant 1 : i32
      %dma_start3A_233 = arith.constant 0 : i32
      %dma_start3A_234 = arith.constant 0 : i32
      %dma_start3A_235 = tpu.memref_slice %arg8[%dma_start3A_231, %dma_start3A_232, %dma_start3A_234] : memref<2x2x128xi32, #tpu.memory_space<vmem>> -> memref<1x1x128xi32, #tpu.memory_space<vmem>>
      %dma_start3A_236 = tpu.memref_squeeze %dma_start3A_235 : memref<1x1x128xi32, #tpu.memory_space<vmem>> -> memref<128xi32, #tpu.memory_space<vmem>>
      %dma_start3A_237 = arith.constant 0 : i32
      %dma_start3A_238 = arith.constant 0 : i32
      %dma_start3A_239 = tpu.memref_slice %arg14[%dma_start3A_237, %dma_start3A_238] : memref<10016x8xf32, #tpu.memory_space<vmem_shared>> -> memref<10016x8xf32, #tpu.memory_space<vmem_shared>>
      %dma_start3A_240 = tpu.memref_slice %arg17[%dma_start3A_233] : memref<2x!tpu.dma_semaphore, #tpu.memory_space<semaphore_mem>> -> memref<1x!tpu.dma_semaphore, #tpu.memory_space<semaphore_mem>>
      %dma_start3A_241 = tpu.memref_squeeze %dma_start3A_240 : memref<1x!tpu.dma_semaphore, #tpu.memory_space<semaphore_mem>> -> memref<!tpu.dma_semaphore, #tpu.memory_space<semaphore_mem>>
      tpu.enqueue_indirect_dma source(%arg15 : memref<128x8xf32, #tpu.memory_space<vmem>>) target(%dma_start3A_239 : memref<10016x8xf32, #tpu.memory_space<vmem_shared>>) offsets(%dma_start3A_236 : memref<128xi32, #tpu.memory_space<vmem>>) semaphore(%dma_start3A_241 : memref<!tpu.dma_semaphore, #tpu.memory_space<semaphore_mem>>) {add = true}
      %dma_wait3A_242 = arith.constant 1 : i32
      %dma_wait3A_243 = arith.constant 0 : i32
      %dma_wait3A_244 = arith.constant 1 : i32
      %dma_wait3A_245 = arith.constant 1 : i32
      %dma_wait3A_246 = arith.constant 0 : i32
      %dma_wait3A_247 = arith.constant 0 : i32
      %dma_wait3A_248 = tpu.memref_slice %arg9[%dma_wait3A_244, %dma_wait3A_246, %dma_wait3A_247] : memref<2x128x64xf32, #tpu.memory_space<vmem>> -> memref<1x128x64xf32, #tpu.memory_space<vmem>>
      %dma_wait3A_249 = tpu.memref_squeeze %dma_wait3A_248 : memref<1x128x64xf32, #tpu.memory_space<vmem>> -> memref<128x64xf32, #tpu.memory_space<vmem>>
      %dma_wait3A_250 = arith.constant 0 : i32
      %dma_wait3A_251 = tpu.memref_slice %arg8[%dma_wait3A_242, %dma_wait3A_243, %dma_wait3A_250] : memref<2x2x128xi32, #tpu.memory_space<vmem>> -> memref<1x1x128xi32, #tpu.memory_space<vmem>>
      %dma_wait3A_252 = tpu.memref_squeeze %dma_wait3A_251 : memref<1x1x128xi32, #tpu.memory_space<vmem>> -> memref<128xi32, #tpu.memory_space<vmem>>
      %dma_wait3A_253 = arith.constant 0 : i32
      %dma_wait3A_254 = arith.constant 0 : i32
      %dma_wait3A_255 = tpu.memref_slice %arg2[%dma_wait3A_253, %dma_wait3A_254] : memref<10000x64xf32, #tpu.memory_space<hbm>> -> memref<10000x64xf32, #tpu.memory_space<hbm>>
      %dma_wait3A_256 = tpu.memref_slice %arg12[%dma_wait3A_245] : memref<2x!tpu.dma_semaphore, #tpu.memory_space<semaphore_mem>> -> memref<1x!tpu.dma_semaphore, #tpu.memory_space<semaphore_mem>>
      %dma_wait3A_257 = tpu.memref_squeeze %dma_wait3A_256 : memref<1x!tpu.dma_semaphore, #tpu.memory_space<semaphore_mem>> -> memref<!tpu.dma_semaphore, #tpu.memory_space<semaphore_mem>>
      tpu.wait_indirect_dma semaphore(%dma_wait3A_257 : memref<!tpu.dma_semaphore, #tpu.memory_space<semaphore_mem>>) src(%dma_wait3A_255 : memref<10000x64xf32, #tpu.memory_space<hbm>>) dst(%dma_wait3A_249 : memref<128x64xf32, #tpu.memory_space<vmem>>)
      %dma_start3A_258 = arith.constant 1 : i32
      %dma_start3A_259 = arith.constant 1 : i32
      %dma_start3A_260 = arith.constant 1 : i32
      %dma_start3A_261 = arith.constant 1 : i32
      %dma_start3A_262 = arith.constant 0 : i32
      %dma_start3A_263 = arith.constant 0 : i32
      %dma_start3A_264 = tpu.memref_slice %arg9[%dma_start3A_258, %dma_start3A_262, %dma_start3A_263] : memref<2x128x64xf32, #tpu.memory_space<vmem>> -> memref<1x128x64xf32, #tpu.memory_space<vmem>>
      %dma_start3A_265 = tpu.memref_squeeze %dma_start3A_264 : memref<1x128x64xf32, #tpu.memory_space<vmem>> -> memref<128x64xf32, #tpu.memory_space<vmem>>
      %dma_start3A_266 = arith.constant 0 : i32
      %dma_start3A_267 = tpu.memref_slice %arg8[%dma_start3A_259, %dma_start3A_260, %dma_start3A_266] : memref<2x2x128xi32, #tpu.memory_space<vmem>> -> memref<1x1x128xi32, #tpu.memory_space<vmem>>
      %dma_start3A_268 = tpu.memref_squeeze %dma_start3A_267 : memref<1x1x128xi32, #tpu.memory_space<vmem>> -> memref<128xi32, #tpu.memory_space<vmem>>
      %dma_start3A_269 = arith.constant 0 : i32
      %dma_start3A_270 = arith.constant 0 : i32
      %dma_start3A_271 = tpu.memref_slice %arg7[%dma_start3A_269, %dma_start3A_270] : memref<10016x64xf32, #tpu.memory_space<vmem_shared>> -> memref<10016x64xf32, #tpu.memory_space<vmem_shared>>
      %dma_start3A_272 = tpu.memref_slice %arg13[%dma_start3A_261] : memref<2x!tpu.dma_semaphore, #tpu.memory_space<semaphore_mem>> -> memref<1x!tpu.dma_semaphore, #tpu.memory_space<semaphore_mem>>
      %dma_start3A_273 = tpu.memref_squeeze %dma_start3A_272 : memref<1x!tpu.dma_semaphore, #tpu.memory_space<semaphore_mem>> -> memref<!tpu.dma_semaphore, #tpu.memory_space<semaphore_mem>>
      tpu.enqueue_indirect_dma source(%dma_start3A_265 : memref<128x64xf32, #tpu.memory_space<vmem>>) target(%dma_start3A_271 : memref<10016x64xf32, #tpu.memory_space<vmem_shared>>) offsets(%dma_start3A_268 : memref<128xi32, #tpu.memory_space<vmem>>) semaphore(%dma_start3A_273 : memref<!tpu.dma_semaphore, #tpu.memory_space<semaphore_mem>>) {add = true}
      %dma_start3A_274 = arith.constant 1 : i32
      %dma_start3A_275 = arith.constant 1 : i32
      %dma_start3A_276 = arith.constant 1 : i32
      %dma_start3A_277 = arith.constant 0 : i32
      %dma_start3A_278 = tpu.memref_slice %arg8[%dma_start3A_274, %dma_start3A_275, %dma_start3A_277] : memref<2x2x128xi32, #tpu.memory_space<vmem>> -> memref<1x1x128xi32, #tpu.memory_space<vmem>>
      %dma_start3A_279 = tpu.memref_squeeze %dma_start3A_278 : memref<1x1x128xi32, #tpu.memory_space<vmem>> -> memref<128xi32, #tpu.memory_space<vmem>>
      %dma_start3A_280 = arith.constant 0 : i32
      %dma_start3A_281 = arith.constant 0 : i32
      %dma_start3A_282 = tpu.memref_slice %arg14[%dma_start3A_280, %dma_start3A_281] : memref<10016x8xf32, #tpu.memory_space<vmem_shared>> -> memref<10016x8xf32, #tpu.memory_space<vmem_shared>>
      %dma_start3A_283 = tpu.memref_slice %arg17[%dma_start3A_276] : memref<2x!tpu.dma_semaphore, #tpu.memory_space<semaphore_mem>> -> memref<1x!tpu.dma_semaphore, #tpu.memory_space<semaphore_mem>>
      %dma_start3A_284 = tpu.memref_squeeze %dma_start3A_283 : memref<1x!tpu.dma_semaphore, #tpu.memory_space<semaphore_mem>> -> memref<!tpu.dma_semaphore, #tpu.memory_space<semaphore_mem>>
      tpu.enqueue_indirect_dma source(%arg15 : memref<128x8xf32, #tpu.memory_space<vmem>>) target(%dma_start3A_282 : memref<10016x8xf32, #tpu.memory_space<vmem_shared>>) offsets(%dma_start3A_279 : memref<128xi32, #tpu.memory_space<vmem>>) semaphore(%dma_start3A_284 : memref<!tpu.dma_semaphore, #tpu.memory_space<semaphore_mem>>) {add = true}
      %dma_wait3A_285 = arith.constant 0 : i32
      %dma_wait3A_286 = arith.constant 0 : i32
      %dma_wait3A_287 = arith.constant 1 : i32
      %dma_wait3A_288 = arith.constant 0 : i32
      %dma_wait3A_289 = arith.constant 0 : i32
      %dma_wait3A_290 = arith.constant 0 : i32
      %dma_wait3A_291 = tpu.memref_slice %arg9[%dma_wait3A_285, %dma_wait3A_289, %dma_wait3A_290] : memref<2x128x64xf32, #tpu.memory_space<vmem>> -> memref<1x128x64xf32, #tpu.memory_space<vmem>>
      %dma_wait3A_292 = tpu.memref_squeeze %dma_wait3A_291 : memref<1x128x64xf32, #tpu.memory_space<vmem>> -> memref<128x64xf32, #tpu.memory_space<vmem>>
      %dma_wait3A_293 = arith.constant 0 : i32
      %dma_wait3A_294 = tpu.memref_slice %arg8[%dma_wait3A_286, %dma_wait3A_287, %dma_wait3A_293] : memref<2x2x128xi32, #tpu.memory_space<vmem>> -> memref<1x1x128xi32, #tpu.memory_space<vmem>>
      %dma_wait3A_295 = tpu.memref_squeeze %dma_wait3A_294 : memref<1x1x128xi32, #tpu.memory_space<vmem>> -> memref<128xi32, #tpu.memory_space<vmem>>
      %dma_wait3A_296 = arith.constant 0 : i32
      %dma_wait3A_297 = arith.constant 0 : i32
      %dma_wait3A_298 = tpu.memref_slice %arg7[%dma_wait3A_296, %dma_wait3A_297] : memref<10016x64xf32, #tpu.memory_space<vmem_shared>> -> memref<10016x64xf32, #tpu.memory_space<vmem_shared>>
      %dma_wait3A_299 = tpu.memref_slice %arg13[%dma_wait3A_288] : memref<2x!tpu.dma_semaphore, #tpu.memory_space<semaphore_mem>> -> memref<1x!tpu.dma_semaphore, #tpu.memory_space<semaphore_mem>>
      %dma_wait3A_300 = tpu.memref_squeeze %dma_wait3A_299 : memref<1x!tpu.dma_semaphore, #tpu.memory_space<semaphore_mem>> -> memref<!tpu.dma_semaphore, #tpu.memory_space<semaphore_mem>>
      tpu.wait_indirect_dma semaphore(%dma_wait3A_300 : memref<!tpu.dma_semaphore, #tpu.memory_space<semaphore_mem>>) src(%dma_wait3A_292 : memref<128x64xf32, #tpu.memory_space<vmem>>) dst(%dma_wait3A_298 : memref<10016x64xf32, #tpu.memory_space<vmem_shared>>)
      %dma_wait3A_301 = arith.constant 0 : i32
      %dma_wait3A_302 = arith.constant 1 : i32
      %dma_wait3A_303 = arith.constant 0 : i32
      %dma_wait3A_304 = arith.constant 0 : i32
      %dma_wait3A_305 = tpu.memref_slice %arg8[%dma_wait3A_301, %dma_wait3A_302, %dma_wait3A_304] : memref<2x2x128xi32, #tpu.memory_space<vmem>> -> memref<1x1x128xi32, #tpu.memory_space<vmem>>
      %dma_wait3A_306 = tpu.memref_squeeze %dma_wait3A_305 : memref<1x1x128xi32, #tpu.memory_space<vmem>> -> memref<128xi32, #tpu.memory_space<vmem>>
      %dma_wait3A_307 = arith.constant 0 : i32
      %dma_wait3A_308 = arith.constant 0 : i32
      %dma_wait3A_309 = tpu.memref_slice %arg14[%dma_wait3A_307, %dma_wait3A_308] : memref<10016x8xf32, #tpu.memory_space<vmem_shared>> -> memref<10016x8xf32, #tpu.memory_space<vmem_shared>>
      %dma_wait3A_310 = tpu.memref_slice %arg17[%dma_wait3A_303] : memref<2x!tpu.dma_semaphore, #tpu.memory_space<semaphore_mem>> -> memref<1x!tpu.dma_semaphore, #tpu.memory_space<semaphore_mem>>
      %dma_wait3A_311 = tpu.memref_squeeze %dma_wait3A_310 : memref<1x!tpu.dma_semaphore, #tpu.memory_space<semaphore_mem>> -> memref<!tpu.dma_semaphore, #tpu.memory_space<semaphore_mem>>
      tpu.wait_indirect_dma semaphore(%dma_wait3A_311 : memref<!tpu.dma_semaphore, #tpu.memory_space<semaphore_mem>>) src(%arg15 : memref<128x8xf32, #tpu.memory_space<vmem>>) dst(%dma_wait3A_309 : memref<10016x8xf32, #tpu.memory_space<vmem_shared>>)
      %lt3A = arith.constant 39 : i32
      %lt3A_312 = arith.cmpi slt, %scan3A_91, %lt3A : i32
      %convert_element_type3A = arith.extui %lt3A_312 : i1 to i32
      %cond3A = arith.constant 0 : i32
      %cond3A_313 = arith.cmpi ne, %convert_element_type3A, %cond3A : i32
      scf.if %cond3A_313 {
        %add3A_347 = arith.constant 2 : i32
        %add3A_348 = arith.addi %add3A_95, %add3A_347 : i32
        %add3A_349 = arith.constant 0 : i32
        %add3A_350 = arith.addi %add3A_348, %add3A_349 : i32
        %mul3A_351 = arith.constant 128 : i32
        %mul3A_352 = arith.muli %add3A_350, %mul3A_351 : i32
        %dma_start3A_353 = arith.constant 0 : i32
        %dma_start3A_354 = arith.constant 0 : i32
        %dma_start3A_355 = arith.constant 0 : i32
        %dma_start3A_356 = arith.constant 0 : i32
        %dma_start3A_357 = arith.constant 0 : i32
        %dma_start3A_358 = tpu.memref_slice %arg8[%dma_start3A_354, %dma_start3A_355, %dma_start3A_357] : memref<2x2x128xi32, #tpu.memory_space<vmem>> -> memref<1x1x128xi32, #tpu.memory_space<vmem>>
        %dma_start3A_359 = tpu.memref_squeeze %dma_start3A_358 : memref<1x1x128xi32, #tpu.memory_space<vmem>> -> memref<128xi32, #tpu.memory_space<vmem>>
        %dma_start3A_360 = tpu.memref_slice %arg3[%dma_start3A_353, %mul3A_352] : memref<2x327680xi32, #tpu.memory_space<hbm>> -> memref<1x128xi32, #tpu.memory_space<hbm>>
        %dma_start3A_361 = tpu.memref_squeeze %dma_start3A_360 : memref<1x128xi32, #tpu.memory_space<hbm>> -> memref<128xi32, #tpu.memory_space<hbm>>
        %dma_start3A_362 = tpu.memref_slice %arg11[%dma_start3A_356] : memref<2x!tpu.dma_semaphore, #tpu.memory_space<semaphore_mem>> -> memref<1x!tpu.dma_semaphore, #tpu.memory_space<semaphore_mem>>
        %dma_start3A_363 = tpu.memref_squeeze %dma_start3A_362 : memref<1x!tpu.dma_semaphore, #tpu.memory_space<semaphore_mem>> -> memref<!tpu.dma_semaphore, #tpu.memory_space<semaphore_mem>>
        %dma_start3A_364 = arith.constant 0 : i32
        %dma_start3A_365 = tpu.memref_slice %arg8[%dma_start3A_354, %dma_start3A_355, %dma_start3A_364] : memref<2x2x128xi32, #tpu.memory_space<vmem>> -> memref<1x1x128xi32, #tpu.memory_space<vmem>>
        %dma_start3A_366 = tpu.memref_squeeze %dma_start3A_365 : memref<1x1x128xi32, #tpu.memory_space<vmem>> -> memref<128xi32, #tpu.memory_space<vmem>>
        %dma_start3A_367 = tpu.memref_slice %arg3[%dma_start3A_353, %mul3A_352] : memref<2x327680xi32, #tpu.memory_space<hbm>> -> memref<1x128xi32, #tpu.memory_space<hbm>>
        %dma_start3A_368 = tpu.memref_squeeze %dma_start3A_367 : memref<1x128xi32, #tpu.memory_space<hbm>> -> memref<128xi32, #tpu.memory_space<hbm>>
        tpu.enqueue_dma source(%dma_start3A_368 : memref<128xi32, #tpu.memory_space<hbm>>) target(%dma_start3A_366 : memref<128xi32, #tpu.memory_space<vmem>>) target_semaphore(%dma_start3A_363 : memref<!tpu.dma_semaphore, #tpu.memory_space<semaphore_mem>>)
        %dma_start3A_369 = arith.constant 1 : i32
        %dma_start3A_370 = arith.constant 0 : i32
        %dma_start3A_371 = arith.constant 1 : i32
        %dma_start3A_372 = arith.constant 0 : i32
        %dma_start3A_373 = arith.constant 0 : i32
        %dma_start3A_374 = tpu.memref_slice %arg8[%dma_start3A_370, %dma_start3A_371, %dma_start3A_373] : memref<2x2x128xi32, #tpu.memory_space<vmem>> -> memref<1x1x128xi32, #tpu.memory_space<vmem>>
        %dma_start3A_375 = tpu.memref_squeeze %dma_start3A_374 : memref<1x1x128xi32, #tpu.memory_space<vmem>> -> memref<128xi32, #tpu.memory_space<vmem>>
        %dma_start3A_376 = tpu.memref_slice %arg3[%dma_start3A_369, %mul3A_352] : memref<2x327680xi32, #tpu.memory_space<hbm>> -> memref<1x128xi32, #tpu.memory_space<hbm>>
        %dma_start3A_377 = tpu.memref_squeeze %dma_start3A_376 : memref<1x128xi32, #tpu.memory_space<hbm>> -> memref<128xi32, #tpu.memory_space<hbm>>
        %dma_start3A_378 = tpu.memref_slice %arg11[%dma_start3A_372] : memref<2x!tpu.dma_semaphore, #tpu.memory_space<semaphore_mem>> -> memref<1x!tpu.dma_semaphore, #tpu.memory_space<semaphore_mem>>
        %dma_start3A_379 = tpu.memref_squeeze %dma_start3A_378 : memref<1x!tpu.dma_semaphore, #tpu.memory_space<semaphore_mem>> -> memref<!tpu.dma_semaphore, #tpu.memory_space<semaphore_mem>>
        %dma_start3A_380 = arith.constant 0 : i32
        %dma_start3A_381 = tpu.memref_slice %arg8[%dma_start3A_370, %dma_start3A_371, %dma_start3A_380] : memref<2x2x128xi32, #tpu.memory_space<vmem>> -> memref<1x1x128xi32, #tpu.memory_space<vmem>>
        %dma_start3A_382 = tpu.memref_squeeze %dma_start3A_381 : memref<1x1x128xi32, #tpu.memory_space<vmem>> -> memref<128xi32, #tpu.memory_space<vmem>>
        %dma_start3A_383 = tpu.memref_slice %arg3[%dma_start3A_369, %mul3A_352] : memref<2x327680xi32, #tpu.memory_space<hbm>> -> memref<1x128xi32, #tpu.memory_space<hbm>>
        %dma_start3A_384 = tpu.memref_squeeze %dma_start3A_383 : memref<1x128xi32, #tpu.memory_space<hbm>> -> memref<128xi32, #tpu.memory_space<hbm>>
        tpu.enqueue_dma source(%dma_start3A_384 : memref<128xi32, #tpu.memory_space<hbm>>) target(%dma_start3A_382 : memref<128xi32, #tpu.memory_space<vmem>>) target_semaphore(%dma_start3A_379 : memref<!tpu.dma_semaphore, #tpu.memory_space<semaphore_mem>>)
      } else {
      }
      %dma_wait3A_314 = arith.constant 1 : i32
      %dma_wait3A_315 = arith.constant 1 : i32
      %dma_wait3A_316 = arith.constant 1 : i32
      %dma_wait3A_317 = arith.constant 1 : i32
      %dma_wait3A_318 = arith.constant 0 : i32
      %dma_wait3A_319 = arith.constant 0 : i32
      %dma_wait3A_320 = tpu.memref_slice %arg9[%dma_wait3A_314, %dma_wait3A_318, %dma_wait3A_319] : memref<2x128x64xf32, #tpu.memory_space<vmem>> -> memref<1x128x64xf32, #tpu.memory_space<vmem>>
      %dma_wait3A_321 = tpu.memref_squeeze %dma_wait3A_320 : memref<1x128x64xf32, #tpu.memory_space<vmem>> -> memref<128x64xf32, #tpu.memory_space<vmem>>
      %dma_wait3A_322 = arith.constant 0 : i32
      %dma_wait3A_323 = tpu.memref_slice %arg8[%dma_wait3A_315, %dma_wait3A_316, %dma_wait3A_322] : memref<2x2x128xi32, #tpu.memory_space<vmem>> -> memref<1x1x128xi32, #tpu.memory_space<vmem>>
      %dma_wait3A_324 = tpu.memref_squeeze %dma_wait3A_323 : memref<1x1x128xi32, #tpu.memory_space<vmem>> -> memref<128xi32, #tpu.memory_space<vmem>>
      %dma_wait3A_325 = arith.constant 0 : i32
      %dma_wait3A_326 = arith.constant 0 : i32
      %dma_wait3A_327 = tpu.memref_slice %arg7[%dma_wait3A_325, %dma_wait3A_326] : memref<10016x64xf32, #tpu.memory_space<vmem_shared>> -> memref<10016x64xf32, #tpu.memory_space<vmem_shared>>
      %dma_wait3A_328 = tpu.memref_slice %arg13[%dma_wait3A_317] : memref<2x!tpu.dma_semaphore, #tpu.memory_space<semaphore_mem>> -> memref<1x!tpu.dma_semaphore, #tpu.memory_space<semaphore_mem>>
      %dma_wait3A_329 = tpu.memref_squeeze %dma_wait3A_328 : memref<1x!tpu.dma_semaphore, #tpu.memory_space<semaphore_mem>> -> memref<!tpu.dma_semaphore, #tpu.memory_space<semaphore_mem>>
      tpu.wait_indirect_dma semaphore(%dma_wait3A_329 : memref<!tpu.dma_semaphore, #tpu.memory_space<semaphore_mem>>) src(%dma_wait3A_321 : memref<128x64xf32, #tpu.memory_space<vmem>>) dst(%dma_wait3A_327 : memref<10016x64xf32, #tpu.memory_space<vmem_shared>>)
      %dma_wait3A_330 = arith.constant 1 : i32
      %dma_wait3A_331 = arith.constant 1 : i32
      %dma_wait3A_332 = arith.constant 1 : i32
      %dma_wait3A_333 = arith.constant 0 : i32
      %dma_wait3A_334 = tpu.memref_slice %arg8[%dma_wait3A_330, %dma_wait3A_331, %dma_wait3A_333] : memref<2x2x128xi32, #tpu.memory_space<vmem>> -> memref<1x1x128xi32, #tpu.memory_space<vmem>>
      %dma_wait3A_335 = tpu.memref_squeeze %dma_wait3A_334 : memref<1x1x128xi32, #tpu.memory_space<vmem>> -> memref<128xi32, #tpu.memory_space<vmem>>
      %dma_wait3A_336 = arith.constant 0 : i32
      %dma_wait3A_337 = arith.constant 0 : i32
      %dma_wait3A_338 = tpu.memref_slice %arg14[%dma_wait3A_336, %dma_wait3A_337] : memref<10016x8xf32, #tpu.memory_space<vmem_shared>> -> memref<10016x8xf32, #tpu.memory_space<vmem_shared>>
      %dma_wait3A_339 = tpu.memref_slice %arg17[%dma_wait3A_332] : memref<2x!tpu.dma_semaphore, #tpu.memory_space<semaphore_mem>> -> memref<1x!tpu.dma_semaphore, #tpu.memory_space<semaphore_mem>>
      %dma_wait3A_340 = tpu.memref_squeeze %dma_wait3A_339 : memref<1x!tpu.dma_semaphore, #tpu.memory_space<semaphore_mem>> -> memref<!tpu.dma_semaphore, #tpu.memory_space<semaphore_mem>>
      tpu.wait_indirect_dma semaphore(%dma_wait3A_340 : memref<!tpu.dma_semaphore, #tpu.memory_space<semaphore_mem>>) src(%arg15 : memref<128x8xf32, #tpu.memory_space<vmem>>) dst(%dma_wait3A_338 : memref<10016x8xf32, #tpu.memory_space<vmem_shared>>)
      %lt3A_341 = arith.constant 39 : i32
      %lt3A_342 = arith.cmpi slt, %scan3A_91, %lt3A_341 : i32
      %convert_element_type3A_343 = arith.extui %lt3A_342 : i1 to i32
      %cond3A_344 = arith.constant 0 : i32
      %cond3A_345 = arith.cmpi ne, %convert_element_type3A_343, %cond3A_344 : i32
      scf.if %cond3A_345 {
        %add3A_347 = arith.constant 2 : i32
        %add3A_348 = arith.addi %add3A_95, %add3A_347 : i32
        %add3A_349 = arith.constant 1 : i32
        %add3A_350 = arith.addi %add3A_348, %add3A_349 : i32
        %mul3A_351 = arith.constant 128 : i32
        %mul3A_352 = arith.muli %add3A_350, %mul3A_351 : i32
        %dma_start3A_353 = arith.constant 0 : i32
        %dma_start3A_354 = arith.constant 1 : i32
        %dma_start3A_355 = arith.constant 0 : i32
        %dma_start3A_356 = arith.constant 1 : i32
        %dma_start3A_357 = arith.constant 0 : i32
        %dma_start3A_358 = tpu.memref_slice %arg8[%dma_start3A_354, %dma_start3A_355, %dma_start3A_357] : memref<2x2x128xi32, #tpu.memory_space<vmem>> -> memref<1x1x128xi32, #tpu.memory_space<vmem>>
        %dma_start3A_359 = tpu.memref_squeeze %dma_start3A_358 : memref<1x1x128xi32, #tpu.memory_space<vmem>> -> memref<128xi32, #tpu.memory_space<vmem>>
        %dma_start3A_360 = tpu.memref_slice %arg3[%dma_start3A_353, %mul3A_352] : memref<2x327680xi32, #tpu.memory_space<hbm>> -> memref<1x128xi32, #tpu.memory_space<hbm>>
        %dma_start3A_361 = tpu.memref_squeeze %dma_start3A_360 : memref<1x128xi32, #tpu.memory_space<hbm>> -> memref<128xi32, #tpu.memory_space<hbm>>
        %dma_start3A_362 = tpu.memref_slice %arg11[%dma_start3A_356] : memref<2x!tpu.dma_semaphore, #tpu.memory_space<semaphore_mem>> -> memref<1x!tpu.dma_semaphore, #tpu.memory_space<semaphore_mem>>
        %dma_start3A_363 = tpu.memref_squeeze %dma_start3A_362 : memref<1x!tpu.dma_semaphore, #tpu.memory_space<semaphore_mem>> -> memref<!tpu.dma_semaphore, #tpu.memory_space<semaphore_mem>>
        %dma_start3A_364 = arith.constant 0 : i32
        %dma_start3A_365 = tpu.memref_slice %arg8[%dma_start3A_354, %dma_start3A_355, %dma_start3A_364] : memref<2x2x128xi32, #tpu.memory_space<vmem>> -> memref<1x1x128xi32, #tpu.memory_space<vmem>>
        %dma_start3A_366 = tpu.memref_squeeze %dma_start3A_365 : memref<1x1x128xi32, #tpu.memory_space<vmem>> -> memref<128xi32, #tpu.memory_space<vmem>>
        %dma_start3A_367 = tpu.memref_slice %arg3[%dma_start3A_353, %mul3A_352] : memref<2x327680xi32, #tpu.memory_space<hbm>> -> memref<1x128xi32, #tpu.memory_space<hbm>>
        %dma_start3A_368 = tpu.memref_squeeze %dma_start3A_367 : memref<1x128xi32, #tpu.memory_space<hbm>> -> memref<128xi32, #tpu.memory_space<hbm>>
        tpu.enqueue_dma source(%dma_start3A_368 : memref<128xi32, #tpu.memory_space<hbm>>) target(%dma_start3A_366 : memref<128xi32, #tpu.memory_space<vmem>>) target_semaphore(%dma_start3A_363 : memref<!tpu.dma_semaphore, #tpu.memory_space<semaphore_mem>>)
        %dma_start3A_369 = arith.constant 1 : i32
        %dma_start3A_370 = arith.constant 1 : i32
        %dma_start3A_371 = arith.constant 1 : i32
        %dma_start3A_372 = arith.constant 1 : i32
        %dma_start3A_373 = arith.constant 0 : i32
        %dma_start3A_374 = tpu.memref_slice %arg8[%dma_start3A_370, %dma_start3A_371, %dma_start3A_373] : memref<2x2x128xi32, #tpu.memory_space<vmem>> -> memref<1x1x128xi32, #tpu.memory_space<vmem>>
        %dma_start3A_375 = tpu.memref_squeeze %dma_start3A_374 : memref<1x1x128xi32, #tpu.memory_space<vmem>> -> memref<128xi32, #tpu.memory_space<vmem>>
        %dma_start3A_376 = tpu.memref_slice %arg3[%dma_start3A_369, %mul3A_352] : memref<2x327680xi32, #tpu.memory_space<hbm>> -> memref<1x128xi32, #tpu.memory_space<hbm>>
        %dma_start3A_377 = tpu.memref_squeeze %dma_start3A_376 : memref<1x128xi32, #tpu.memory_space<hbm>> -> memref<128xi32, #tpu.memory_space<hbm>>
        %dma_start3A_378 = tpu.memref_slice %arg11[%dma_start3A_372] : memref<2x!tpu.dma_semaphore, #tpu.memory_space<semaphore_mem>> -> memref<1x!tpu.dma_semaphore, #tpu.memory_space<semaphore_mem>>
        %dma_start3A_379 = tpu.memref_squeeze %dma_start3A_378 : memref<1x!tpu.dma_semaphore, #tpu.memory_space<semaphore_mem>> -> memref<!tpu.dma_semaphore, #tpu.memory_space<semaphore_mem>>
        %dma_start3A_380 = arith.constant 0 : i32
        %dma_start3A_381 = tpu.memref_slice %arg8[%dma_start3A_370, %dma_start3A_371, %dma_start3A_380] : memref<2x2x128xi32, #tpu.memory_space<vmem>> -> memref<1x1x128xi32, #tpu.memory_space<vmem>>
        %dma_start3A_382 = tpu.memref_squeeze %dma_start3A_381 : memref<1x1x128xi32, #tpu.memory_space<vmem>> -> memref<128xi32, #tpu.memory_space<vmem>>
        %dma_start3A_383 = tpu.memref_slice %arg3[%dma_start3A_369, %mul3A_352] : memref<2x327680xi32, #tpu.memory_space<hbm>> -> memref<1x128xi32, #tpu.memory_space<hbm>>
        %dma_start3A_384 = tpu.memref_squeeze %dma_start3A_383 : memref<1x128xi32, #tpu.memory_space<hbm>> -> memref<128xi32, #tpu.memory_space<hbm>>
        tpu.enqueue_dma source(%dma_start3A_384 : memref<128xi32, #tpu.memory_space<hbm>>) target(%dma_start3A_382 : memref<128xi32, #tpu.memory_space<vmem>>) target_semaphore(%dma_start3A_379 : memref<!tpu.dma_semaphore, #tpu.memory_space<semaphore_mem>>)
      } else {
      }
      %scan3A_346 = arith.constant 0 : i32
      scf.yield %scan3A_346 : i32
    }
    %scan3A_89 = arith.constant 40 : i32
    %barrier3A_90 = arith.constant 0 : index
    tpu.barrier barrier_id(%barrier3A_90)
    "tpu.region"() ({
      %run_scoped3A = tpu.sem_alloc : memref<!tpu.dma_semaphore, #tpu.memory_space<semaphore_mem>>
      %dma_start3A_91 = arith.constant 0 : i32
      %dma_start3A_92 = tpu.memref_slice %arg7[%mul3A_82, %dma_start3A_91] : memref<10016x64xf32, #tpu.memory_space<vmem_shared>> -> memref<626x64xf32, #tpu.memory_space<vmem_shared>>
      %dma_start3A_93 = arith.constant 0 : i32
      %dma_start3A_94 = tpu.memref_slice %arg7[%mul3A_82, %dma_start3A_93] : memref<10016x64xf32, #tpu.memory_space<vmem_shared>> -> memref<626x64xf32, #tpu.memory_space<vmem_shared>>
      tpu.enqueue_dma source(%dma_start3A_94 : memref<626x64xf32, #tpu.memory_space<vmem_shared>>) target(%arg10 : memref<626x64xf32, #tpu.memory_space<vmem>>) target_semaphore(%run_scoped3A : memref<!tpu.dma_semaphore, #tpu.memory_space<semaphore_mem>>)
      %dma_wait3A = arith.constant 0 : i32
      %dma_wait3A_95 = tpu.memref_slice %arg7[%mul3A_82, %dma_wait3A] : memref<10016x64xf32, #tpu.memory_space<vmem_shared>> -> memref<626x64xf32, #tpu.memory_space<vmem_shared>>
      %dma_wait3A_96 = arith.constant 0 : i32
      %dma_wait3A_97 = tpu.memref_slice %arg7[%mul3A_82, %dma_wait3A_96] : memref<10016x64xf32, #tpu.memory_space<vmem_shared>> -> memref<626x64xf32, #tpu.memory_space<vmem_shared>>
      tpu.wait_dma2 semaphore(%run_scoped3A : memref<!tpu.dma_semaphore, #tpu.memory_space<semaphore_mem>>) src(%dma_wait3A_97 : memref<626x64xf32, #tpu.memory_space<vmem_shared>>) dst(%arg10 : memref<626x64xf32, #tpu.memory_space<vmem>>)
      tpu.yield
    }) : () -> ()
    "tpu.region"() ({
      %run_scoped3A = tpu.sem_alloc : memref<!tpu.dma_semaphore, #tpu.memory_space<semaphore_mem>>
      %dma_start3A_91 = arith.constant 0 : i32
      %dma_start3A_92 = tpu.memref_slice %arg5[%arg0, %mul3A_82, %dma_start3A_91] : memref<2x10016x64xf32, #tpu.memory_space<hbm>> -> memref<1x626x64xf32, #tpu.memory_space<hbm>>
      %dma_start3A_93 = tpu.memref_squeeze %dma_start3A_92 : memref<1x626x64xf32, #tpu.memory_space<hbm>> -> memref<626x64xf32, #tpu.memory_space<hbm>>
      %dma_start3A_94 = arith.constant 0 : i32
      %dma_start3A_95 = tpu.memref_slice %arg5[%arg0, %mul3A_82, %dma_start3A_94] : memref<2x10016x64xf32, #tpu.memory_space<hbm>> -> memref<1x626x64xf32, #tpu.memory_space<hbm>>
      %dma_start3A_96 = tpu.memref_squeeze %dma_start3A_95 : memref<1x626x64xf32, #tpu.memory_space<hbm>> -> memref<626x64xf32, #tpu.memory_space<hbm>>
      tpu.enqueue_dma source(%arg10 : memref<626x64xf32, #tpu.memory_space<vmem>>) target(%dma_start3A_96 : memref<626x64xf32, #tpu.memory_space<hbm>>) target_semaphore(%run_scoped3A : memref<!tpu.dma_semaphore, #tpu.memory_space<semaphore_mem>>)
      %dma_wait3A = arith.constant 0 : i32
      %dma_wait3A_97 = tpu.memref_slice %arg5[%arg0, %mul3A_82, %dma_wait3A] : memref<2x10016x64xf32, #tpu.memory_space<hbm>> -> memref<1x626x64xf32, #tpu.memory_space<hbm>>
      %dma_wait3A_98 = tpu.memref_squeeze %dma_wait3A_97 : memref<1x626x64xf32, #tpu.memory_space<hbm>> -> memref<626x64xf32, #tpu.memory_space<hbm>>
      %dma_wait3A_99 = arith.constant 0 : i32
      %dma_wait3A_100 = tpu.memref_slice %arg5[%arg0, %mul3A_82, %dma_wait3A_99] : memref<2x10016x64xf32, #tpu.memory_space<hbm>> -> memref<1x626x64xf32, #tpu.memory_space<hbm>>
      %dma_wait3A_101 = tpu.memref_squeeze %dma_wait3A_100 : memref<1x626x64xf32, #tpu.memory_space<hbm>> -> memref<626x64xf32, #tpu.memory_space<hbm>>
      tpu.wait_dma2 semaphore(%run_scoped3A : memref<!tpu.dma_semaphore, #tpu.memory_space<semaphore_mem>>) src(%arg10 : memref<626x64xf32, #tpu.memory_space<vmem>>) dst(%dma_wait3A_101 : memref<626x64xf32, #tpu.memory_space<hbm>>)
      tpu.yield
    }) : () -> ()
    "tpu.region"() ({
      %run_scoped3A = tpu.sem_alloc : memref<!tpu.dma_semaphore, #tpu.memory_space<semaphore_mem>>
      %dma_start3A_91 = arith.constant 0 : i32
      %dma_start3A_92 = tpu.memref_slice %arg14[%mul3A_82, %dma_start3A_91] : memref<10016x8xf32, #tpu.memory_space<vmem_shared>> -> memref<626x8xf32, #tpu.memory_space<vmem_shared>>
      %dma_start3A_93 = arith.constant 0 : i32
      %dma_start3A_94 = tpu.memref_slice %arg14[%mul3A_82, %dma_start3A_93] : memref<10016x8xf32, #tpu.memory_space<vmem_shared>> -> memref<626x8xf32, #tpu.memory_space<vmem_shared>>
      tpu.enqueue_dma source(%dma_start3A_94 : memref<626x8xf32, #tpu.memory_space<vmem_shared>>) target(%arg16 : memref<626x8xf32, #tpu.memory_space<vmem>>) target_semaphore(%run_scoped3A : memref<!tpu.dma_semaphore, #tpu.memory_space<semaphore_mem>>)
      %dma_wait3A = arith.constant 0 : i32
      %dma_wait3A_95 = tpu.memref_slice %arg14[%mul3A_82, %dma_wait3A] : memref<10016x8xf32, #tpu.memory_space<vmem_shared>> -> memref<626x8xf32, #tpu.memory_space<vmem_shared>>
      %dma_wait3A_96 = arith.constant 0 : i32
      %dma_wait3A_97 = tpu.memref_slice %arg14[%mul3A_82, %dma_wait3A_96] : memref<10016x8xf32, #tpu.memory_space<vmem_shared>> -> memref<626x8xf32, #tpu.memory_space<vmem_shared>>
      tpu.wait_dma2 semaphore(%run_scoped3A : memref<!tpu.dma_semaphore, #tpu.memory_space<semaphore_mem>>) src(%dma_wait3A_97 : memref<626x8xf32, #tpu.memory_space<vmem_shared>>) dst(%arg16 : memref<626x8xf32, #tpu.memory_space<vmem>>)
      tpu.yield
    }) : () -> ()
    "tpu.region"() ({
      %run_scoped3A = tpu.sem_alloc : memref<!tpu.dma_semaphore, #tpu.memory_space<semaphore_mem>>
      %dma_start3A_91 = arith.constant 0 : i32
      %dma_start3A_92 = tpu.memref_slice %arg6[%arg0, %mul3A_82, %dma_start3A_91] : memref<2x10016x8xf32, #tpu.memory_space<hbm>> -> memref<1x626x8xf32, #tpu.memory_space<hbm>>
      %dma_start3A_93 = tpu.memref_squeeze %dma_start3A_92 : memref<1x626x8xf32, #tpu.memory_space<hbm>> -> memref<626x8xf32, #tpu.memory_space<hbm>>
      %dma_start3A_94 = arith.constant 0 : i32
      %dma_start3A_95 = tpu.memref_slice %arg6[%arg0, %mul3A_82, %dma_start3A_94] : memref<2x10016x8xf32, #tpu.memory_space<hbm>> -> memref<1x626x8xf32, #tpu.memory_space<hbm>>
      %dma_start3A_96 = tpu.memref_squeeze %dma_start3A_95 : memref<1x626x8xf32, #tpu.memory_space<hbm>> -> memref<626x8xf32, #tpu.memory_space<hbm>>
      tpu.enqueue_dma source(%arg16 : memref<626x8xf32, #tpu.memory_space<vmem>>) target(%dma_start3A_96 : memref<626x8xf32, #tpu.memory_space<hbm>>) target_semaphore(%run_scoped3A : memref<!tpu.dma_semaphore, #tpu.memory_space<semaphore_mem>>)
      %dma_wait3A = arith.constant 0 : i32
      %dma_wait3A_97 = tpu.memref_slice %arg6[%arg0, %mul3A_82, %dma_wait3A] : memref<2x10016x8xf32, #tpu.memory_space<hbm>> -> memref<1x626x8xf32, #tpu.memory_space<hbm>>
      %dma_wait3A_98 = tpu.memref_squeeze %dma_wait3A_97 : memref<1x626x8xf32, #tpu.memory_space<hbm>> -> memref<626x8xf32, #tpu.memory_space<hbm>>
      %dma_wait3A_99 = arith.constant 0 : i32
      %dma_wait3A_100 = tpu.memref_slice %arg6[%arg0, %mul3A_82, %dma_wait3A_99] : memref<2x10016x8xf32, #tpu.memory_space<hbm>> -> memref<1x626x8xf32, #tpu.memory_space<hbm>>
      %dma_wait3A_101 = tpu.memref_squeeze %dma_wait3A_100 : memref<1x626x8xf32, #tpu.memory_space<hbm>> -> memref<626x8xf32, #tpu.memory_space<hbm>>
      tpu.wait_dma2 semaphore(%run_scoped3A : memref<!tpu.dma_semaphore, #tpu.memory_space<semaphore_mem>>) src(%arg16 : memref<626x8xf32, #tpu.memory_space<vmem>>) dst(%dma_wait3A_101 : memref<626x8xf32, #tpu.memory_space<hbm>>)
      tpu.yield
    }) : () -> ()
    return
  }
}

module attributes {stable_mosaic.version = 14 : i64} {
  func.func @_mm2_body(%arg0: i32, %arg1: memref<2000x128xf32, #tpu.memory_space<vmem>>, %arg2: memref<128x128xf32, #tpu.memory_space<vmem>>, %arg3: memref<2000x64xf32, #tpu.memory_space<vmem>>, %arg4: memref<2000x64xf32, #tpu.memory_space<vmem>>) attributes {dimension_semantics = [#tpu.dimension_semantics<arbitrary>], iteration_bounds = array<i64: 5>, scalar_prefetch = 0 : i64, scratch_operands = 0 : i64, tpu.core_type = #tpu.core_type<tc>, window_params = [{transform_indices = @transform_0, window_bounds = array<i64: 2000, 128>}, {pipeline_mode = #tpu.pipeline_mode<synchronous>, transform_indices = @transform_1, window_bounds = array<i64: 128, 128>}, {transform_indices = @transform_2, window_bounds = array<i64: 2000, 64>}, {transform_indices = @transform_3, window_bounds = array<i64: 2000, 64>}]} {
    %get3A = arith.constant 0 : index
    %get3A_0 = arith.constant 0 : index
    %get3A_1 = vector.load %arg1[%get3A, %get3A_0] : memref<2000x128xf32, #tpu.memory_space<vmem>>, vector<2000x128xf32>
    %get3A_2 = arith.constant 0 : index
    %get3A_3 = arith.constant 0 : index
    %get3A_4 = vector.load %arg2[%get3A_2, %get3A_3] : memref<128x128xf32, #tpu.memory_space<vmem>>, vector<128x128xf32>
    %dot_general3A = arith.constant dense<0.000000e+00> : vector<2000x128xf32>
    %dot_general3A_5 = tpu.matmul %get3A_1, %get3A_4, %dot_general3A {dimension_numbers = #tpu.dot_dimension_numbers<[1], [0], [0], [1], [0, 0, 1, 1], [], []>, transpose_lhs_hint = false} : vector<2000x128xf32>, vector<128x128xf32>, vector<2000x128xf32> -> vector<2000x128xf32>
    %slice3A = vector.extract_strided_slice %dot_general3A_5 {offsets = [0, 0], sizes = [2000, 64], strides = [1, 1]} : vector<2000x128xf32> to vector<2000x64xf32>
    %swap3A = arith.constant 0 : index
    %swap3A_6 = arith.constant 0 : index
    %swap3A_7 = vector.load %arg3[%swap3A, %swap3A_6] : memref<2000x64xf32, #tpu.memory_space<vmem>>, vector<2000x64xf32>
    tpu.vector_store %arg3[%swap3A, %swap3A_6], %slice3A {strides = array<i32>} : memref<2000x64xf32, #tpu.memory_space<vmem>>, vector<2000x64xf32>,
    %slice3A_8 = vector.extract_strided_slice %dot_general3A_5 {offsets = [0, 64], sizes = [2000, 64], strides = [1, 1]} : vector<2000x128xf32> to vector<2000x64xf32>
    %swap3A_9 = arith.constant 0 : index
    %swap3A_10 = arith.constant 0 : index
    %swap3A_11 = vector.load %arg4[%swap3A_9, %swap3A_10] : memref<2000x64xf32, #tpu.memory_space<vmem>>, vector<2000x64xf32>
    tpu.vector_store %arg4[%swap3A_9, %swap3A_10], %slice3A_8 {strides = array<i32>} : memref<2000x64xf32, #tpu.memory_space<vmem>>, vector<2000x64xf32>,
    return
  }
  func.func @transform_0(%arg0: i32) -> (i32, i32) {
    %c0_i32 = arith.constant 0 : i32
    %c0_i32_0 = arith.constant 0 : i32
    return %arg0, %c0_i32 : i32, i32
  }
  func.func @transform_1(%arg0: i32) -> (i32, i32) {
    %c0_i32 = arith.constant 0 : i32
    %c0_i32_0 = arith.constant 0 : i32
    %c0_i32_1 = arith.constant 0 : i32
    return %c0_i32, %c0_i32_0 : i32, i32
  }
  func.func @transform_2(%arg0: i32) -> (i32, i32) {
    %c0_i32 = arith.constant 0 : i32
    %c0_i32_0 = arith.constant 0 : i32
    return %arg0, %c0_i32 : i32, i32
  }
  func.func @transform_3(%arg0: i32) -> (i32, i32) {
    %c0_i32 = arith.constant 0 : i32
    %c0_i32_0 = arith.constant 0 : i32
    return %arg0, %c0_i32 : i32, i32
  }
}

module attributes {stable_mosaic.version = 14 : i64} {
  func.func @_mid_body(%arg0: i32, %arg1: memref<2000x128xf32, #tpu.memory_space<vmem>>, %arg2: memref<128x128xf32, #tpu.memory_space<vmem>>, %arg3: memref<1x128xf32, #tpu.memory_space<vmem>>, %arg4: memref<2x2000x64xf32, #tpu.memory_space<vmem>>, %arg5: memref<2x2000x64xf32, #tpu.memory_space<vmem>>, %arg6: memref<2x2000x8xf32, #tpu.memory_space<vmem>>, %arg7: memref<128x64xf32, #tpu.memory_space<vmem>>, %arg8: memref<128x64xf32, #tpu.memory_space<vmem>>, %arg9: memref<1x64xf32, #tpu.memory_space<vmem>>, %arg10: memref<2000x64xf32, #tpu.memory_space<vmem>>, %arg11: memref<2000x64xf32, #tpu.memory_space<vmem>>) attributes {dimension_semantics = [#tpu.dimension_semantics<arbitrary>], iteration_bounds = array<i64: 5>, scalar_prefetch = 0 : i64, scratch_operands = 0 : i64, tpu.core_type = #tpu.core_type<tc>, window_params = [{transform_indices = @transform_0, window_bounds = array<i64: 2000, 128>}, {pipeline_mode = #tpu.pipeline_mode<synchronous>, transform_indices = @transform_1, window_bounds = array<i64: 128, 128>}, {pipeline_mode = #tpu.pipeline_mode<synchronous>, transform_indices = @transform_2, window_bounds = array<i64: 1, 128>}, {transform_indices = @transform_3, window_bounds = array<i64: 2, 2000, 64>}, {transform_indices = @transform_4, window_bounds = array<i64: 2, 2000, 64>}, {transform_indices = @transform_5, window_bounds = array<i64: 2, 2000, 8>}, {pipeline_mode = #tpu.pipeline_mode<synchronous>, transform_indices = @transform_6, window_bounds = array<i64: 128, 64>}, {pipeline_mode = #tpu.pipeline_mode<synchronous>, transform_indices = @transform_7, window_bounds = array<i64: 128, 64>}, {pipeline_mode = #tpu.pipeline_mode<synchronous>, transform_indices = @transform_8, window_bounds = array<i64: 1, 64>}, {transform_indices = @transform_9, window_bounds = array<i64: 2000, 64>}, {transform_indices = @transform_10, window_bounds = array<i64: 2000, 64>}]} {
    %get3A = arith.constant 0 : index
    %get3A_0 = arith.constant 0 : index
    %get3A_1 = arith.constant 0 : index
    %get3A_2 = vector.load %arg4[%get3A, %get3A_0, %get3A_1] : memref<2x2000x64xf32, #tpu.memory_space<vmem>>, vector<1x2000x64xf32>
    %get3A_3 = vector.shape_cast %get3A_2 : vector<1x2000x64xf32> to vector<2000x64xf32>
    %get3A_4 = arith.constant 1 : index
    %get3A_5 = arith.constant 0 : index
    %get3A_6 = arith.constant 0 : index
    %get3A_7 = vector.load %arg4[%get3A_4, %get3A_5, %get3A_6] : memref<2x2000x64xf32, #tpu.memory_space<vmem>>, vector<1x2000x64xf32>
    %get3A_8 = vector.shape_cast %get3A_7 : vector<1x2000x64xf32> to vector<2000x64xf32>
    %add3A = arith.addf %get3A_3, %get3A_8 : vector<2000x64xf32>
    %get3A_9 = arith.constant 0 : index
    %get3A_10 = arith.constant 0 : index
    %get3A_11 = arith.constant 0 : index
    %get3A_12 = vector.load %arg5[%get3A_9, %get3A_10, %get3A_11] : memref<2x2000x64xf32, #tpu.memory_space<vmem>>, vector<1x2000x64xf32>
    %get3A_13 = vector.shape_cast %get3A_12 : vector<1x2000x64xf32> to vector<2000x64xf32>
    %get3A_14 = arith.constant 1 : index
    %get3A_15 = arith.constant 0 : index
    %get3A_16 = arith.constant 0 : index
    %get3A_17 = vector.load %arg5[%get3A_14, %get3A_15, %get3A_16] : memref<2x2000x64xf32, #tpu.memory_space<vmem>>, vector<1x2000x64xf32>
    %get3A_18 = vector.shape_cast %get3A_17 : vector<1x2000x64xf32> to vector<2000x64xf32>
    %add3A_19 = arith.addf %get3A_13, %get3A_18 : vector<2000x64xf32>
    %get3A_20 = arith.constant 0 : index
    %get3A_21 = arith.constant 0 : index
    %get3A_22 = arith.constant 0 : index
    %get3A_23 = vector.load %arg6[%get3A_20, %get3A_21, %get3A_22] : memref<2x2000x8xf32, #tpu.memory_space<vmem>>, vector<1x2000x1xf32>
    %get3A_24 = vector.shape_cast %get3A_23 : vector<1x2000x1xf32> to vector<2000x1xf32>
    %get3A_25 = arith.constant 1 : index
    %get3A_26 = arith.constant 0 : index
    %get3A_27 = arith.constant 0 : index
    %get3A_28 = vector.load %arg6[%get3A_25, %get3A_26, %get3A_27] : memref<2x2000x8xf32, #tpu.memory_space<vmem>>, vector<1x2000x1xf32>
    %get3A_29 = vector.shape_cast %get3A_28 : vector<1x2000x1xf32> to vector<2000x1xf32>
    %add3A_30 = arith.addf %get3A_24, %get3A_29 : vector<2000x1xf32>
    %max3A = arith.constant 1.000000e+00 : f32
    %max3A_31 = vector.broadcast %max3A : f32 to vector<2000x1xf32>
    %max3A_32 = arith.maximumf %add3A_30, %max3A_31 : vector<2000x1xf32>
    %div3A = arith.constant 1.000000e+00 : f32
    %div3A_33 = vector.broadcast %div3A : f32 to vector<2000x1xf32>
    %div3A_34 = arith.divf %div3A_33, %max3A_32 : vector<2000x1xf32>
    %concatenate3A = tpu.concatenate %add3A, %add3A_19 in 1 : vector<2000x64xf32>, vector<2000x64xf32> -> vector<2000x128xf32>
    %get3A_35 = arith.constant 0 : index
    %get3A_36 = arith.constant 0 : index
    %get3A_37 = vector.load %arg1[%get3A_35, %get3A_36] : memref<2000x128xf32, #tpu.memory_space<vmem>>, vector<2000x128xf32>
    %get3A_38 = arith.constant 0 : index
    %get3A_39 = arith.constant 0 : index
    %get3A_40 = vector.load %arg2[%get3A_38, %get3A_39] : memref<128x128xf32, #tpu.memory_space<vmem>>, vector<128x128xf32>
    %dot_general3A = arith.constant dense<0.000000e+00> : vector<2000x128xf32>
    %dot_general3A_41 = tpu.matmul %get3A_37, %get3A_40, %dot_general3A {dimension_numbers = #tpu.dot_dimension_numbers<[1], [0], [0], [1], [0, 0, 1, 1], [], []>, transpose_lhs_hint = false} : vector<2000x128xf32>, vector<128x128xf32>, vector<2000x128xf32> -> vector<2000x128xf32>
    %get3A_42 = arith.constant 0 : index
    %get3A_43 = arith.constant 0 : index
    %get3A_44 = vector.load %arg3[%get3A_42, %get3A_43] : memref<1x128xf32, #tpu.memory_space<vmem>>, vector<1x128xf32>
    %add3A_45 = vector.broadcast %get3A_44 : vector<1x128xf32> to vector<2000x128xf32>
    %add3A_46 = arith.addf %dot_general3A_41, %add3A_45 : vector<2000x128xf32>
    %mul3A = vector.broadcast %div3A_34 : vector<2000x1xf32> to vector<2000x128xf32>
    %mul3A_47 = arith.mulf %concatenate3A, %mul3A : vector<2000x128xf32>
    %add3A_48 = arith.addf %add3A_46, %mul3A_47 : vector<2000x128xf32>
    %gt3A = arith.constant 0.000000e+00 : f32
    %gt3A_49 = vector.broadcast %gt3A : f32 to vector<2000x128xf32>
    %gt3A_50 = arith.cmpf ogt, %add3A_48, %gt3A_49 : vector<2000x128xf32>
    %min3A = arith.constant 0.000000e+00 : f32
    %min3A_51 = vector.broadcast %min3A : f32 to vector<2000x128xf32>
    %min3A_52 = arith.minimumf %add3A_48, %min3A_51 : vector<2000x128xf32>
    %exp3A = math.exp %min3A_52 : vector<2000x128xf32>
    %sub3A = arith.constant 1.000000e+00 : f32
    %sub3A_53 = vector.broadcast %sub3A : f32 to vector<2000x128xf32>
    %sub3A_54 = arith.subf %exp3A, %sub3A_53 : vector<2000x128xf32>
    %mul3A_55 = arith.constant 1.67326319 : f32
    %mul3A_56 = vector.broadcast %mul3A_55 : f32 to vector<2000x128xf32>
    %mul3A_57 = arith.mulf %mul3A_56, %sub3A_54 : vector<2000x128xf32>
    %select_n3A = arith.select %gt3A_50, %add3A_48, %mul3A_57 : vector<2000x128xi1>, vector<2000x128xf32>
    %mul3A_58 = arith.constant 1.05070102 : f32
    %mul3A_59 = vector.broadcast %mul3A_58 : f32 to vector<2000x128xf32>
    %mul3A_60 = arith.mulf %mul3A_59, %select_n3A : vector<2000x128xf32>
    %get3A_61 = arith.constant 0 : index
    %get3A_62 = arith.constant 0 : index
    %get3A_63 = vector.load %arg7[%get3A_61, %get3A_62] : memref<128x64xf32, #tpu.memory_space<vmem>>, vector<128x64xf32>
    %dot_general3A_64 = arith.constant dense<0.000000e+00> : vector<2000x64xf32>
    %dot_general3A_65 = tpu.matmul %mul3A_60, %get3A_63, %dot_general3A_64 {dimension_numbers = #tpu.dot_dimension_numbers<[1], [0], [0], [1], [0, 0, 1, 1], [], []>, transpose_lhs_hint = false} : vector<2000x128xf32>, vector<128x64xf32>, vector<2000x64xf32> -> vector<2000x64xf32>
    %get3A_66 = arith.constant 0 : index
    %get3A_67 = arith.constant 0 : index
    %get3A_68 = vector.load %arg9[%get3A_66, %get3A_67] : memref<1x64xf32, #tpu.memory_space<vmem>>, vector<1x64xf32>
    %add3A_69 = vector.broadcast %get3A_68 : vector<1x64xf32> to vector<2000x64xf32>
    %add3A_70 = arith.addf %dot_general3A_65, %add3A_69 : vector<2000x64xf32>
    %swap3A = arith.constant 0 : index
    %swap3A_71 = arith.constant 0 : index
    %swap3A_72 = vector.load %arg10[%swap3A, %swap3A_71] : memref<2000x64xf32, #tpu.memory_space<vmem>>, vector<2000x64xf32>
    tpu.vector_store %arg10[%swap3A, %swap3A_71], %add3A_70 {strides = array<i32>} : memref<2000x64xf32, #tpu.memory_space<vmem>>, vector<2000x64xf32>,
    %get3A_73 = arith.constant 0 : index
    %get3A_74 = arith.constant 0 : index
    %get3A_75 = vector.load %arg8[%get3A_73, %get3A_74] : memref<128x64xf32, #tpu.memory_space<vmem>>, vector<128x64xf32>
    %dot_general3A_76 = arith.constant dense<0.000000e+00> : vector<2000x64xf32>
    %dot_general3A_77 = tpu.matmul %mul3A_60, %get3A_75, %dot_general3A_76 {dimension_numbers = #tpu.dot_dimension_numbers<[1], [0], [0], [1], [0, 0, 1, 1], [], []>, transpose_lhs_hint = false} : vector<2000x128xf32>, vector<128x64xf32>, vector<2000x64xf32> -> vector<2000x64xf32>
    %swap3A_78 = arith.constant 0 : index
    %swap3A_79 = arith.constant 0 : index
    %swap3A_80 = vector.load %arg11[%swap3A_78, %swap3A_79] : memref<2000x64xf32, #tpu.memory_space<vmem>>, vector<2000x64xf32>
    tpu.vector_store %arg11[%swap3A_78, %swap3A_79], %dot_general3A_77 {strides = array<i32>} : memref<2000x64xf32, #tpu.memory_space<vmem>>, vector<2000x64xf32>,
    return
  }
  func.func @transform_0(%arg0: i32) -> (i32, i32) {
    %c0_i32 = arith.constant 0 : i32
    %c0_i32_0 = arith.constant 0 : i32
    return %arg0, %c0_i32 : i32, i32
  }
  func.func @transform_1(%arg0: i32) -> (i32, i32) {
    %c0_i32 = arith.constant 0 : i32
    %c0_i32_0 = arith.constant 0 : i32
    %c0_i32_1 = arith.constant 0 : i32
    return %c0_i32, %c0_i32_0 : i32, i32
  }
  func.func @transform_2(%arg0: i32) -> (i32, i32) {
    %c0_i32 = arith.constant 0 : i32
    %c0_i32_0 = arith.constant 0 : i32
    %c0_i32_1 = arith.constant 0 : i32
    return %c0_i32, %c0_i32_0 : i32, i32
  }
  func.func @transform_3(%arg0: i32) -> (i32, i32, i32) {
    %c0_i32 = arith.constant 0 : i32
    %c0_i32_0 = arith.constant 0 : i32
    %c0_i32_1 = arith.constant 0 : i32
    return %c0_i32, %arg0, %c0_i32_0 : i32, i32, i32
  }
  func.func @transform_4(%arg0: i32) -> (i32, i32, i32) {
    %c0_i32 = arith.constant 0 : i32
    %c0_i32_0 = arith.constant 0 : i32
    %c0_i32_1 = arith.constant 0 : i32
    return %c0_i32, %arg0, %c0_i32_0 : i32, i32, i32
  }
  func.func @transform_5(%arg0: i32) -> (i32, i32, i32) {
    %c0_i32 = arith.constant 0 : i32
    %c0_i32_0 = arith.constant 0 : i32
    %c0_i32_1 = arith.constant 0 : i32
    return %c0_i32, %arg0, %c0_i32_0 : i32, i32, i32
  }
  func.func @transform_6(%arg0: i32) -> (i32, i32) {
    %c0_i32 = arith.constant 0 : i32
    %c0_i32_0 = arith.constant 0 : i32
    %c0_i32_1 = arith.constant 0 : i32
    return %c0_i32, %c0_i32_0 : i32, i32
  }
  func.func @transform_7(%arg0: i32) -> (i32, i32) {
    %c0_i32 = arith.constant 0 : i32
    %c0_i32_0 = arith.constant 0 : i32
    %c0_i32_1 = arith.constant 0 : i32
    return %c0_i32, %c0_i32_0 : i32, i32
  }
  func.func @transform_8(%arg0: i32) -> (i32, i32) {
    %c0_i32 = arith.constant 0 : i32
    %c0_i32_0 = arith.constant 0 : i32
    %c0_i32_1 = arith.constant 0 : i32
    return %c0_i32, %c0_i32_0 : i32, i32
  }
  func.func @transform_9(%arg0: i32) -> (i32, i32) {
    %c0_i32 = arith.constant 0 : i32
    %c0_i32_0 = arith.constant 0 : i32
    return %arg0, %c0_i32 : i32, i32
  }
  func.func @transform_10(%arg0: i32) -> (i32, i32) {
    %c0_i32 = arith.constant 0 : i32
    %c0_i32_0 = arith.constant 0 : i32
    return %arg0, %c0_i32 : i32, i32
  }
}

module attributes {stable_mosaic.version = 14 : i64} {
  func.func @_out_body(%arg0: i32, %arg1: memref<2000x64xf32, #tpu.memory_space<vmem>>, %arg2: memref<2x2000x64xf32, #tpu.memory_space<vmem>>, %arg3: memref<2x2000x8xf32, #tpu.memory_space<vmem>>, %arg4: memref<2000x64xf32, #tpu.memory_space<vmem>>) attributes {dimension_semantics = [#tpu.dimension_semantics<arbitrary>], iteration_bounds = array<i64: 5>, scalar_prefetch = 0 : i64, scratch_operands = 0 : i64, tpu.core_type = #tpu.core_type<tc>, window_params = [{transform_indices = @transform_0, window_bounds = array<i64: 2000, 64>}, {transform_indices = @transform_1, window_bounds = array<i64: 2, 2000, 64>}, {transform_indices = @transform_2, window_bounds = array<i64: 2, 2000, 8>}, {transform_indices = @transform_3, window_bounds = array<i64: 2000, 64>}]} {
    %get3A = arith.constant 0 : index
    %get3A_0 = arith.constant 0 : index
    %get3A_1 = arith.constant 0 : index
    %get3A_2 = vector.load %arg3[%get3A, %get3A_0, %get3A_1] : memref<2x2000x8xf32, #tpu.memory_space<vmem>>, vector<1x2000x1xf32>
    %get3A_3 = vector.shape_cast %get3A_2 : vector<1x2000x1xf32> to vector<2000x1xf32>
    %get3A_4 = arith.constant 1 : index
    %get3A_5 = arith.constant 0 : index
    %get3A_6 = arith.constant 0 : index
    %get3A_7 = vector.load %arg3[%get3A_4, %get3A_5, %get3A_6] : memref<2x2000x8xf32, #tpu.memory_space<vmem>>, vector<1x2000x1xf32>
    %get3A_8 = vector.shape_cast %get3A_7 : vector<1x2000x1xf32> to vector<2000x1xf32>
    %add3A = arith.addf %get3A_3, %get3A_8 : vector<2000x1xf32>
    %max3A = arith.constant 1.000000e+00 : f32
    %max3A_9 = vector.broadcast %max3A : f32 to vector<2000x1xf32>
    %max3A_10 = arith.maximumf %add3A, %max3A_9 : vector<2000x1xf32>
    %div3A = arith.constant 1.000000e+00 : f32
    %div3A_11 = vector.broadcast %div3A : f32 to vector<2000x1xf32>
    %div3A_12 = arith.divf %div3A_11, %max3A_10 : vector<2000x1xf32>
    %get3A_13 = arith.constant 0 : index
    %get3A_14 = arith.constant 0 : index
    %get3A_15 = vector.load %arg1[%get3A_13, %get3A_14] : memref<2000x64xf32, #tpu.memory_space<vmem>>, vector<2000x64xf32>
    %get3A_16 = arith.constant 0 : index
    %get3A_17 = arith.constant 0 : index
    %get3A_18 = arith.constant 0 : index
    %get3A_19 = vector.load %arg2[%get3A_16, %get3A_17, %get3A_18] : memref<2x2000x64xf32, #tpu.memory_space<vmem>>, vector<1x2000x64xf32>
    %get3A_20 = vector.shape_cast %get3A_19 : vector<1x2000x64xf32> to vector<2000x64xf32>
    %get3A_21 = arith.constant 1 : index
    %get3A_22 = arith.constant 0 : index
    %get3A_23 = arith.constant 0 : index
    %get3A_24 = vector.load %arg2[%get3A_21, %get3A_22, %get3A_23] : memref<2x2000x64xf32, #tpu.memory_space<vmem>>, vector<1x2000x64xf32>
    %get3A_25 = vector.shape_cast %get3A_24 : vector<1x2000x64xf32> to vector<2000x64xf32>
    %add3A_26 = arith.addf %get3A_20, %get3A_25 : vector<2000x64xf32>
    %mul3A = vector.broadcast %div3A_12 : vector<2000x1xf32> to vector<2000x64xf32>
    %mul3A_27 = arith.mulf %add3A_26, %mul3A : vector<2000x64xf32>
    %add3A_28 = arith.addf %get3A_15, %mul3A_27 : vector<2000x64xf32>
    %reduce_max3A = arith.constant dense<0xFF800000> : vector<2000xf32>
    %reduce_max3A_29 = vector.multi_reduction <maximumf>, %add3A_28, %reduce_max3A [1] : vector<2000x64xf32> to vector<2000xf32>
    %broadcast_in_dim3A = vector.shape_cast %reduce_max3A_29 : vector<2000xf32> to vector<2000x1xf32>
    %sub3A = vector.broadcast %broadcast_in_dim3A : vector<2000x1xf32> to vector<2000x64xf32>
    %sub3A_30 = arith.subf %add3A_28, %sub3A : vector<2000x64xf32>
    %exp3A = math.exp %sub3A_30 : vector<2000x64xf32>
    %reduce_sum3A = arith.constant dense<0.000000e+00> : vector<2000xf32>
    %reduce_sum3A_31 = vector.multi_reduction <add>, %exp3A, %reduce_sum3A [1] : vector<2000x64xf32> to vector<2000xf32>
    %broadcast_in_dim3A_32 = vector.shape_cast %reduce_sum3A_31 : vector<2000xf32> to vector<2000x1xf32>
    %div3A_33 = vector.broadcast %broadcast_in_dim3A_32 : vector<2000x1xf32> to vector<2000x64xf32>
    %div3A_34 = arith.divf %exp3A, %div3A_33 : vector<2000x64xf32>
    %swap3A = arith.constant 0 : index
    %swap3A_35 = arith.constant 0 : index
    %swap3A_36 = vector.load %arg4[%swap3A, %swap3A_35] : memref<2000x64xf32, #tpu.memory_space<vmem>>, vector<2000x64xf32>
    tpu.vector_store %arg4[%swap3A, %swap3A_35], %div3A_34 {strides = array<i32>} : memref<2000x64xf32, #tpu.memory_space<vmem>>, vector<2000x64xf32>,
    return
  }
  func.func @transform_0(%arg0: i32) -> (i32, i32) {
    %c0_i32 = arith.constant 0 : i32
    %c0_i32_0 = arith.constant 0 : i32
    return %arg0, %c0_i32 : i32, i32
  }
  func.func @transform_1(%arg0: i32) -> (i32, i32, i32) {
    %c0_i32 = arith.constant 0 : i32
    %c0_i32_0 = arith.constant 0 : i32
    %c0_i32_1 = arith.constant 0 : i32
    return %c0_i32, %arg0, %c0_i32_0 : i32, i32, i32
  }
  func.func @transform_2(%arg0: i32) -> (i32, i32, i32) {
    %c0_i32 = arith.constant 0 : i32
    %c0_i32_0 = arith.constant 0 : i32
    %c0_i32_1 = arith.constant 0 : i32
    return %c0_i32, %arg0, %c0_i32_0 : i32, i32, i32
  }
  func.func @transform_3(%arg0: i32) -> (i32, i32) {
    %c0_i32 = arith.constant 0 : i32
    %c0_i32_0 = arith.constant 0 : i32
    return %arg0, %c0_i32 : i32, i32
  }
}

</mosaic_0001>

<sc_bundles>
// kernel: kernel.11.cloned.1.call-start
scs
__scs_entry_jumppad:
0x0: {  	(pc) =	sbr.rel $0x88, $3  }
0x1: {  	(tag) =	ssettag $0x0;
	lr =	simm.s32 $0x1  }
0x2: {  	[smem:$0x3F99] =	sst lr;
	_ =	strace $0xD0000000  }
0x3: {  	_ = 	snop  }
0x4: {  	_ = 	snop  }
0x5: {  	_ = 	snop  }
0x6: {  	_ = 	snop  }
0x7: {  	_ = 	snop  }
__scs_overlays_trampoline_lowered:
0x8: {  	[smem:$0x3FA8] =	sst s0  }
0x9: {  	[smem:$0x3FA9] =	sst s1  }
0xa: {  	[smem:$0x3FAA] =	sst s2  }
0xb: {  	[smem:$0x3FAB] =	sst s3  }
0xc: {  	[smem:$0x3FAC] =	sst s4  }
0xd: {  	[smem:$0x3FAD] =	sst s5  }
0xe: {  	[smem:$0x3FAE] =	sst s6  }
0xf: {  	[smem:$0x3FAF] =	sst s7  }
0x10: {  	[smem:$0x3FB0] =	sst s8  }
0x11: {  	[smem:$0x3FB1] =	sst s9;
	s0 =	simm.s32 @!p0 $0x0  }
0x12: {  	s1 =	sld [smem:$0x3F97];
	s0 =	simm.s32 @p0 $0x1  }
0x13: {  	[smem:$0x3FB2] =	sst s0;
	s0 =	simm.s32 @!p1 $0x0  }
0x14: {  	s2 =	sld [smem:$0x3F96];
	s0 =	simm.s32 @p1 $0x1  }
0x15: {  	[smem:$0x3FB3] =	sst s0;
	s0 =	simm.s32 @!p2 $0x0  }
0x16: {  	s3 =	sld [smem:$0x3FDB];
	s0 =	simm.s32 @p2 $0x1  }
0x17: {  	s4 =	simm.s32 $0x1BF5;
	[smem:$0x3FB5] =	sst s0  }
0x18: {  	s0 =	sld [smem:$0x3F98];
	_ =	swait.ge [sflag:s4], $0x0  }
0x19: {  	s7 =	sld [smem:$0x3F99]  }
0x1a: {  	s8 =	sadd.s32 $0xFFFFE003, lr  }
0x1b: {  	s9 =	sadd.s32 $0xFFFFFEF7, lr;
	s5 =	simm.s32 $0xFFFFFFFF;
	p2 =	slt.u32 s8, $0xFFFFF086  }
0x1c: {  	p1 =	slt.u32 s9, $0xF7A;
	s5 =	simm.s32 @!p2 $0x0  }
0x1d: {  	s5 =	simm.s32 @p1 $0x1;
	p0 =	seq.s32 s7, s2  }
0x1e: {  	s7 =	smul.u32 @!p0 $0xF7A, s2;
	p2 =	seq.s32 @!p0 s5, $0x0  }
0x1f: {  	s9 =	smul.u32 $0xF7A, s1;
	s8 =	simm.s32 @!p0 $0x1BF5;
	p2 =	por !p2, p0  }
0x20: {  	[sflag:s8] =	ssyncset.s32 @!p0 $0xFFFFF086;
	s6 =	sadd.s32 @!p0 s3, s7;
	s7 =	simm.s32 @!p0 $0x108  }
0x21: {  	s3 =	sadd.s32 s3, s9;
	s6 =	sadd.s32 @!p0 $0x88, s6;
	s7 =	simm.s32 @p2 $0x1082  }
0x22: {  	[simem:s7], [sflag:s8] =	dma.local @!p0 [hbm:s6], $0xF7A  }
0x23: {  	s9 =	sor.u32 $0xD0000000, s2;
	s6 =	simm.s32 $0x108;
	_ =	swait.ge @!p0 [sflag:s8], $0x0  }
0x24: {  	s3 =	sadd.s32 $0x88, s3;
	s6 =	simm.s32 @!p1 $0x1082;
	[sflag:s4] =	ssyncset.s32 $0xFFFFF086  }
0x25: {  	[simem:s6], [sflag:s4] =	dma.local [hbm:s3], $0xF7A  }
0x26: {  	[smem:$0x3F99] =	sst s1;
	(tag) =	ssettag s2;
	_ =	strace s9  }
0x27: {  	s1 =	sld [smem:$0x3FA9]  }
0x28: {  	s2 =	sld [smem:$0x3FAA]  }
0x29: {  	s4 =	sld [smem:$0x3FAC]  }
0x2a: {  	p0 =	seq.s32 s5, $0x0;
	s5 =	sld [smem:$0x3FAD]  }
0x2b: {  	s6 =	sld [smem:$0x3FAE]  }
0x2c: {  	s7 =	sld [smem:$0x3FAF]  }
0x2d: {  	s3 =	simm.s32 $0x108;
	s8 =	sld [smem:$0x3FB0]  }
0x2e: {  	s3 =	simm.s32 @!p0 $0x1082;
	s9 =	sld [smem:$0x3FB1]  }
0x2f: {  	lr =	sadd.s32 s0, s3;
	s0 =	sld [smem:$0x3FA8]  }
0x30: {  	s3 =	sld [smem:$0x3FAB]  }
0x31: {  	[smem:$0x3FB4] =	sst s10  }
0x32: {  	s10 =	sld [smem:$0x3FB2];
	_ =	sdelay $0x3  }
0x33: {  	p0 =	seq.s32 s10, $0x1;
	s10 =	sld [smem:$0x3FB4];
	_ =	sdelay $0x3  }
0x34: {  	[smem:$0x3FB4] =	sst s10  }
0x35: {  	s10 =	sld [smem:$0x3FB3];
	_ =	sdelay $0x3  }
0x36: {  	p1 =	seq.s32 s10, $0x1;
	s10 =	sld [smem:$0x3FB4];
	_ =	sdelay $0x3  }
0x37: {  	[smem:$0x3FB4] =	sst s10  }
0x38: {  	s10 =	sld [smem:$0x3FB5]  }
0x39: {  	_ = 	snop;
	(pc) =	sbr.ind lr, $3  }
0x3a: {  	_ = 	snop  }
0x3b: {  	_ = 	snop  }
0x3c: {  	p2 =	seq.s32 s10, $0x1;
	s10 =	sld [smem:$0x3FB4]  }
0x3d: {  	_ =	shalt  }
0x3e: {  	_ =	shalt  }
0x3f: {  	_ =	shalt  }
0x40: {  	_ =	shalt  }
0x41: {  	_ =	shalt  }
0x42: {  	_ =	shalt  }
0x43: {  	_ =	shalt  }
0x44: {  	_ =	shalt  }
0x45: {  	_ =	shalt  }
0x46: {  	_ =	shalt  }
0x47: {  	_ =	shalt  }
0x48: {  	_ =	shalt  }
0x49: {  	_ =	shalt  }
0x4a: {  	_ =	shalt  }
0x4b: {  	_ =	shalt  }
0x4c: {  	_ =	shalt  }
0x4d: {  	_ =	shalt  }
0x4e: {  	_ =	shalt  }
0x4f: {  	_ =	shalt  }
0x50: {  	_ =	shalt  }
0x51: {  	_ =	shalt  }
0x52: {  	_ =	shalt  }
0x53: {  	_ =	shalt  }
0x54: {  	_ =	shalt  }
0x55: {  	_ =	shalt  }
0x56: {  	_ =	shalt  }
0x57: {  	_ =	shalt  }
0x58: {  	_ =	shalt  }
0x59: {  	_ =	shalt  }
0x5a: {  	_ =	shalt  }
0x5b: {  	_ =	shalt  }
0x5c: {  	_ =	shalt  }
0x5d: {  	_ =	shalt  }
0x5e: {  	_ =	shalt  }
0x5f: {  	_ =	shalt  }
0x60: {  	_ =	shalt  }
0x61: {  	_ =	shalt  }
0x62: {  	_ =	shalt  }
0x63: {  	_ =	shalt  }
0x64: {  	_ =	shalt  }
0x65: {  	_ =	shalt  }
0x66: {  	_ =	shalt  }
0x67: {  	_ =	shalt  }
0x68: {  	_ =	shalt  }
0x69: {  	_ =	shalt  }
0x6a: {  	_ =	shalt  }
0x6b: {  	_ =	shalt  }
0x6c: {  	_ =	shalt  }
0x6d: {  	_ =	shalt  }
0x6e: {  	_ =	shalt  }
0x6f: {  	_ =	shalt  }
0x70: {  	_ =	shalt  }
0x71: {  	_ =	shalt  }
0x72: {  	_ =	shalt  }
0x73: {  	_ =	shalt  }
0x74: {  	_ =	shalt  }
0x75: {  	_ =	shalt  }
0x76: {  	_ =	shalt  }
0x77: {  	_ =	shalt  }
0x78: {  	_ =	shalt  }
0x79: {  	_ =	shalt  }
0x7a: {  	_ =	shalt  }
0x7b: {  	_ =	shalt  }
0x7c: {  	_ =	shalt  }
0x7d: {  	_ =	shalt  }
0x7e: {  	_ =	shalt  }
0x7f: {  	_ =	shalt  }
0x80: {  	_ =	shalt  }
0x81: {  	_ =	shalt  }
0x82: {  	_ =	shalt  }
0x83: {  	_ =	shalt  }
0x84: {  	_ =	shalt  }
0x85: {  	_ =	shalt  }
0x86: {  	_ =	shalt  }
0x87: {  	_ =	shalt  }
.Lfunc_end0:
.L_simem_size_0:
called_computation.1_lowered:
.L_overlay_start_0:
0x88: {  	s2 =	sld [smem:$0x3FD9]  }
0x89: {  	s3 =	sld [smem:$0x3FFE];
	_ =	sdelay $0x1  }
0x8a: {  	s1 =	srdreg.scid  }
0x8b: {  	s0 =	sand.u32 $0x1, s1  }
0x8c: {  	s16 =	sshll.u32 s0, $0xA;
	s2 =	sadd.s32 s3, s2  }
0x8d: {  	s2 =	sadd.s32 s2, s16  }
0x8e: {  	[smem:$0x3FC0] =	sst s2  }
0x8f: {  	_ = 	snop  }
0x90: {  	(tm) =	ssettm $0x1  }
0x91: {  	s17 =	sld [smem:$0x3FFB];
	_ =	sdelay $0x3  }
0x92: {  	_ =	strace s17  }
0x93: {  	s2 =	sld [smem:$0x3FFC];
	_ =	sdelay $0x3  }
0x94: {  	_ =	strace s2  }
0x95: {  	s2 =	sld [smem:$0x3FFD];
	_ =	sdelay $0x3  }
0x96: {  	_ =	strace s2  }
0x97: {  	_ =	strace $0x8FFFFFFF  }
0x98: {  	s18 =	sld [smem:$0x3FDB];
	_ =	sdelay $0x1  }
0x99: {  	s19 =	simm.s32 $_scs_section_size  }
0x9a: {  	s4 =	simm.s32 $_size__tile_overlayer_lowered;
	s5 =	simm.s32 $_tile_overlayer_lowered  }
0x9b: {  	s22 =	simm.s32 $0x1BFF;
	s21 =	sshll.u32 s5, $0x1;
	s2 =	sadd.s32 s19, s18  }
0x9c: {  	s6 =	simm.s32 $0x0;
	s20 =	sshll.u32 s4, $0x1;
	s4 =	sadd.s32 s21, s2  }
0x9d: {  	[timem:s6], [sflag:s22] =	dma.local [hbm:s4], s20  }
0x9e: {  	_ =	swait.ge [sflag:s22], s20  }
0x9f: {  	s3 =	ssub.s32 $0x0, s20;
	[sflag:s22] =	ssyncset.done $0x0  }
0xa0: {  	[sflag:s22] =	ssyncadd.s32 s3;
	_ =	sdelay $0x1  }
0xa1: {  	s23 =	simm.s32 $0x1B8B  }
0xa2: {  	_ =	swait.ge [sflag:s23], $0x1  }
0xa3: {  	[sflag:s23] =	ssyncset.done $0x0  }
0xa4: {  	s25 =	simm.s32 $0x1B8E;
	s24 =	sld [smem:$0x3FFE];
	[sflag:s23] =	ssyncadd.s32 $0xFFFFFFFF  }
0xa5: {  	s26 =	simm.s32 $execute0_lowered;
	[smem:$0x3FD2] =	sst s25  }
0xa6: {  	s4 =	sshll.u32 s26, $0x1;
	_ =	strace $0x80000046;
	[dreg:$0x1] =	wrdreg $0xFFFFFFFF  }
0xa7: {  	s28 =	simm.s32 $_size_execute0_lowered;
	s2 =	sadd.s32 s2, s4;
	[dreg:$0x0] =	wrdreg $0x0  }
0xa8: {  	s4 =	sshll.u32 s28, $0x1;
	[dreg:$0x2] =	wrdreg s2  }
0xa9: {  	[dreg:$0x3] =	wrdreg s4  }
0xaa: {  	[dreg:$0x4] =	wrdreg $0xC0  }
0xab: {  	_ =	task [dreg:s6], $0x5FFFF  }
0xac: {  	[dreg:$0x1] =	wrdreg $0xFFFFFFFF  }
0xad: {  	[dreg:$0x0] =	wrdreg $0x60  }
0xae: {  	[dreg:$0x2] =	wrdreg s24  }
0xaf: {  	[dreg:$0x3] =	wrdreg $0x0  }
0xb0: {  	[dreg:$0x4] =	wrdreg $0xA  }
0xb1: {  	_ =	task.clear_ibuf [dreg:s6], $0x5FFFF;
	_ =	strace $0x90000046  }
0xb2: {  	s29 =	simm.s32 $0xA;
	_ =	strace $0x80000048  }
0xb3: {  	_ =	swait.ge [sflag:s29], $0x1  }
0xb4: {  	[sflag:s29] =	ssyncadd.s32 $0xFFFFFFFF  }
0xb5: {  	_ =	strace $0x90000048  }
0xb6: {  	_ =	sfence  }
0xb7: {  	s30 =	sld [smem:$0x0];
	_ =	sdelay $0x2  }
0xb8: {  	s31 =	sshll.u32 s1, $0xD;
	s1 =	sshrl.u32 s1, $0x2  }
0xb9: {  	s3 =	sand.u32 $0x4000, s31;
	s1 =	sadd.s32 s1, s30  }
0xba: {  	s0 =	sor.u32 s3, s0;
	s1 =	sshll.u32 s1, $0x11  }
0xbb: {  	s0 =	sor.u32 s1, s0  }
0xbc: {  	s0 =	sadd.s32 $0x8F2B, s0  }
0xbd: {  	[sflag:s0] =	ssyncadd.remote.s32 $0x1  }
0xbe: {  	_ =	sfence.sel $0xFFFF  }
0xbf: {  	[dreg:$0x0] =	wrdreg $0xFFFFFFFF;
	(pc) =	sbr.abs _section_cstart, $3  }
0xc0: {  	[dreg:$0x1] =	wrdreg $0xFFFFFFFF  }
0xc1: {  	_ =	task.clear_ibuf [dreg:s6], $0x2FFFF;
	_ =	strace $0x9FFFFFFF  }
0xc2: {  	(tm) =	ssettm $0x7FFFFFFF  }
0xc3: {  	_ =	shalt  }
tec
execute0_lowered:
.L_overlay_start_1:
0x0: {  	(tag) =	ssettag $0x1  }
0x1: {  	s0 =	rddreg [dreg:$0x0]  }
0x2: {  	s2 =	rddreg [dreg:$0x1]  }
0x3: {  	s3 =	simm.s32 $0x0;
	s1 =	srdreg.scid;
	s10 =	stileid.u32  }
0x4: {  	s28 =	simm.s32 $0x9E00;
	s29 =	simm.s32 $0x9E80;
	s30 =	simm.s32 $0x9F00  }
0x5: {  	s31 =	simm.s32 $0x9F80;
	s1 =	sand.u32 $0x1, s1;
	s5 =	smul.u32 $0x9C80, s10  }
0x6: {  	s4 =	sshll.u32 s10, $0x1;
	[smem:$0x7FF] =	sst s3;
	s22 =	smul.u32 $0x5000, s10  }
0x7: {  	s8 =	sadd.s32 $0x2E00, s0;
	s6 =	smul.u32 $0x9C800, s1;
	s4 =	sor.u32 s1, s4  }
0x8: {  	_ =	strace $0x80000047;
	s9 =	ssub.s32 $0x2, s1;
	s1 =	smul.u32 $0x2800, s1  }
0x9: {  	s7 =	smul.u32 $0x2800, s4;
	s4 =	sadd.s32 $0x16E00, s0;
	s6 =	sadd.s32 s5, s6  }
0xa: {  	s21 =	sshrl.u32 s9, $0x1;
	s1 =	sadd.s32 s1, s22;
	s6 =	sshrl.u32 s6, $0x3  }
0xb: {  	s7 =	sshrl.u32 s7, $0x3;
	s13 =	sor.u32 $0x200, s1;
	s14 =	sadd.s32 $0x50200, s1  }
0xc: {  	s16 =	sadd.s32 $0x50280, s1;
	s0 =	sadd.s32 s6, s0;
	s11 =	sadd.s32 s8, s7  }
0xd: {  	s6 =	ssub.s32 s9, s21;
	s21 =	sadd.s32 s5, s2;
	[dreg:$0x3] =	wrdreg s11  }
0xe: {  	s17 =	sor.u32 $0x280, s1;
	s7 =	sadd.s32 $0xA000, s11;
	[dreg:$0xb] =	wrdreg s21  }
0xf: {  	s18 =	sor.u32 $0x380, s1;
	s23 =	sadd.s32 $0x10, s11;
	[dreg:$0x4] =	wrdreg s7  }
0x10: {  	s5 =	sshrl.u32 s14, $0x3;
	s24 =	sadd.s32 $0xA010, s11;
	[dreg:$0x5] =	wrdreg s23  }
0x11: {  	s19 =	sshrl.u32 s17, $0x3;
	s25 =	sadd.s32 $0x20, s11;
	[dreg:$0x6] =	wrdreg s24  }
0x12: {  	s20 =	sshrl.u32 s18, $0x3;
	s26 =	sadd.s32 $0xA020, s11;
	[dreg:$0x7] =	wrdreg s25  }
0x13: {  	s9 =	simm.s32 $0xA080;
	s10 =	sadd.s32 $0x30, s11;
	[dreg:$0x8] =	wrdreg s26  }
0x14: {  	s14 =	simm.s32 $0xE080;
	s12 =	sadd.s32 $0xA030, s11;
	[dreg:$0x9] =	wrdreg s10  }
0x15: {  	s17 =	simm.s32 $0x9;
	s0 =	sadd.s32 $0x2A800, s0;
	[dreg:$0xa] =	wrdreg s12  }
0x16: {  	s18 =	simm.s32 $0xA;
	s6 =	smax.u32 s6, $0x1;
	[dreg:$0xc] =	wrdreg s0  }
0x17: {  	s15 =	sadd.s32 s5, s8;
	s22 =	sadd.s32 s20, s8;
	[dreg:$0xd] =	wrdreg s6  }
0x18: {  	s11 =	simm.s32 $0xC080;
	s5 =	simm.s32 $0x10080;
	[dreg:$0xf] =	wrdreg s15  }
0x19: {  	s20 =	simm.s32 $0xC;
	s0 =	sshrl.u32 s13, $0x3;
	[dreg:$0x12] =	wrdreg s22  }
0x1a: {  	s23 =	sadd.s32 $0x50380, s1;
	s24 =	sadd.s32 $0x50300, s1;
	s1 =	sor.u32 $0x300, s1  }
0x1b: {  	s7 =	simm.s32 $0x1;
	s10 =	simm.s32 $0x2;
	s12 =	simm.s32 $0x3  }
0x1c: {  	s15 =	simm.s32 $0x4;
	s13 =	simm.s32 $0x6;
	s6 =	simm.s32 $0x7  }
0x1d: {  	s22 =	simm.s32 $0x0;
	s0 =	sadd.s32 s0, s8;
	s25 =	sshrl.u32 s24, $0x3  }
0x1e: {  	s1 =	sshrl.u32 s1, $0x3;
	s24 =	simm.s32 $0x9C80;
	[dreg:$0x16] =	wrdreg s22  }
0x1f: {  	[dreg:$0xe] =	wrdreg s0;
	s0 =	sshrl.u32 s16, $0x3;
	s26 =	sadd.s32 s1, s8  }
0x20: {  	s1 =	simm.s32 $0x5;
	s0 =	sadd.s32 s0, s8;
	[dreg:$0x15] =	wrdreg s26  }
.Ltmp0:
0x21: {  	[dreg:$0x10] =	wrdreg s0;
	s0 =	sadd.s32 s19, s8;
	(pc) =	sbr.rel .LBB2_1-.Ltmp0, $4  }
0x22: {  	s16 =	simm.s32 $0x8;
	[dreg:$0x11] =	wrdreg s0;
	s0 =	sshrl.u32 s23, $0x3  }
0x23: {  	s26 =	simm.s32 $0x9D80;
	s19 =	simm.s32 $0xB;
	s0 =	sadd.s32 s0, s8  }
0x24: {  	[dreg:$0x13] =	wrdreg s0;
	s0 =	sadd.s32 s25, s8;
	s25 =	simm.s32 $0x9D00  }
0x25: {  	v0 =	vimm.f32 $0.0e+00;
	s8 =	simm.s32 $0x80;
	[dreg:$0x14] =	wrdreg s0;
	s0 =	simm.s32 $0xA000  }
.LBB2_6:
0x26: {  	_ =	swait.ge [sflag:s18], $0x2000  }
0x27: {  	[sflag:s18] =	ssyncset.done $0x0  }
0x28: {  	[sflag:s18] =	ssyncadd.s32 $0xFFFFE000  }
0x29: {  	_ =	swait.ge [sflag:s19], $0x2000  }
0x2a: {  	[sflag:s19] =	ssyncset.done $0x0  }
0x2b: {  	[sflag:s19] =	ssyncadd.s32 $0xFFFFE000  }
0x2c: {  	_ =	swait.ge [sflag:s20], $0x2000  }
0x2d: {  	[sflag:s20] =	ssyncset.done $0x0  }
0x2e: {  	[sflag:s20] =	ssyncadd.s32 $0xFFFFE000  }
0x2f: {  	s24 =	simm.s32 $0x12080;
	[bflag:$0x0] =	sbarrier.arrive $0xFFFF  }
0x30: {  	[tilespmem:s24], [sflag:$0xD] =	stream.linear.gather [spmem:s23], $0x9C80, $0x38;
	[tilespmem:$0x1BD00] =	vst v63  }
0x31: {  	s23 =	simm.s32 $0xD  }
0x32: {  	_ =	swait.ge [sflag:s23], $0x9C80  }
0x33: {  	[sflag:s23] =	ssyncset.done $0x0  }
0x34: {  	s21 =	rddreg [dreg:$0xc];
	[sflag:s23] =	ssyncadd.s32 $0xFFFF6380  }
0x35: {  	[hbm4b:s21+s3] =	stream.linear.scatter [tilespmem:s24], [sflag:$0xD], $0x9C80, $0x38;
	[tilespmem:$0x1BD00] =	vst v63  }
0x36: {  	_ =	swait.ge [sflag:s23], $0x9C80  }
0x37: {  	s21 =	rddreg [dreg:$0x16]  }
0x38: {  	s22 =	rddreg [dreg:$0xd];
	s24 =	sadd.s32 $0x1, s21  }
0x39: {  	p0 =	sne.s32 s24, s22  }
.Ltmp1:
0x3a: {  	_ = 	snop;
	(pc) =	sbr.rel @!p0 .LBB2_7-.Ltmp1, $3  }
0x3b: {  	_ =	sdelay $0x1  }
0x3c: {  	[sflag:s23] =	ssyncset.done $0x0  }
0x3d: {  	[sflag:s23] =	ssyncadd.s32 $0xFFFF6380;
	[dreg:$0x16] =	wrdreg s24;
	s24 =	simm.s32 $0x9C80  }
.LBB2_1:
0x3e: {  	s21 =	rddreg [dreg:$0x3]  }
0x3f: {  	[tilespmem:s24], [sflag:$0x1] =	stream.linear.gather [hbm4b:s21+s3], $0x80, $0x38;
	[tilespmem:$0x1BD00] =	vst v63  }
0x40: {  	s23 =	rddreg [dreg:$0x4]  }
0x41: {  	[tilespmem:s25], [sflag:$0x1] =	stream.linear.gather [hbm4b:s23+s3], $0x80, $0x38;
	[tilespmem:$0x1BD00] =	vst v63  }
0x42: {  	s22 =	rddreg [dreg:$0x5]  }
0x43: {  	[tilespmem:s26], [sflag:$0x2] =	stream.linear.gather [hbm4b:s22+s3], $0x80, $0x38;
	[tilespmem:$0x1BD00] =	vst v63  }
0x44: {  	s23 =	rddreg [dreg:$0x6]  }
0x45: {  	[tilespmem:s28], [sflag:$0x2] =	stream.linear.gather [hbm4b:s23+s3], $0x80, $0x38;
	[tilespmem:$0x1BD00] =	vst v63  }
0x46: {  	s22 =	rddreg [dreg:$0x7]  }
0x47: {  	[tilespmem:s29], [sflag:$0x3] =	stream.linear.gather [hbm4b:s22+s3], $0x80, $0x38;
	[tilespmem:$0x1BD00] =	vst v63  }
0x48: {  	s23 =	rddreg [dreg:$0x8]  }
0x49: {  	[tilespmem:s30], [sflag:$0x3] =	stream.linear.gather [hbm4b:s23+s3], $0x80, $0x38;
	[tilespmem:$0x1BD00] =	vst v63  }
0x4a: {  	s22 =	rddreg [dreg:$0x9]  }
0x4b: {  	[tilespmem:s31], [sflag:$0x4] =	stream.linear.gather [hbm4b:s22+s3], $0x80, $0x38;
	[tilespmem:$0x1BD00] =	vst v63  }
0x4c: {  	s21 =	simm.s32 $0x0;
	s23 =	rddreg [dreg:$0xa];
	s22 =	simm.s32 $0x100  }
0x4d: {  	[tilespmem:s0], [sflag:$0x4] =	stream.linear.gather [hbm4b:s23+s3], $0x80, $0x38;
	[tilespmem:$0x1BD00] =	vst v63  }
.LBB2_2:
0x4e: {  	p0 =	sne.s32 s22, $0x27100;
	[tilespmem:s21+$0x120B0] =	vst v0;
	s23 =	smov.u32 s22;
	s22 =	sadd.s32 $0x100, s22  }
.Ltmp2:
0x4f: {  	[tilespmem:s21+$0x120A0] =	vst v0;
	(pc) =	sbr.rel @p0 .LBB2_2-.Ltmp2, $3  }
0x50: {  	[tilespmem:s21+$0x12080] =	vst v0  }
0x51: {  	[tilespmem:s21+$0x12090] =	vst v0;
	_ =	sdelay $0x1  }
0x52: {  	s21 =	sshra.s32 s23, $0x2  }
0x53: {  	[tilespmem:s21+$0x120B0] =	vst v0  }
0x54: {  	[tilespmem:s21+$0x120A0] =	vst v0  }
0x55: {  	[tilespmem:s21+$0x12080] =	vst v0  }
0x56: {  	[tilespmem:s21+$0x12090] =	vst v0;
	s23 =	rddreg [dreg:$0xb];
	s22 =	simm.s32 $0x12080  }
0x57: {  	[spmem:s23] =	stream.linear.scatter [tilespmem:s22], [sflag:$0xD], $0x9C80, $0x38;
	[tilespmem:$0x1BD00] =	vst v63  }
0x58: {  	s22 =	simm.s32 $0xD  }
0x59: {  	_ =	swait.ge [sflag:s22], $0x9C80  }
0x5a: {  	[sflag:s22] =	ssyncset.done $0x0  }
0x5b: {  	[sflag:s22] =	ssyncadd.s32 $0xFFFF6380  }
0x5c: {  	s21 =	simm.s32 $0x0;
	[bflag:$0x0] =	sbarrier.arrive $0xFFFF  }
.LBB2_4:
0x5d: {  	_ =	swait.ge [sflag:s7], $0x80  }
0x5e: {  	[sflag:s7] =	ssyncset.done $0x0  }
0x5f: {  	[sflag:s7] =	ssyncadd.s32 $0xFFFFFF80  }
0x60: {  	_ =	swait.ge [sflag:s7], $0x80  }
0x61: {  	[sflag:s7] =	ssyncset.done $0x0  }
0x62: {  	[sflag:s7] =	ssyncadd.s32 $0xFFFFFF80  }
0x63: {  	[tilespmem:s9], [sflag:$0x5] =	stream.indirect.gather [hbm4b:s4+s8], $0x40, s24, s8, $0xb8;
	[tilespmem:$0x1BD00] =	vst v63  }
0x64: {  	_ =	swait.ge [sflag:s10], $0x80  }
0x65: {  	[sflag:s10] =	ssyncset.done $0x0  }
0x66: {  	[sflag:s10] =	ssyncadd.s32 $0xFFFFFF80  }
0x67: {  	_ =	swait.ge [sflag:s10], $0x80  }
0x68: {  	[sflag:s10] =	ssyncset.done $0x0  }
0x69: {  	[sflag:s10] =	ssyncadd.s32 $0xFFFFFF80  }
0x6a: {  	[tilespmem:s11], [sflag:$0x6] =	stream.indirect.gather [hbm4b:s4+s8], $0x40, s26, s8, $0xb8;
	[tilespmem:$0x1BD00] =	vst v63  }
0x6b: {  	_ =	swait.ge [sflag:s12], $0x80  }
0x6c: {  	[sflag:s12] =	ssyncset.done $0x0  }
0x6d: {  	[sflag:s12] =	ssyncadd.s32 $0xFFFFFF80  }
0x6e: {  	_ =	swait.ge [sflag:s12], $0x80  }
0x6f: {  	[sflag:s12] =	ssyncset.done $0x0  }
0x70: {  	[sflag:s12] =	ssyncadd.s32 $0xFFFFFF80  }
0x71: {  	[tilespmem:s14], [sflag:$0x7] =	stream.indirect.gather [hbm4b:s4+s8], $0x40, s29, s8, $0xb8;
	[tilespmem:$0x1BD00] =	vst v63  }
0x72: {  	_ =	swait.ge [sflag:s15], $0x80  }
0x73: {  	[sflag:s15] =	ssyncset.done $0x0  }
0x74: {  	[sflag:s15] =	ssyncadd.s32 $0xFFFFFF80  }
0x75: {  	_ =	swait.ge [sflag:s15], $0x80  }
0x76: {  	[sflag:s15] =	ssyncset.done $0x0  }
0x77: {  	[sflag:s15] =	ssyncadd.s32 $0xFFFFFF80  }
0x78: {  	[tilespmem:s5], [sflag:$0x8] =	stream.indirect.gather [hbm4b:s4+s8], $0x40, s31, s8, $0xb8;
	[tilespmem:$0x1BD00] =	vst v63  }
0x79: {  	_ =	swait.ge [sflag:s1], $0x2000  }
0x7a: {  	[sflag:s1] =	ssyncset.done $0x0  }
0x7b: {  	[sflag:s1] =	ssyncadd.s32 $0xFFFFE000  }
0x7c: {  	[spmem:s2] =	stream.indirect.scatter.add.f32 [tilespmem:s9], [sflag:$0x9], $0x40, s25, s8, $0xb8;
	[tilespmem:$0x1BD00] =	vst v63  }
0x7d: {  	_ =	swait.ge [sflag:s13], $0x2000  }
0x7e: {  	[sflag:s13] =	ssyncset.done $0x0  }
0x7f: {  	[sflag:s13] =	ssyncadd.s32 $0xFFFFE000  }
0x80: {  	[spmem:s2] =	stream.indirect.scatter.add.f32 [tilespmem:s11], [sflag:$0xA], $0x40, s28, s8, $0xb8;
	[tilespmem:$0x1BD00] =	vst v63  }
0x81: {  	_ =	swait.ge [sflag:s6], $0x2000  }
0x82: {  	[sflag:s6] =	ssyncset.done $0x0  }
0x83: {  	[sflag:s6] =	ssyncadd.s32 $0xFFFFE000  }
0x84: {  	[spmem:s2] =	stream.indirect.scatter.add.f32 [tilespmem:s14], [sflag:$0xB], $0x40, s30, s8, $0xb8;
	[tilespmem:$0x1BD00] =	vst v63  }
0x85: {  	_ =	swait.ge [sflag:s16], $0x2000  }
0x86: {  	p0 =	seq.s32 s21, $0x4C0;
	[sflag:s16] =	ssyncset.done $0x0  }
.Ltmp3:
0x87: {  	[sflag:s16] =	ssyncadd.s32 $0xFFFFE000;
	(pc) =	sbr.rel @p0 .LBB2_6-.Ltmp3, $4  }
0x88: {  	[spmem:s2] =	stream.indirect.scatter.add.f32 [tilespmem:s5], [sflag:$0xC], $0x40, s0, s8, $0xb8;
	[tilespmem:$0x1BD00] =	vst v63  }
0x89: {  	_ =	swait.ge [sflag:s17], $0x2000  }
0x8a: {  	[sflag:s17] =	ssyncset.done $0x0  }
0x8b: {  	[sflag:s17] =	ssyncadd.s32 $0xFFFFE000  }
0x8c: {  	s22 =	rddreg [dreg:$0xe]  }
0x8d: {  	s22 =	sadd.s32 s21, s22  }
0x8e: {  	[tilespmem:s24], [sflag:$0x1] =	stream.linear.gather [hbm4b:s22+s3], $0x80, $0x38;
	[tilespmem:$0x1BD00] =	vst v63  }
0x8f: {  	s22 =	rddreg [dreg:$0xf]  }
0x90: {  	s22 =	sadd.s32 s21, s22  }
0x91: {  	[tilespmem:s25], [sflag:$0x1] =	stream.linear.gather [hbm4b:s22+s3], $0x80, $0x38;
	[tilespmem:$0x1BD00] =	vst v63  }
0x92: {  	_ =	swait.ge [sflag:s18], $0x2000  }
0x93: {  	[sflag:s18] =	ssyncset.done $0x0;
	s22 =	rddreg [dreg:$0x11]  }
0x94: {  	[sflag:s18] =	ssyncadd.s32 $0xFFFFE000;
	s22 =	sadd.s32 s21, s22  }
0x95: {  	[tilespmem:s26], [sflag:$0x2] =	stream.linear.gather [hbm4b:s22+s3], $0x80, $0x38;
	[tilespmem:$0x1BD00] =	vst v63  }
0x96: {  	s22 =	rddreg [dreg:$0x10]  }
0x97: {  	s22 =	sadd.s32 s21, s22  }
0x98: {  	[tilespmem:s28], [sflag:$0x2] =	stream.linear.gather [hbm4b:s22+s3], $0x80, $0x38;
	[tilespmem:$0x1BD00] =	vst v63  }
0x99: {  	_ =	swait.ge [sflag:s19], $0x2000  }
0x9a: {  	[sflag:s19] =	ssyncset.done $0x0;
	s22 =	rddreg [dreg:$0x15]  }
0x9b: {  	[sflag:s19] =	ssyncadd.s32 $0xFFFFE000;
	s22 =	sadd.s32 s21, s22  }
0x9c: {  	[tilespmem:s29], [sflag:$0x3] =	stream.linear.gather [hbm4b:s22+s3], $0x80, $0x38;
	[tilespmem:$0x1BD00] =	vst v63  }
0x9d: {  	s22 =	rddreg [dreg:$0x14]  }
0x9e: {  	s22 =	sadd.s32 s21, s22  }
0x9f: {  	[tilespmem:s30], [sflag:$0x3] =	stream.linear.gather [hbm4b:s22+s3], $0x80, $0x38;
	[tilespmem:$0x1BD00] =	vst v63  }
0xa0: {  	_ =	swait.ge [sflag:s20], $0x2000  }
0xa1: {  	[sflag:s20] =	ssyncset.done $0x0;
	s22 =	rddreg [dreg:$0x12]  }
.Ltmp4:
0xa2: {  	[sflag:s20] =	ssyncadd.s32 $0xFFFFE000;
	s22 =	sadd.s32 s21, s22;
	(pc) =	sbr.rel .LBB2_4-.Ltmp4, $4  }
0xa3: {  	[tilespmem:s31], [sflag:$0x4] =	stream.linear.gather [hbm4b:s22+s3], $0x80, $0x38;
	[tilespmem:$0x1BD00] =	vst v63  }
0xa4: {  	s22 =	rddreg [dreg:$0x13]  }
0xa5: {  	s22 =	sadd.s32 s21, s22;
	s21 =	sadd.s32 $0x40, s21  }
0xa6: {  	[tilespmem:s0], [sflag:$0x4] =	stream.linear.gather [hbm4b:s22+s3], $0x80, $0x38;
	[tilespmem:$0x1BD00] =	vst v63  }
.LBB2_7:
0xa7: {  	_ =	sfence.sel $0x180000  }
0xa8: {  	[bflag:$0x0] =	sbarrier.arrive $0xFFFF  }
0xa9: {  	_ =	strace $0x90000047  }
0xaa: {  	s0 =	stileid.u32;
	[bflag:$0x2] =	sbarrier.arrive $0xFFFF  }
0xab: {  	p0 =	sne.s32 s0, $0x0;
	s0 =	rddreg [dreg:$0x2]  }
0xac: {  	s0 =	sadd.s32 @!p0 $0x100000, s0  }
0xad: {  	[sflag:s0] =	ssyncadd.tile.s32 @!p0 $0x1;
	_ =	shalt  }
.Lfunc_end2:
_tile_overlayer_lowered:
.L_overlay_start_2:
0xae: {  	(tag) =	ssettag $0x2  }
0xaf: {  	s0 =	rddreg [dreg:$0x0];
	s2 =	stileid.u32  }
0xb0: {  	s1 =	rddreg [dreg:$0x1];
	p0 =	sne.s32 s2, $0x0  }
0xb1: {  	s3 =	rddreg [dreg:$0x2];
	[bflag:$0x3] =	sbarrier.arrive $0xFFFF;
	s2 =	simm.s32 @!p0 $0x1C0D  }
0xb2: {  	[timem:s3], [sflag:s2] =	dma.local @!p0 [hbm:s0], s1  }
0xb3: {  	s0 =	simm.s32 @!p0 $0xD  }
0xb4: {  	_ =	swait.ge @!p0 [sflag:s0], s1  }
0xb5: {  	s1 =	ssub.s32 @!p0 $0x0, s1;
	[sflag:s0] =	ssyncset.done @!p0 $0x0  }
0xb6: {  	[sflag:s0] =	ssyncadd.s32 @!p0 s1  }
0xb7: {  	[bflag:$0x3] =	sbarrier.arrive $0xFFFF  }
0xb8: {  	_ =	shalt  }

// kernel: kernel.14.cloned.1.call-start
scs
__scs_entry_jumppad:
0x0: {  	(pc) =	sbr.rel $0x88, $3  }
0x1: {  	(tag) =	ssettag $0x0;
	lr =	simm.s32 $0x1  }
0x2: {  	[smem:$0x3F99] =	sst lr;
	_ =	strace $0xD0000000  }
0x3: {  	_ = 	snop  }
0x4: {  	_ = 	snop  }
0x5: {  	_ = 	snop  }
0x6: {  	_ = 	snop  }
0x7: {  	_ = 	snop  }
__scs_overlays_trampoline_lowered:
0x8: {  	[smem:$0x3FA8] =	sst s0  }
0x9: {  	[smem:$0x3FA9] =	sst s1  }
0xa: {  	[smem:$0x3FAA] =	sst s2  }
0xb: {  	[smem:$0x3FAB] =	sst s3  }
0xc: {  	[smem:$0x3FAC] =	sst s4  }
0xd: {  	[smem:$0x3FAD] =	sst s5  }
0xe: {  	[smem:$0x3FAE] =	sst s6  }
0xf: {  	[smem:$0x3FAF] =	sst s7  }
0x10: {  	[smem:$0x3FB0] =	sst s8  }
0x11: {  	[smem:$0x3FB1] =	sst s9;
	s0 =	simm.s32 @!p0 $0x0  }
0x12: {  	s1 =	sld [smem:$0x3F97];
	s0 =	simm.s32 @p0 $0x1  }
0x13: {  	[smem:$0x3FB2] =	sst s0;
	s0 =	simm.s32 @!p1 $0x0  }
0x14: {  	s2 =	sld [smem:$0x3F96];
	s0 =	simm.s32 @p1 $0x1  }
0x15: {  	[smem:$0x3FB3] =	sst s0;
	s0 =	simm.s32 @!p2 $0x0  }
0x16: {  	s3 =	sld [smem:$0x3FDB];
	s0 =	simm.s32 @p2 $0x1  }
0x17: {  	s4 =	simm.s32 $0x1BF5;
	[smem:$0x3FB5] =	sst s0  }
0x18: {  	s0 =	sld [smem:$0x3F98];
	_ =	swait.ge [sflag:s4], $0x0  }
0x19: {  	s7 =	sld [smem:$0x3F99]  }
0x1a: {  	s8 =	sadd.s32 $0xFFFFE003, lr  }
0x1b: {  	s9 =	sadd.s32 $0xFFFFFEF7, lr;
	s5 =	simm.s32 $0xFFFFFFFF;
	p2 =	slt.u32 s8, $0xFFFFF086  }
0x1c: {  	p1 =	slt.u32 s9, $0xF7A;
	s5 =	simm.s32 @!p2 $0x0  }
0x1d: {  	s5 =	simm.s32 @p1 $0x1;
	p0 =	seq.s32 s7, s2  }
0x1e: {  	s7 =	smul.u32 @!p0 $0xF7A, s2;
	p2 =	seq.s32 @!p0 s5, $0x0  }
0x1f: {  	s9 =	smul.u32 $0xF7A, s1;
	s8 =	simm.s32 @!p0 $0x1BF5;
	p2 =	por !p2, p0  }
0x20: {  	[sflag:s8] =	ssyncset.s32 @!p0 $0xFFFFF086;
	s6 =	sadd.s32 @!p0 s3, s7;
	s7 =	simm.s32 @!p0 $0x108  }
0x21: {  	s3 =	sadd.s32 s3, s9;
	s6 =	sadd.s32 @!p0 $0x88, s6;
	s7 =	simm.s32 @p2 $0x1082  }
0x22: {  	[simem:s7], [sflag:s8] =	dma.local @!p0 [hbm:s6], $0xF7A  }
0x23: {  	s9 =	sor.u32 $0xD0000000, s2;
	s6 =	simm.s32 $0x108;
	_ =	swait.ge @!p0 [sflag:s8], $0x0  }
0x24: {  	s3 =	sadd.s32 $0x88, s3;
	s6 =	simm.s32 @!p1 $0x1082;
	[sflag:s4] =	ssyncset.s32 $0xFFFFF086  }
0x25: {  	[simem:s6], [sflag:s4] =	dma.local [hbm:s3], $0xF7A  }
0x26: {  	[smem:$0x3F99] =	sst s1;
	(tag) =	ssettag s2;
	_ =	strace s9  }
0x27: {  	s1 =	sld [smem:$0x3FA9]  }
0x28: {  	s2 =	sld [smem:$0x3FAA]  }
0x29: {  	s4 =	sld [smem:$0x3FAC]  }
0x2a: {  	p0 =	seq.s32 s5, $0x0;
	s5 =	sld [smem:$0x3FAD]  }
0x2b: {  	s6 =	sld [smem:$0x3FAE]  }
0x2c: {  	s7 =	sld [smem:$0x3FAF]  }
0x2d: {  	s3 =	simm.s32 $0x108;
	s8 =	sld [smem:$0x3FB0]  }
0x2e: {  	s3 =	simm.s32 @!p0 $0x1082;
	s9 =	sld [smem:$0x3FB1]  }
0x2f: {  	lr =	sadd.s32 s0, s3;
	s0 =	sld [smem:$0x3FA8]  }
0x30: {  	s3 =	sld [smem:$0x3FAB]  }
0x31: {  	[smem:$0x3FB4] =	sst s10  }
0x32: {  	s10 =	sld [smem:$0x3FB2];
	_ =	sdelay $0x3  }
0x33: {  	p0 =	seq.s32 s10, $0x1;
	s10 =	sld [smem:$0x3FB4];
	_ =	sdelay $0x3  }
0x34: {  	[smem:$0x3FB4] =	sst s10  }
0x35: {  	s10 =	sld [smem:$0x3FB3];
	_ =	sdelay $0x3  }
0x36: {  	p1 =	seq.s32 s10, $0x1;
	s10 =	sld [smem:$0x3FB4];
	_ =	sdelay $0x3  }
0x37: {  	[smem:$0x3FB4] =	sst s10  }
0x38: {  	s10 =	sld [smem:$0x3FB5]  }
0x39: {  	_ = 	snop;
	(pc) =	sbr.ind lr, $3  }
0x3a: {  	_ = 	snop  }
0x3b: {  	_ = 	snop  }
0x3c: {  	p2 =	seq.s32 s10, $0x1;
	s10 =	sld [smem:$0x3FB4]  }
0x3d: {  	_ =	shalt  }
0x3e: {  	_ =	shalt  }
0x3f: {  	_ =	shalt  }
0x40: {  	_ =	shalt  }
0x41: {  	_ =	shalt  }
0x42: {  	_ =	shalt  }
0x43: {  	_ =	shalt  }
0x44: {  	_ =	shalt  }
0x45: {  	_ =	shalt  }
0x46: {  	_ =	shalt  }
0x47: {  	_ =	shalt  }
0x48: {  	_ =	shalt  }
0x49: {  	_ =	shalt  }
0x4a: {  	_ =	shalt  }
0x4b: {  	_ =	shalt  }
0x4c: {  	_ =	shalt  }
0x4d: {  	_ =	shalt  }
0x4e: {  	_ =	shalt  }
0x4f: {  	_ =	shalt  }
0x50: {  	_ =	shalt  }
0x51: {  	_ =	shalt  }
0x52: {  	_ =	shalt  }
0x53: {  	_ =	shalt  }
0x54: {  	_ =	shalt  }
0x55: {  	_ =	shalt  }
0x56: {  	_ =	shalt  }
0x57: {  	_ =	shalt  }
0x58: {  	_ =	shalt  }
0x59: {  	_ =	shalt  }
0x5a: {  	_ =	shalt  }
0x5b: {  	_ =	shalt  }
0x5c: {  	_ =	shalt  }
0x5d: {  	_ =	shalt  }
0x5e: {  	_ =	shalt  }
0x5f: {  	_ =	shalt  }
0x60: {  	_ =	shalt  }
0x61: {  	_ =	shalt  }
0x62: {  	_ =	shalt  }
0x63: {  	_ =	shalt  }
0x64: {  	_ =	shalt  }
0x65: {  	_ =	shalt  }
0x66: {  	_ =	shalt  }
0x67: {  	_ =	shalt  }
0x68: {  	_ =	shalt  }
0x69: {  	_ =	shalt  }
0x6a: {  	_ =	shalt  }
0x6b: {  	_ =	shalt  }
0x6c: {  	_ =	shalt  }
0x6d: {  	_ =	shalt  }
0x6e: {  	_ =	shalt  }
0x6f: {  	_ =	shalt  }
0x70: {  	_ =	shalt  }
0x71: {  	_ =	shalt  }
0x72: {  	_ =	shalt  }
0x73: {  	_ =	shalt  }
0x74: {  	_ =	shalt  }
0x75: {  	_ =	shalt  }
0x76: {  	_ =	shalt  }
0x77: {  	_ =	shalt  }
0x78: {  	_ =	shalt  }
0x79: {  	_ =	shalt  }
0x7a: {  	_ =	shalt  }
0x7b: {  	_ =	shalt  }
0x7c: {  	_ =	shalt  }
0x7d: {  	_ =	shalt  }
0x7e: {  	_ =	shalt  }
0x7f: {  	_ =	shalt  }
0x80: {  	_ =	shalt  }
0x81: {  	_ =	shalt  }
0x82: {  	_ =	shalt  }
0x83: {  	_ =	shalt  }
0x84: {  	_ =	shalt  }
0x85: {  	_ =	shalt  }
0x86: {  	_ =	shalt  }
0x87: {  	_ =	shalt  }
.Lfunc_end0:
.L_simem_size_0:
called_computation.2_lowered:
.L_overlay_start_0:
0x88: {  	s2 =	sld [smem:$0x3FD9]  }
0x89: {  	s3 =	sld [smem:$0x3FFE];
	_ =	sdelay $0x1  }
0x8a: {  	s1 =	srdreg.scid  }
0x8b: {  	s0 =	sand.u32 $0x1, s1  }
0x8c: {  	s17 =	sshll.u32 s0, $0xA;
	s2 =	sadd.s32 s3, s2  }
0x8d: {  	s2 =	sadd.s32 s2, s17  }
0x8e: {  	[smem:$0x3FC0] =	sst s2  }
0x8f: {  	_ = 	snop  }
0x90: {  	s2 =	sld [smem:$0x3FD0];
	(tm) =	ssettm $0x1  }
0x91: {  	s18 =	sld [smem:$0x3FFB];
	_ =	sdelay $0x3  }
0x92: {  	_ =	strace s18  }
0x93: {  	s3 =	sld [smem:$0x3FFC];
	_ =	sdelay $0x3  }
0x94: {  	_ =	strace s3  }
0x95: {  	s3 =	sld [smem:$0x3FFD];
	_ =	sdelay $0x3  }
0x96: {  	_ =	strace s3  }
0x97: {  	_ =	strace $0x8FFFFFFF  }
0x98: {  	s19 =	sld [smem:$0x3FDB];
	_ =	sdelay $0x1  }
0x99: {  	s4 =	simm.s32 $_scs_section_size  }
0x9a: {  	s5 =	simm.s32 $_size__tile_overlayer_lowered;
	s6 =	simm.s32 $_tile_overlayer_lowered  }
0x9b: {  	s22 =	simm.s32 $0x1BFF;
	s21 =	sshll.u32 s6, $0x1;
	s3 =	sadd.s32 s4, s19  }
0x9c: {  	s7 =	simm.s32 $0x0;
	s20 =	sshll.u32 s5, $0x1;
	s5 =	sadd.s32 s21, s3  }
0x9d: {  	[timem:s7], [sflag:s22] =	dma.local [hbm:s5], s20  }
0x9e: {  	_ =	swait.ge [sflag:s22], s20  }
0x9f: {  	s4 =	ssub.s32 $0x0, s20;
	[sflag:s22] =	ssyncset.done $0x0  }
0xa0: {  	[sflag:s22] =	ssyncadd.s32 s4;
	_ =	sdelay $0x1  }
0xa1: {  	s23 =	simm.s32 $0x1B8B  }
0xa2: {  	_ =	swait.ge [sflag:s23], $0x1  }
0xa3: {  	[sflag:s23] =	ssyncset.done $0x0  }
0xa4: {  	s25 =	simm.s32 $0x1B8E;
	s24 =	sld [smem:$0x3FFE];
	[sflag:s23] =	ssyncadd.s32 $0xFFFFFFFF  }
0xa5: {  	s26 =	simm.s32 $execute0_lowered;
	[smem:$0x3FD2] =	sst s25  }
0xa6: {  	s5 =	sshll.u32 s26, $0x1;
	_ =	strace $0x8000004C;
	[dreg:$0x1] =	wrdreg $0xFFFFFFFF  }
0xa7: {  	s28 =	simm.s32 $_size_execute0_lowered;
	s3 =	sadd.s32 s3, s5;
	[dreg:$0x0] =	wrdreg $0x0  }
0xa8: {  	s5 =	sshll.u32 s28, $0x1;
	[dreg:$0x2] =	wrdreg s3  }
0xa9: {  	[dreg:$0x3] =	wrdreg s5  }
0xaa: {  	[dreg:$0x4] =	wrdreg $0xC0  }
0xab: {  	_ =	task [dreg:s7], $0x5FFFF  }
0xac: {  	[dreg:$0x1] =	wrdreg $0xFFFFFFFF  }
0xad: {  	[dreg:$0x0] =	wrdreg $0x60  }
0xae: {  	[dreg:$0x2] =	wrdreg s2  }
0xaf: {  	[dreg:$0x3] =	wrdreg s24  }
0xb0: {  	[dreg:$0x4] =	wrdreg $0x0  }
0xb1: {  	[dreg:$0x5] =	wrdreg $0x9  }
0xb2: {  	_ =	task.clear_ibuf [dreg:s7], $0x6FFFF;
	_ =	strace $0x9000004C  }
0xb3: {  	s29 =	simm.s32 $0x9;
	_ =	strace $0x8000004E  }
0xb4: {  	_ =	swait.ge [sflag:s29], $0x1  }
0xb5: {  	[sflag:s29] =	ssyncadd.s32 $0xFFFFFFFF  }
0xb6: {  	_ =	strace $0x9000004E  }
0xb7: {  	_ =	sfence  }
0xb8: {  	s30 =	sld [smem:$0x0];
	_ =	sdelay $0x2  }
0xb9: {  	s31 =	sshll.u32 s1, $0xD;
	s1 =	sshrl.u32 s1, $0x2  }
0xba: {  	s3 =	sand.u32 $0x4000, s31;
	s1 =	sadd.s32 s1, s30  }
0xbb: {  	s0 =	sor.u32 s3, s0;
	s1 =	sshll.u32 s1, $0x11  }
0xbc: {  	s0 =	sor.u32 s1, s0  }
0xbd: {  	s0 =	sadd.s32 $0x8F2B, s0  }
0xbe: {  	[sflag:s0] =	ssyncadd.remote.s32 $0x1  }
0xbf: {  	_ =	sfence.sel $0xFFFF  }
0xc0: {  	[dreg:$0x0] =	wrdreg $0xFFFFFFFF;
	(pc) =	sbr.abs _section_cstart, $3  }
0xc1: {  	[dreg:$0x1] =	wrdreg $0xFFFFFFFF  }
0xc2: {  	_ =	task.clear_ibuf [dreg:s7], $0x2FFFF;
	_ =	strace $0x9FFFFFFF  }
0xc3: {  	(tm) =	ssettm $0x7FFFFFFF  }
tec
execute0_lowered:
.L_overlay_start_1:
0x0: {  	(tag) =	ssettag $0x1  }
0x1: {  	s1 =	rddreg [dreg:$0x0]  }
0x2: {  	s0 =	rddreg [dreg:$0x1]  }
0x3: {  	s3 =	rddreg [dreg:$0x2]  }
0x4: {  	s2 =	srdreg.scid;
	s10 =	stileid.u32  }
0x5: {  	s4 =	simm.s32 $0x0;
	s28 =	simm.s32 $0x9E00;
	s29 =	simm.s32 $0x9E80  }
0x6: {  	s30 =	simm.s32 $0x9F00;
	s31 =	simm.s32 $0x9F80;
	s5 =	smul.u32 $0x9C80, s10  }
0x7: {  	s2 =	sand.u32 $0x1, s2;
	s6 =	sshll.u32 s10, $0x1;
	s22 =	smul.u32 $0x5000, s10  }
0x8: {  	[smem:$0x7FF] =	sst s4;
	s8 =	sadd.s32 $0x2E00, s0;
	s7 =	smul.u32 $0x9C800, s2  }
0x9: {  	s6 =	sor.u32 s2, s6;
	s9 =	ssub.s32 $0x2, s2;
	s2 =	smul.u32 $0x2800, s2  }
0xa: {  	_ =	strace $0x8000004D;
	s6 =	smul.u32 $0x2800, s6;
	s19 =	sshrl.u32 s9, $0x1  }
0xb: {  	s7 =	sadd.s32 s5, s7;
	s20 =	ssub.s32 s9, s19;
	s2 =	sadd.s32 s2, s22  }
0xc: {  	s9 =	simm.s32 $0xA080;
	s7 =	sshrl.u32 s7, $0x3;
	s6 =	sshrl.u32 s6, $0x3  }
0xd: {  	s13 =	sor.u32 $0x200, s2;
	s14 =	sadd.s32 $0x50200, s2;
	s16 =	sadd.s32 $0x50280, s2  }
0xe: {  	s17 =	sor.u32 $0x280, s2;
	s18 =	sor.u32 $0x380, s2;
	s11 =	sadd.s32 s8, s6  }
0xf: {  	s0 =	sadd.s32 s7, s0;
	s6 =	smax.u32 s20, $0x1;
	[dreg:$0x4] =	wrdreg s11  }
0x10: {  	s19 =	sshrl.u32 s17, $0x3;
	s21 =	sadd.s32 $0xA000, s11;
	[dreg:$0xe] =	wrdreg s6  }
0x11: {  	s20 =	sshrl.u32 s18, $0x3;
	s23 =	sadd.s32 $0x10, s11;
	[dreg:$0x5] =	wrdreg s21  }
0x12: {  	s7 =	simm.s32 $0x1;
	s24 =	sadd.s32 $0xA010, s11;
	[dreg:$0x6] =	wrdreg s23  }
0x13: {  	s17 =	simm.s32 $0x9;
	s25 =	sadd.s32 $0x20, s11;
	[dreg:$0x7] =	wrdreg s24  }
0x14: {  	s18 =	simm.s32 $0xA;
	s26 =	sadd.s32 $0xA020, s11;
	[dreg:$0x8] =	wrdreg s25  }
0x15: {  	s10 =	sadd.s32 $0x30, s11;
	s12 =	sadd.s32 $0xA030, s11;
	[dreg:$0x9] =	wrdreg s26  }
0x16: {  	s0 =	sadd.s32 $0x65200, s0;
	s22 =	sadd.s32 s20, s8;
	[dreg:$0xa] =	wrdreg s10  }
0x17: {  	s11 =	simm.s32 $0xC080;
	s6 =	simm.s32 $0x7;
	[dreg:$0xb] =	wrdreg s12  }
0x18: {  	s20 =	simm.s32 $0xC;
	s21 =	sadd.s32 s5, s3;
	[dreg:$0xd] =	wrdreg s0  }
0x19: {  	s0 =	sshrl.u32 s13, $0x3;
	s5 =	sshrl.u32 s14, $0x3;
	[dreg:$0x13] =	wrdreg s22  }
0x1a: {  	s23 =	sadd.s32 $0x50380, s2;
	s24 =	sadd.s32 $0x50300, s2;
	s2 =	sor.u32 $0x300, s2  }
0x1b: {  	s10 =	simm.s32 $0x2;
	s12 =	simm.s32 $0x3;
	s22 =	simm.s32 $0x0  }
0x1c: {  	s14 =	simm.s32 $0xE080;
	s13 =	simm.s32 $0x6;
	[dreg:$0x17] =	wrdreg s22  }
0x1d: {  	s0 =	sadd.s32 s0, s8;
	s15 =	sadd.s32 s5, s8;
	[dreg:$0xc] =	wrdreg s21  }
0x1e: {  	s25 =	sshrl.u32 s24, $0x3;
	s2 =	sshrl.u32 s2, $0x3;
	[dreg:$0xf] =	wrdreg s0  }
0x1f: {  	s24 =	simm.s32 $0x9C80;
	s5 =	simm.s32 $0x10080;
	[dreg:$0x10] =	wrdreg s15  }
0x20: {  	s0 =	sshrl.u32 s16, $0x3;
	s26 =	sadd.s32 s2, s8;
	s15 =	simm.s32 $0x4  }
0x21: {  	s2 =	simm.s32 $0x5;
	s0 =	sadd.s32 s0, s8;
	[dreg:$0x16] =	wrdreg s26  }
.Ltmp0:
0x22: {  	[dreg:$0x11] =	wrdreg s0;
	s0 =	sadd.s32 s19, s8;
	(pc) =	sbr.rel .LBB2_1-.Ltmp0, $4  }
0x23: {  	s16 =	simm.s32 $0x8;
	[dreg:$0x12] =	wrdreg s0;
	s0 =	sshrl.u32 s23, $0x3  }
0x24: {  	s26 =	simm.s32 $0x9D80;
	s19 =	simm.s32 $0xB;
	s0 =	sadd.s32 s0, s8  }
0x25: {  	[dreg:$0x14] =	wrdreg s0;
	s0 =	sadd.s32 s25, s8;
	s25 =	simm.s32 $0x9D00  }
0x26: {  	v0 =	vimm.f32 $0.0e+00;
	s8 =	simm.s32 $0x80;
	[dreg:$0x15] =	wrdreg s0;
	s0 =	simm.s32 $0xA000  }
.LBB2_6:
0x27: {  	_ =	swait.ge [sflag:s18], $0x2000  }
0x28: {  	[sflag:s18] =	ssyncset.done $0x0  }
0x29: {  	[sflag:s18] =	ssyncadd.s32 $0xFFFFE000  }
0x2a: {  	_ =	swait.ge [sflag:s19], $0x2000  }
0x2b: {  	[sflag:s19] =	ssyncset.done $0x0  }
0x2c: {  	[sflag:s19] =	ssyncadd.s32 $0xFFFFE000  }
0x2d: {  	_ =	swait.ge [sflag:s20], $0x2000  }
0x2e: {  	[sflag:s20] =	ssyncset.done $0x0  }
0x2f: {  	[sflag:s20] =	ssyncadd.s32 $0xFFFFE000  }
0x30: {  	s24 =	simm.s32 $0x12080;
	[bflag:$0x0] =	sbarrier.arrive $0xFFFF  }
0x31: {  	[tilespmem:s24], [sflag:$0xD] =	stream.linear.gather [spmem:s23], $0x9C80, $0x38;
	[tilespmem:$0x1BD00] =	vst v63  }
0x32: {  	s23 =	simm.s32 $0xD  }
0x33: {  	_ =	swait.ge [sflag:s23], $0x9C80  }
0x34: {  	[sflag:s23] =	ssyncset.done $0x0  }
0x35: {  	s21 =	rddreg [dreg:$0xd];
	[sflag:s23] =	ssyncadd.s32 $0xFFFF6380  }
0x36: {  	[hbm4b:s21+s4] =	stream.linear.scatter [tilespmem:s24], [sflag:$0xD], $0x9C80, $0x38;
	[tilespmem:$0x1BD00] =	vst v63  }
0x37: {  	_ =	swait.ge [sflag:s23], $0x9C80  }
0x38: {  	s21 =	rddreg [dreg:$0x17]  }
0x39: {  	s22 =	rddreg [dreg:$0xe];
	s24 =	sadd.s32 $0x1, s21  }
0x3a: {  	p0 =	sne.s32 s24, s22  }
.Ltmp1:
0x3b: {  	_ = 	snop;
	(pc) =	sbr.rel @!p0 .LBB2_7-.Ltmp1, $3  }
0x3c: {  	_ =	sdelay $0x1  }
0x3d: {  	[sflag:s23] =	ssyncset.done $0x0  }
0x3e: {  	[sflag:s23] =	ssyncadd.s32 $0xFFFF6380;
	[dreg:$0x17] =	wrdreg s24;
	s24 =	simm.s32 $0x9C80  }
.LBB2_1:
0x3f: {  	s21 =	rddreg [dreg:$0x4]  }
0x40: {  	[tilespmem:s24], [sflag:$0x1] =	stream.linear.gather [hbm4b:s21+s4], $0x80, $0x38;
	[tilespmem:$0x1BD00] =	vst v63  }
0x41: {  	s23 =	rddreg [dreg:$0x5]  }
0x42: {  	[tilespmem:s25], [sflag:$0x1] =	stream.linear.gather [hbm4b:s23+s4], $0x80, $0x38;
	[tilespmem:$0x1BD00] =	vst v63  }
0x43: {  	s22 =	rddreg [dreg:$0x6]  }
0x44: {  	[tilespmem:s26], [sflag:$0x2] =	stream.linear.gather [hbm4b:s22+s4], $0x80, $0x38;
	[tilespmem:$0x1BD00] =	vst v63  }
0x45: {  	s23 =	rddreg [dreg:$0x7]  }
0x46: {  	[tilespmem:s28], [sflag:$0x2] =	stream.linear.gather [hbm4b:s23+s4], $0x80, $0x38;
	[tilespmem:$0x1BD00] =	vst v63  }
0x47: {  	s22 =	rddreg [dreg:$0x8]  }
0x48: {  	[tilespmem:s29], [sflag:$0x3] =	stream.linear.gather [hbm4b:s22+s4], $0x80, $0x38;
	[tilespmem:$0x1BD00] =	vst v63  }
0x49: {  	s23 =	rddreg [dreg:$0x9]  }
0x4a: {  	[tilespmem:s30], [sflag:$0x3] =	stream.linear.gather [hbm4b:s23+s4], $0x80, $0x38;
	[tilespmem:$0x1BD00] =	vst v63  }
0x4b: {  	s22 =	rddreg [dreg:$0xa]  }
0x4c: {  	[tilespmem:s31], [sflag:$0x4] =	stream.linear.gather [hbm4b:s22+s4], $0x80, $0x38;
	[tilespmem:$0x1BD00] =	vst v63  }
0x4d: {  	s21 =	simm.s32 $0x0;
	s23 =	rddreg [dreg:$0xb];
	s22 =	simm.s32 $0x100  }
0x4e: {  	[tilespmem:s0], [sflag:$0x4] =	stream.linear.gather [hbm4b:s23+s4], $0x80, $0x38;
	[tilespmem:$0x1BD00] =	vst v63  }
.LBB2_2:
0x4f: {  	p0 =	sne.s32 s22, $0x27100;
	[tilespmem:s21+$0x120B0] =	vst v0;
	s23 =	smov.u32 s22;
	s22 =	sadd.s32 $0x100, s22  }
.Ltmp2:
0x50: {  	[tilespmem:s21+$0x120A0] =	vst v0;
	(pc) =	sbr.rel @p0 .LBB2_2-.Ltmp2, $3  }
0x51: {  	[tilespmem:s21+$0x12080] =	vst v0  }
0x52: {  	[tilespmem:s21+$0x12090] =	vst v0;
	_ =	sdelay $0x1  }
0x53: {  	s21 =	sshra.s32 s23, $0x2  }
0x54: {  	[tilespmem:s21+$0x120B0] =	vst v0  }
0x55: {  	[tilespmem:s21+$0x120A0] =	vst v0  }
0x56: {  	[tilespmem:s21+$0x12080] =	vst v0  }
0x57: {  	[tilespmem:s21+$0x12090] =	vst v0;
	s23 =	rddreg [dreg:$0xc];
	s22 =	simm.s32 $0x12080  }
0x58: {  	[spmem:s23] =	stream.linear.scatter [tilespmem:s22], [sflag:$0xD], $0x9C80, $0x38;
	[tilespmem:$0x1BD00] =	vst v63  }
0x59: {  	s22 =	simm.s32 $0xD  }
0x5a: {  	_ =	swait.ge [sflag:s22], $0x9C80  }
0x5b: {  	[sflag:s22] =	ssyncset.done $0x0  }
0x5c: {  	[sflag:s22] =	ssyncadd.s32 $0xFFFF6380  }
0x5d: {  	s21 =	simm.s32 $0x0;
	[bflag:$0x0] =	sbarrier.arrive $0xFFFF  }
.LBB2_4:
0x5e: {  	_ =	swait.ge [sflag:s7], $0x80  }
0x5f: {  	[sflag:s7] =	ssyncset.done $0x0  }
0x60: {  	[sflag:s7] =	ssyncadd.s32 $0xFFFFFF80  }
0x61: {  	_ =	swait.ge [sflag:s7], $0x80  }
0x62: {  	[sflag:s7] =	ssyncset.done $0x0  }
0x63: {  	[sflag:s7] =	ssyncadd.s32 $0xFFFFFF80  }
0x64: {  	[tilespmem:s9], [sflag:$0x5] =	stream.indirect.gather [hbm4b:s1+s8], $0x40, s24, s8, $0xb8;
	[tilespmem:$0x1BD00] =	vst v63  }
0x65: {  	_ =	swait.ge [sflag:s10], $0x80  }
0x66: {  	[sflag:s10] =	ssyncset.done $0x0  }
0x67: {  	[sflag:s10] =	ssyncadd.s32 $0xFFFFFF80  }
0x68: {  	_ =	swait.ge [sflag:s10], $0x80  }
0x69: {  	[sflag:s10] =	ssyncset.done $0x0  }
0x6a: {  	[sflag:s10] =	ssyncadd.s32 $0xFFFFFF80  }
0x6b: {  	[tilespmem:s11], [sflag:$0x6] =	stream.indirect.gather [hbm4b:s1+s8], $0x40, s26, s8, $0xb8;
	[tilespmem:$0x1BD00] =	vst v63  }
0x6c: {  	_ =	swait.ge [sflag:s12], $0x80  }
0x6d: {  	[sflag:s12] =	ssyncset.done $0x0  }
0x6e: {  	[sflag:s12] =	ssyncadd.s32 $0xFFFFFF80  }
0x6f: {  	_ =	swait.ge [sflag:s12], $0x80  }
0x70: {  	[sflag:s12] =	ssyncset.done $0x0  }
0x71: {  	[sflag:s12] =	ssyncadd.s32 $0xFFFFFF80  }
0x72: {  	[tilespmem:s14], [sflag:$0x7] =	stream.indirect.gather [hbm4b:s1+s8], $0x40, s29, s8, $0xb8;
	[tilespmem:$0x1BD00] =	vst v63  }
0x73: {  	_ =	swait.ge [sflag:s15], $0x80  }
0x74: {  	[sflag:s15] =	ssyncset.done $0x0  }
0x75: {  	[sflag:s15] =	ssyncadd.s32 $0xFFFFFF80  }
0x76: {  	_ =	swait.ge [sflag:s15], $0x80  }
0x77: {  	[sflag:s15] =	ssyncset.done $0x0  }
0x78: {  	[sflag:s15] =	ssyncadd.s32 $0xFFFFFF80  }
0x79: {  	[tilespmem:s5], [sflag:$0x8] =	stream.indirect.gather [hbm4b:s1+s8], $0x40, s31, s8, $0xb8;
	[tilespmem:$0x1BD00] =	vst v63  }
0x7a: {  	_ =	swait.ge [sflag:s2], $0x2000  }
0x7b: {  	[sflag:s2] =	ssyncset.done $0x0  }
0x7c: {  	[sflag:s2] =	ssyncadd.s32 $0xFFFFE000  }
0x7d: {  	[spmem:s3] =	stream.indirect.scatter.add.f32 [tilespmem:s9], [sflag:$0x9], $0x40, s25, s8, $0xb8;
	[tilespmem:$0x1BD00] =	vst v63  }
0x7e: {  	_ =	swait.ge [sflag:s13], $0x2000  }
0x7f: {  	[sflag:s13] =	ssyncset.done $0x0  }
0x80: {  	[sflag:s13] =	ssyncadd.s32 $0xFFFFE000  }
0x81: {  	[spmem:s3] =	stream.indirect.scatter.add.f32 [tilespmem:s11], [sflag:$0xA], $0x40, s28, s8, $0xb8;
	[tilespmem:$0x1BD00] =	vst v63  }
0x82: {  	_ =	swait.ge [sflag:s6], $0x2000  }
0x83: {  	[sflag:s6] =	ssyncset.done $0x0  }
0x84: {  	[sflag:s6] =	ssyncadd.s32 $0xFFFFE000  }
0x85: {  	[spmem:s3] =	stream.indirect.scatter.add.f32 [tilespmem:s14], [sflag:$0xB], $0x40, s30, s8, $0xb8;
	[tilespmem:$0x1BD00] =	vst v63  }
0x86: {  	_ =	swait.ge [sflag:s16], $0x2000  }
0x87: {  	p0 =	seq.s32 s21, $0x4C0;
	[sflag:s16] =	ssyncset.done $0x0  }
.Ltmp3:
0x88: {  	[sflag:s16] =	ssyncadd.s32 $0xFFFFE000;
	(pc) =	sbr.rel @p0 .LBB2_6-.Ltmp3, $4  }
0x89: {  	[spmem:s3] =	stream.indirect.scatter.add.f32 [tilespmem:s5], [sflag:$0xC], $0x40, s0, s8, $0xb8;
	[tilespmem:$0x1BD00] =	vst v63  }
0x8a: {  	_ =	swait.ge [sflag:s17], $0x2000  }
0x8b: {  	[sflag:s17] =	ssyncset.done $0x0  }
0x8c: {  	[sflag:s17] =	ssyncadd.s32 $0xFFFFE000  }
0x8d: {  	s22 =	rddreg [dreg:$0xf]  }
0x8e: {  	s22 =	sadd.s32 s21, s22  }
0x8f: {  	[tilespmem:s24], [sflag:$0x1] =	stream.linear.gather [hbm4b:s22+s4], $0x80, $0x38;
	[tilespmem:$0x1BD00] =	vst v63  }
0x90: {  	s22 =	rddreg [dreg:$0x10]  }
0x91: {  	s22 =	sadd.s32 s21, s22  }
0x92: {  	[tilespmem:s25], [sflag:$0x1] =	stream.linear.gather [hbm4b:s22+s4], $0x80, $0x38;
	[tilespmem:$0x1BD00] =	vst v63  }
0x93: {  	_ =	swait.ge [sflag:s18], $0x2000  }
0x94: {  	[sflag:s18] =	ssyncset.done $0x0;
	s22 =	rddreg [dreg:$0x12]  }
0x95: {  	[sflag:s18] =	ssyncadd.s32 $0xFFFFE000;
	s22 =	sadd.s32 s21, s22  }
0x96: {  	[tilespmem:s26], [sflag:$0x2] =	stream.linear.gather [hbm4b:s22+s4], $0x80, $0x38;
	[tilespmem:$0x1BD00] =	vst v63  }
0x97: {  	s22 =	rddreg [dreg:$0x11]  }
0x98: {  	s22 =	sadd.s32 s21, s22  }
0x99: {  	[tilespmem:s28], [sflag:$0x2] =	stream.linear.gather [hbm4b:s22+s4], $0x80, $0x38;
	[tilespmem:$0x1BD00] =	vst v63  }
0x9a: {  	_ =	swait.ge [sflag:s19], $0x2000  }
0x9b: {  	[sflag:s19] =	ssyncset.done $0x0;
	s22 =	rddreg [dreg:$0x16]  }
0x9c: {  	[sflag:s19] =	ssyncadd.s32 $0xFFFFE000;
	s22 =	sadd.s32 s21, s22  }
0x9d: {  	[tilespmem:s29], [sflag:$0x3] =	stream.linear.gather [hbm4b:s22+s4], $0x80, $0x38;
	[tilespmem:$0x1BD00] =	vst v63  }
0x9e: {  	s22 =	rddreg [dreg:$0x15]  }
0x9f: {  	s22 =	sadd.s32 s21, s22  }
0xa0: {  	[tilespmem:s30], [sflag:$0x3] =	stream.linear.gather [hbm4b:s22+s4], $0x80, $0x38;
	[tilespmem:$0x1BD00] =	vst v63  }
0xa1: {  	_ =	swait.ge [sflag:s20], $0x2000  }
0xa2: {  	[sflag:s20] =	ssyncset.done $0x0;
	s22 =	rddreg [dreg:$0x13]  }
.Ltmp4:
0xa3: {  	[sflag:s20] =	ssyncadd.s32 $0xFFFFE000;
	s22 =	sadd.s32 s21, s22;
	(pc) =	sbr.rel .LBB2_4-.Ltmp4, $4  }
0xa4: {  	[tilespmem:s31], [sflag:$0x4] =	stream.linear.gather [hbm4b:s22+s4], $0x80, $0x38;
	[tilespmem:$0x1BD00] =	vst v63  }
0xa5: {  	s22 =	rddreg [dreg:$0x14]  }
0xa6: {  	s22 =	sadd.s32 s21, s22;
	s21 =	sadd.s32 $0x40, s21  }
0xa7: {  	[tilespmem:s0], [sflag:$0x4] =	stream.linear.gather [hbm4b:s22+s4], $0x80, $0x38;
	[tilespmem:$0x1BD00] =	vst v63  }
.LBB2_7:
0xa8: {  	_ =	sfence.sel $0x180000  }
0xa9: {  	[bflag:$0x0] =	sbarrier.arrive $0xFFFF  }
0xaa: {  	_ =	strace $0x9000004D  }
0xab: {  	s0 =	stileid.u32;
	[bflag:$0x2] =	sbarrier.arrive $0xFFFF  }
0xac: {  	p0 =	sne.s32 s0, $0x0;
	s0 =	rddreg [dreg:$0x3]  }
0xad: {  	s0 =	sadd.s32 @!p0 $0x100000, s0  }
0xae: {  	[sflag:s0] =	ssyncadd.tile.s32 @!p0 $0x1;
	_ =	shalt  }
.Lfunc_end2:
_tile_overlayer_lowered:
.L_overlay_start_2:
0xaf: {  	(tag) =	ssettag $0x2  }
0xb0: {  	s0 =	rddreg [dreg:$0x0];
	s2 =	stileid.u32  }
0xb1: {  	s1 =	rddreg [dreg:$0x1];
	p0 =	sne.s32 s2, $0x0  }
0xb2: {  	s3 =	rddreg [dreg:$0x2];
	[bflag:$0x3] =	sbarrier.arrive $0xFFFF;
	s2 =	simm.s32 @!p0 $0x1C0D  }
0xb3: {  	[timem:s3], [sflag:s2] =	dma.local @!p0 [hbm:s0], s1  }
0xb4: {  	s0 =	simm.s32 @!p0 $0xD  }
0xb5: {  	_ =	swait.ge @!p0 [sflag:s0], s1  }
0xb6: {  	s1 =	ssub.s32 @!p0 $0x0, s1;
	[sflag:s0] =	ssyncset.done @!p0 $0x0  }
0xb7: {  	[sflag:s0] =	ssyncadd.s32 @!p0 s1  }
0xb8: {  	[bflag:$0x3] =	sbarrier.arrive $0xFFFF  }
0xb9: {  	_ =	shalt  }

// kernel: kernel.8.cloned.1.call-start
scs
__scs_entry_jumppad:
0x0: {  	(pc) =	sbr.rel $0x88, $3  }
0x1: {  	(tag) =	ssettag $0x0;
	lr =	simm.s32 $0x1  }
0x2: {  	[smem:$0x3F99] =	sst lr;
	_ =	strace $0xD0000000  }
0x3: {  	_ = 	snop  }
0x4: {  	_ = 	snop  }
0x5: {  	_ = 	snop  }
0x6: {  	_ = 	snop  }
0x7: {  	_ = 	snop  }
__scs_overlays_trampoline_lowered:
0x8: {  	[smem:$0x3FA8] =	sst s0  }
0x9: {  	[smem:$0x3FA9] =	sst s1  }
0xa: {  	[smem:$0x3FAA] =	sst s2  }
0xb: {  	[smem:$0x3FAB] =	sst s3  }
0xc: {  	[smem:$0x3FAC] =	sst s4  }
0xd: {  	[smem:$0x3FAD] =	sst s5  }
0xe: {  	[smem:$0x3FAE] =	sst s6  }
0xf: {  	[smem:$0x3FAF] =	sst s7  }
0x10: {  	[smem:$0x3FB0] =	sst s8  }
0x11: {  	[smem:$0x3FB1] =	sst s9;
	s0 =	simm.s32 @!p0 $0x0  }
0x12: {  	s1 =	sld [smem:$0x3F97];
	s0 =	simm.s32 @p0 $0x1  }
0x13: {  	[smem:$0x3FB2] =	sst s0;
	s0 =	simm.s32 @!p1 $0x0  }
0x14: {  	s2 =	sld [smem:$0x3F96];
	s0 =	simm.s32 @p1 $0x1  }
0x15: {  	[smem:$0x3FB3] =	sst s0;
	s0 =	simm.s32 @!p2 $0x0  }
0x16: {  	s3 =	sld [smem:$0x3FDB];
	s0 =	simm.s32 @p2 $0x1  }
0x17: {  	s4 =	simm.s32 $0x1BF5;
	[smem:$0x3FB5] =	sst s0  }
0x18: {  	s0 =	sld [smem:$0x3F98];
	_ =	swait.ge [sflag:s4], $0x0  }
0x19: {  	s7 =	sld [smem:$0x3F99]  }
0x1a: {  	s8 =	sadd.s32 $0xFFFFE003, lr  }
0x1b: {  	s9 =	sadd.s32 $0xFFFFFEF7, lr;
	s5 =	simm.s32 $0xFFFFFFFF;
	p2 =	slt.u32 s8, $0xFFFFF086  }
0x1c: {  	p1 =	slt.u32 s9, $0xF7A;
	s5 =	simm.s32 @!p2 $0x0  }
0x1d: {  	s5 =	simm.s32 @p1 $0x1;
	p0 =	seq.s32 s7, s2  }
0x1e: {  	s7 =	smul.u32 @!p0 $0xF7A, s2;
	p2 =	seq.s32 @!p0 s5, $0x0  }
0x1f: {  	s9 =	smul.u32 $0xF7A, s1;
	s8 =	simm.s32 @!p0 $0x1BF5;
	p2 =	por !p2, p0  }
0x20: {  	[sflag:s8] =	ssyncset.s32 @!p0 $0xFFFFF086;
	s6 =	sadd.s32 @!p0 s3, s7;
	s7 =	simm.s32 @!p0 $0x108  }
0x21: {  	s3 =	sadd.s32 s3, s9;
	s6 =	sadd.s32 @!p0 $0x88, s6;
	s7 =	simm.s32 @p2 $0x1082  }
0x22: {  	[simem:s7], [sflag:s8] =	dma.local @!p0 [hbm:s6], $0xF7A  }
0x23: {  	s9 =	sor.u32 $0xD0000000, s2;
	s6 =	simm.s32 $0x108;
	_ =	swait.ge @!p0 [sflag:s8], $0x0  }
0x24: {  	s3 =	sadd.s32 $0x88, s3;
	s6 =	simm.s32 @!p1 $0x1082;
	[sflag:s4] =	ssyncset.s32 $0xFFFFF086  }
0x25: {  	[simem:s6], [sflag:s4] =	dma.local [hbm:s3], $0xF7A  }
0x26: {  	[smem:$0x3F99] =	sst s1;
	(tag) =	ssettag s2;
	_ =	strace s9  }
0x27: {  	s1 =	sld [smem:$0x3FA9]  }
0x28: {  	s2 =	sld [smem:$0x3FAA]  }
0x29: {  	s4 =	sld [smem:$0x3FAC]  }
0x2a: {  	p0 =	seq.s32 s5, $0x0;
	s5 =	sld [smem:$0x3FAD]  }
0x2b: {  	s6 =	sld [smem:$0x3FAE]  }
0x2c: {  	s7 =	sld [smem:$0x3FAF]  }
0x2d: {  	s3 =	simm.s32 $0x108;
	s8 =	sld [smem:$0x3FB0]  }
0x2e: {  	s3 =	simm.s32 @!p0 $0x1082;
	s9 =	sld [smem:$0x3FB1]  }
0x2f: {  	lr =	sadd.s32 s0, s3;
	s0 =	sld [smem:$0x3FA8]  }
0x30: {  	s3 =	sld [smem:$0x3FAB]  }
0x31: {  	[smem:$0x3FB4] =	sst s10  }
0x32: {  	s10 =	sld [smem:$0x3FB2];
	_ =	sdelay $0x3  }
0x33: {  	p0 =	seq.s32 s10, $0x1;
	s10 =	sld [smem:$0x3FB4];
	_ =	sdelay $0x3  }
0x34: {  	[smem:$0x3FB4] =	sst s10  }
0x35: {  	s10 =	sld [smem:$0x3FB3];
	_ =	sdelay $0x3  }
0x36: {  	p1 =	seq.s32 s10, $0x1;
	s10 =	sld [smem:$0x3FB4];
	_ =	sdelay $0x3  }
0x37: {  	[smem:$0x3FB4] =	sst s10  }
0x38: {  	s10 =	sld [smem:$0x3FB5]  }
0x39: {  	_ = 	snop;
	(pc) =	sbr.ind lr, $3  }
0x3a: {  	_ = 	snop  }
0x3b: {  	_ = 	snop  }
0x3c: {  	p2 =	seq.s32 s10, $0x1;
	s10 =	sld [smem:$0x3FB4]  }
0x3d: {  	_ =	shalt  }
0x3e: {  	_ =	shalt  }
0x3f: {  	_ =	shalt  }
0x40: {  	_ =	shalt  }
0x41: {  	_ =	shalt  }
0x42: {  	_ =	shalt  }
0x43: {  	_ =	shalt  }
0x44: {  	_ =	shalt  }
0x45: {  	_ =	shalt  }
0x46: {  	_ =	shalt  }
0x47: {  	_ =	shalt  }
0x48: {  	_ =	shalt  }
0x49: {  	_ =	shalt  }
0x4a: {  	_ =	shalt  }
0x4b: {  	_ =	shalt  }
0x4c: {  	_ =	shalt  }
0x4d: {  	_ =	shalt  }
0x4e: {  	_ =	shalt  }
0x4f: {  	_ =	shalt  }
0x50: {  	_ =	shalt  }
0x51: {  	_ =	shalt  }
0x52: {  	_ =	shalt  }
0x53: {  	_ =	shalt  }
0x54: {  	_ =	shalt  }
0x55: {  	_ =	shalt  }
0x56: {  	_ =	shalt  }
0x57: {  	_ =	shalt  }
0x58: {  	_ =	shalt  }
0x59: {  	_ =	shalt  }
0x5a: {  	_ =	shalt  }
0x5b: {  	_ =	shalt  }
0x5c: {  	_ =	shalt  }
0x5d: {  	_ =	shalt  }
0x5e: {  	_ =	shalt  }
0x5f: {  	_ =	shalt  }
0x60: {  	_ =	shalt  }
0x61: {  	_ =	shalt  }
0x62: {  	_ =	shalt  }
0x63: {  	_ =	shalt  }
0x64: {  	_ =	shalt  }
0x65: {  	_ =	shalt  }
0x66: {  	_ =	shalt  }
0x67: {  	_ =	shalt  }
0x68: {  	_ =	shalt  }
0x69: {  	_ =	shalt  }
0x6a: {  	_ =	shalt  }
0x6b: {  	_ =	shalt  }
0x6c: {  	_ =	shalt  }
0x6d: {  	_ =	shalt  }
0x6e: {  	_ =	shalt  }
0x6f: {  	_ =	shalt  }
0x70: {  	_ =	shalt  }
0x71: {  	_ =	shalt  }
0x72: {  	_ =	shalt  }
0x73: {  	_ =	shalt  }
0x74: {  	_ =	shalt  }
0x75: {  	_ =	shalt  }
0x76: {  	_ =	shalt  }
0x77: {  	_ =	shalt  }
0x78: {  	_ =	shalt  }
0x79: {  	_ =	shalt  }
0x7a: {  	_ =	shalt  }
0x7b: {  	_ =	shalt  }
0x7c: {  	_ =	shalt  }
0x7d: {  	_ =	shalt  }
0x7e: {  	_ =	shalt  }
0x7f: {  	_ =	shalt  }
0x80: {  	_ =	shalt  }
0x81: {  	_ =	shalt  }
0x82: {  	_ =	shalt  }
0x83: {  	_ =	shalt  }
0x84: {  	_ =	shalt  }
0x85: {  	_ =	shalt  }
0x86: {  	_ =	shalt  }
0x87: {  	_ =	shalt  }
.Lfunc_end0:
.L_simem_size_0:
called_computation_lowered:
.L_overlay_start_0:
0x88: {  	s2 =	sld [smem:$0x3FD9]  }
0x89: {  	s3 =	sld [smem:$0x3FFE];
	_ =	sdelay $0x1  }
0x8a: {  	s1 =	srdreg.scid  }
0x8b: {  	s0 =	sand.u32 $0x1, s1  }
0x8c: {  	s17 =	sshll.u32 s0, $0xA;
	s2 =	sadd.s32 s3, s2  }
0x8d: {  	s2 =	sadd.s32 s2, s17  }
0x8e: {  	[smem:$0x3FC0] =	sst s2  }
0x8f: {  	_ = 	snop  }
0x90: {  	s18 =	sld [smem:$0x3FD0];
	(tm) =	ssettm $0x1  }
0x91: {  	s19 =	sld [smem:$0x3FFB];
	_ =	sdelay $0x3  }
0x92: {  	_ =	strace s19  }
0x93: {  	s2 =	sld [smem:$0x3FFC];
	_ =	sdelay $0x3  }
0x94: {  	_ =	strace s2  }
0x95: {  	s2 =	sld [smem:$0x3FFD];
	_ =	sdelay $0x3  }
0x96: {  	_ =	strace s2  }
0x97: {  	_ =	strace $0x8FFFFFFF  }
0x98: {  	s20 =	sld [smem:$0x3FDB];
	_ =	sdelay $0x1  }
0x99: {  	s4 =	simm.s32 $_scs_section_size  }
0x9a: {  	s5 =	simm.s32 $_size__tile_overlayer_lowered;
	s6 =	simm.s32 $_tile_overlayer_lowered  }
0x9b: {  	s7 =	simm.s32 $0x1BFF;
	s21 =	sshll.u32 s6, $0x1;
	s4 =	sadd.s32 s4, s20  }
0x9c: {  	s22 =	simm.s32 $0x0;
	s5 =	sshll.u32 s5, $0x1;
	s6 =	sadd.s32 s21, s4  }
0x9d: {  	[timem:s22], [sflag:s7] =	dma.local [hbm:s6], s5  }
0x9e: {  	_ =	swait.ge [sflag:s7], s5  }
0x9f: {  	s5 =	ssub.s32 $0x0, s5;
	[sflag:s7] =	ssyncset.done $0x0  }
0xa0: {  	[sflag:s7] =	ssyncadd.s32 s5;
	_ =	sdelay $0x1  }
0xa1: {  	s23 =	simm.s32 $0x1B8B  }
0xa2: {  	_ =	swait.ge [sflag:s23], $0x1  }
0xa3: {  	[sflag:s23] =	ssyncset.done $0x0  }
0xa4: {  	[sflag:s23] =	ssyncadd.s32 $0xFFFFFFFF  }
0xa5: {  	s5 =	sld [smem:$0x0]  }
0xa6: {  	s6 =	sand.u32 $0xFFFFFFFE, s1  }
0xa7: {  	p0 =	sne.s32 s1, s6  }
0xa8: {  	s6 =	sshll.u32 @p0 s6, $0xE  }
0xa9: {  	s6 =	sadd.s32 @p0 $0x11B8D, s6;
	s7 =	sshll.u32 @p0 s5, $0x11  }
0xaa: {  	s6 =	sor.u32 @p0 s7, s6  }
0xab: {  	[sflag:s6] =	ssyncadd.remote.s32 @p0 $0x1;
	_ =	sdelay $0x1  }
0xac: {  	s6 =	simm.s32 @p0 $0x1B8D  }
0xad: {  	_ =	swait.eq @p0 [sflag:s6], $0x1  }
0xae: {  	[sflag:s6] =	ssyncadd.s32 @p0 $0xFFFFFFFF  }
0xaf: {  	s7 =	sshll.u32 @!p0 s1, $0xE  }
0xb0: {  	s7 =	sor.u32 @!p0 $0x4000, s7;
	s6 =	simm.s32 @!p0 $0x1B8D  }
0xb1: {  	s5 =	sshll.u32 @!p0 s5, $0x11;
	s7 =	sadd.s32 @!p0 $0x11B8D, s7;
	_ =	swait.eq @!p0 [sflag:s6], $0x1  }
0xb2: {  	s5 =	sor.u32 @!p0 s5, s7;
	[sflag:s6] =	ssyncadd.s32 @!p0 $0xFFFFFFFF  }
0xb3: {  	s25 =	simm.s32 $0x1B8E;
	s24 =	sld [smem:$0x3FFE];
	[sflag:s5] =	ssyncadd.remote.s32 @!p0 $0x1  }
0xb4: {  	s26 =	simm.s32 $execute0_lowered;
	[smem:$0x3FD2] =	sst s25  }
0xb5: {  	s6 =	sshll.u32 s26, $0x1;
	_ =	strace $0x80000049;
	[dreg:$0x1] =	wrdreg $0xFFFFFFFF  }
0xb6: {  	s28 =	simm.s32 $_size_execute0_lowered;
	s4 =	sadd.s32 s4, s6;
	[dreg:$0x0] =	wrdreg $0x0  }
0xb7: {  	s6 =	sshll.u32 s28, $0x1;
	[dreg:$0x2] =	wrdreg s4  }
0xb8: {  	[dreg:$0x3] =	wrdreg s6  }
0xb9: {  	[dreg:$0x4] =	wrdreg $0xC0  }
0xba: {  	_ =	task [dreg:s22], $0x5FFFF  }
0xbb: {  	[dreg:$0x1] =	wrdreg $0xFFFFFFFF  }
0xbc: {  	[dreg:$0x0] =	wrdreg $0x60  }
0xbd: {  	[dreg:$0x2] =	wrdreg s18  }
0xbe: {  	[dreg:$0x3] =	wrdreg s24  }
0xbf: {  	[dreg:$0x4] =	wrdreg $0x0  }
0xc0: {  	[dreg:$0x5] =	wrdreg $0x17B000  }
0xc1: {  	[dreg:$0x6] =	wrdreg $0x9  }
0xc2: {  	_ =	task.clear_ibuf [dreg:s22], $0x7FFFF;
	_ =	strace $0x90000049  }
0xc3: {  	s29 =	simm.s32 $0x9;
	_ =	strace $0x8000004B  }
0xc4: {  	_ =	swait.ge [sflag:s29], $0x1  }
0xc5: {  	[sflag:s29] =	ssyncadd.s32 $0xFFFFFFFF  }
0xc6: {  	_ =	strace $0x9000004B  }
0xc7: {  	_ =	sfence  }
0xc8: {  	s30 =	sld [smem:$0x0];
	_ =	sdelay $0x2  }
0xc9: {  	s31 =	sshll.u32 s1, $0xD;
	s1 =	sshrl.u32 s1, $0x2  }
0xca: {  	s4 =	sand.u32 $0x4000, s31;
	s1 =	sadd.s32 s1, s30  }
0xcb: {  	s0 =	sor.u32 s4, s0;
	s1 =	sshll.u32 s1, $0x11  }
0xcc: {  	s0 =	sor.u32 s1, s0  }
0xcd: {  	s0 =	sadd.s32 $0x8F2B, s0  }
0xce: {  	[sflag:s0] =	ssyncadd.remote.s32 $0x1  }
0xcf: {  	_ =	sfence.sel $0xFFFF  }
0xd0: {  	[dreg:$0x0] =	wrdreg $0xFFFFFFFF;
	(pc) =	sbr.abs _section_cstart, $3  }
0xd1: {  	[dreg:$0x1] =	wrdreg $0xFFFFFFFF  }
0xd2: {  	_ =	task.clear_ibuf [dreg:s22], $0x2FFFF;
	_ =	strace $0x9FFFFFFF  }
0xd3: {  	(tm) =	ssettm $0x7FFFFFFF  }
tec
execute0_lowered:
.L_overlay_start_1:
0x0: {  	(tag) =	ssettag $0x1  }
0x1: {  	s1 =	rddreg [dreg:$0x0]  }
0x2: {  	s0 =	rddreg [dreg:$0x1]  }
0x3: {  	s3 =	rddreg [dreg:$0x2];
	s2 =	srdreg.scid  }
0x4: {  	s14 =	stileid.u32;
	s4 =	rddreg [dreg:$0x3]  }
0x5: {  	s5 =	simm.s32 $0x0;
	s29 =	simm.s32 $0xDE80;
	s28 =	simm.s32 $0x18E90  }
0x6: {  	s30 =	simm.s32 $0x1;
	s31 =	simm.s32 $0x80;
	s6 =	smul.u32 $0x9C80, s14  }
0x7: {  	s15 =	simm.s32 $0x8;
	s2 =	sand.u32 $0x1, s2;
	s8 =	smul.u32 $0x1390, s14  }
0x8: {  	[smem:$0x7FF] =	sst s5;
	s16 =	sshll.u32 s14, $0x1;
	s14 =	smul.u32 $0x5000, s14  }
0x9: {  	s10 =	sadd.s32 $0x2E00, s0;
	s11 =	sadd.s32 $0x51A00, s0;
	s7 =	smul.u32 $0x9C800, s2  }
0xa: {  	_ =	strace $0x8000004A;
	s9 =	smul.u32 $0x13900, s2;
	[dreg:$0x5] =	wrdreg s11  }
0xb: {  	s11 =	sor.u32 s2, s16;
	s12 =	ssub.s32 $0x2, s2;
	s2 =	smul.u32 $0x2800, s2  }
0xc: {  	s16 =	simm.s32 $0x0;
	s11 =	smul.u32 $0x2800, s11;
	s13 =	sshrl.u32 s12, $0x1  }
0xd: {  	s25 =	sadd.s32 s6, s3;
	s7 =	sadd.s32 s6, s7;
	s9 =	sadd.s32 s8, s9  }
0xe: {  	s12 =	ssub.s32 s12, s13;
	s19 =	sadd.s32 s2, s14;
	s14 =	simm.s32 $0x6  }
0xf: {  	s7 =	sshrl.u32 s7, $0x3;
	s9 =	sshrl.u32 s9, $0x3;
	s11 =	sshrl.u32 s11, $0x3  }
0x10: {  	s21 =	sor.u32 $0x100, s19;
	s23 =	smax.u32 s12, $0x1;
	s24 =	sadd.s32 $0x50100, s19  }
0x11: {  	s26 =	sadd.s32 $0x50180, s19;
	s12 =	simm.s32 $0x7;
	s7 =	sadd.s32 s7, s0  }
0x12: {  	s9 =	sadd.s32 s9, s0;
	s11 =	sadd.s32 s10, s11;
	s0 =	sadd.s32 $0x51C72, s0  }
0x13: {  	[dreg:$0xd] =	wrdreg s23;
	s2 =	sshrl.u32 s21, $0x3;
	s6 =	sshrl.u32 s26, $0x3  }
0x14: {  	s21 =	simm.s32 $0x9C80;
	s23 =	simm.s32 $0x9D80;
	[dreg:$0x6] =	wrdreg s11  }
0x15: {  	s26 =	simm.s32 $0x9;
	s17 =	sadd.s32 $0xA000, s11;
	[dreg:$0xa] =	wrdreg s0  }
0x16: {  	s18 =	sadd.s32 $0x10, s11;
	s11 =	sadd.s32 $0xA010, s11;
	[dreg:$0x7] =	wrdreg s17  }
0x17: {  	s20 =	sadd.s32 $0x51E00, s7;
	s22 =	sadd.s32 $0x79000, s9;
	[dreg:$0x8] =	wrdreg s18  }
0x18: {  	s0 =	sor.u32 $0x180, s19;
	s19 =	sadd.s32 s6, s10;
	[dreg:$0x9] =	wrdreg s11  }
0x19: {  	s6 =	simm.s32 $0xBE80;
	s9 =	simm.s32 $0x4;
	[dreg:$0xb] =	wrdreg s20  }
.Ltmp0:
0x1a: {  	s11 =	sadd.s32 s8, s4;
	[dreg:$0xc] =	wrdreg s22;
	(pc) =	sbr.rel .LBB2_1-.Ltmp0, $4  }
0x1b: {  	s17 =	sadd.s32 s2, s10;
	s2 =	sshrl.u32 s24, $0x3;
	s0 =	sshrl.u32 s0, $0x3  }
0x1c: {  	s22 =	simm.s32 $0x9D00;
	s24 =	simm.s32 $0x9E00;
	s8 =	simm.s32 $0x3  }
0x1d: {  	s18 =	sadd.s32 s2, s10;
	s20 =	sadd.s32 s0, s10;
	s2 =	simm.s32 $0x9E80  }
0x1e: {  	v0 =	vimm.f32 $0.0e+00;
	s0 =	simm.s32 $0x2;
	s10 =	simm.s32 $0x5;
	[dreg:$0xe] =	wrdreg s11  }
.LBB2_6:
0x1f: {  	_ =	swait.ge [sflag:s14], $0x2000  }
0x20: {  	[sflag:s14] =	ssyncset.done $0x0  }
0x21: {  	[sflag:s14] =	ssyncadd.s32 $0xFFFFE000  }
0x22: {  	_ =	swait.ge [sflag:s15], $0x400  }
0x23: {  	[sflag:s15] =	ssyncset.done $0x0  }
0x24: {  	[sflag:s15] =	ssyncadd.s32 $0xFFFFFC00  }
0x25: {  	s11 =	simm.s32 $0xDE80;
	[bflag:$0x0] =	sbarrier.arrive $0xFFFF  }
0x26: {  	[tilespmem:s11], [sflag:$0x9] =	stream.linear.gather [spmem:s25], $0x9C80, $0x38;
	[tilespmem:$0x1A620] =	vst v63  }
0x27: {  	_ =	swait.ge [sflag:s26], $0x9C80  }
0x28: {  	[sflag:s26] =	ssyncset.done $0x0  }
0x29: {  	s7 =	rddreg [dreg:$0xb];
	[sflag:s26] =	ssyncadd.s32 $0xFFFF6380  }
0x2a: {  	[hbm4b:s7+s5] =	stream.linear.scatter [tilespmem:s11], [sflag:$0x9], $0x9C80, $0x38;
	[tilespmem:$0x1A620] =	vst v63  }
0x2b: {  	_ =	swait.ge [sflag:s26], $0x9C80  }
0x2c: {  	[sflag:s26] =	ssyncset.done $0x0  }
0x2d: {  	s7 =	simm.s32 $0x19290;
	[sflag:s26] =	ssyncadd.s32 $0xFFFF6380  }
0x2e: {  	[tilespmem:s7], [sflag:$0x9] =	stream.linear.gather [spmem:s13], $0x1390, $0x38;
	[tilespmem:$0x1A620] =	vst v63  }
0x2f: {  	_ =	swait.ge [sflag:s26], $0x1390  }
0x30: {  	[sflag:s26] =	ssyncset.done $0x0  }
0x31: {  	s13 =	rddreg [dreg:$0xc];
	[sflag:s26] =	ssyncadd.s32 $0xFFFFEC70  }
0x32: {  	[hbm4b:s13+s5] =	stream.linear.scatter [tilespmem:s7], [sflag:$0x9], $0x1390, $0x38;
	[tilespmem:$0x1A620] =	vst v63  }
0x33: {  	_ =	swait.ge [sflag:s26], $0x1390  }
0x34: {  	s16 =	sadd.s32 $0x1, s16;
	s13 =	rddreg [dreg:$0xd]  }
0x35: {  	p0 =	sne.s32 s16, s13  }
.Ltmp1:
0x36: {  	_ = 	snop;
	(pc) =	sbr.rel @!p0 .LBB2_7-.Ltmp1, $3  }
0x37: {  	_ =	sdelay $0x1  }
0x38: {  	[sflag:s26] =	ssyncset.done $0x0  }
0x39: {  	s29 =	simm.s32 $0xDE80;
	[sflag:s26] =	ssyncadd.s32 $0xFFFFEC70  }
.LBB2_1:
0x3a: {  	s7 =	rddreg [dreg:$0x6]  }
0x3b: {  	[tilespmem:s21], [sflag:$0x1] =	stream.linear.gather [hbm4b:s7+s5], $0x80, $0x38;
	[tilespmem:$0x1A620] =	vst v63  }
0x3c: {  	s13 =	smov.u32 s25;
	s25 =	rddreg [dreg:$0x7]  }
0x3d: {  	[tilespmem:s22], [sflag:$0x1] =	stream.linear.gather [hbm4b:s25+s5], $0x80, $0x38;
	[tilespmem:$0x1A620] =	vst v63  }
0x3e: {  	s11 =	rddreg [dreg:$0x8]  }
0x3f: {  	[tilespmem:s23], [sflag:$0x2] =	stream.linear.gather [hbm4b:s11+s5], $0x80, $0x38;
	[tilespmem:$0x1A620] =	vst v63  }
0x40: {  	s25 =	rddreg [dreg:$0x9]  }
0x41: {  	[tilespmem:s24], [sflag:$0x2] =	stream.linear.gather [hbm4b:s25+s5], $0x80, $0x38;
	[tilespmem:$0x1A620] =	vst v63  }
0x42: {  	s7 =	simm.s32 $0x0;
	s25 =	simm.s32 $0x100  }
.LBB2_2:
0x43: {  	p0 =	sne.s32 s25, $0x27100;
	[tilespmem:s7+$0xDEB0] =	vst v0;
	s11 =	smov.u32 s25;
	s25 =	sadd.s32 $0x100, s25  }
.Ltmp2:
0x44: {  	[tilespmem:s7+$0xDEA0] =	vst v0;
	(pc) =	sbr.rel @p0 .LBB2_2-.Ltmp2, $3  }
0x45: {  	[tilespmem:s7+$0xDE80] =	vst v0  }
0x46: {  	[tilespmem:s7+$0xDE90] =	vst v0;
	_ =	sdelay $0x1  }
0x47: {  	s7 =	sshra.s32 s11, $0x2  }
0x48: {  	[tilespmem:s7+$0xDEB0] =	vst v0  }
0x49: {  	[tilespmem:s7+$0xDEA0] =	vst v0  }
0x4a: {  	[tilespmem:s7+$0xDE80] =	vst v0  }
0x4b: {  	[tilespmem:s7+$0xDE90] =	vst v0  }
0x4c: {  	[spmem:s13] =	stream.linear.scatter [tilespmem:s29], [sflag:$0x9], $0x9C80, $0x38;
	[tilespmem:$0x1A620] =	vst v63  }
0x4d: {  	_ =	swait.ge [sflag:s26], $0x9C80  }
0x4e: {  	[sflag:s26] =	ssyncset.done $0x0  }
0x4f: {  	s7 =	simm.s32 $0x0;
	s11 =	rddreg [dreg:$0xa];
	[sflag:s26] =	ssyncadd.s32 $0xFFFF6380  }
0x50: {  	[tilespmem:s28], [sflag:$0x9] =	stream.linear.gather [hbm4b:s11+s7], $0x400, $0x38;
	[tilespmem:$0x1A620] =	vst v63  }
0x51: {  	_ =	swait.ge [sflag:s26], $0x400  }
0x52: {  	s25 =	smov.u32 s13;
	[sflag:s26] =	ssyncset.done $0x0  }
0x53: {  	s29 =	simm.s32 $0x19290;
	s13 =	rddreg [dreg:$0x5];
	[sflag:s26] =	ssyncadd.s32 $0xFFFFFC00  }
0x54: {  	[tilespmem:s29], [sflag:$0x9] =	stream.linear.gather [hbm4b:s13+s7], $0x1390, $0x38;
	[tilespmem:$0x1A620] =	vst v63  }
0x55: {  	_ =	swait.ge [sflag:s26], $0x1390  }
0x56: {  	[sflag:s26] =	ssyncset.done $0x0  }
0x57: {  	s13 =	rddreg [dreg:$0xe];
	[sflag:s26] =	ssyncadd.s32 $0xFFFFEC70  }
0x58: {  	[spmem:s13] =	stream.linear.scatter [tilespmem:s29], [sflag:$0x9], $0x1390, $0x38;
	[tilespmem:$0x1A620] =	vst v63  }
0x59: {  	_ =	swait.ge [sflag:s26], $0x1390  }
0x5a: {  	[sflag:s26] =	ssyncset.done $0x0  }
0x5b: {  	[sflag:s26] =	ssyncadd.s32 $0xFFFFEC70  }
0x5c: {  	[bflag:$0x0] =	sbarrier.arrive $0xFFFF  }
.LBB2_4:
0x5d: {  	_ =	swait.ge [sflag:s30], $0x80  }
0x5e: {  	[sflag:s30] =	ssyncset.done $0x0  }
0x5f: {  	[sflag:s30] =	ssyncadd.s32 $0xFFFFFF80  }
0x60: {  	_ =	swait.ge [sflag:s30], $0x80  }
0x61: {  	[sflag:s30] =	ssyncset.done $0x0  }
0x62: {  	[sflag:s30] =	ssyncadd.s32 $0xFFFFFF80  }
0x63: {  	[tilespmem:s2], [sflag:$0x3] =	stream.indirect.gather [hbm4b:s1+s31], $0x40, s21, s31, $0xb8;
	[tilespmem:$0x1A620] =	vst v63  }
0x64: {  	_ =	swait.ge [sflag:s0], $0x80  }
0x65: {  	[sflag:s0] =	ssyncset.done $0x0  }
0x66: {  	[sflag:s0] =	ssyncadd.s32 $0xFFFFFF80  }
0x67: {  	_ =	swait.ge [sflag:s0], $0x80  }
0x68: {  	[sflag:s0] =	ssyncset.done $0x0  }
0x69: {  	[sflag:s0] =	ssyncadd.s32 $0xFFFFFF80  }
0x6a: {  	[tilespmem:s6], [sflag:$0x4] =	stream.indirect.gather [hbm4b:s1+s31], $0x40, s23, s31, $0xb8;
	[tilespmem:$0x1A620] =	vst v63  }
0x6b: {  	_ =	swait.ge [sflag:s8], $0x2000  }
0x6c: {  	[sflag:s8] =	ssyncset.done $0x0  }
0x6d: {  	[sflag:s8] =	ssyncadd.s32 $0xFFFFE000  }
0x6e: {  	[spmem:s3] =	stream.indirect.scatter.add.f32 [tilespmem:s2], [sflag:$0x5], $0x40, s22, s31, $0xb8;
	[tilespmem:$0x1A620] =	vst v63  }
0x6f: {  	_ = 	snop  }
0x70: {  	[spmem:s4] =	stream.indirect.scatter.add.f32 [tilespmem:s28], [sflag:$0x7], $0x8, s22, s31, $0xb8;
	[tilespmem:$0x1A620] =	vst v63  }
0x71: {  	_ =	swait.ge [sflag:s9], $0x2000  }
0x72: {  	[sflag:s9] =	ssyncset.done $0x0  }
0x73: {  	[sflag:s9] =	ssyncadd.s32 $0xFFFFE000  }
0x74: {  	[spmem:s3] =	stream.indirect.scatter.add.f32 [tilespmem:s6], [sflag:$0x6], $0x40, s24, s31, $0xb8;
	[tilespmem:$0x1A620] =	vst v63  }
0x75: {  	_ = 	snop  }
0x76: {  	[spmem:s4] =	stream.indirect.scatter.add.f32 [tilespmem:s28], [sflag:$0x8], $0x8, s24, s31, $0xb8;
	[tilespmem:$0x1A620] =	vst v63  }
0x77: {  	p0 =	seq.s32 s7, $0x4E0;
	_ =	swait.ge [sflag:s10], $0x2000  }
.Ltmp3:
0x78: {  	[sflag:s10] =	ssyncset.done $0x0;
	(pc) =	sbr.rel @p0 .LBB2_6-.Ltmp3, $4  }
0x79: {  	[sflag:s10] =	ssyncadd.s32 $0xFFFFE000  }
0x7a: {  	_ =	swait.ge [sflag:s12], $0x400  }
0x7b: {  	[sflag:s12] =	ssyncset.done $0x0  }
0x7c: {  	[sflag:s12] =	ssyncadd.s32 $0xFFFFFC00  }
0x7d: {  	s11 =	sadd.s32 s7, s17  }
0x7e: {  	[tilespmem:s21], [sflag:$0x1] =	stream.linear.gather [hbm4b:s11+s5], $0x80, $0x38;
	[tilespmem:$0x1A620] =	vst v63  }
0x7f: {  	s29 =	sadd.s32 s7, s18  }
0x80: {  	[tilespmem:s22], [sflag:$0x1] =	stream.linear.gather [hbm4b:s29+s5], $0x80, $0x38;
	[tilespmem:$0x1A620] =	vst v63  }
0x81: {  	_ =	swait.ge [sflag:s14], $0x2000  }
0x82: {  	[sflag:s14] =	ssyncset.done $0x0  }
0x83: {  	[sflag:s14] =	ssyncadd.s32 $0xFFFFE000  }
0x84: {  	_ =	swait.ge [sflag:s15], $0x400  }
.Ltmp4:
0x85: {  	[sflag:s15] =	ssyncset.done $0x0;
	(pc) =	sbr.rel .LBB2_4-.Ltmp4, $4  }
0x86: {  	s29 =	sadd.s32 s7, s20;
	[sflag:s15] =	ssyncadd.s32 $0xFFFFFC00  }
0x87: {  	[tilespmem:s23], [sflag:$0x2] =	stream.linear.gather [hbm4b:s29+s5], $0x80, $0x38;
	[tilespmem:$0x1A620] =	vst v63  }
0x88: {  	s29 =	sadd.s32 s7, s19;
	s7 =	sadd.s32 $0x20, s7  }
0x89: {  	[tilespmem:s24], [sflag:$0x2] =	stream.linear.gather [hbm4b:s29+s5], $0x80, $0x38;
	[tilespmem:$0x1A620] =	vst v63  }
.LBB2_7:
0x8a: {  	_ =	sfence.sel $0x180000  }
0x8b: {  	[bflag:$0x0] =	sbarrier.arrive $0xFFFF  }
0x8c: {  	_ =	strace $0x9000004A  }
0x8d: {  	s0 =	stileid.u32;
	[bflag:$0x2] =	sbarrier.arrive $0xFFFF  }
0x8e: {  	p0 =	sne.s32 s0, $0x0;
	s0 =	rddreg [dreg:$0x4]  }
0x8f: {  	s0 =	sadd.s32 @!p0 $0x100000, s0  }
0x90: {  	[sflag:s0] =	ssyncadd.tile.s32 @!p0 $0x1;
	_ =	shalt  }
.Lfunc_end2:
_tile_overlayer_lowered:
.L_overlay_start_2:
0x91: {  	(tag) =	ssettag $0x2  }
0x92: {  	s0 =	rddreg [dreg:$0x0];
	s2 =	stileid.u32  }
0x93: {  	s1 =	rddreg [dreg:$0x1];
	p0 =	sne.s32 s2, $0x0  }
0x94: {  	s3 =	rddreg [dreg:$0x2];
	[bflag:$0x3] =	sbarrier.arrive $0xFFFF;
	s2 =	simm.s32 @!p0 $0x1C09  }
0x95: {  	[timem:s3], [sflag:s2] =	dma.local @!p0 [hbm:s0], s1  }
0x96: {  	s0 =	simm.s32 @!p0 $0x9  }
0x97: {  	_ =	swait.ge @!p0 [sflag:s0], s1  }
0x98: {  	s1 =	ssub.s32 @!p0 $0x0, s1;
	[sflag:s0] =	ssyncset.done @!p0 $0x0  }
0x99: {  	[sflag:s0] =	ssyncadd.s32 @!p0 s1  }
0x9a: {  	[bflag:$0x3] =	sbarrier.arrive $0xFFFF  }
0x9b: {  	_ =	shalt  }

</sc_bundles>
